<compile_context>
chip_gen: v7x
topology: tpu7x:2x2x1
jax: 0.10.2.dev20260603
libtpu: 0.0.44.dev20260713+nightly
codegen_flags: <defaults>
</compile_context>

<pallas_src>
import functools

import jax
import jax.numpy as jnp
from jax import lax
from jax.experimental import pallas as pl
from jax.experimental.pallas import tpu as pltpu
from jax.experimental.pallas import tpu_sc as plsc

_NC = 2
_NS = 16
_NW = _NC * _NS

_D = 32
_G = 128
_W = 128
_TP = 128


def _gather_body(idxT_hbm, table4_hbm, out_hbm, idx_v, idx4_v,
                 r0, r1, t0, t1, sg0, sg1, so0, so1):
    H = idxT_hbm.shape[0]
    B = idxT_hbm.shape[1]
    bw = B // _NW
    jb = bw // _G
    nblk = H * jb
    wid = lax.axis_index("s") * _NC + lax.axis_index("c")
    bbase = wid * bw

    for j in range(jb):
        pltpu.sync_copy(idxT_hbm.at[:, pl.ds(bbase + j * _G, _G)],
                        idx_v.at[j, pl.ds(0, H)])

    def sbody(k, carry):
        j = k // (H * 8)
        rem = k % (H * 8)
        h = rem // 8
        g = rem % 8
        v = idx_v[j, h, pl.ds(g * 16, 16)]
        idx4_v[j, h, pl.ds(g * 16, 16)] = jax.lax.shift_right_logical(v, 2)
        return carry

    lax.fori_loop(0, jb * H * 8, sbody, 0, unroll=8)

    rows = (r0, r1)
    trs = (t0, t1)
    sg = (sg0, sg1)
    so = (so0, so1)
    iota = lax.iota(jnp.int32, 16)
    bidxs = [iota + 16 * g for g in range(8)]

    def issue_gather(i, p):
        pltpu.async_copy(table4_hbm.at[idx4_v.at[i % jb, i // jb]],
                         rows[p], sg[p])

    def drain_gather(p):
        pltpu.make_async_copy(table4_hbm.at[pl.ds(0, _G)], rows[p],
                              sg[p]).wait()

    def transpose(i, p):
        r, t = rows[p], trs[p]
        jj = i % jb
        hh = i // jb
        mcols = [(idx_v[jj, hh, pl.ds(g * 16, 16)] & 3) * 32
                 for g in range(8)]

        def tbody(d, carry):
            dvec = (d + iota) & 31
            for g in range(8):
                v = plsc.load_gather(r, [bidxs[g], mcols[g] + dvec])
                plsc.store_scatter(t, [dvec, bidxs[g]], v)
            return carry

        lax.fori_loop(0, _D, tbody, 0, unroll=2)

    def issue_store(i, p):
        pltpu.async_copy(
            trs[p].at[:, pl.ds(0, _G)],
            out_hbm.at[i // jb, :, pl.ds(bbase + (i % jb) * _G, _G)],
            so[p])

    def drain_store(p):
        pltpu.make_async_copy(trs[p].at[:, pl.ds(0, _G)],
                              out_hbm.at[0, :, pl.ds(0, _G)], so[p]).wait()

    issue_gather(0, 0)
    issue_gather(1, 1)
    drain_gather(0)
    transpose(0, 0)
    issue_store(0, 0)

    def body(g, carry):
        i0 = 2 * g
        drain_store(0)
        issue_gather(i0, 0)
        drain_gather(1)
        transpose(i0 - 1, 1)
        issue_store(i0 - 1, 1)
        drain_store(1)
        issue_gather(i0 + 1, 1)
        drain_gather(0)
        transpose(i0, 0)
        issue_store(i0, 0)
        return carry

    lax.fori_loop(1, nblk // 2, body, 0)

    drain_gather(1)
    transpose(nblk - 1, 1)
    issue_store(nblk - 1, 1)
    drain_store(0)
    drain_store(1)


def _trans_body(tT_hbm, out4_hbm, vi0, vi1, vo0, vo1, si0, si1, so0, so1):
    V = tT_hbm.shape[1]
    nt = V // _G
    wid = lax.axis_index("s") * _NC + lax.axis_index("c")
    vin = (vi0, vi1)
    vout = (vo0, vo1)
    si = (si0, si1)
    so = (so0, so1)
    iota = lax.iota(jnp.int32, 16)
    cvecs = [iota + 16 * g for g in range(8)]
    i0s = [lax.shift_right_logical(c, 2) for c in cvecs]
    m32s = [(c & 3) * 32 for c in cvecs]

    nk = nt // _NW + 1

    def issue_in(t, p):
        pltpu.async_copy(tT_hbm.at[:, pl.ds(t * _G, _G)], vin[p], si[p])

    def drain_in(p):
        pltpu.make_async_copy(tT_hbm.at[:, pl.ds(0, _G)], vin[p],
                              si[p]).wait()

    def transpose(p):
        vm, vo = vin[p], vout[p]

        def tbody(d, carry):
            dvec = (d + iota) & 31
            for g in range(8):
                v = plsc.load_gather(vm, [dvec, cvecs[g]])
                plsc.store_scatter(vo, [i0s[g], m32s[g] + dvec], v)
            return carry

        lax.fori_loop(0, _D, tbody, 0, unroll=4)

    def issue_out(t, p):
        pltpu.async_copy(vout[p], out4_hbm.at[pl.ds(t * _D, _D)], so[p])

    def drain_out(p):
        pltpu.make_async_copy(vout[p], out4_hbm.at[pl.ds(0, _D)],
                              so[p]).wait()

    def step(k, p, first=False):
        t = wid + k * _NW
        tn = t + _NW

        @pl.when(tn < nt)
        def _():
            issue_in(tn, 1 - p)

        @pl.when(t < nt)
        def _():
            drain_in(p)
            if not first:
                drain_out(p)
            transpose(p)
            issue_out(t, p)

    issue_in(wid, 0)
    step(0, 0, first=True)
    step(1, 1, first=True)

    def body(g, carry):
        step(2 * g, 0)
        step(2 * g + 1, 1)
        return carry

    lax.fori_loop(1, nk // 2 + 1, body, 0)
    drain_out(0)
    drain_out(1)



def kernel(inputs, table):
    batch, hist = inputs.shape
    nvocab, dim = table.shape
    bw = batch // _NW
    jb = bw // _G

    mesh = plsc.VectorSubcoreMesh(core_axis_name="c", subcore_axis_name="s")
    run = functools.partial(
        pl.kernel,
        mesh=mesh,
        compiler_params=pltpu.CompilerParams(
            use_tc_tiling_on_sc=True, needs_layout_passes=False),
        out_type=jax.ShapeDtypeStruct((hist, _D, batch), jnp.float32),
        scratch_types=(
            [pltpu.VMEM((jb, (hist + 7) // 8 * 8, _G), jnp.int32)
             for _ in range(2)]
            + [pltpu.VMEM((_G, _W), jnp.float32) for _ in range(2)]
            + [pltpu.VMEM((_D, _TP), jnp.float32) for _ in range(2)]
            + [pltpu.SemaphoreType.DMA for _ in range(4)]
        ),
    )(_gather_body)

    run_t = functools.partial(
        pl.kernel,
        mesh=mesh,
        compiler_params=pltpu.CompilerParams(
            use_tc_tiling_on_sc=True, needs_layout_passes=False),
        out_type=jax.ShapeDtypeStruct((nvocab * dim // _W, _W), jnp.float32),
        scratch_types=(
            [pltpu.VMEM((_D, _G), jnp.float32) for _ in range(4)]
            + [pltpu.SemaphoreType.DMA for _ in range(4)]
        ),
    )(_trans_body)

    table4 = run_t(table.T)
    ntail = nvocab % _G
    if ntail:
        tail4 = table[nvocab - ntail:].reshape(ntail * dim // _W, _W)
        table4 = jax.lax.dynamic_update_slice(
            table4, tail4, ((nvocab - ntail) * dim // _W, 0))
    out_phys = run(inputs.T, table4)
    return out_phys.transpose(2, 0, 1)

# --- scband reference (transcript-rebuilt; emitter-appended) ---
"""Pipeline reference for scband-categorical-20169166422697 (READ-ONLY COPY).

The authoritative reference and input builder live on the scoring server;
editing this copy changes nothing except your own understanding.
"""

import jax, jax.numpy as jnp
import numpy as np

NUM_EMBEDDINGS = 1000000
EMBEDDING_DIM = 32
BATCH = 16384
HIST_LEN = 50
INIT_RANGE = 0.02


def setup_inputs(seed: int = 0) -> dict:
    key = jax.random.key(seed)
    k_idx, k_tab = jax.random.split(key)
    indices = jax.random.randint(k_idx, (BATCH, HIST_LEN), 0, NUM_EMBEDDINGS, dtype=jnp.int64 if jax.config.jax_enable_x64 else jnp.int32)
    # trunc_normal_(std=0.02, a=-0.04, b=0.04) equivalent
    table = jax.random.truncated_normal(k_tab, -2.0, 2.0, (NUM_EMBEDDINGS, EMBEDDING_DIM), dtype=jnp.float32) * INIT_RANGE
    return {"inputs": indices, "table": table}


def reference(inputs, table):
    # Categorical.forward: values = inputs[field]; (clipping_value is None -> no clamp); return embedding(values)
    values = inputs
    out = jnp.take(table, values, axis=0)
    return out

if __name__ == "__main__":
    import jax
    _d = setup_inputs()
    print(jax.jit(kernel)(*tuple(_d.values())))

</pallas_src>

<mosaic_0001>
#map = affine_map<(d0, d1) -> (0, 0)>
#map1 = affine_map<(d0, d1) -> (0, 0, 0)>
module attributes {stable_mosaic.version = 14 : i64} {
  func.func @_gather_body(%arg0: i32, %arg1: i32, %arg2: memref<50x16384xi32, #tpu.memory_space<hbm>>, %arg3: memref<250000x128xf32, #tpu.memory_space<hbm>>, %arg4: memref<50x32x16384xf32, #tpu.memory_space<hbm>>, %arg5: memref<4x56x128xi32, #tpu.memory_space<vmem>>, %arg6: memref<4x56x128xi32, #tpu.memory_space<vmem>>, %arg7: memref<128x128xf32, #tpu.memory_space<vmem>>, %arg8: memref<128x128xf32, #tpu.memory_space<vmem>>, %arg9: memref<32x128xf32, #tpu.memory_space<vmem>>, %arg10: memref<32x128xf32, #tpu.memory_space<vmem>>, %arg11: memref<!tpu.dma_semaphore, #tpu.memory_space<semaphore_mem>>, %arg12: memref<!tpu.dma_semaphore, #tpu.memory_space<semaphore_mem>>, %arg13: memref<!tpu.dma_semaphore, #tpu.memory_space<semaphore_mem>>, %arg14: memref<!tpu.dma_semaphore, #tpu.memory_space<semaphore_mem>>) attributes {dimension_semantics = [#tpu.dimension_semantics<core_parallel>, #tpu.dimension_semantics<subcore_parallel>], iteration_bounds = array<i64: 2, 16>, scalar_prefetch = 0 : i64, scratch_operands = 10 : i64, tpu.core_type = #tpu.core_type<sc_vector_subcore>, window_params = [{transform_indices = #map}, {transform_indices = #map}, {transform_indices = #map1}]} {
    %mul3A = arith.constant 2 : i32
    %mul3A_0 = arith.muli %arg1, %mul3A : i32
    %add3A = arith.addi %mul3A_0, %arg0 : i32
    %mul3A_1 = arith.constant 512 : i32
    %mul3A_2 = arith.muli %add3A, %mul3A_1 : i32
    %add3A_3 = arith.constant 0 : i32
    %add3A_4 = arith.addi %mul3A_2, %add3A_3 : i32
    %run_scoped3A = arith.constant 0 : i32
    "tpu.region"() ({
      %run_scoped3A_337 = tpu.sem_alloc : memref<!tpu.dma_semaphore, #tpu.memory_space<semaphore_mem>>
      %dma_start3A_338 = arith.constant 0 : i32
      %dma_start3A_339 = arith.constant 0 : i32
      %dma_start3A_340 = tpu.memref_slice %arg5[%run_scoped3A, %dma_start3A_338, %dma_start3A_339] : memref<4x56x128xi32, #tpu.memory_space<vmem>> -> memref<1x50x128xi32, #tpu.memory_space<vmem>>
      %dma_start3A_341 = tpu.memref_squeeze %dma_start3A_340 : memref<1x50x128xi32, #tpu.memory_space<vmem>> -> memref<50x128xi32, #tpu.memory_space<vmem>>
      %dma_start3A_342 = arith.constant 0 : i32
      %dma_start3A_343 = tpu.memref_slice %arg2[%dma_start3A_342, %add3A_4] : memref<50x16384xi32, #tpu.memory_space<hbm>> -> memref<50x128xi32, #tpu.memory_space<hbm>>
      %dma_start3A_344 = arith.constant 0 : i32
      %dma_start3A_345 = arith.constant 0 : i32
      %dma_start3A_346 = tpu.memref_slice %arg5[%run_scoped3A, %dma_start3A_344, %dma_start3A_345] : memref<4x56x128xi32, #tpu.memory_space<vmem>> -> memref<1x50x128xi32, #tpu.memory_space<vmem>>
      %dma_start3A_347 = tpu.memref_squeeze %dma_start3A_346 : memref<1x50x128xi32, #tpu.memory_space<vmem>> -> memref<50x128xi32, #tpu.memory_space<vmem>>
      %dma_start3A_348 = arith.constant 0 : i32
      %dma_start3A_349 = tpu.memref_slice %arg2[%dma_start3A_348, %add3A_4] : memref<50x16384xi32, #tpu.memory_space<hbm>> -> memref<50x128xi32, #tpu.memory_space<hbm>>
      tpu.enqueue_dma source(%dma_start3A_349 : memref<50x128xi32, #tpu.memory_space<hbm>>) target(%dma_start3A_347 : memref<50x128xi32, #tpu.memory_space<vmem>>) target_semaphore(%run_scoped3A_337 : memref<!tpu.dma_semaphore, #tpu.memory_space<semaphore_mem>>)
      %dma_wait3A_350 = arith.constant 0 : i32
      %dma_wait3A_351 = arith.constant 0 : i32
      %dma_wait3A_352 = tpu.memref_slice %arg5[%run_scoped3A, %dma_wait3A_350, %dma_wait3A_351] : memref<4x56x128xi32, #tpu.memory_space<vmem>> -> memref<1x50x128xi32, #tpu.memory_space<vmem>>
      %dma_wait3A_353 = tpu.memref_squeeze %dma_wait3A_352 : memref<1x50x128xi32, #tpu.memory_space<vmem>> -> memref<50x128xi32, #tpu.memory_space<vmem>>
      %dma_wait3A_354 = arith.constant 0 : i32
      %dma_wait3A_355 = tpu.memref_slice %arg2[%dma_wait3A_354, %add3A_4] : memref<50x16384xi32, #tpu.memory_space<hbm>> -> memref<50x128xi32, #tpu.memory_space<hbm>>
      %dma_wait3A_356 = arith.constant 0 : i32
      %dma_wait3A_357 = arith.constant 0 : i32
      %dma_wait3A_358 = tpu.memref_slice %arg5[%run_scoped3A, %dma_wait3A_356, %dma_wait3A_357] : memref<4x56x128xi32, #tpu.memory_space<vmem>> -> memref<1x50x128xi32, #tpu.memory_space<vmem>>
      %dma_wait3A_359 = tpu.memref_squeeze %dma_wait3A_358 : memref<1x50x128xi32, #tpu.memory_space<vmem>> -> memref<50x128xi32, #tpu.memory_space<vmem>>
      %dma_wait3A_360 = arith.constant 0 : i32
      %dma_wait3A_361 = tpu.memref_slice %arg2[%dma_wait3A_360, %add3A_4] : memref<50x16384xi32, #tpu.memory_space<hbm>> -> memref<50x128xi32, #tpu.memory_space<hbm>>
      tpu.wait_dma2 semaphore(%run_scoped3A_337 : memref<!tpu.dma_semaphore, #tpu.memory_space<semaphore_mem>>) src(%dma_wait3A_361 : memref<50x128xi32, #tpu.memory_space<hbm>>) dst(%dma_wait3A_359 : memref<50x128xi32, #tpu.memory_space<vmem>>)
      tpu.yield
    }) : () -> ()
    %add3A_5 = arith.constant 128 : i32
    %add3A_6 = arith.addi %mul3A_2, %add3A_5 : i32
    %run_scoped3A_7 = arith.constant 1 : i32
    "tpu.region"() ({
      %run_scoped3A_337 = tpu.sem_alloc : memref<!tpu.dma_semaphore, #tpu.memory_space<semaphore_mem>>
      %dma_start3A_338 = arith.constant 0 : i32
      %dma_start3A_339 = arith.constant 0 : i32
      %dma_start3A_340 = tpu.memref_slice %arg5[%run_scoped3A_7, %dma_start3A_338, %dma_start3A_339] : memref<4x56x128xi32, #tpu.memory_space<vmem>> -> memref<1x50x128xi32, #tpu.memory_space<vmem>>
      %dma_start3A_341 = tpu.memref_squeeze %dma_start3A_340 : memref<1x50x128xi32, #tpu.memory_space<vmem>> -> memref<50x128xi32, #tpu.memory_space<vmem>>
      %dma_start3A_342 = arith.constant 0 : i32
      %dma_start3A_343 = tpu.memref_slice %arg2[%dma_start3A_342, %add3A_6] : memref<50x16384xi32, #tpu.memory_space<hbm>> -> memref<50x128xi32, #tpu.memory_space<hbm>>
      %dma_start3A_344 = arith.constant 0 : i32
      %dma_start3A_345 = arith.constant 0 : i32
      %dma_start3A_346 = tpu.memref_slice %arg5[%run_scoped3A_7, %dma_start3A_344, %dma_start3A_345] : memref<4x56x128xi32, #tpu.memory_space<vmem>> -> memref<1x50x128xi32, #tpu.memory_space<vmem>>
      %dma_start3A_347 = tpu.memref_squeeze %dma_start3A_346 : memref<1x50x128xi32, #tpu.memory_space<vmem>> -> memref<50x128xi32, #tpu.memory_space<vmem>>
      %dma_start3A_348 = arith.constant 0 : i32
      %dma_start3A_349 = tpu.memref_slice %arg2[%dma_start3A_348, %add3A_6] : memref<50x16384xi32, #tpu.memory_space<hbm>> -> memref<50x128xi32, #tpu.memory_space<hbm>>
      tpu.enqueue_dma source(%dma_start3A_349 : memref<50x128xi32, #tpu.memory_space<hbm>>) target(%dma_start3A_347 : memref<50x128xi32, #tpu.memory_space<vmem>>) target_semaphore(%run_scoped3A_337 : memref<!tpu.dma_semaphore, #tpu.memory_space<semaphore_mem>>)
      %dma_wait3A_350 = arith.constant 0 : i32
      %dma_wait3A_351 = arith.constant 0 : i32
      %dma_wait3A_352 = tpu.memref_slice %arg5[%run_scoped3A_7, %dma_wait3A_350, %dma_wait3A_351] : memref<4x56x128xi32, #tpu.memory_space<vmem>> -> memref<1x50x128xi32, #tpu.memory_space<vmem>>
      %dma_wait3A_353 = tpu.memref_squeeze %dma_wait3A_352 : memref<1x50x128xi32, #tpu.memory_space<vmem>> -> memref<50x128xi32, #tpu.memory_space<vmem>>
      %dma_wait3A_354 = arith.constant 0 : i32
      %dma_wait3A_355 = tpu.memref_slice %arg2[%dma_wait3A_354, %add3A_6] : memref<50x16384xi32, #tpu.memory_space<hbm>> -> memref<50x128xi32, #tpu.memory_space<hbm>>
      %dma_wait3A_356 = arith.constant 0 : i32
      %dma_wait3A_357 = arith.constant 0 : i32
      %dma_wait3A_358 = tpu.memref_slice %arg5[%run_scoped3A_7, %dma_wait3A_356, %dma_wait3A_357] : memref<4x56x128xi32, #tpu.memory_space<vmem>> -> memref<1x50x128xi32, #tpu.memory_space<vmem>>
      %dma_wait3A_359 = tpu.memref_squeeze %dma_wait3A_358 : memref<1x50x128xi32, #tpu.memory_space<vmem>> -> memref<50x128xi32, #tpu.memory_space<vmem>>
      %dma_wait3A_360 = arith.constant 0 : i32
      %dma_wait3A_361 = tpu.memref_slice %arg2[%dma_wait3A_360, %add3A_6] : memref<50x16384xi32, #tpu.memory_space<hbm>> -> memref<50x128xi32, #tpu.memory_space<hbm>>
      tpu.wait_dma2 semaphore(%run_scoped3A_337 : memref<!tpu.dma_semaphore, #tpu.memory_space<semaphore_mem>>) src(%dma_wait3A_361 : memref<50x128xi32, #tpu.memory_space<hbm>>) dst(%dma_wait3A_359 : memref<50x128xi32, #tpu.memory_space<vmem>>)
      tpu.yield
    }) : () -> ()
    %add3A_8 = arith.constant 256 : i32
    %add3A_9 = arith.addi %mul3A_2, %add3A_8 : i32
    %run_scoped3A_10 = arith.constant 2 : i32
    "tpu.region"() ({
      %run_scoped3A_337 = tpu.sem_alloc : memref<!tpu.dma_semaphore, #tpu.memory_space<semaphore_mem>>
      %dma_start3A_338 = arith.constant 0 : i32
      %dma_start3A_339 = arith.constant 0 : i32
      %dma_start3A_340 = tpu.memref_slice %arg5[%run_scoped3A_10, %dma_start3A_338, %dma_start3A_339] : memref<4x56x128xi32, #tpu.memory_space<vmem>> -> memref<1x50x128xi32, #tpu.memory_space<vmem>>
      %dma_start3A_341 = tpu.memref_squeeze %dma_start3A_340 : memref<1x50x128xi32, #tpu.memory_space<vmem>> -> memref<50x128xi32, #tpu.memory_space<vmem>>
      %dma_start3A_342 = arith.constant 0 : i32
      %dma_start3A_343 = tpu.memref_slice %arg2[%dma_start3A_342, %add3A_9] : memref<50x16384xi32, #tpu.memory_space<hbm>> -> memref<50x128xi32, #tpu.memory_space<hbm>>
      %dma_start3A_344 = arith.constant 0 : i32
      %dma_start3A_345 = arith.constant 0 : i32
      %dma_start3A_346 = tpu.memref_slice %arg5[%run_scoped3A_10, %dma_start3A_344, %dma_start3A_345] : memref<4x56x128xi32, #tpu.memory_space<vmem>> -> memref<1x50x128xi32, #tpu.memory_space<vmem>>
      %dma_start3A_347 = tpu.memref_squeeze %dma_start3A_346 : memref<1x50x128xi32, #tpu.memory_space<vmem>> -> memref<50x128xi32, #tpu.memory_space<vmem>>
      %dma_start3A_348 = arith.constant 0 : i32
      %dma_start3A_349 = tpu.memref_slice %arg2[%dma_start3A_348, %add3A_9] : memref<50x16384xi32, #tpu.memory_space<hbm>> -> memref<50x128xi32, #tpu.memory_space<hbm>>
      tpu.enqueue_dma source(%dma_start3A_349 : memref<50x128xi32, #tpu.memory_space<hbm>>) target(%dma_start3A_347 : memref<50x128xi32, #tpu.memory_space<vmem>>) target_semaphore(%run_scoped3A_337 : memref<!tpu.dma_semaphore, #tpu.memory_space<semaphore_mem>>)
      %dma_wait3A_350 = arith.constant 0 : i32
      %dma_wait3A_351 = arith.constant 0 : i32
      %dma_wait3A_352 = tpu.memref_slice %arg5[%run_scoped3A_10, %dma_wait3A_350, %dma_wait3A_351] : memref<4x56x128xi32, #tpu.memory_space<vmem>> -> memref<1x50x128xi32, #tpu.memory_space<vmem>>
      %dma_wait3A_353 = tpu.memref_squeeze %dma_wait3A_352 : memref<1x50x128xi32, #tpu.memory_space<vmem>> -> memref<50x128xi32, #tpu.memory_space<vmem>>
      %dma_wait3A_354 = arith.constant 0 : i32
      %dma_wait3A_355 = tpu.memref_slice %arg2[%dma_wait3A_354, %add3A_9] : memref<50x16384xi32, #tpu.memory_space<hbm>> -> memref<50x128xi32, #tpu.memory_space<hbm>>
      %dma_wait3A_356 = arith.constant 0 : i32
      %dma_wait3A_357 = arith.constant 0 : i32
      %dma_wait3A_358 = tpu.memref_slice %arg5[%run_scoped3A_10, %dma_wait3A_356, %dma_wait3A_357] : memref<4x56x128xi32, #tpu.memory_space<vmem>> -> memref<1x50x128xi32, #tpu.memory_space<vmem>>
      %dma_wait3A_359 = tpu.memref_squeeze %dma_wait3A_358 : memref<1x50x128xi32, #tpu.memory_space<vmem>> -> memref<50x128xi32, #tpu.memory_space<vmem>>
      %dma_wait3A_360 = arith.constant 0 : i32
      %dma_wait3A_361 = tpu.memref_slice %arg2[%dma_wait3A_360, %add3A_9] : memref<50x16384xi32, #tpu.memory_space<hbm>> -> memref<50x128xi32, #tpu.memory_space<hbm>>
      tpu.wait_dma2 semaphore(%run_scoped3A_337 : memref<!tpu.dma_semaphore, #tpu.memory_space<semaphore_mem>>) src(%dma_wait3A_361 : memref<50x128xi32, #tpu.memory_space<hbm>>) dst(%dma_wait3A_359 : memref<50x128xi32, #tpu.memory_space<vmem>>)
      tpu.yield
    }) : () -> ()
    %add3A_11 = arith.constant 384 : i32
    %add3A_12 = arith.addi %mul3A_2, %add3A_11 : i32
    %run_scoped3A_13 = arith.constant 3 : i32
    "tpu.region"() ({
      %run_scoped3A_337 = tpu.sem_alloc : memref<!tpu.dma_semaphore, #tpu.memory_space<semaphore_mem>>
      %dma_start3A_338 = arith.constant 0 : i32
      %dma_start3A_339 = arith.constant 0 : i32
      %dma_start3A_340 = tpu.memref_slice %arg5[%run_scoped3A_13, %dma_start3A_338, %dma_start3A_339] : memref<4x56x128xi32, #tpu.memory_space<vmem>> -> memref<1x50x128xi32, #tpu.memory_space<vmem>>
      %dma_start3A_341 = tpu.memref_squeeze %dma_start3A_340 : memref<1x50x128xi32, #tpu.memory_space<vmem>> -> memref<50x128xi32, #tpu.memory_space<vmem>>
      %dma_start3A_342 = arith.constant 0 : i32
      %dma_start3A_343 = tpu.memref_slice %arg2[%dma_start3A_342, %add3A_12] : memref<50x16384xi32, #tpu.memory_space<hbm>> -> memref<50x128xi32, #tpu.memory_space<hbm>>
      %dma_start3A_344 = arith.constant 0 : i32
      %dma_start3A_345 = arith.constant 0 : i32
      %dma_start3A_346 = tpu.memref_slice %arg5[%run_scoped3A_13, %dma_start3A_344, %dma_start3A_345] : memref<4x56x128xi32, #tpu.memory_space<vmem>> -> memref<1x50x128xi32, #tpu.memory_space<vmem>>
      %dma_start3A_347 = tpu.memref_squeeze %dma_start3A_346 : memref<1x50x128xi32, #tpu.memory_space<vmem>> -> memref<50x128xi32, #tpu.memory_space<vmem>>
      %dma_start3A_348 = arith.constant 0 : i32
      %dma_start3A_349 = tpu.memref_slice %arg2[%dma_start3A_348, %add3A_12] : memref<50x16384xi32, #tpu.memory_space<hbm>> -> memref<50x128xi32, #tpu.memory_space<hbm>>
      tpu.enqueue_dma source(%dma_start3A_349 : memref<50x128xi32, #tpu.memory_space<hbm>>) target(%dma_start3A_347 : memref<50x128xi32, #tpu.memory_space<vmem>>) target_semaphore(%run_scoped3A_337 : memref<!tpu.dma_semaphore, #tpu.memory_space<semaphore_mem>>)
      %dma_wait3A_350 = arith.constant 0 : i32
      %dma_wait3A_351 = arith.constant 0 : i32
      %dma_wait3A_352 = tpu.memref_slice %arg5[%run_scoped3A_13, %dma_wait3A_350, %dma_wait3A_351] : memref<4x56x128xi32, #tpu.memory_space<vmem>> -> memref<1x50x128xi32, #tpu.memory_space<vmem>>
      %dma_wait3A_353 = tpu.memref_squeeze %dma_wait3A_352 : memref<1x50x128xi32, #tpu.memory_space<vmem>> -> memref<50x128xi32, #tpu.memory_space<vmem>>
      %dma_wait3A_354 = arith.constant 0 : i32
      %dma_wait3A_355 = tpu.memref_slice %arg2[%dma_wait3A_354, %add3A_12] : memref<50x16384xi32, #tpu.memory_space<hbm>> -> memref<50x128xi32, #tpu.memory_space<hbm>>
      %dma_wait3A_356 = arith.constant 0 : i32
      %dma_wait3A_357 = arith.constant 0 : i32
      %dma_wait3A_358 = tpu.memref_slice %arg5[%run_scoped3A_13, %dma_wait3A_356, %dma_wait3A_357] : memref<4x56x128xi32, #tpu.memory_space<vmem>> -> memref<1x50x128xi32, #tpu.memory_space<vmem>>
      %dma_wait3A_359 = tpu.memref_squeeze %dma_wait3A_358 : memref<1x50x128xi32, #tpu.memory_space<vmem>> -> memref<50x128xi32, #tpu.memory_space<vmem>>
      %dma_wait3A_360 = arith.constant 0 : i32
      %dma_wait3A_361 = tpu.memref_slice %arg2[%dma_wait3A_360, %add3A_12] : memref<50x16384xi32, #tpu.memory_space<hbm>> -> memref<50x128xi32, #tpu.memory_space<hbm>>
      tpu.wait_dma2 semaphore(%run_scoped3A_337 : memref<!tpu.dma_semaphore, #tpu.memory_space<semaphore_mem>>) src(%dma_wait3A_361 : memref<50x128xi32, #tpu.memory_space<hbm>>) dst(%dma_wait3A_359 : memref<50x128xi32, #tpu.memory_space<vmem>>)
      tpu.yield
    }) : () -> ()
    %scan3A = arith.constant 0 : i32
    %scan3A_14 = arith.constant 0 : i32
    %scan3A_15 = arith.constant 1600 : i32
    %scan3A_16 = arith.addi %scan3A_14, %scan3A_15 : i32
    %scan3A_17 = arith.constant 8 : i32
    scf.for %scan3A_337 = %scan3A_14 to %scan3A_16 step %scan3A_17  : i32 {
      %jit3A = arith.constant 400 : i32
      %div3A = arith.divsi %scan3A_337, %jit3A : i32
      %sign3A = arith.constant 0 : i32
      %sign3A_338 = arith.cmpi sgt, %scan3A_337, %sign3A : i32
      %sign3A_339 = arith.extui %sign3A_338 : i1 to i32
      %sign3A_340 = arith.constant 0 : i32
      %sign3A_341 = arith.cmpi slt, %scan3A_337, %sign3A_340 : i32
      %sign3A_342 = arith.extui %sign3A_341 : i1 to i32
      %sign3A_343 = arith.subi %sign3A_339, %sign3A_342 : i32
      %sign3A_344 = arith.constant 0 : i32
      %sign3A_345 = arith.cmpi sgt, %jit3A, %sign3A_344 : i32
      %sign3A_346 = arith.extui %sign3A_345 : i1 to i32
      %sign3A_347 = arith.constant 0 : i32
      %sign3A_348 = arith.cmpi slt, %jit3A, %sign3A_347 : i32
      %sign3A_349 = arith.extui %sign3A_348 : i1 to i32
      %sign3A_350 = arith.subi %sign3A_346, %sign3A_349 : i32
      %ne3A = arith.cmpi ne, %sign3A_343, %sign3A_350 : i32
      %rem3A = arith.remsi %scan3A_337, %jit3A : i32
      %ne3A_351 = arith.constant 0 : i32
      %ne3A_352 = arith.cmpi ne, %rem3A, %ne3A_351 : i32
      %and3A_353 = arith.andi %ne3A, %ne3A_352 : i1
      %sub3A = arith.constant 1 : i32
      %sub3A_354 = arith.subi %div3A, %sub3A : i32
      %select_n3A = arith.select %and3A_353, %sub3A_354, %div3A : i32
      %jit3A_355 = arith.constant 400 : i32
      %eq3A = arith.constant 0 : i32
      %eq3A_356 = arith.cmpi eq, %jit3A_355, %eq3A : i32
      %jit3A_357 = arith.constant 1 : i32
      %select_n3A_358 = arith.select %eq3A_356, %jit3A_357, %jit3A_355 : i32
      %rem3A_359 = arith.remsi %scan3A_337, %select_n3A_358 : i32
      %ne3A_360 = arith.constant 0 : i32
      %ne3A_361 = arith.cmpi ne, %rem3A_359, %ne3A_360 : i32
      %lt3A = arith.constant 0 : i32
      %lt3A_362 = arith.cmpi slt, %rem3A_359, %lt3A : i32
      %lt3A_363 = arith.constant 0 : i32
      %lt3A_364 = arith.cmpi slt, %select_n3A_358, %lt3A_363 : i32
      %ne3A_365 = arith.xori %lt3A_362, %lt3A_364 : i1
      %and3A_366 = arith.andi %ne3A_365, %ne3A_361 : i1
      %add3A_367 = arith.addi %rem3A_359, %select_n3A_358 : i32
      %select_n3A_368 = arith.select %and3A_366, %add3A_367, %rem3A_359 : i32
      %jit3A_369 = arith.constant 8 : i32
      %div3A_370 = arith.divsi %select_n3A_368, %jit3A_369 : i32
      %sign3A_371 = arith.constant 0 : i32
      %sign3A_372 = arith.cmpi sgt, %select_n3A_368, %sign3A_371 : i32
      %sign3A_373 = arith.extui %sign3A_372 : i1 to i32
      %sign3A_374 = arith.constant 0 : i32
      %sign3A_375 = arith.cmpi slt, %select_n3A_368, %sign3A_374 : i32
      %sign3A_376 = arith.extui %sign3A_375 : i1 to i32
      %sign3A_377 = arith.subi %sign3A_373, %sign3A_376 : i32
      %sign3A_378 = arith.constant 0 : i32
      %sign3A_379 = arith.cmpi sgt, %jit3A_369, %sign3A_378 : i32
      %sign3A_380 = arith.extui %sign3A_379 : i1 to i32
      %sign3A_381 = arith.constant 0 : i32
      %sign3A_382 = arith.cmpi slt, %jit3A_369, %sign3A_381 : i32
      %sign3A_383 = arith.extui %sign3A_382 : i1 to i32
      %sign3A_384 = arith.subi %sign3A_380, %sign3A_383 : i32
      %ne3A_385 = arith.cmpi ne, %sign3A_377, %sign3A_384 : i32
      %rem3A_386 = arith.remsi %select_n3A_368, %jit3A_369 : i32
      %ne3A_387 = arith.constant 0 : i32
      %ne3A_388 = arith.cmpi ne, %rem3A_386, %ne3A_387 : i32
      %and3A_389 = arith.andi %ne3A_385, %ne3A_388 : i1
      %sub3A_390 = arith.constant 1 : i32
      %sub3A_391 = arith.subi %div3A_370, %sub3A_390 : i32
      %select_n3A_392 = arith.select %and3A_389, %sub3A_391, %div3A_370 : i32
      %jit3A_393 = arith.constant 8 : i32
      %eq3A_394 = arith.constant 0 : i32
      %eq3A_395 = arith.cmpi eq, %jit3A_393, %eq3A_394 : i32
      %jit3A_396 = arith.constant 1 : i32
      %select_n3A_397 = arith.select %eq3A_395, %jit3A_396, %jit3A_393 : i32
      %rem3A_398 = arith.remsi %select_n3A_368, %select_n3A_397 : i32
      %ne3A_399 = arith.constant 0 : i32
      %ne3A_400 = arith.cmpi ne, %rem3A_398, %ne3A_399 : i32
      %lt3A_401 = arith.constant 0 : i32
      %lt3A_402 = arith.cmpi slt, %rem3A_398, %lt3A_401 : i32
      %lt3A_403 = arith.constant 0 : i32
      %lt3A_404 = arith.cmpi slt, %select_n3A_397, %lt3A_403 : i32
      %ne3A_405 = arith.xori %lt3A_402, %lt3A_404 : i1
      %and3A_406 = arith.andi %ne3A_405, %ne3A_400 : i1
      %add3A_407 = arith.addi %rem3A_398, %select_n3A_397 : i32
      %select_n3A_408 = arith.select %and3A_406, %add3A_407, %rem3A_398 : i32
      %mul3A_409 = arith.constant 16 : i32
      %mul3A_410 = arith.muli %select_n3A_408, %mul3A_409 : i32
      %get3A_411 = arith.index_cast %select_n3A : i32 to index
      %get3A_412 = arith.index_cast %select_n3A_392 : i32 to index
      %get3A_413 = arith.index_cast %mul3A_410 : i32 to index
      %get3A_414 = tpu.vector_load %arg5[%get3A_411, %get3A_412, %get3A_413] {strides = array<i32>} : memref<4x56x128xi32, #tpu.memory_space<vmem>>, vector<16xi32>,
      %shift_right_logical3A = arith.constant 2 : i32
      %shift_right_logical3A_415 = vector.broadcast %shift_right_logical3A : i32 to vector<16xi32>
      %shift_right_logical3A_416 = arith.shrui %get3A_414, %shift_right_logical3A_415 : vector<16xi32>
      %mul3A_417 = arith.constant 16 : i32
      %mul3A_418 = arith.muli %select_n3A_408, %mul3A_417 : i32
      %swap3A = arith.index_cast %select_n3A : i32 to index
      %swap3A_419 = arith.index_cast %select_n3A_392 : i32 to index
      %swap3A_420 = arith.index_cast %mul3A_418 : i32 to index
      %swap3A_421 = tpu.vector_load %arg6[%swap3A, %swap3A_419, %swap3A_420] {strides = array<i32>} : memref<4x56x128xi32, #tpu.memory_space<vmem>>, vector<16xi32>,
      tpu.vector_store %arg6[%swap3A, %swap3A_419, %swap3A_420], %shift_right_logical3A_416 {strides = array<i32>} : memref<4x56x128xi32, #tpu.memory_space<vmem>>, vector<16xi32>,
      %scan3A_422 = arith.constant 1 : i32
      %scan3A_423 = arith.addi %scan3A_337, %scan3A_422 : i32
      %jit3A_424 = arith.constant 400 : i32
      %div3A_425 = arith.divsi %scan3A_423, %jit3A_424 : i32
      %sign3A_426 = arith.constant 0 : i32
      %sign3A_427 = arith.cmpi sgt, %scan3A_423, %sign3A_426 : i32
      %sign3A_428 = arith.extui %sign3A_427 : i1 to i32
      %sign3A_429 = arith.constant 0 : i32
      %sign3A_430 = arith.cmpi slt, %scan3A_423, %sign3A_429 : i32
      %sign3A_431 = arith.extui %sign3A_430 : i1 to i32
      %sign3A_432 = arith.subi %sign3A_428, %sign3A_431 : i32
      %sign3A_433 = arith.constant 0 : i32
      %sign3A_434 = arith.cmpi sgt, %jit3A_424, %sign3A_433 : i32
      %sign3A_435 = arith.extui %sign3A_434 : i1 to i32
      %sign3A_436 = arith.constant 0 : i32
      %sign3A_437 = arith.cmpi slt, %jit3A_424, %sign3A_436 : i32
      %sign3A_438 = arith.extui %sign3A_437 : i1 to i32
      %sign3A_439 = arith.subi %sign3A_435, %sign3A_438 : i32
      %ne3A_440 = arith.cmpi ne, %sign3A_432, %sign3A_439 : i32
      %rem3A_441 = arith.remsi %scan3A_423, %jit3A_424 : i32
      %ne3A_442 = arith.constant 0 : i32
      %ne3A_443 = arith.cmpi ne, %rem3A_441, %ne3A_442 : i32
      %and3A_444 = arith.andi %ne3A_440, %ne3A_443 : i1
      %sub3A_445 = arith.constant 1 : i32
      %sub3A_446 = arith.subi %div3A_425, %sub3A_445 : i32
      %select_n3A_447 = arith.select %and3A_444, %sub3A_446, %div3A_425 : i32
      %jit3A_448 = arith.constant 400 : i32
      %eq3A_449 = arith.constant 0 : i32
      %eq3A_450 = arith.cmpi eq, %jit3A_448, %eq3A_449 : i32
      %jit3A_451 = arith.constant 1 : i32
      %select_n3A_452 = arith.select %eq3A_450, %jit3A_451, %jit3A_448 : i32
      %rem3A_453 = arith.remsi %scan3A_423, %select_n3A_452 : i32
      %ne3A_454 = arith.constant 0 : i32
      %ne3A_455 = arith.cmpi ne, %rem3A_453, %ne3A_454 : i32
      %lt3A_456 = arith.constant 0 : i32
      %lt3A_457 = arith.cmpi slt, %rem3A_453, %lt3A_456 : i32
      %lt3A_458 = arith.constant 0 : i32
      %lt3A_459 = arith.cmpi slt, %select_n3A_452, %lt3A_458 : i32
      %ne3A_460 = arith.xori %lt3A_457, %lt3A_459 : i1
      %and3A_461 = arith.andi %ne3A_460, %ne3A_455 : i1
      %add3A_462 = arith.addi %rem3A_453, %select_n3A_452 : i32
      %select_n3A_463 = arith.select %and3A_461, %add3A_462, %rem3A_453 : i32
      %jit3A_464 = arith.constant 8 : i32
      %div3A_465 = arith.divsi %select_n3A_463, %jit3A_464 : i32
      %sign3A_466 = arith.constant 0 : i32
      %sign3A_467 = arith.cmpi sgt, %select_n3A_463, %sign3A_466 : i32
      %sign3A_468 = arith.extui %sign3A_467 : i1 to i32
      %sign3A_469 = arith.constant 0 : i32
      %sign3A_470 = arith.cmpi slt, %select_n3A_463, %sign3A_469 : i32
      %sign3A_471 = arith.extui %sign3A_470 : i1 to i32
      %sign3A_472 = arith.subi %sign3A_468, %sign3A_471 : i32
      %sign3A_473 = arith.constant 0 : i32
      %sign3A_474 = arith.cmpi sgt, %jit3A_464, %sign3A_473 : i32
      %sign3A_475 = arith.extui %sign3A_474 : i1 to i32
      %sign3A_476 = arith.constant 0 : i32
      %sign3A_477 = arith.cmpi slt, %jit3A_464, %sign3A_476 : i32
      %sign3A_478 = arith.extui %sign3A_477 : i1 to i32
      %sign3A_479 = arith.subi %sign3A_475, %sign3A_478 : i32
      %ne3A_480 = arith.cmpi ne, %sign3A_472, %sign3A_479 : i32
      %rem3A_481 = arith.remsi %select_n3A_463, %jit3A_464 : i32
      %ne3A_482 = arith.constant 0 : i32
      %ne3A_483 = arith.cmpi ne, %rem3A_481, %ne3A_482 : i32
      %and3A_484 = arith.andi %ne3A_480, %ne3A_483 : i1
      %sub3A_485 = arith.constant 1 : i32
      %sub3A_486 = arith.subi %div3A_465, %sub3A_485 : i32
      %select_n3A_487 = arith.select %and3A_484, %sub3A_486, %div3A_465 : i32
      %jit3A_488 = arith.constant 8 : i32
      %eq3A_489 = arith.constant 0 : i32
      %eq3A_490 = arith.cmpi eq, %jit3A_488, %eq3A_489 : i32
      %jit3A_491 = arith.constant 1 : i32
      %select_n3A_492 = arith.select %eq3A_490, %jit3A_491, %jit3A_488 : i32
      %rem3A_493 = arith.remsi %select_n3A_463, %select_n3A_492 : i32
      %ne3A_494 = arith.constant 0 : i32
      %ne3A_495 = arith.cmpi ne, %rem3A_493, %ne3A_494 : i32
      %lt3A_496 = arith.constant 0 : i32
      %lt3A_497 = arith.cmpi slt, %rem3A_493, %lt3A_496 : i32
      %lt3A_498 = arith.constant 0 : i32
      %lt3A_499 = arith.cmpi slt, %select_n3A_492, %lt3A_498 : i32
      %ne3A_500 = arith.xori %lt3A_497, %lt3A_499 : i1
      %and3A_501 = arith.andi %ne3A_500, %ne3A_495 : i1
      %add3A_502 = arith.addi %rem3A_493, %select_n3A_492 : i32
      %select_n3A_503 = arith.select %and3A_501, %add3A_502, %rem3A_493 : i32
      %mul3A_504 = arith.constant 16 : i32
      %mul3A_505 = arith.muli %select_n3A_503, %mul3A_504 : i32
      %get3A_506 = arith.index_cast %select_n3A_447 : i32 to index
      %get3A_507 = arith.index_cast %select_n3A_487 : i32 to index
      %get3A_508 = arith.index_cast %mul3A_505 : i32 to index
      %get3A_509 = tpu.vector_load %arg5[%get3A_506, %get3A_507, %get3A_508] {strides = array<i32>} : memref<4x56x128xi32, #tpu.memory_space<vmem>>, vector<16xi32>,
      %shift_right_logical3A_510 = arith.constant 2 : i32
      %shift_right_logical3A_511 = vector.broadcast %shift_right_logical3A_510 : i32 to vector<16xi32>
      %shift_right_logical3A_512 = arith.shrui %get3A_509, %shift_right_logical3A_511 : vector<16xi32>
      %mul3A_513 = arith.constant 16 : i32
      %mul3A_514 = arith.muli %select_n3A_503, %mul3A_513 : i32
      %swap3A_515 = arith.index_cast %select_n3A_447 : i32 to index
      %swap3A_516 = arith.index_cast %select_n3A_487 : i32 to index
      %swap3A_517 = arith.index_cast %mul3A_514 : i32 to index
      %swap3A_518 = tpu.vector_load %arg6[%swap3A_515, %swap3A_516, %swap3A_517] {strides = array<i32>} : memref<4x56x128xi32, #tpu.memory_space<vmem>>, vector<16xi32>,
      tpu.vector_store %arg6[%swap3A_515, %swap3A_516, %swap3A_517], %shift_right_logical3A_512 {strides = array<i32>} : memref<4x56x128xi32, #tpu.memory_space<vmem>>, vector<16xi32>,
      %scan3A_519 = arith.constant 2 : i32
      %scan3A_520 = arith.addi %scan3A_337, %scan3A_519 : i32
      %jit3A_521 = arith.constant 400 : i32
      %div3A_522 = arith.divsi %scan3A_520, %jit3A_521 : i32
      %sign3A_523 = arith.constant 0 : i32
      %sign3A_524 = arith.cmpi sgt, %scan3A_520, %sign3A_523 : i32
      %sign3A_525 = arith.extui %sign3A_524 : i1 to i32
      %sign3A_526 = arith.constant 0 : i32
      %sign3A_527 = arith.cmpi slt, %scan3A_520, %sign3A_526 : i32
      %sign3A_528 = arith.extui %sign3A_527 : i1 to i32
      %sign3A_529 = arith.subi %sign3A_525, %sign3A_528 : i32
      %sign3A_530 = arith.constant 0 : i32
      %sign3A_531 = arith.cmpi sgt, %jit3A_521, %sign3A_530 : i32
      %sign3A_532 = arith.extui %sign3A_531 : i1 to i32
      %sign3A_533 = arith.constant 0 : i32
      %sign3A_534 = arith.cmpi slt, %jit3A_521, %sign3A_533 : i32
      %sign3A_535 = arith.extui %sign3A_534 : i1 to i32
      %sign3A_536 = arith.subi %sign3A_532, %sign3A_535 : i32
      %ne3A_537 = arith.cmpi ne, %sign3A_529, %sign3A_536 : i32
      %rem3A_538 = arith.remsi %scan3A_520, %jit3A_521 : i32
      %ne3A_539 = arith.constant 0 : i32
      %ne3A_540 = arith.cmpi ne, %rem3A_538, %ne3A_539 : i32
      %and3A_541 = arith.andi %ne3A_537, %ne3A_540 : i1
      %sub3A_542 = arith.constant 1 : i32
      %sub3A_543 = arith.subi %div3A_522, %sub3A_542 : i32
      %select_n3A_544 = arith.select %and3A_541, %sub3A_543, %div3A_522 : i32
      %jit3A_545 = arith.constant 400 : i32
      %eq3A_546 = arith.constant 0 : i32
      %eq3A_547 = arith.cmpi eq, %jit3A_545, %eq3A_546 : i32
      %jit3A_548 = arith.constant 1 : i32
      %select_n3A_549 = arith.select %eq3A_547, %jit3A_548, %jit3A_545 : i32
      %rem3A_550 = arith.remsi %scan3A_520, %select_n3A_549 : i32
      %ne3A_551 = arith.constant 0 : i32
      %ne3A_552 = arith.cmpi ne, %rem3A_550, %ne3A_551 : i32
      %lt3A_553 = arith.constant 0 : i32
      %lt3A_554 = arith.cmpi slt, %rem3A_550, %lt3A_553 : i32
      %lt3A_555 = arith.constant 0 : i32
      %lt3A_556 = arith.cmpi slt, %select_n3A_549, %lt3A_555 : i32
      %ne3A_557 = arith.xori %lt3A_554, %lt3A_556 : i1
      %and3A_558 = arith.andi %ne3A_557, %ne3A_552 : i1
      %add3A_559 = arith.addi %rem3A_550, %select_n3A_549 : i32
      %select_n3A_560 = arith.select %and3A_558, %add3A_559, %rem3A_550 : i32
      %jit3A_561 = arith.constant 8 : i32
      %div3A_562 = arith.divsi %select_n3A_560, %jit3A_561 : i32
      %sign3A_563 = arith.constant 0 : i32
      %sign3A_564 = arith.cmpi sgt, %select_n3A_560, %sign3A_563 : i32
      %sign3A_565 = arith.extui %sign3A_564 : i1 to i32
      %sign3A_566 = arith.constant 0 : i32
      %sign3A_567 = arith.cmpi slt, %select_n3A_560, %sign3A_566 : i32
      %sign3A_568 = arith.extui %sign3A_567 : i1 to i32
      %sign3A_569 = arith.subi %sign3A_565, %sign3A_568 : i32
      %sign3A_570 = arith.constant 0 : i32
      %sign3A_571 = arith.cmpi sgt, %jit3A_561, %sign3A_570 : i32
      %sign3A_572 = arith.extui %sign3A_571 : i1 to i32
      %sign3A_573 = arith.constant 0 : i32
      %sign3A_574 = arith.cmpi slt, %jit3A_561, %sign3A_573 : i32
      %sign3A_575 = arith.extui %sign3A_574 : i1 to i32
      %sign3A_576 = arith.subi %sign3A_572, %sign3A_575 : i32
      %ne3A_577 = arith.cmpi ne, %sign3A_569, %sign3A_576 : i32
      %rem3A_578 = arith.remsi %select_n3A_560, %jit3A_561 : i32
      %ne3A_579 = arith.constant 0 : i32
      %ne3A_580 = arith.cmpi ne, %rem3A_578, %ne3A_579 : i32
      %and3A_581 = arith.andi %ne3A_577, %ne3A_580 : i1
      %sub3A_582 = arith.constant 1 : i32
      %sub3A_583 = arith.subi %div3A_562, %sub3A_582 : i32
      %select_n3A_584 = arith.select %and3A_581, %sub3A_583, %div3A_562 : i32
      %jit3A_585 = arith.constant 8 : i32
      %eq3A_586 = arith.constant 0 : i32
      %eq3A_587 = arith.cmpi eq, %jit3A_585, %eq3A_586 : i32
      %jit3A_588 = arith.constant 1 : i32
      %select_n3A_589 = arith.select %eq3A_587, %jit3A_588, %jit3A_585 : i32
      %rem3A_590 = arith.remsi %select_n3A_560, %select_n3A_589 : i32
      %ne3A_591 = arith.constant 0 : i32
      %ne3A_592 = arith.cmpi ne, %rem3A_590, %ne3A_591 : i32
      %lt3A_593 = arith.constant 0 : i32
      %lt3A_594 = arith.cmpi slt, %rem3A_590, %lt3A_593 : i32
      %lt3A_595 = arith.constant 0 : i32
      %lt3A_596 = arith.cmpi slt, %select_n3A_589, %lt3A_595 : i32
      %ne3A_597 = arith.xori %lt3A_594, %lt3A_596 : i1
      %and3A_598 = arith.andi %ne3A_597, %ne3A_592 : i1
      %add3A_599 = arith.addi %rem3A_590, %select_n3A_589 : i32
      %select_n3A_600 = arith.select %and3A_598, %add3A_599, %rem3A_590 : i32
      %mul3A_601 = arith.constant 16 : i32
      %mul3A_602 = arith.muli %select_n3A_600, %mul3A_601 : i32
      %get3A_603 = arith.index_cast %select_n3A_544 : i32 to index
      %get3A_604 = arith.index_cast %select_n3A_584 : i32 to index
      %get3A_605 = arith.index_cast %mul3A_602 : i32 to index
      %get3A_606 = tpu.vector_load %arg5[%get3A_603, %get3A_604, %get3A_605] {strides = array<i32>} : memref<4x56x128xi32, #tpu.memory_space<vmem>>, vector<16xi32>,
      %shift_right_logical3A_607 = arith.constant 2 : i32
      %shift_right_logical3A_608 = vector.broadcast %shift_right_logical3A_607 : i32 to vector<16xi32>
      %shift_right_logical3A_609 = arith.shrui %get3A_606, %shift_right_logical3A_608 : vector<16xi32>
      %mul3A_610 = arith.constant 16 : i32
      %mul3A_611 = arith.muli %select_n3A_600, %mul3A_610 : i32
      %swap3A_612 = arith.index_cast %select_n3A_544 : i32 to index
      %swap3A_613 = arith.index_cast %select_n3A_584 : i32 to index
      %swap3A_614 = arith.index_cast %mul3A_611 : i32 to index
      %swap3A_615 = tpu.vector_load %arg6[%swap3A_612, %swap3A_613, %swap3A_614] {strides = array<i32>} : memref<4x56x128xi32, #tpu.memory_space<vmem>>, vector<16xi32>,
      tpu.vector_store %arg6[%swap3A_612, %swap3A_613, %swap3A_614], %shift_right_logical3A_609 {strides = array<i32>} : memref<4x56x128xi32, #tpu.memory_space<vmem>>, vector<16xi32>,
      %scan3A_616 = arith.constant 3 : i32
      %scan3A_617 = arith.addi %scan3A_337, %scan3A_616 : i32
      %jit3A_618 = arith.constant 400 : i32
      %div3A_619 = arith.divsi %scan3A_617, %jit3A_618 : i32
      %sign3A_620 = arith.constant 0 : i32
      %sign3A_621 = arith.cmpi sgt, %scan3A_617, %sign3A_620 : i32
      %sign3A_622 = arith.extui %sign3A_621 : i1 to i32
      %sign3A_623 = arith.constant 0 : i32
      %sign3A_624 = arith.cmpi slt, %scan3A_617, %sign3A_623 : i32
      %sign3A_625 = arith.extui %sign3A_624 : i1 to i32
      %sign3A_626 = arith.subi %sign3A_622, %sign3A_625 : i32
      %sign3A_627 = arith.constant 0 : i32
      %sign3A_628 = arith.cmpi sgt, %jit3A_618, %sign3A_627 : i32
      %sign3A_629 = arith.extui %sign3A_628 : i1 to i32
      %sign3A_630 = arith.constant 0 : i32
      %sign3A_631 = arith.cmpi slt, %jit3A_618, %sign3A_630 : i32
      %sign3A_632 = arith.extui %sign3A_631 : i1 to i32
      %sign3A_633 = arith.subi %sign3A_629, %sign3A_632 : i32
      %ne3A_634 = arith.cmpi ne, %sign3A_626, %sign3A_633 : i32
      %rem3A_635 = arith.remsi %scan3A_617, %jit3A_618 : i32
      %ne3A_636 = arith.constant 0 : i32
      %ne3A_637 = arith.cmpi ne, %rem3A_635, %ne3A_636 : i32
      %and3A_638 = arith.andi %ne3A_634, %ne3A_637 : i1
      %sub3A_639 = arith.constant 1 : i32
      %sub3A_640 = arith.subi %div3A_619, %sub3A_639 : i32
      %select_n3A_641 = arith.select %and3A_638, %sub3A_640, %div3A_619 : i32
      %jit3A_642 = arith.constant 400 : i32
      %eq3A_643 = arith.constant 0 : i32
      %eq3A_644 = arith.cmpi eq, %jit3A_642, %eq3A_643 : i32
      %jit3A_645 = arith.constant 1 : i32
      %select_n3A_646 = arith.select %eq3A_644, %jit3A_645, %jit3A_642 : i32
      %rem3A_647 = arith.remsi %scan3A_617, %select_n3A_646 : i32
      %ne3A_648 = arith.constant 0 : i32
      %ne3A_649 = arith.cmpi ne, %rem3A_647, %ne3A_648 : i32
      %lt3A_650 = arith.constant 0 : i32
      %lt3A_651 = arith.cmpi slt, %rem3A_647, %lt3A_650 : i32
      %lt3A_652 = arith.constant 0 : i32
      %lt3A_653 = arith.cmpi slt, %select_n3A_646, %lt3A_652 : i32
      %ne3A_654 = arith.xori %lt3A_651, %lt3A_653 : i1
      %and3A_655 = arith.andi %ne3A_654, %ne3A_649 : i1
      %add3A_656 = arith.addi %rem3A_647, %select_n3A_646 : i32
      %select_n3A_657 = arith.select %and3A_655, %add3A_656, %rem3A_647 : i32
      %jit3A_658 = arith.constant 8 : i32
      %div3A_659 = arith.divsi %select_n3A_657, %jit3A_658 : i32
      %sign3A_660 = arith.constant 0 : i32
      %sign3A_661 = arith.cmpi sgt, %select_n3A_657, %sign3A_660 : i32
      %sign3A_662 = arith.extui %sign3A_661 : i1 to i32
      %sign3A_663 = arith.constant 0 : i32
      %sign3A_664 = arith.cmpi slt, %select_n3A_657, %sign3A_663 : i32
      %sign3A_665 = arith.extui %sign3A_664 : i1 to i32
      %sign3A_666 = arith.subi %sign3A_662, %sign3A_665 : i32
      %sign3A_667 = arith.constant 0 : i32
      %sign3A_668 = arith.cmpi sgt, %jit3A_658, %sign3A_667 : i32
      %sign3A_669 = arith.extui %sign3A_668 : i1 to i32
      %sign3A_670 = arith.constant 0 : i32
      %sign3A_671 = arith.cmpi slt, %jit3A_658, %sign3A_670 : i32
      %sign3A_672 = arith.extui %sign3A_671 : i1 to i32
      %sign3A_673 = arith.subi %sign3A_669, %sign3A_672 : i32
      %ne3A_674 = arith.cmpi ne, %sign3A_666, %sign3A_673 : i32
      %rem3A_675 = arith.remsi %select_n3A_657, %jit3A_658 : i32
      %ne3A_676 = arith.constant 0 : i32
      %ne3A_677 = arith.cmpi ne, %rem3A_675, %ne3A_676 : i32
      %and3A_678 = arith.andi %ne3A_674, %ne3A_677 : i1
      %sub3A_679 = arith.constant 1 : i32
      %sub3A_680 = arith.subi %div3A_659, %sub3A_679 : i32
      %select_n3A_681 = arith.select %and3A_678, %sub3A_680, %div3A_659 : i32
      %jit3A_682 = arith.constant 8 : i32
      %eq3A_683 = arith.constant 0 : i32
      %eq3A_684 = arith.cmpi eq, %jit3A_682, %eq3A_683 : i32
      %jit3A_685 = arith.constant 1 : i32
      %select_n3A_686 = arith.select %eq3A_684, %jit3A_685, %jit3A_682 : i32
      %rem3A_687 = arith.remsi %select_n3A_657, %select_n3A_686 : i32
      %ne3A_688 = arith.constant 0 : i32
      %ne3A_689 = arith.cmpi ne, %rem3A_687, %ne3A_688 : i32
      %lt3A_690 = arith.constant 0 : i32
      %lt3A_691 = arith.cmpi slt, %rem3A_687, %lt3A_690 : i32
      %lt3A_692 = arith.constant 0 : i32
      %lt3A_693 = arith.cmpi slt, %select_n3A_686, %lt3A_692 : i32
      %ne3A_694 = arith.xori %lt3A_691, %lt3A_693 : i1
      %and3A_695 = arith.andi %ne3A_694, %ne3A_689 : i1
      %add3A_696 = arith.addi %rem3A_687, %select_n3A_686 : i32
      %select_n3A_697 = arith.select %and3A_695, %add3A_696, %rem3A_687 : i32
      %mul3A_698 = arith.constant 16 : i32
      %mul3A_699 = arith.muli %select_n3A_697, %mul3A_698 : i32
      %get3A_700 = arith.index_cast %select_n3A_641 : i32 to index
      %get3A_701 = arith.index_cast %select_n3A_681 : i32 to index
      %get3A_702 = arith.index_cast %mul3A_699 : i32 to index
      %get3A_703 = tpu.vector_load %arg5[%get3A_700, %get3A_701, %get3A_702] {strides = array<i32>} : memref<4x56x128xi32, #tpu.memory_space<vmem>>, vector<16xi32>,
      %shift_right_logical3A_704 = arith.constant 2 : i32
      %shift_right_logical3A_705 = vector.broadcast %shift_right_logical3A_704 : i32 to vector<16xi32>
      %shift_right_logical3A_706 = arith.shrui %get3A_703, %shift_right_logical3A_705 : vector<16xi32>
      %mul3A_707 = arith.constant 16 : i32
      %mul3A_708 = arith.muli %select_n3A_697, %mul3A_707 : i32
      %swap3A_709 = arith.index_cast %select_n3A_641 : i32 to index
      %swap3A_710 = arith.index_cast %select_n3A_681 : i32 to index
      %swap3A_711 = arith.index_cast %mul3A_708 : i32 to index
      %swap3A_712 = tpu.vector_load %arg6[%swap3A_709, %swap3A_710, %swap3A_711] {strides = array<i32>} : memref<4x56x128xi32, #tpu.memory_space<vmem>>, vector<16xi32>,
      tpu.vector_store %arg6[%swap3A_709, %swap3A_710, %swap3A_711], %shift_right_logical3A_706 {strides = array<i32>} : memref<4x56x128xi32, #tpu.memory_space<vmem>>, vector<16xi32>,
      %scan3A_713 = arith.constant 4 : i32
      %scan3A_714 = arith.addi %scan3A_337, %scan3A_713 : i32
      %jit3A_715 = arith.constant 400 : i32
      %div3A_716 = arith.divsi %scan3A_714, %jit3A_715 : i32
      %sign3A_717 = arith.constant 0 : i32
      %sign3A_718 = arith.cmpi sgt, %scan3A_714, %sign3A_717 : i32
      %sign3A_719 = arith.extui %sign3A_718 : i1 to i32
      %sign3A_720 = arith.constant 0 : i32
      %sign3A_721 = arith.cmpi slt, %scan3A_714, %sign3A_720 : i32
      %sign3A_722 = arith.extui %sign3A_721 : i1 to i32
      %sign3A_723 = arith.subi %sign3A_719, %sign3A_722 : i32
      %sign3A_724 = arith.constant 0 : i32
      %sign3A_725 = arith.cmpi sgt, %jit3A_715, %sign3A_724 : i32
      %sign3A_726 = arith.extui %sign3A_725 : i1 to i32
      %sign3A_727 = arith.constant 0 : i32
      %sign3A_728 = arith.cmpi slt, %jit3A_715, %sign3A_727 : i32
      %sign3A_729 = arith.extui %sign3A_728 : i1 to i32
      %sign3A_730 = arith.subi %sign3A_726, %sign3A_729 : i32
      %ne3A_731 = arith.cmpi ne, %sign3A_723, %sign3A_730 : i32
      %rem3A_732 = arith.remsi %scan3A_714, %jit3A_715 : i32
      %ne3A_733 = arith.constant 0 : i32
      %ne3A_734 = arith.cmpi ne, %rem3A_732, %ne3A_733 : i32
      %and3A_735 = arith.andi %ne3A_731, %ne3A_734 : i1
      %sub3A_736 = arith.constant 1 : i32
      %sub3A_737 = arith.subi %div3A_716, %sub3A_736 : i32
      %select_n3A_738 = arith.select %and3A_735, %sub3A_737, %div3A_716 : i32
      %jit3A_739 = arith.constant 400 : i32
      %eq3A_740 = arith.constant 0 : i32
      %eq3A_741 = arith.cmpi eq, %jit3A_739, %eq3A_740 : i32
      %jit3A_742 = arith.constant 1 : i32
      %select_n3A_743 = arith.select %eq3A_741, %jit3A_742, %jit3A_739 : i32
      %rem3A_744 = arith.remsi %scan3A_714, %select_n3A_743 : i32
      %ne3A_745 = arith.constant 0 : i32
      %ne3A_746 = arith.cmpi ne, %rem3A_744, %ne3A_745 : i32
      %lt3A_747 = arith.constant 0 : i32
      %lt3A_748 = arith.cmpi slt, %rem3A_744, %lt3A_747 : i32
      %lt3A_749 = arith.constant 0 : i32
      %lt3A_750 = arith.cmpi slt, %select_n3A_743, %lt3A_749 : i32
      %ne3A_751 = arith.xori %lt3A_748, %lt3A_750 : i1
      %and3A_752 = arith.andi %ne3A_751, %ne3A_746 : i1
      %add3A_753 = arith.addi %rem3A_744, %select_n3A_743 : i32
      %select_n3A_754 = arith.select %and3A_752, %add3A_753, %rem3A_744 : i32
      %jit3A_755 = arith.constant 8 : i32
      %div3A_756 = arith.divsi %select_n3A_754, %jit3A_755 : i32
      %sign3A_757 = arith.constant 0 : i32
      %sign3A_758 = arith.cmpi sgt, %select_n3A_754, %sign3A_757 : i32
      %sign3A_759 = arith.extui %sign3A_758 : i1 to i32
      %sign3A_760 = arith.constant 0 : i32
      %sign3A_761 = arith.cmpi slt, %select_n3A_754, %sign3A_760 : i32
      %sign3A_762 = arith.extui %sign3A_761 : i1 to i32
      %sign3A_763 = arith.subi %sign3A_759, %sign3A_762 : i32
      %sign3A_764 = arith.constant 0 : i32
      %sign3A_765 = arith.cmpi sgt, %jit3A_755, %sign3A_764 : i32
      %sign3A_766 = arith.extui %sign3A_765 : i1 to i32
      %sign3A_767 = arith.constant 0 : i32
      %sign3A_768 = arith.cmpi slt, %jit3A_755, %sign3A_767 : i32
      %sign3A_769 = arith.extui %sign3A_768 : i1 to i32
      %sign3A_770 = arith.subi %sign3A_766, %sign3A_769 : i32
      %ne3A_771 = arith.cmpi ne, %sign3A_763, %sign3A_770 : i32
      %rem3A_772 = arith.remsi %select_n3A_754, %jit3A_755 : i32
      %ne3A_773 = arith.constant 0 : i32
      %ne3A_774 = arith.cmpi ne, %rem3A_772, %ne3A_773 : i32
      %and3A_775 = arith.andi %ne3A_771, %ne3A_774 : i1
      %sub3A_776 = arith.constant 1 : i32
      %sub3A_777 = arith.subi %div3A_756, %sub3A_776 : i32
      %select_n3A_778 = arith.select %and3A_775, %sub3A_777, %div3A_756 : i32
      %jit3A_779 = arith.constant 8 : i32
      %eq3A_780 = arith.constant 0 : i32
      %eq3A_781 = arith.cmpi eq, %jit3A_779, %eq3A_780 : i32
      %jit3A_782 = arith.constant 1 : i32
      %select_n3A_783 = arith.select %eq3A_781, %jit3A_782, %jit3A_779 : i32
      %rem3A_784 = arith.remsi %select_n3A_754, %select_n3A_783 : i32
      %ne3A_785 = arith.constant 0 : i32
      %ne3A_786 = arith.cmpi ne, %rem3A_784, %ne3A_785 : i32
      %lt3A_787 = arith.constant 0 : i32
      %lt3A_788 = arith.cmpi slt, %rem3A_784, %lt3A_787 : i32
      %lt3A_789 = arith.constant 0 : i32
      %lt3A_790 = arith.cmpi slt, %select_n3A_783, %lt3A_789 : i32
      %ne3A_791 = arith.xori %lt3A_788, %lt3A_790 : i1
      %and3A_792 = arith.andi %ne3A_791, %ne3A_786 : i1
      %add3A_793 = arith.addi %rem3A_784, %select_n3A_783 : i32
      %select_n3A_794 = arith.select %and3A_792, %add3A_793, %rem3A_784 : i32
      %mul3A_795 = arith.constant 16 : i32
      %mul3A_796 = arith.muli %select_n3A_794, %mul3A_795 : i32
      %get3A_797 = arith.index_cast %select_n3A_738 : i32 to index
      %get3A_798 = arith.index_cast %select_n3A_778 : i32 to index
      %get3A_799 = arith.index_cast %mul3A_796 : i32 to index
      %get3A_800 = tpu.vector_load %arg5[%get3A_797, %get3A_798, %get3A_799] {strides = array<i32>} : memref<4x56x128xi32, #tpu.memory_space<vmem>>, vector<16xi32>,
      %shift_right_logical3A_801 = arith.constant 2 : i32
      %shift_right_logical3A_802 = vector.broadcast %shift_right_logical3A_801 : i32 to vector<16xi32>
      %shift_right_logical3A_803 = arith.shrui %get3A_800, %shift_right_logical3A_802 : vector<16xi32>
      %mul3A_804 = arith.constant 16 : i32
      %mul3A_805 = arith.muli %select_n3A_794, %mul3A_804 : i32
      %swap3A_806 = arith.index_cast %select_n3A_738 : i32 to index
      %swap3A_807 = arith.index_cast %select_n3A_778 : i32 to index
      %swap3A_808 = arith.index_cast %mul3A_805 : i32 to index
      %swap3A_809 = tpu.vector_load %arg6[%swap3A_806, %swap3A_807, %swap3A_808] {strides = array<i32>} : memref<4x56x128xi32, #tpu.memory_space<vmem>>, vector<16xi32>,
      tpu.vector_store %arg6[%swap3A_806, %swap3A_807, %swap3A_808], %shift_right_logical3A_803 {strides = array<i32>} : memref<4x56x128xi32, #tpu.memory_space<vmem>>, vector<16xi32>,
      %scan3A_810 = arith.constant 5 : i32
      %scan3A_811 = arith.addi %scan3A_337, %scan3A_810 : i32
      %jit3A_812 = arith.constant 400 : i32
      %div3A_813 = arith.divsi %scan3A_811, %jit3A_812 : i32
      %sign3A_814 = arith.constant 0 : i32
      %sign3A_815 = arith.cmpi sgt, %scan3A_811, %sign3A_814 : i32
      %sign3A_816 = arith.extui %sign3A_815 : i1 to i32
      %sign3A_817 = arith.constant 0 : i32
      %sign3A_818 = arith.cmpi slt, %scan3A_811, %sign3A_817 : i32
      %sign3A_819 = arith.extui %sign3A_818 : i1 to i32
      %sign3A_820 = arith.subi %sign3A_816, %sign3A_819 : i32
      %sign3A_821 = arith.constant 0 : i32
      %sign3A_822 = arith.cmpi sgt, %jit3A_812, %sign3A_821 : i32
      %sign3A_823 = arith.extui %sign3A_822 : i1 to i32
      %sign3A_824 = arith.constant 0 : i32
      %sign3A_825 = arith.cmpi slt, %jit3A_812, %sign3A_824 : i32
      %sign3A_826 = arith.extui %sign3A_825 : i1 to i32
      %sign3A_827 = arith.subi %sign3A_823, %sign3A_826 : i32
      %ne3A_828 = arith.cmpi ne, %sign3A_820, %sign3A_827 : i32
      %rem3A_829 = arith.remsi %scan3A_811, %jit3A_812 : i32
      %ne3A_830 = arith.constant 0 : i32
      %ne3A_831 = arith.cmpi ne, %rem3A_829, %ne3A_830 : i32
      %and3A_832 = arith.andi %ne3A_828, %ne3A_831 : i1
      %sub3A_833 = arith.constant 1 : i32
      %sub3A_834 = arith.subi %div3A_813, %sub3A_833 : i32
      %select_n3A_835 = arith.select %and3A_832, %sub3A_834, %div3A_813 : i32
      %jit3A_836 = arith.constant 400 : i32
      %eq3A_837 = arith.constant 0 : i32
      %eq3A_838 = arith.cmpi eq, %jit3A_836, %eq3A_837 : i32
      %jit3A_839 = arith.constant 1 : i32
      %select_n3A_840 = arith.select %eq3A_838, %jit3A_839, %jit3A_836 : i32
      %rem3A_841 = arith.remsi %scan3A_811, %select_n3A_840 : i32
      %ne3A_842 = arith.constant 0 : i32
      %ne3A_843 = arith.cmpi ne, %rem3A_841, %ne3A_842 : i32
      %lt3A_844 = arith.constant 0 : i32
      %lt3A_845 = arith.cmpi slt, %rem3A_841, %lt3A_844 : i32
      %lt3A_846 = arith.constant 0 : i32
      %lt3A_847 = arith.cmpi slt, %select_n3A_840, %lt3A_846 : i32
      %ne3A_848 = arith.xori %lt3A_845, %lt3A_847 : i1
      %and3A_849 = arith.andi %ne3A_848, %ne3A_843 : i1
      %add3A_850 = arith.addi %rem3A_841, %select_n3A_840 : i32
      %select_n3A_851 = arith.select %and3A_849, %add3A_850, %rem3A_841 : i32
      %jit3A_852 = arith.constant 8 : i32
      %div3A_853 = arith.divsi %select_n3A_851, %jit3A_852 : i32
      %sign3A_854 = arith.constant 0 : i32
      %sign3A_855 = arith.cmpi sgt, %select_n3A_851, %sign3A_854 : i32
      %sign3A_856 = arith.extui %sign3A_855 : i1 to i32
      %sign3A_857 = arith.constant 0 : i32
      %sign3A_858 = arith.cmpi slt, %select_n3A_851, %sign3A_857 : i32
      %sign3A_859 = arith.extui %sign3A_858 : i1 to i32
      %sign3A_860 = arith.subi %sign3A_856, %sign3A_859 : i32
      %sign3A_861 = arith.constant 0 : i32
      %sign3A_862 = arith.cmpi sgt, %jit3A_852, %sign3A_861 : i32
      %sign3A_863 = arith.extui %sign3A_862 : i1 to i32
      %sign3A_864 = arith.constant 0 : i32
      %sign3A_865 = arith.cmpi slt, %jit3A_852, %sign3A_864 : i32
      %sign3A_866 = arith.extui %sign3A_865 : i1 to i32
      %sign3A_867 = arith.subi %sign3A_863, %sign3A_866 : i32
      %ne3A_868 = arith.cmpi ne, %sign3A_860, %sign3A_867 : i32
      %rem3A_869 = arith.remsi %select_n3A_851, %jit3A_852 : i32
      %ne3A_870 = arith.constant 0 : i32
      %ne3A_871 = arith.cmpi ne, %rem3A_869, %ne3A_870 : i32
      %and3A_872 = arith.andi %ne3A_868, %ne3A_871 : i1
      %sub3A_873 = arith.constant 1 : i32
      %sub3A_874 = arith.subi %div3A_853, %sub3A_873 : i32
      %select_n3A_875 = arith.select %and3A_872, %sub3A_874, %div3A_853 : i32
      %jit3A_876 = arith.constant 8 : i32
      %eq3A_877 = arith.constant 0 : i32
      %eq3A_878 = arith.cmpi eq, %jit3A_876, %eq3A_877 : i32
      %jit3A_879 = arith.constant 1 : i32
      %select_n3A_880 = arith.select %eq3A_878, %jit3A_879, %jit3A_876 : i32
      %rem3A_881 = arith.remsi %select_n3A_851, %select_n3A_880 : i32
      %ne3A_882 = arith.constant 0 : i32
      %ne3A_883 = arith.cmpi ne, %rem3A_881, %ne3A_882 : i32
      %lt3A_884 = arith.constant 0 : i32
      %lt3A_885 = arith.cmpi slt, %rem3A_881, %lt3A_884 : i32
      %lt3A_886 = arith.constant 0 : i32
      %lt3A_887 = arith.cmpi slt, %select_n3A_880, %lt3A_886 : i32
      %ne3A_888 = arith.xori %lt3A_885, %lt3A_887 : i1
      %and3A_889 = arith.andi %ne3A_888, %ne3A_883 : i1
      %add3A_890 = arith.addi %rem3A_881, %select_n3A_880 : i32
      %select_n3A_891 = arith.select %and3A_889, %add3A_890, %rem3A_881 : i32
      %mul3A_892 = arith.constant 16 : i32
      %mul3A_893 = arith.muli %select_n3A_891, %mul3A_892 : i32
      %get3A_894 = arith.index_cast %select_n3A_835 : i32 to index
      %get3A_895 = arith.index_cast %select_n3A_875 : i32 to index
      %get3A_896 = arith.index_cast %mul3A_893 : i32 to index
      %get3A_897 = tpu.vector_load %arg5[%get3A_894, %get3A_895, %get3A_896] {strides = array<i32>} : memref<4x56x128xi32, #tpu.memory_space<vmem>>, vector<16xi32>,
      %shift_right_logical3A_898 = arith.constant 2 : i32
      %shift_right_logical3A_899 = vector.broadcast %shift_right_logical3A_898 : i32 to vector<16xi32>
      %shift_right_logical3A_900 = arith.shrui %get3A_897, %shift_right_logical3A_899 : vector<16xi32>
      %mul3A_901 = arith.constant 16 : i32
      %mul3A_902 = arith.muli %select_n3A_891, %mul3A_901 : i32
      %swap3A_903 = arith.index_cast %select_n3A_835 : i32 to index
      %swap3A_904 = arith.index_cast %select_n3A_875 : i32 to index
      %swap3A_905 = arith.index_cast %mul3A_902 : i32 to index
      %swap3A_906 = tpu.vector_load %arg6[%swap3A_903, %swap3A_904, %swap3A_905] {strides = array<i32>} : memref<4x56x128xi32, #tpu.memory_space<vmem>>, vector<16xi32>,
      tpu.vector_store %arg6[%swap3A_903, %swap3A_904, %swap3A_905], %shift_right_logical3A_900 {strides = array<i32>} : memref<4x56x128xi32, #tpu.memory_space<vmem>>, vector<16xi32>,
      %scan3A_907 = arith.constant 6 : i32
      %scan3A_908 = arith.addi %scan3A_337, %scan3A_907 : i32
      %jit3A_909 = arith.constant 400 : i32
      %div3A_910 = arith.divsi %scan3A_908, %jit3A_909 : i32
      %sign3A_911 = arith.constant 0 : i32
      %sign3A_912 = arith.cmpi sgt, %scan3A_908, %sign3A_911 : i32
      %sign3A_913 = arith.extui %sign3A_912 : i1 to i32
      %sign3A_914 = arith.constant 0 : i32
      %sign3A_915 = arith.cmpi slt, %scan3A_908, %sign3A_914 : i32
      %sign3A_916 = arith.extui %sign3A_915 : i1 to i32
      %sign3A_917 = arith.subi %sign3A_913, %sign3A_916 : i32
      %sign3A_918 = arith.constant 0 : i32
      %sign3A_919 = arith.cmpi sgt, %jit3A_909, %sign3A_918 : i32
      %sign3A_920 = arith.extui %sign3A_919 : i1 to i32
      %sign3A_921 = arith.constant 0 : i32
      %sign3A_922 = arith.cmpi slt, %jit3A_909, %sign3A_921 : i32
      %sign3A_923 = arith.extui %sign3A_922 : i1 to i32
      %sign3A_924 = arith.subi %sign3A_920, %sign3A_923 : i32
      %ne3A_925 = arith.cmpi ne, %sign3A_917, %sign3A_924 : i32
      %rem3A_926 = arith.remsi %scan3A_908, %jit3A_909 : i32
      %ne3A_927 = arith.constant 0 : i32
      %ne3A_928 = arith.cmpi ne, %rem3A_926, %ne3A_927 : i32
      %and3A_929 = arith.andi %ne3A_925, %ne3A_928 : i1
      %sub3A_930 = arith.constant 1 : i32
      %sub3A_931 = arith.subi %div3A_910, %sub3A_930 : i32
      %select_n3A_932 = arith.select %and3A_929, %sub3A_931, %div3A_910 : i32
      %jit3A_933 = arith.constant 400 : i32
      %eq3A_934 = arith.constant 0 : i32
      %eq3A_935 = arith.cmpi eq, %jit3A_933, %eq3A_934 : i32
      %jit3A_936 = arith.constant 1 : i32
      %select_n3A_937 = arith.select %eq3A_935, %jit3A_936, %jit3A_933 : i32
      %rem3A_938 = arith.remsi %scan3A_908, %select_n3A_937 : i32
      %ne3A_939 = arith.constant 0 : i32
      %ne3A_940 = arith.cmpi ne, %rem3A_938, %ne3A_939 : i32
      %lt3A_941 = arith.constant 0 : i32
      %lt3A_942 = arith.cmpi slt, %rem3A_938, %lt3A_941 : i32
      %lt3A_943 = arith.constant 0 : i32
      %lt3A_944 = arith.cmpi slt, %select_n3A_937, %lt3A_943 : i32
      %ne3A_945 = arith.xori %lt3A_942, %lt3A_944 : i1
      %and3A_946 = arith.andi %ne3A_945, %ne3A_940 : i1
      %add3A_947 = arith.addi %rem3A_938, %select_n3A_937 : i32
      %select_n3A_948 = arith.select %and3A_946, %add3A_947, %rem3A_938 : i32
      %jit3A_949 = arith.constant 8 : i32
      %div3A_950 = arith.divsi %select_n3A_948, %jit3A_949 : i32
      %sign3A_951 = arith.constant 0 : i32
      %sign3A_952 = arith.cmpi sgt, %select_n3A_948, %sign3A_951 : i32
      %sign3A_953 = arith.extui %sign3A_952 : i1 to i32
      %sign3A_954 = arith.constant 0 : i32
      %sign3A_955 = arith.cmpi slt, %select_n3A_948, %sign3A_954 : i32
      %sign3A_956 = arith.extui %sign3A_955 : i1 to i32
      %sign3A_957 = arith.subi %sign3A_953, %sign3A_956 : i32
      %sign3A_958 = arith.constant 0 : i32
      %sign3A_959 = arith.cmpi sgt, %jit3A_949, %sign3A_958 : i32
      %sign3A_960 = arith.extui %sign3A_959 : i1 to i32
      %sign3A_961 = arith.constant 0 : i32
      %sign3A_962 = arith.cmpi slt, %jit3A_949, %sign3A_961 : i32
      %sign3A_963 = arith.extui %sign3A_962 : i1 to i32
      %sign3A_964 = arith.subi %sign3A_960, %sign3A_963 : i32
      %ne3A_965 = arith.cmpi ne, %sign3A_957, %sign3A_964 : i32
      %rem3A_966 = arith.remsi %select_n3A_948, %jit3A_949 : i32
      %ne3A_967 = arith.constant 0 : i32
      %ne3A_968 = arith.cmpi ne, %rem3A_966, %ne3A_967 : i32
      %and3A_969 = arith.andi %ne3A_965, %ne3A_968 : i1
      %sub3A_970 = arith.constant 1 : i32
      %sub3A_971 = arith.subi %div3A_950, %sub3A_970 : i32
      %select_n3A_972 = arith.select %and3A_969, %sub3A_971, %div3A_950 : i32
      %jit3A_973 = arith.constant 8 : i32
      %eq3A_974 = arith.constant 0 : i32
      %eq3A_975 = arith.cmpi eq, %jit3A_973, %eq3A_974 : i32
      %jit3A_976 = arith.constant 1 : i32
      %select_n3A_977 = arith.select %eq3A_975, %jit3A_976, %jit3A_973 : i32
      %rem3A_978 = arith.remsi %select_n3A_948, %select_n3A_977 : i32
      %ne3A_979 = arith.constant 0 : i32
      %ne3A_980 = arith.cmpi ne, %rem3A_978, %ne3A_979 : i32
      %lt3A_981 = arith.constant 0 : i32
      %lt3A_982 = arith.cmpi slt, %rem3A_978, %lt3A_981 : i32
      %lt3A_983 = arith.constant 0 : i32
      %lt3A_984 = arith.cmpi slt, %select_n3A_977, %lt3A_983 : i32
      %ne3A_985 = arith.xori %lt3A_982, %lt3A_984 : i1
      %and3A_986 = arith.andi %ne3A_985, %ne3A_980 : i1
      %add3A_987 = arith.addi %rem3A_978, %select_n3A_977 : i32
      %select_n3A_988 = arith.select %and3A_986, %add3A_987, %rem3A_978 : i32
      %mul3A_989 = arith.constant 16 : i32
      %mul3A_990 = arith.muli %select_n3A_988, %mul3A_989 : i32
      %get3A_991 = arith.index_cast %select_n3A_932 : i32 to index
      %get3A_992 = arith.index_cast %select_n3A_972 : i32 to index
      %get3A_993 = arith.index_cast %mul3A_990 : i32 to index
      %get3A_994 = tpu.vector_load %arg5[%get3A_991, %get3A_992, %get3A_993] {strides = array<i32>} : memref<4x56x128xi32, #tpu.memory_space<vmem>>, vector<16xi32>,
      %shift_right_logical3A_995 = arith.constant 2 : i32
      %shift_right_logical3A_996 = vector.broadcast %shift_right_logical3A_995 : i32 to vector<16xi32>
      %shift_right_logical3A_997 = arith.shrui %get3A_994, %shift_right_logical3A_996 : vector<16xi32>
      %mul3A_998 = arith.constant 16 : i32
      %mul3A_999 = arith.muli %select_n3A_988, %mul3A_998 : i32
      %swap3A_1000 = arith.index_cast %select_n3A_932 : i32 to index
      %swap3A_1001 = arith.index_cast %select_n3A_972 : i32 to index
      %swap3A_1002 = arith.index_cast %mul3A_999 : i32 to index
      %swap3A_1003 = tpu.vector_load %arg6[%swap3A_1000, %swap3A_1001, %swap3A_1002] {strides = array<i32>} : memref<4x56x128xi32, #tpu.memory_space<vmem>>, vector<16xi32>,
      tpu.vector_store %arg6[%swap3A_1000, %swap3A_1001, %swap3A_1002], %shift_right_logical3A_997 {strides = array<i32>} : memref<4x56x128xi32, #tpu.memory_space<vmem>>, vector<16xi32>,
      %scan3A_1004 = arith.constant 7 : i32
      %scan3A_1005 = arith.addi %scan3A_337, %scan3A_1004 : i32
      %jit3A_1006 = arith.constant 400 : i32
      %div3A_1007 = arith.divsi %scan3A_1005, %jit3A_1006 : i32
      %sign3A_1008 = arith.constant 0 : i32
      %sign3A_1009 = arith.cmpi sgt, %scan3A_1005, %sign3A_1008 : i32
      %sign3A_1010 = arith.extui %sign3A_1009 : i1 to i32
      %sign3A_1011 = arith.constant 0 : i32
      %sign3A_1012 = arith.cmpi slt, %scan3A_1005, %sign3A_1011 : i32
      %sign3A_1013 = arith.extui %sign3A_1012 : i1 to i32
      %sign3A_1014 = arith.subi %sign3A_1010, %sign3A_1013 : i32
      %sign3A_1015 = arith.constant 0 : i32
      %sign3A_1016 = arith.cmpi sgt, %jit3A_1006, %sign3A_1015 : i32
      %sign3A_1017 = arith.extui %sign3A_1016 : i1 to i32
      %sign3A_1018 = arith.constant 0 : i32
      %sign3A_1019 = arith.cmpi slt, %jit3A_1006, %sign3A_1018 : i32
      %sign3A_1020 = arith.extui %sign3A_1019 : i1 to i32
      %sign3A_1021 = arith.subi %sign3A_1017, %sign3A_1020 : i32
      %ne3A_1022 = arith.cmpi ne, %sign3A_1014, %sign3A_1021 : i32
      %rem3A_1023 = arith.remsi %scan3A_1005, %jit3A_1006 : i32
      %ne3A_1024 = arith.constant 0 : i32
      %ne3A_1025 = arith.cmpi ne, %rem3A_1023, %ne3A_1024 : i32
      %and3A_1026 = arith.andi %ne3A_1022, %ne3A_1025 : i1
      %sub3A_1027 = arith.constant 1 : i32
      %sub3A_1028 = arith.subi %div3A_1007, %sub3A_1027 : i32
      %select_n3A_1029 = arith.select %and3A_1026, %sub3A_1028, %div3A_1007 : i32
      %jit3A_1030 = arith.constant 400 : i32
      %eq3A_1031 = arith.constant 0 : i32
      %eq3A_1032 = arith.cmpi eq, %jit3A_1030, %eq3A_1031 : i32
      %jit3A_1033 = arith.constant 1 : i32
      %select_n3A_1034 = arith.select %eq3A_1032, %jit3A_1033, %jit3A_1030 : i32
      %rem3A_1035 = arith.remsi %scan3A_1005, %select_n3A_1034 : i32
      %ne3A_1036 = arith.constant 0 : i32
      %ne3A_1037 = arith.cmpi ne, %rem3A_1035, %ne3A_1036 : i32
      %lt3A_1038 = arith.constant 0 : i32
      %lt3A_1039 = arith.cmpi slt, %rem3A_1035, %lt3A_1038 : i32
      %lt3A_1040 = arith.constant 0 : i32
      %lt3A_1041 = arith.cmpi slt, %select_n3A_1034, %lt3A_1040 : i32
      %ne3A_1042 = arith.xori %lt3A_1039, %lt3A_1041 : i1
      %and3A_1043 = arith.andi %ne3A_1042, %ne3A_1037 : i1
      %add3A_1044 = arith.addi %rem3A_1035, %select_n3A_1034 : i32
      %select_n3A_1045 = arith.select %and3A_1043, %add3A_1044, %rem3A_1035 : i32
      %jit3A_1046 = arith.constant 8 : i32
      %div3A_1047 = arith.divsi %select_n3A_1045, %jit3A_1046 : i32
      %sign3A_1048 = arith.constant 0 : i32
      %sign3A_1049 = arith.cmpi sgt, %select_n3A_1045, %sign3A_1048 : i32
      %sign3A_1050 = arith.extui %sign3A_1049 : i1 to i32
      %sign3A_1051 = arith.constant 0 : i32
      %sign3A_1052 = arith.cmpi slt, %select_n3A_1045, %sign3A_1051 : i32
      %sign3A_1053 = arith.extui %sign3A_1052 : i1 to i32
      %sign3A_1054 = arith.subi %sign3A_1050, %sign3A_1053 : i32
      %sign3A_1055 = arith.constant 0 : i32
      %sign3A_1056 = arith.cmpi sgt, %jit3A_1046, %sign3A_1055 : i32
      %sign3A_1057 = arith.extui %sign3A_1056 : i1 to i32
      %sign3A_1058 = arith.constant 0 : i32
      %sign3A_1059 = arith.cmpi slt, %jit3A_1046, %sign3A_1058 : i32
      %sign3A_1060 = arith.extui %sign3A_1059 : i1 to i32
      %sign3A_1061 = arith.subi %sign3A_1057, %sign3A_1060 : i32
      %ne3A_1062 = arith.cmpi ne, %sign3A_1054, %sign3A_1061 : i32
      %rem3A_1063 = arith.remsi %select_n3A_1045, %jit3A_1046 : i32
      %ne3A_1064 = arith.constant 0 : i32
      %ne3A_1065 = arith.cmpi ne, %rem3A_1063, %ne3A_1064 : i32
      %and3A_1066 = arith.andi %ne3A_1062, %ne3A_1065 : i1
      %sub3A_1067 = arith.constant 1 : i32
      %sub3A_1068 = arith.subi %div3A_1047, %sub3A_1067 : i32
      %select_n3A_1069 = arith.select %and3A_1066, %sub3A_1068, %div3A_1047 : i32
      %jit3A_1070 = arith.constant 8 : i32
      %eq3A_1071 = arith.constant 0 : i32
      %eq3A_1072 = arith.cmpi eq, %jit3A_1070, %eq3A_1071 : i32
      %jit3A_1073 = arith.constant 1 : i32
      %select_n3A_1074 = arith.select %eq3A_1072, %jit3A_1073, %jit3A_1070 : i32
      %rem3A_1075 = arith.remsi %select_n3A_1045, %select_n3A_1074 : i32
      %ne3A_1076 = arith.constant 0 : i32
      %ne3A_1077 = arith.cmpi ne, %rem3A_1075, %ne3A_1076 : i32
      %lt3A_1078 = arith.constant 0 : i32
      %lt3A_1079 = arith.cmpi slt, %rem3A_1075, %lt3A_1078 : i32
      %lt3A_1080 = arith.constant 0 : i32
      %lt3A_1081 = arith.cmpi slt, %select_n3A_1074, %lt3A_1080 : i32
      %ne3A_1082 = arith.xori %lt3A_1079, %lt3A_1081 : i1
      %and3A_1083 = arith.andi %ne3A_1082, %ne3A_1077 : i1
      %add3A_1084 = arith.addi %rem3A_1075, %select_n3A_1074 : i32
      %select_n3A_1085 = arith.select %and3A_1083, %add3A_1084, %rem3A_1075 : i32
      %mul3A_1086 = arith.constant 16 : i32
      %mul3A_1087 = arith.muli %select_n3A_1085, %mul3A_1086 : i32
      %get3A_1088 = arith.index_cast %select_n3A_1029 : i32 to index
      %get3A_1089 = arith.index_cast %select_n3A_1069 : i32 to index
      %get3A_1090 = arith.index_cast %mul3A_1087 : i32 to index
      %get3A_1091 = tpu.vector_load %arg5[%get3A_1088, %get3A_1089, %get3A_1090] {strides = array<i32>} : memref<4x56x128xi32, #tpu.memory_space<vmem>>, vector<16xi32>,
      %shift_right_logical3A_1092 = arith.constant 2 : i32
      %shift_right_logical3A_1093 = vector.broadcast %shift_right_logical3A_1092 : i32 to vector<16xi32>
      %shift_right_logical3A_1094 = arith.shrui %get3A_1091, %shift_right_logical3A_1093 : vector<16xi32>
      %mul3A_1095 = arith.constant 16 : i32
      %mul3A_1096 = arith.muli %select_n3A_1085, %mul3A_1095 : i32
      %swap3A_1097 = arith.index_cast %select_n3A_1029 : i32 to index
      %swap3A_1098 = arith.index_cast %select_n3A_1069 : i32 to index
      %swap3A_1099 = arith.index_cast %mul3A_1096 : i32 to index
      %swap3A_1100 = tpu.vector_load %arg6[%swap3A_1097, %swap3A_1098, %swap3A_1099] {strides = array<i32>} : memref<4x56x128xi32, #tpu.memory_space<vmem>>, vector<16xi32>,
      tpu.vector_store %arg6[%swap3A_1097, %swap3A_1098, %swap3A_1099], %shift_right_logical3A_1094 {strides = array<i32>} : memref<4x56x128xi32, #tpu.memory_space<vmem>>, vector<16xi32>,
    }
    %scan3A_18 = arith.constant 1600 : i32
    %iota3A = tpu.iota {dimensions = array<i32: 0>} : vector<16xi32>
    %add3A_19 = arith.constant 0 : i32
    %add3A_20 = vector.broadcast %add3A_19 : i32 to vector<16xi32>
    %add3A_21 = arith.addi %iota3A, %add3A_20 : vector<16xi32>
    %add3A_22 = arith.constant 16 : i32
    %add3A_23 = vector.broadcast %add3A_22 : i32 to vector<16xi32>
    %add3A_24 = arith.addi %iota3A, %add3A_23 : vector<16xi32>
    %add3A_25 = arith.constant 32 : i32
    %add3A_26 = vector.broadcast %add3A_25 : i32 to vector<16xi32>
    %add3A_27 = arith.addi %iota3A, %add3A_26 : vector<16xi32>
    %add3A_28 = arith.constant 48 : i32
    %add3A_29 = vector.broadcast %add3A_28 : i32 to vector<16xi32>
    %add3A_30 = arith.addi %iota3A, %add3A_29 : vector<16xi32>
    %add3A_31 = arith.constant 64 : i32
    %add3A_32 = vector.broadcast %add3A_31 : i32 to vector<16xi32>
    %add3A_33 = arith.addi %iota3A, %add3A_32 : vector<16xi32>
    %add3A_34 = arith.constant 80 : i32
    %add3A_35 = vector.broadcast %add3A_34 : i32 to vector<16xi32>
    %add3A_36 = arith.addi %iota3A, %add3A_35 : vector<16xi32>
    %add3A_37 = arith.constant 96 : i32
    %add3A_38 = vector.broadcast %add3A_37 : i32 to vector<16xi32>
    %add3A_39 = arith.addi %iota3A, %add3A_38 : vector<16xi32>
    %add3A_40 = arith.constant 112 : i32
    %add3A_41 = vector.broadcast %add3A_40 : i32 to vector<16xi32>
    %add3A_42 = arith.addi %iota3A, %add3A_41 : vector<16xi32>
    %dma_start3A = arith.constant 0 : i32
    %dma_start3A_43 = arith.constant 0 : i32
    %dma_start3A_44 = arith.constant 0 : i32
    %dma_start3A_45 = tpu.memref_slice %arg6[%dma_start3A, %dma_start3A_43, %dma_start3A_44] : memref<4x56x128xi32, #tpu.memory_space<vmem>> -> memref<1x1x128xi32, #tpu.memory_space<vmem>>
    %dma_start3A_46 = tpu.memref_squeeze %dma_start3A_45 : memref<1x1x128xi32, #tpu.memory_space<vmem>> -> memref<128xi32, #tpu.memory_space<vmem>>
    %dma_start3A_47 = arith.constant 0 : i32
    %dma_start3A_48 = arith.constant 0 : i32
    %dma_start3A_49 = tpu.memref_slice %arg3[%dma_start3A_47, %dma_start3A_48] : memref<250000x128xf32, #tpu.memory_space<hbm>> -> memref<250000x128xf32, #tpu.memory_space<hbm>>
    tpu.enqueue_indirect_dma source(%dma_start3A_49 : memref<250000x128xf32, #tpu.memory_space<hbm>>) target(%arg7 : memref<128x128xf32, #tpu.memory_space<vmem>>) offsets(%dma_start3A_46 : memref<128xi32, #tpu.memory_space<vmem>>) semaphore(%arg11 : memref<!tpu.dma_semaphore, #tpu.memory_space<semaphore_mem>>)
    %dma_start3A_50 = arith.constant 1 : i32
    %dma_start3A_51 = arith.constant 0 : i32
    %dma_start3A_52 = arith.constant 0 : i32
    %dma_start3A_53 = tpu.memref_slice %arg6[%dma_start3A_50, %dma_start3A_51, %dma_start3A_52] : memref<4x56x128xi32, #tpu.memory_space<vmem>> -> memref<1x1x128xi32, #tpu.memory_space<vmem>>
    %dma_start3A_54 = tpu.memref_squeeze %dma_start3A_53 : memref<1x1x128xi32, #tpu.memory_space<vmem>> -> memref<128xi32, #tpu.memory_space<vmem>>
    %dma_start3A_55 = arith.constant 0 : i32
    %dma_start3A_56 = arith.constant 0 : i32
    %dma_start3A_57 = tpu.memref_slice %arg3[%dma_start3A_55, %dma_start3A_56] : memref<250000x128xf32, #tpu.memory_space<hbm>> -> memref<250000x128xf32, #tpu.memory_space<hbm>>
    tpu.enqueue_indirect_dma source(%dma_start3A_57 : memref<250000x128xf32, #tpu.memory_space<hbm>>) target(%arg8 : memref<128x128xf32, #tpu.memory_space<vmem>>) offsets(%dma_start3A_54 : memref<128xi32, #tpu.memory_space<vmem>>) semaphore(%arg12 : memref<!tpu.dma_semaphore, #tpu.memory_space<semaphore_mem>>)
    %dma_wait3A = arith.constant 0 : i32
    %dma_wait3A_58 = arith.constant 0 : i32
    %dma_wait3A_59 = tpu.memref_slice %arg3[%dma_wait3A, %dma_wait3A_58] : memref<250000x128xf32, #tpu.memory_space<hbm>> -> memref<128x128xf32, #tpu.memory_space<hbm>>
    %dma_wait3A_60 = arith.constant 0 : i32
    %dma_wait3A_61 = arith.constant 0 : i32
    %dma_wait3A_62 = tpu.memref_slice %arg3[%dma_wait3A_60, %dma_wait3A_61] : memref<250000x128xf32, #tpu.memory_space<hbm>> -> memref<128x128xf32, #tpu.memory_space<hbm>>
    tpu.wait_dma2 semaphore(%arg11 : memref<!tpu.dma_semaphore, #tpu.memory_space<semaphore_mem>>) src(%dma_wait3A_62 : memref<128x128xf32, #tpu.memory_space<hbm>>) dst(%arg7 : memref<128x128xf32, #tpu.memory_space<vmem>>)
    %get3A = arith.constant 0 : i32
    %get3A_63 = arith.constant 0 : i32
    %get3A_64 = arith.index_cast %get3A : i32 to index
    %get3A_65 = arith.index_cast %get3A_63 : i32 to index
    %get3A_66 = arith.constant 0 : index
    %get3A_67 = tpu.vector_load %arg5[%get3A_64, %get3A_65, %get3A_66] {strides = array<i32>} : memref<4x56x128xi32, #tpu.memory_space<vmem>>, vector<16xi32>,
    %and3A = arith.constant 3 : i32
    %and3A_68 = vector.broadcast %and3A : i32 to vector<16xi32>
    %and3A_69 = arith.andi %get3A_67, %and3A_68 : vector<16xi32>
    %mul3A_70 = arith.constant 32 : i32
    %mul3A_71 = vector.broadcast %mul3A_70 : i32 to vector<16xi32>
    %mul3A_72 = arith.muli %and3A_69, %mul3A_71 : vector<16xi32>
    %get3A_73 = arith.constant 0 : i32
    %get3A_74 = arith.constant 0 : i32
    %get3A_75 = arith.index_cast %get3A_73 : i32 to index
    %get3A_76 = arith.index_cast %get3A_74 : i32 to index
    %get3A_77 = arith.constant 16 : index
    %get3A_78 = tpu.vector_load %arg5[%get3A_75, %get3A_76, %get3A_77] {strides = array<i32>} : memref<4x56x128xi32, #tpu.memory_space<vmem>>, vector<16xi32>,
    %and3A_79 = arith.constant 3 : i32
    %and3A_80 = vector.broadcast %and3A_79 : i32 to vector<16xi32>
    %and3A_81 = arith.andi %get3A_78, %and3A_80 : vector<16xi32>
    %mul3A_82 = arith.constant 32 : i32
    %mul3A_83 = vector.broadcast %mul3A_82 : i32 to vector<16xi32>
    %mul3A_84 = arith.muli %and3A_81, %mul3A_83 : vector<16xi32>
    %get3A_85 = arith.constant 0 : i32
    %get3A_86 = arith.constant 0 : i32
    %get3A_87 = arith.index_cast %get3A_85 : i32 to index
    %get3A_88 = arith.index_cast %get3A_86 : i32 to index
    %get3A_89 = arith.constant 32 : index
    %get3A_90 = tpu.vector_load %arg5[%get3A_87, %get3A_88, %get3A_89] {strides = array<i32>} : memref<4x56x128xi32, #tpu.memory_space<vmem>>, vector<16xi32>,
    %and3A_91 = arith.constant 3 : i32
    %and3A_92 = vector.broadcast %and3A_91 : i32 to vector<16xi32>
    %and3A_93 = arith.andi %get3A_90, %and3A_92 : vector<16xi32>
    %mul3A_94 = arith.constant 32 : i32
    %mul3A_95 = vector.broadcast %mul3A_94 : i32 to vector<16xi32>
    %mul3A_96 = arith.muli %and3A_93, %mul3A_95 : vector<16xi32>
    %get3A_97 = arith.constant 0 : i32
    %get3A_98 = arith.constant 0 : i32
    %get3A_99 = arith.index_cast %get3A_97 : i32 to index
    %get3A_100 = arith.index_cast %get3A_98 : i32 to index
    %get3A_101 = arith.constant 48 : index
    %get3A_102 = tpu.vector_load %arg5[%get3A_99, %get3A_100, %get3A_101] {strides = array<i32>} : memref<4x56x128xi32, #tpu.memory_space<vmem>>, vector<16xi32>,
    %and3A_103 = arith.constant 3 : i32
    %and3A_104 = vector.broadcast %and3A_103 : i32 to vector<16xi32>
    %and3A_105 = arith.andi %get3A_102, %and3A_104 : vector<16xi32>
    %mul3A_106 = arith.constant 32 : i32
    %mul3A_107 = vector.broadcast %mul3A_106 : i32 to vector<16xi32>
    %mul3A_108 = arith.muli %and3A_105, %mul3A_107 : vector<16xi32>
    %get3A_109 = arith.constant 0 : i32
    %get3A_110 = arith.constant 0 : i32
    %get3A_111 = arith.index_cast %get3A_109 : i32 to index
    %get3A_112 = arith.index_cast %get3A_110 : i32 to index
    %get3A_113 = arith.constant 64 : index
    %get3A_114 = tpu.vector_load %arg5[%get3A_111, %get3A_112, %get3A_113] {strides = array<i32>} : memref<4x56x128xi32, #tpu.memory_space<vmem>>, vector<16xi32>,
    %and3A_115 = arith.constant 3 : i32
    %and3A_116 = vector.broadcast %and3A_115 : i32 to vector<16xi32>
    %and3A_117 = arith.andi %get3A_114, %and3A_116 : vector<16xi32>
    %mul3A_118 = arith.constant 32 : i32
    %mul3A_119 = vector.broadcast %mul3A_118 : i32 to vector<16xi32>
    %mul3A_120 = arith.muli %and3A_117, %mul3A_119 : vector<16xi32>
    %get3A_121 = arith.constant 0 : i32
    %get3A_122 = arith.constant 0 : i32
    %get3A_123 = arith.index_cast %get3A_121 : i32 to index
    %get3A_124 = arith.index_cast %get3A_122 : i32 to index
    %get3A_125 = arith.constant 80 : index
    %get3A_126 = tpu.vector_load %arg5[%get3A_123, %get3A_124, %get3A_125] {strides = array<i32>} : memref<4x56x128xi32, #tpu.memory_space<vmem>>, vector<16xi32>,
    %and3A_127 = arith.constant 3 : i32
    %and3A_128 = vector.broadcast %and3A_127 : i32 to vector<16xi32>
    %and3A_129 = arith.andi %get3A_126, %and3A_128 : vector<16xi32>
    %mul3A_130 = arith.constant 32 : i32
    %mul3A_131 = vector.broadcast %mul3A_130 : i32 to vector<16xi32>
    %mul3A_132 = arith.muli %and3A_129, %mul3A_131 : vector<16xi32>
    %get3A_133 = arith.constant 0 : i32
    %get3A_134 = arith.constant 0 : i32
    %get3A_135 = arith.index_cast %get3A_133 : i32 to index
    %get3A_136 = arith.index_cast %get3A_134 : i32 to index
    %get3A_137 = arith.constant 96 : index
    %get3A_138 = tpu.vector_load %arg5[%get3A_135, %get3A_136, %get3A_137] {strides = array<i32>} : memref<4x56x128xi32, #tpu.memory_space<vmem>>, vector<16xi32>,
    %and3A_139 = arith.constant 3 : i32
    %and3A_140 = vector.broadcast %and3A_139 : i32 to vector<16xi32>
    %and3A_141 = arith.andi %get3A_138, %and3A_140 : vector<16xi32>
    %mul3A_142 = arith.constant 32 : i32
    %mul3A_143 = vector.broadcast %mul3A_142 : i32 to vector<16xi32>
    %mul3A_144 = arith.muli %and3A_141, %mul3A_143 : vector<16xi32>
    %get3A_145 = arith.constant 0 : i32
    %get3A_146 = arith.constant 0 : i32
    %get3A_147 = arith.index_cast %get3A_145 : i32 to index
    %get3A_148 = arith.index_cast %get3A_146 : i32 to index
    %get3A_149 = arith.constant 112 : index
    %get3A_150 = tpu.vector_load %arg5[%get3A_147, %get3A_148, %get3A_149] {strides = array<i32>} : memref<4x56x128xi32, #tpu.memory_space<vmem>>, vector<16xi32>,
    %and3A_151 = arith.constant 3 : i32
    %and3A_152 = vector.broadcast %and3A_151 : i32 to vector<16xi32>
    %and3A_153 = arith.andi %get3A_150, %and3A_152 : vector<16xi32>
    %mul3A_154 = arith.constant 32 : i32
    %mul3A_155 = vector.broadcast %mul3A_154 : i32 to vector<16xi32>
    %mul3A_156 = arith.muli %and3A_153, %mul3A_155 : vector<16xi32>
    %scan3A_157 = arith.constant 0 : i32
    %scan3A_158 = arith.constant 0 : i32
    %scan3A_159 = arith.constant 32 : i32
    %scan3A_160 = arith.addi %scan3A_158, %scan3A_159 : i32
    %scan3A_161 = arith.constant 2 : i32
    scf.for %scan3A_337 = %scan3A_158 to %scan3A_160 step %scan3A_161  : i32 {
      %add3A_338 = vector.broadcast %scan3A_337 : i32 to vector<16xi32>
      %add3A_339 = arith.addi %add3A_338, %iota3A : vector<16xi32>
      %and3A_340 = arith.constant 31 : i32
      %and3A_341 = vector.broadcast %and3A_340 : i32 to vector<16xi32>
      %and3A_342 = arith.andi %add3A_339, %and3A_341 : vector<16xi32>
      %add3A_343 = arith.addi %mul3A_72, %and3A_342 : vector<16xi32>
      %gather3A = tpu.vector_load_idx %arg7[%add3A_21, %add3A_343] : memref<128x128xf32, #tpu.memory_space<vmem>>[vector<16xi32>, vector<16xi32>], vector<16xf32>,
      tpu.vector_store_idx %arg9[%and3A_342, %add3A_21], %gather3A : memref<32x128xf32, #tpu.memory_space<vmem>>[vector<16xi32>, vector<16xi32>], vector<16xf32>,
      %add3A_344 = arith.addi %mul3A_84, %and3A_342 : vector<16xi32>
      %gather3A_345 = tpu.vector_load_idx %arg7[%add3A_24, %add3A_344] : memref<128x128xf32, #tpu.memory_space<vmem>>[vector<16xi32>, vector<16xi32>], vector<16xf32>,
      tpu.vector_store_idx %arg9[%and3A_342, %add3A_24], %gather3A_345 : memref<32x128xf32, #tpu.memory_space<vmem>>[vector<16xi32>, vector<16xi32>], vector<16xf32>,
      %add3A_346 = arith.addi %mul3A_96, %and3A_342 : vector<16xi32>
      %gather3A_347 = tpu.vector_load_idx %arg7[%add3A_27, %add3A_346] : memref<128x128xf32, #tpu.memory_space<vmem>>[vector<16xi32>, vector<16xi32>], vector<16xf32>,
      tpu.vector_store_idx %arg9[%and3A_342, %add3A_27], %gather3A_347 : memref<32x128xf32, #tpu.memory_space<vmem>>[vector<16xi32>, vector<16xi32>], vector<16xf32>,
      %add3A_348 = arith.addi %mul3A_108, %and3A_342 : vector<16xi32>
      %gather3A_349 = tpu.vector_load_idx %arg7[%add3A_30, %add3A_348] : memref<128x128xf32, #tpu.memory_space<vmem>>[vector<16xi32>, vector<16xi32>], vector<16xf32>,
      tpu.vector_store_idx %arg9[%and3A_342, %add3A_30], %gather3A_349 : memref<32x128xf32, #tpu.memory_space<vmem>>[vector<16xi32>, vector<16xi32>], vector<16xf32>,
      %add3A_350 = arith.addi %mul3A_120, %and3A_342 : vector<16xi32>
      %gather3A_351 = tpu.vector_load_idx %arg7[%add3A_33, %add3A_350] : memref<128x128xf32, #tpu.memory_space<vmem>>[vector<16xi32>, vector<16xi32>], vector<16xf32>,
      tpu.vector_store_idx %arg9[%and3A_342, %add3A_33], %gather3A_351 : memref<32x128xf32, #tpu.memory_space<vmem>>[vector<16xi32>, vector<16xi32>], vector<16xf32>,
      %add3A_352 = arith.addi %mul3A_132, %and3A_342 : vector<16xi32>
      %gather3A_353 = tpu.vector_load_idx %arg7[%add3A_36, %add3A_352] : memref<128x128xf32, #tpu.memory_space<vmem>>[vector<16xi32>, vector<16xi32>], vector<16xf32>,
      tpu.vector_store_idx %arg9[%and3A_342, %add3A_36], %gather3A_353 : memref<32x128xf32, #tpu.memory_space<vmem>>[vector<16xi32>, vector<16xi32>], vector<16xf32>,
      %add3A_354 = arith.addi %mul3A_144, %and3A_342 : vector<16xi32>
      %gather3A_355 = tpu.vector_load_idx %arg7[%add3A_39, %add3A_354] : memref<128x128xf32, #tpu.memory_space<vmem>>[vector<16xi32>, vector<16xi32>], vector<16xf32>,
      tpu.vector_store_idx %arg9[%and3A_342, %add3A_39], %gather3A_355 : memref<32x128xf32, #tpu.memory_space<vmem>>[vector<16xi32>, vector<16xi32>], vector<16xf32>,
      %add3A_356 = arith.addi %mul3A_156, %and3A_342 : vector<16xi32>
      %gather3A_357 = tpu.vector_load_idx %arg7[%add3A_42, %add3A_356] : memref<128x128xf32, #tpu.memory_space<vmem>>[vector<16xi32>, vector<16xi32>], vector<16xf32>,
      tpu.vector_store_idx %arg9[%and3A_342, %add3A_42], %gather3A_357 : memref<32x128xf32, #tpu.memory_space<vmem>>[vector<16xi32>, vector<16xi32>], vector<16xf32>,
      %scan3A_358 = arith.constant 1 : i32
      %scan3A_359 = arith.addi %scan3A_337, %scan3A_358 : i32
      %add3A_360 = vector.broadcast %scan3A_359 : i32 to vector<16xi32>
      %add3A_361 = arith.addi %add3A_360, %iota3A : vector<16xi32>
      %and3A_362 = arith.constant 31 : i32
      %and3A_363 = vector.broadcast %and3A_362 : i32 to vector<16xi32>
      %and3A_364 = arith.andi %add3A_361, %and3A_363 : vector<16xi32>
      %add3A_365 = arith.addi %mul3A_72, %and3A_364 : vector<16xi32>
      %gather3A_366 = tpu.vector_load_idx %arg7[%add3A_21, %add3A_365] : memref<128x128xf32, #tpu.memory_space<vmem>>[vector<16xi32>, vector<16xi32>], vector<16xf32>,
      tpu.vector_store_idx %arg9[%and3A_364, %add3A_21], %gather3A_366 : memref<32x128xf32, #tpu.memory_space<vmem>>[vector<16xi32>, vector<16xi32>], vector<16xf32>,
      %add3A_367 = arith.addi %mul3A_84, %and3A_364 : vector<16xi32>
      %gather3A_368 = tpu.vector_load_idx %arg7[%add3A_24, %add3A_367] : memref<128x128xf32, #tpu.memory_space<vmem>>[vector<16xi32>, vector<16xi32>], vector<16xf32>,
      tpu.vector_store_idx %arg9[%and3A_364, %add3A_24], %gather3A_368 : memref<32x128xf32, #tpu.memory_space<vmem>>[vector<16xi32>, vector<16xi32>], vector<16xf32>,
      %add3A_369 = arith.addi %mul3A_96, %and3A_364 : vector<16xi32>
      %gather3A_370 = tpu.vector_load_idx %arg7[%add3A_27, %add3A_369] : memref<128x128xf32, #tpu.memory_space<vmem>>[vector<16xi32>, vector<16xi32>], vector<16xf32>,
      tpu.vector_store_idx %arg9[%and3A_364, %add3A_27], %gather3A_370 : memref<32x128xf32, #tpu.memory_space<vmem>>[vector<16xi32>, vector<16xi32>], vector<16xf32>,
      %add3A_371 = arith.addi %mul3A_108, %and3A_364 : vector<16xi32>
      %gather3A_372 = tpu.vector_load_idx %arg7[%add3A_30, %add3A_371] : memref<128x128xf32, #tpu.memory_space<vmem>>[vector<16xi32>, vector<16xi32>], vector<16xf32>,
      tpu.vector_store_idx %arg9[%and3A_364, %add3A_30], %gather3A_372 : memref<32x128xf32, #tpu.memory_space<vmem>>[vector<16xi32>, vector<16xi32>], vector<16xf32>,
      %add3A_373 = arith.addi %mul3A_120, %and3A_364 : vector<16xi32>
      %gather3A_374 = tpu.vector_load_idx %arg7[%add3A_33, %add3A_373] : memref<128x128xf32, #tpu.memory_space<vmem>>[vector<16xi32>, vector<16xi32>], vector<16xf32>,
      tpu.vector_store_idx %arg9[%and3A_364, %add3A_33], %gather3A_374 : memref<32x128xf32, #tpu.memory_space<vmem>>[vector<16xi32>, vector<16xi32>], vector<16xf32>,
      %add3A_375 = arith.addi %mul3A_132, %and3A_364 : vector<16xi32>
      %gather3A_376 = tpu.vector_load_idx %arg7[%add3A_36, %add3A_375] : memref<128x128xf32, #tpu.memory_space<vmem>>[vector<16xi32>, vector<16xi32>], vector<16xf32>,
      tpu.vector_store_idx %arg9[%and3A_364, %add3A_36], %gather3A_376 : memref<32x128xf32, #tpu.memory_space<vmem>>[vector<16xi32>, vector<16xi32>], vector<16xf32>,
      %add3A_377 = arith.addi %mul3A_144, %and3A_364 : vector<16xi32>
      %gather3A_378 = tpu.vector_load_idx %arg7[%add3A_39, %add3A_377] : memref<128x128xf32, #tpu.memory_space<vmem>>[vector<16xi32>, vector<16xi32>], vector<16xf32>,
      tpu.vector_store_idx %arg9[%and3A_364, %add3A_39], %gather3A_378 : memref<32x128xf32, #tpu.memory_space<vmem>>[vector<16xi32>, vector<16xi32>], vector<16xf32>,
      %add3A_379 = arith.addi %mul3A_156, %and3A_364 : vector<16xi32>
      %gather3A_380 = tpu.vector_load_idx %arg7[%add3A_42, %add3A_379] : memref<128x128xf32, #tpu.memory_space<vmem>>[vector<16xi32>, vector<16xi32>], vector<16xf32>,
      tpu.vector_store_idx %arg9[%and3A_364, %add3A_42], %gather3A_380 : memref<32x128xf32, #tpu.memory_space<vmem>>[vector<16xi32>, vector<16xi32>], vector<16xf32>,
    }
    %scan3A_162 = arith.constant 32 : i32
    %add3A_163 = arith.constant 0 : i32
    %add3A_164 = arith.addi %mul3A_2, %add3A_163 : i32
    %dma_start3A_165 = arith.constant 0 : i32
    %dma_start3A_166 = arith.constant 0 : i32
    %dma_start3A_167 = arith.constant 0 : i32
    %dma_start3A_168 = tpu.memref_slice %arg9[%dma_start3A_166, %dma_start3A_167] : memref<32x128xf32, #tpu.memory_space<vmem>> -> memref<32x128xf32, #tpu.memory_space<vmem>>
    %dma_start3A_169 = arith.constant 0 : i32
    %dma_start3A_170 = tpu.memref_slice %arg4[%dma_start3A_165, %dma_start3A_169, %add3A_164] : memref<50x32x16384xf32, #tpu.memory_space<hbm>> -> memref<1x32x128xf32, #tpu.memory_space<hbm>>
    %dma_start3A_171 = tpu.memref_squeeze %dma_start3A_170 : memref<1x32x128xf32, #tpu.memory_space<hbm>> -> memref<32x128xf32, #tpu.memory_space<hbm>>
    %dma_start3A_172 = arith.constant 0 : i32
    %dma_start3A_173 = tpu.memref_slice %arg4[%dma_start3A_165, %dma_start3A_172, %add3A_164] : memref<50x32x16384xf32, #tpu.memory_space<hbm>> -> memref<1x32x128xf32, #tpu.memory_space<hbm>>
    %dma_start3A_174 = tpu.memref_squeeze %dma_start3A_173 : memref<1x32x128xf32, #tpu.memory_space<hbm>> -> memref<32x128xf32, #tpu.memory_space<hbm>>
    %dma_start3A_175 = arith.constant 0 : i32
    %dma_start3A_176 = arith.constant 0 : i32
    %dma_start3A_177 = tpu.memref_slice %arg9[%dma_start3A_175, %dma_start3A_176] : memref<32x128xf32, #tpu.memory_space<vmem>> -> memref<32x128xf32, #tpu.memory_space<vmem>>
    tpu.enqueue_dma source(%dma_start3A_177 : memref<32x128xf32, #tpu.memory_space<vmem>>) target(%dma_start3A_174 : memref<32x128xf32, #tpu.memory_space<hbm>>) target_semaphore(%arg13 : memref<!tpu.dma_semaphore, #tpu.memory_space<semaphore_mem>>)
    %scan3A_178 = arith.constant 0 : i32
    %scan3A_179 = arith.constant 1 : i32
    %scan3A_180 = arith.constant 99 : i32
    %scan3A_181 = arith.addi %scan3A_179, %scan3A_180 : i32
    %scan3A_182 = arith.constant 1 : i32
    scf.for %scan3A_337 = %scan3A_179 to %scan3A_181 step %scan3A_182  : i32 {
      %mul3A_338 = arith.constant 2 : i32
      %mul3A_339 = arith.muli %mul3A_338, %scan3A_337 : i32
      %dma_wait3A_340 = arith.constant 0 : i32
      %dma_wait3A_341 = arith.constant 0 : i32
      %dma_wait3A_342 = arith.constant 0 : i32
      %dma_wait3A_343 = tpu.memref_slice %arg9[%dma_wait3A_341, %dma_wait3A_342] : memref<32x128xf32, #tpu.memory_space<vmem>> -> memref<32x128xf32, #tpu.memory_space<vmem>>
      %dma_wait3A_344 = arith.constant 0 : i32
      %dma_wait3A_345 = arith.constant 0 : i32
      %dma_wait3A_346 = tpu.memref_slice %arg4[%dma_wait3A_340, %dma_wait3A_344, %dma_wait3A_345] : memref<50x32x16384xf32, #tpu.memory_space<hbm>> -> memref<1x32x128xf32, #tpu.memory_space<hbm>>
      %dma_wait3A_347 = tpu.memref_squeeze %dma_wait3A_346 : memref<1x32x128xf32, #tpu.memory_space<hbm>> -> memref<32x128xf32, #tpu.memory_space<hbm>>
      %dma_wait3A_348 = arith.constant 0 : i32
      %dma_wait3A_349 = arith.constant 0 : i32
      %dma_wait3A_350 = tpu.memref_slice %arg4[%dma_wait3A_340, %dma_wait3A_348, %dma_wait3A_349] : memref<50x32x16384xf32, #tpu.memory_space<hbm>> -> memref<1x32x128xf32, #tpu.memory_space<hbm>>
      %dma_wait3A_351 = tpu.memref_squeeze %dma_wait3A_350 : memref<1x32x128xf32, #tpu.memory_space<hbm>> -> memref<32x128xf32, #tpu.memory_space<hbm>>
      %dma_wait3A_352 = arith.constant 0 : i32
      %dma_wait3A_353 = arith.constant 0 : i32
      %dma_wait3A_354 = tpu.memref_slice %arg9[%dma_wait3A_352, %dma_wait3A_353] : memref<32x128xf32, #tpu.memory_space<vmem>> -> memref<32x128xf32, #tpu.memory_space<vmem>>
      tpu.wait_dma2 semaphore(%arg13 : memref<!tpu.dma_semaphore, #tpu.memory_space<semaphore_mem>>) src(%dma_wait3A_354 : memref<32x128xf32, #tpu.memory_space<vmem>>) dst(%dma_wait3A_351 : memref<32x128xf32, #tpu.memory_space<hbm>>)
      %jit3A = arith.constant 4 : i32
      %eq3A = arith.constant 0 : i32
      %eq3A_355 = arith.cmpi eq, %jit3A, %eq3A : i32
      %jit3A_356 = arith.constant 1 : i32
      %select_n3A = arith.select %eq3A_355, %jit3A_356, %jit3A : i32
      %rem3A = arith.remsi %mul3A_339, %select_n3A : i32
      %ne3A = arith.constant 0 : i32
      %ne3A_357 = arith.cmpi ne, %rem3A, %ne3A : i32
      %lt3A = arith.constant 0 : i32
      %lt3A_358 = arith.cmpi slt, %rem3A, %lt3A : i32
      %lt3A_359 = arith.constant 0 : i32
      %lt3A_360 = arith.cmpi slt, %select_n3A, %lt3A_359 : i32
      %ne3A_361 = arith.xori %lt3A_358, %lt3A_360 : i1
      %and3A_362 = arith.andi %ne3A_361, %ne3A_357 : i1
      %add3A_363 = arith.addi %rem3A, %select_n3A : i32
      %select_n3A_364 = arith.select %and3A_362, %add3A_363, %rem3A : i32
      %jit3A_365 = arith.constant 4 : i32
      %div3A = arith.divsi %mul3A_339, %jit3A_365 : i32
      %sign3A = arith.constant 0 : i32
      %sign3A_366 = arith.cmpi sgt, %mul3A_339, %sign3A : i32
      %sign3A_367 = arith.extui %sign3A_366 : i1 to i32
      %sign3A_368 = arith.constant 0 : i32
      %sign3A_369 = arith.cmpi slt, %mul3A_339, %sign3A_368 : i32
      %sign3A_370 = arith.extui %sign3A_369 : i1 to i32
      %sign3A_371 = arith.subi %sign3A_367, %sign3A_370 : i32
      %sign3A_372 = arith.constant 0 : i32
      %sign3A_373 = arith.cmpi sgt, %jit3A_365, %sign3A_372 : i32
      %sign3A_374 = arith.extui %sign3A_373 : i1 to i32
      %sign3A_375 = arith.constant 0 : i32
      %sign3A_376 = arith.cmpi slt, %jit3A_365, %sign3A_375 : i32
      %sign3A_377 = arith.extui %sign3A_376 : i1 to i32
      %sign3A_378 = arith.subi %sign3A_374, %sign3A_377 : i32
      %ne3A_379 = arith.cmpi ne, %sign3A_371, %sign3A_378 : i32
      %rem3A_380 = arith.remsi %mul3A_339, %jit3A_365 : i32
      %ne3A_381 = arith.constant 0 : i32
      %ne3A_382 = arith.cmpi ne, %rem3A_380, %ne3A_381 : i32
      %and3A_383 = arith.andi %ne3A_379, %ne3A_382 : i1
      %sub3A = arith.constant 1 : i32
      %sub3A_384 = arith.subi %div3A, %sub3A : i32
      %select_n3A_385 = arith.select %and3A_383, %sub3A_384, %div3A : i32
      %dma_start3A_386 = arith.constant 0 : i32
      %dma_start3A_387 = tpu.memref_slice %arg6[%select_n3A_364, %select_n3A_385, %dma_start3A_386] : memref<4x56x128xi32, #tpu.memory_space<vmem>> -> memref<1x1x128xi32, #tpu.memory_space<vmem>>
      %dma_start3A_388 = tpu.memref_squeeze %dma_start3A_387 : memref<1x1x128xi32, #tpu.memory_space<vmem>> -> memref<128xi32, #tpu.memory_space<vmem>>
      %dma_start3A_389 = arith.constant 0 : i32
      %dma_start3A_390 = arith.constant 0 : i32
      %dma_start3A_391 = tpu.memref_slice %arg3[%dma_start3A_389, %dma_start3A_390] : memref<250000x128xf32, #tpu.memory_space<hbm>> -> memref<250000x128xf32, #tpu.memory_space<hbm>>
      tpu.enqueue_indirect_dma source(%dma_start3A_391 : memref<250000x128xf32, #tpu.memory_space<hbm>>) target(%arg7 : memref<128x128xf32, #tpu.memory_space<vmem>>) offsets(%dma_start3A_388 : memref<128xi32, #tpu.memory_space<vmem>>) semaphore(%arg11 : memref<!tpu.dma_semaphore, #tpu.memory_space<semaphore_mem>>)
      %dma_wait3A_392 = arith.constant 0 : i32
      %dma_wait3A_393 = arith.constant 0 : i32
      %dma_wait3A_394 = tpu.memref_slice %arg3[%dma_wait3A_392, %dma_wait3A_393] : memref<250000x128xf32, #tpu.memory_space<hbm>> -> memref<128x128xf32, #tpu.memory_space<hbm>>
      %dma_wait3A_395 = arith.constant 0 : i32
      %dma_wait3A_396 = arith.constant 0 : i32
      %dma_wait3A_397 = tpu.memref_slice %arg3[%dma_wait3A_395, %dma_wait3A_396] : memref<250000x128xf32, #tpu.memory_space<hbm>> -> memref<128x128xf32, #tpu.memory_space<hbm>>
      tpu.wait_dma2 semaphore(%arg12 : memref<!tpu.dma_semaphore, #tpu.memory_space<semaphore_mem>>) src(%dma_wait3A_397 : memref<128x128xf32, #tpu.memory_space<hbm>>) dst(%arg8 : memref<128x128xf32, #tpu.memory_space<vmem>>)
      %sub3A_398 = arith.constant 1 : i32
      %sub3A_399 = arith.subi %mul3A_339, %sub3A_398 : i32
      %jit3A_400 = arith.constant 4 : i32
      %eq3A_401 = arith.constant 0 : i32
      %eq3A_402 = arith.cmpi eq, %jit3A_400, %eq3A_401 : i32
      %jit3A_403 = arith.constant 1 : i32
      %select_n3A_404 = arith.select %eq3A_402, %jit3A_403, %jit3A_400 : i32
      %rem3A_405 = arith.remsi %sub3A_399, %select_n3A_404 : i32
      %ne3A_406 = arith.constant 0 : i32
      %ne3A_407 = arith.cmpi ne, %rem3A_405, %ne3A_406 : i32
      %lt3A_408 = arith.constant 0 : i32
      %lt3A_409 = arith.cmpi slt, %rem3A_405, %lt3A_408 : i32
      %lt3A_410 = arith.constant 0 : i32
      %lt3A_411 = arith.cmpi slt, %select_n3A_404, %lt3A_410 : i32
      %ne3A_412 = arith.xori %lt3A_409, %lt3A_411 : i1
      %and3A_413 = arith.andi %ne3A_412, %ne3A_407 : i1
      %add3A_414 = arith.addi %rem3A_405, %select_n3A_404 : i32
      %select_n3A_415 = arith.select %and3A_413, %add3A_414, %rem3A_405 : i32
      %jit3A_416 = arith.constant 4 : i32
      %div3A_417 = arith.divsi %sub3A_399, %jit3A_416 : i32
      %sign3A_418 = arith.constant 0 : i32
      %sign3A_419 = arith.cmpi sgt, %sub3A_399, %sign3A_418 : i32
      %sign3A_420 = arith.extui %sign3A_419 : i1 to i32
      %sign3A_421 = arith.constant 0 : i32
      %sign3A_422 = arith.cmpi slt, %sub3A_399, %sign3A_421 : i32
      %sign3A_423 = arith.extui %sign3A_422 : i1 to i32
      %sign3A_424 = arith.subi %sign3A_420, %sign3A_423 : i32
      %sign3A_425 = arith.constant 0 : i32
      %sign3A_426 = arith.cmpi sgt, %jit3A_416, %sign3A_425 : i32
      %sign3A_427 = arith.extui %sign3A_426 : i1 to i32
      %sign3A_428 = arith.constant 0 : i32
      %sign3A_429 = arith.cmpi slt, %jit3A_416, %sign3A_428 : i32
      %sign3A_430 = arith.extui %sign3A_429 : i1 to i32
      %sign3A_431 = arith.subi %sign3A_427, %sign3A_430 : i32
      %ne3A_432 = arith.cmpi ne, %sign3A_424, %sign3A_431 : i32
      %rem3A_433 = arith.remsi %sub3A_399, %jit3A_416 : i32
      %ne3A_434 = arith.constant 0 : i32
      %ne3A_435 = arith.cmpi ne, %rem3A_433, %ne3A_434 : i32
      %and3A_436 = arith.andi %ne3A_432, %ne3A_435 : i1
      %sub3A_437 = arith.constant 1 : i32
      %sub3A_438 = arith.subi %div3A_417, %sub3A_437 : i32
      %select_n3A_439 = arith.select %and3A_436, %sub3A_438, %div3A_417 : i32
      %get3A_440 = arith.index_cast %select_n3A_415 : i32 to index
      %get3A_441 = arith.index_cast %select_n3A_439 : i32 to index
      %get3A_442 = arith.constant 0 : index
      %get3A_443 = tpu.vector_load %arg5[%get3A_440, %get3A_441, %get3A_442] {strides = array<i32>} : memref<4x56x128xi32, #tpu.memory_space<vmem>>, vector<16xi32>,
      %and3A_444 = arith.constant 3 : i32
      %and3A_445 = vector.broadcast %and3A_444 : i32 to vector<16xi32>
      %and3A_446 = arith.andi %get3A_443, %and3A_445 : vector<16xi32>
      %mul3A_447 = arith.constant 32 : i32
      %mul3A_448 = vector.broadcast %mul3A_447 : i32 to vector<16xi32>
      %mul3A_449 = arith.muli %and3A_446, %mul3A_448 : vector<16xi32>
      %get3A_450 = arith.index_cast %select_n3A_415 : i32 to index
      %get3A_451 = arith.index_cast %select_n3A_439 : i32 to index
      %get3A_452 = arith.constant 16 : index
      %get3A_453 = tpu.vector_load %arg5[%get3A_450, %get3A_451, %get3A_452] {strides = array<i32>} : memref<4x56x128xi32, #tpu.memory_space<vmem>>, vector<16xi32>,
      %and3A_454 = arith.constant 3 : i32
      %and3A_455 = vector.broadcast %and3A_454 : i32 to vector<16xi32>
      %and3A_456 = arith.andi %get3A_453, %and3A_455 : vector<16xi32>
      %mul3A_457 = arith.constant 32 : i32
      %mul3A_458 = vector.broadcast %mul3A_457 : i32 to vector<16xi32>
      %mul3A_459 = arith.muli %and3A_456, %mul3A_458 : vector<16xi32>
      %get3A_460 = arith.index_cast %select_n3A_415 : i32 to index
      %get3A_461 = arith.index_cast %select_n3A_439 : i32 to index
      %get3A_462 = arith.constant 32 : index
      %get3A_463 = tpu.vector_load %arg5[%get3A_460, %get3A_461, %get3A_462] {strides = array<i32>} : memref<4x56x128xi32, #tpu.memory_space<vmem>>, vector<16xi32>,
      %and3A_464 = arith.constant 3 : i32
      %and3A_465 = vector.broadcast %and3A_464 : i32 to vector<16xi32>
      %and3A_466 = arith.andi %get3A_463, %and3A_465 : vector<16xi32>
      %mul3A_467 = arith.constant 32 : i32
      %mul3A_468 = vector.broadcast %mul3A_467 : i32 to vector<16xi32>
      %mul3A_469 = arith.muli %and3A_466, %mul3A_468 : vector<16xi32>
      %get3A_470 = arith.index_cast %select_n3A_415 : i32 to index
      %get3A_471 = arith.index_cast %select_n3A_439 : i32 to index
      %get3A_472 = arith.constant 48 : index
      %get3A_473 = tpu.vector_load %arg5[%get3A_470, %get3A_471, %get3A_472] {strides = array<i32>} : memref<4x56x128xi32, #tpu.memory_space<vmem>>, vector<16xi32>,
      %and3A_474 = arith.constant 3 : i32
      %and3A_475 = vector.broadcast %and3A_474 : i32 to vector<16xi32>
      %and3A_476 = arith.andi %get3A_473, %and3A_475 : vector<16xi32>
      %mul3A_477 = arith.constant 32 : i32
      %mul3A_478 = vector.broadcast %mul3A_477 : i32 to vector<16xi32>
      %mul3A_479 = arith.muli %and3A_476, %mul3A_478 : vector<16xi32>
      %get3A_480 = arith.index_cast %select_n3A_415 : i32 to index
      %get3A_481 = arith.index_cast %select_n3A_439 : i32 to index
      %get3A_482 = arith.constant 64 : index
      %get3A_483 = tpu.vector_load %arg5[%get3A_480, %get3A_481, %get3A_482] {strides = array<i32>} : memref<4x56x128xi32, #tpu.memory_space<vmem>>, vector<16xi32>,
      %and3A_484 = arith.constant 3 : i32
      %and3A_485 = vector.broadcast %and3A_484 : i32 to vector<16xi32>
      %and3A_486 = arith.andi %get3A_483, %and3A_485 : vector<16xi32>
      %mul3A_487 = arith.constant 32 : i32
      %mul3A_488 = vector.broadcast %mul3A_487 : i32 to vector<16xi32>
      %mul3A_489 = arith.muli %and3A_486, %mul3A_488 : vector<16xi32>
      %get3A_490 = arith.index_cast %select_n3A_415 : i32 to index
      %get3A_491 = arith.index_cast %select_n3A_439 : i32 to index
      %get3A_492 = arith.constant 80 : index
      %get3A_493 = tpu.vector_load %arg5[%get3A_490, %get3A_491, %get3A_492] {strides = array<i32>} : memref<4x56x128xi32, #tpu.memory_space<vmem>>, vector<16xi32>,
      %and3A_494 = arith.constant 3 : i32
      %and3A_495 = vector.broadcast %and3A_494 : i32 to vector<16xi32>
      %and3A_496 = arith.andi %get3A_493, %and3A_495 : vector<16xi32>
      %mul3A_497 = arith.constant 32 : i32
      %mul3A_498 = vector.broadcast %mul3A_497 : i32 to vector<16xi32>
      %mul3A_499 = arith.muli %and3A_496, %mul3A_498 : vector<16xi32>
      %get3A_500 = arith.index_cast %select_n3A_415 : i32 to index
      %get3A_501 = arith.index_cast %select_n3A_439 : i32 to index
      %get3A_502 = arith.constant 96 : index
      %get3A_503 = tpu.vector_load %arg5[%get3A_500, %get3A_501, %get3A_502] {strides = array<i32>} : memref<4x56x128xi32, #tpu.memory_space<vmem>>, vector<16xi32>,
      %and3A_504 = arith.constant 3 : i32
      %and3A_505 = vector.broadcast %and3A_504 : i32 to vector<16xi32>
      %and3A_506 = arith.andi %get3A_503, %and3A_505 : vector<16xi32>
      %mul3A_507 = arith.constant 32 : i32
      %mul3A_508 = vector.broadcast %mul3A_507 : i32 to vector<16xi32>
      %mul3A_509 = arith.muli %and3A_506, %mul3A_508 : vector<16xi32>
      %get3A_510 = arith.index_cast %select_n3A_415 : i32 to index
      %get3A_511 = arith.index_cast %select_n3A_439 : i32 to index
      %get3A_512 = arith.constant 112 : index
      %get3A_513 = tpu.vector_load %arg5[%get3A_510, %get3A_511, %get3A_512] {strides = array<i32>} : memref<4x56x128xi32, #tpu.memory_space<vmem>>, vector<16xi32>,
      %and3A_514 = arith.constant 3 : i32
      %and3A_515 = vector.broadcast %and3A_514 : i32 to vector<16xi32>
      %and3A_516 = arith.andi %get3A_513, %and3A_515 : vector<16xi32>
      %mul3A_517 = arith.constant 32 : i32
      %mul3A_518 = vector.broadcast %mul3A_517 : i32 to vector<16xi32>
      %mul3A_519 = arith.muli %and3A_516, %mul3A_518 : vector<16xi32>
      %scan3A_520 = arith.constant 0 : i32
      %scan3A_521 = arith.constant 0 : i32
      %scan3A_522 = arith.constant 32 : i32
      %scan3A_523 = arith.addi %scan3A_521, %scan3A_522 : i32
      %scan3A_524 = arith.constant 2 : i32
      scf.for %scan3A_833 = %scan3A_521 to %scan3A_523 step %scan3A_524  : i32 {
        %add3A_834 = vector.broadcast %scan3A_833 : i32 to vector<16xi32>
        %add3A_835 = arith.addi %add3A_834, %iota3A : vector<16xi32>
        %and3A_836 = arith.constant 31 : i32
        %and3A_837 = vector.broadcast %and3A_836 : i32 to vector<16xi32>
        %and3A_838 = arith.andi %add3A_835, %and3A_837 : vector<16xi32>
        %add3A_839 = arith.addi %mul3A_449, %and3A_838 : vector<16xi32>
        %gather3A = tpu.vector_load_idx %arg8[%add3A_21, %add3A_839] : memref<128x128xf32, #tpu.memory_space<vmem>>[vector<16xi32>, vector<16xi32>], vector<16xf32>,
        tpu.vector_store_idx %arg10[%and3A_838, %add3A_21], %gather3A : memref<32x128xf32, #tpu.memory_space<vmem>>[vector<16xi32>, vector<16xi32>], vector<16xf32>,
        %add3A_840 = arith.addi %mul3A_459, %and3A_838 : vector<16xi32>
        %gather3A_841 = tpu.vector_load_idx %arg8[%add3A_24, %add3A_840] : memref<128x128xf32, #tpu.memory_space<vmem>>[vector<16xi32>, vector<16xi32>], vector<16xf32>,
        tpu.vector_store_idx %arg10[%and3A_838, %add3A_24], %gather3A_841 : memref<32x128xf32, #tpu.memory_space<vmem>>[vector<16xi32>, vector<16xi32>], vector<16xf32>,
        %add3A_842 = arith.addi %mul3A_469, %and3A_838 : vector<16xi32>
        %gather3A_843 = tpu.vector_load_idx %arg8[%add3A_27, %add3A_842] : memref<128x128xf32, #tpu.memory_space<vmem>>[vector<16xi32>, vector<16xi32>], vector<16xf32>,
        tpu.vector_store_idx %arg10[%and3A_838, %add3A_27], %gather3A_843 : memref<32x128xf32, #tpu.memory_space<vmem>>[vector<16xi32>, vector<16xi32>], vector<16xf32>,
        %add3A_844 = arith.addi %mul3A_479, %and3A_838 : vector<16xi32>
        %gather3A_845 = tpu.vector_load_idx %arg8[%add3A_30, %add3A_844] : memref<128x128xf32, #tpu.memory_space<vmem>>[vector<16xi32>, vector<16xi32>], vector<16xf32>,
        tpu.vector_store_idx %arg10[%and3A_838, %add3A_30], %gather3A_845 : memref<32x128xf32, #tpu.memory_space<vmem>>[vector<16xi32>, vector<16xi32>], vector<16xf32>,
        %add3A_846 = arith.addi %mul3A_489, %and3A_838 : vector<16xi32>
        %gather3A_847 = tpu.vector_load_idx %arg8[%add3A_33, %add3A_846] : memref<128x128xf32, #tpu.memory_space<vmem>>[vector<16xi32>, vector<16xi32>], vector<16xf32>,
        tpu.vector_store_idx %arg10[%and3A_838, %add3A_33], %gather3A_847 : memref<32x128xf32, #tpu.memory_space<vmem>>[vector<16xi32>, vector<16xi32>], vector<16xf32>,
        %add3A_848 = arith.addi %mul3A_499, %and3A_838 : vector<16xi32>
        %gather3A_849 = tpu.vector_load_idx %arg8[%add3A_36, %add3A_848] : memref<128x128xf32, #tpu.memory_space<vmem>>[vector<16xi32>, vector<16xi32>], vector<16xf32>,
        tpu.vector_store_idx %arg10[%and3A_838, %add3A_36], %gather3A_849 : memref<32x128xf32, #tpu.memory_space<vmem>>[vector<16xi32>, vector<16xi32>], vector<16xf32>,
        %add3A_850 = arith.addi %mul3A_509, %and3A_838 : vector<16xi32>
        %gather3A_851 = tpu.vector_load_idx %arg8[%add3A_39, %add3A_850] : memref<128x128xf32, #tpu.memory_space<vmem>>[vector<16xi32>, vector<16xi32>], vector<16xf32>,
        tpu.vector_store_idx %arg10[%and3A_838, %add3A_39], %gather3A_851 : memref<32x128xf32, #tpu.memory_space<vmem>>[vector<16xi32>, vector<16xi32>], vector<16xf32>,
        %add3A_852 = arith.addi %mul3A_519, %and3A_838 : vector<16xi32>
        %gather3A_853 = tpu.vector_load_idx %arg8[%add3A_42, %add3A_852] : memref<128x128xf32, #tpu.memory_space<vmem>>[vector<16xi32>, vector<16xi32>], vector<16xf32>,
        tpu.vector_store_idx %arg10[%and3A_838, %add3A_42], %gather3A_853 : memref<32x128xf32, #tpu.memory_space<vmem>>[vector<16xi32>, vector<16xi32>], vector<16xf32>,
        %scan3A_854 = arith.constant 1 : i32
        %scan3A_855 = arith.addi %scan3A_833, %scan3A_854 : i32
        %add3A_856 = vector.broadcast %scan3A_855 : i32 to vector<16xi32>
        %add3A_857 = arith.addi %add3A_856, %iota3A : vector<16xi32>
        %and3A_858 = arith.constant 31 : i32
        %and3A_859 = vector.broadcast %and3A_858 : i32 to vector<16xi32>
        %and3A_860 = arith.andi %add3A_857, %and3A_859 : vector<16xi32>
        %add3A_861 = arith.addi %mul3A_449, %and3A_860 : vector<16xi32>
        %gather3A_862 = tpu.vector_load_idx %arg8[%add3A_21, %add3A_861] : memref<128x128xf32, #tpu.memory_space<vmem>>[vector<16xi32>, vector<16xi32>], vector<16xf32>,
        tpu.vector_store_idx %arg10[%and3A_860, %add3A_21], %gather3A_862 : memref<32x128xf32, #tpu.memory_space<vmem>>[vector<16xi32>, vector<16xi32>], vector<16xf32>,
        %add3A_863 = arith.addi %mul3A_459, %and3A_860 : vector<16xi32>
        %gather3A_864 = tpu.vector_load_idx %arg8[%add3A_24, %add3A_863] : memref<128x128xf32, #tpu.memory_space<vmem>>[vector<16xi32>, vector<16xi32>], vector<16xf32>,
        tpu.vector_store_idx %arg10[%and3A_860, %add3A_24], %gather3A_864 : memref<32x128xf32, #tpu.memory_space<vmem>>[vector<16xi32>, vector<16xi32>], vector<16xf32>,
        %add3A_865 = arith.addi %mul3A_469, %and3A_860 : vector<16xi32>
        %gather3A_866 = tpu.vector_load_idx %arg8[%add3A_27, %add3A_865] : memref<128x128xf32, #tpu.memory_space<vmem>>[vector<16xi32>, vector<16xi32>], vector<16xf32>,
        tpu.vector_store_idx %arg10[%and3A_860, %add3A_27], %gather3A_866 : memref<32x128xf32, #tpu.memory_space<vmem>>[vector<16xi32>, vector<16xi32>], vector<16xf32>,
        %add3A_867 = arith.addi %mul3A_479, %and3A_860 : vector<16xi32>
        %gather3A_868 = tpu.vector_load_idx %arg8[%add3A_30, %add3A_867] : memref<128x128xf32, #tpu.memory_space<vmem>>[vector<16xi32>, vector<16xi32>], vector<16xf32>,
        tpu.vector_store_idx %arg10[%and3A_860, %add3A_30], %gather3A_868 : memref<32x128xf32, #tpu.memory_space<vmem>>[vector<16xi32>, vector<16xi32>], vector<16xf32>,
        %add3A_869 = arith.addi %mul3A_489, %and3A_860 : vector<16xi32>
        %gather3A_870 = tpu.vector_load_idx %arg8[%add3A_33, %add3A_869] : memref<128x128xf32, #tpu.memory_space<vmem>>[vector<16xi32>, vector<16xi32>], vector<16xf32>,
        tpu.vector_store_idx %arg10[%and3A_860, %add3A_33], %gather3A_870 : memref<32x128xf32, #tpu.memory_space<vmem>>[vector<16xi32>, vector<16xi32>], vector<16xf32>,
        %add3A_871 = arith.addi %mul3A_499, %and3A_860 : vector<16xi32>
        %gather3A_872 = tpu.vector_load_idx %arg8[%add3A_36, %add3A_871] : memref<128x128xf32, #tpu.memory_space<vmem>>[vector<16xi32>, vector<16xi32>], vector<16xf32>,
        tpu.vector_store_idx %arg10[%and3A_860, %add3A_36], %gather3A_872 : memref<32x128xf32, #tpu.memory_space<vmem>>[vector<16xi32>, vector<16xi32>], vector<16xf32>,
        %add3A_873 = arith.addi %mul3A_509, %and3A_860 : vector<16xi32>
        %gather3A_874 = tpu.vector_load_idx %arg8[%add3A_39, %add3A_873] : memref<128x128xf32, #tpu.memory_space<vmem>>[vector<16xi32>, vector<16xi32>], vector<16xf32>,
        tpu.vector_store_idx %arg10[%and3A_860, %add3A_39], %gather3A_874 : memref<32x128xf32, #tpu.memory_space<vmem>>[vector<16xi32>, vector<16xi32>], vector<16xf32>,
        %add3A_875 = arith.addi %mul3A_519, %and3A_860 : vector<16xi32>
        %gather3A_876 = tpu.vector_load_idx %arg8[%add3A_42, %add3A_875] : memref<128x128xf32, #tpu.memory_space<vmem>>[vector<16xi32>, vector<16xi32>], vector<16xf32>,
        tpu.vector_store_idx %arg10[%and3A_860, %add3A_42], %gather3A_876 : memref<32x128xf32, #tpu.memory_space<vmem>>[vector<16xi32>, vector<16xi32>], vector<16xf32>,
      }
      %scan3A_525 = arith.constant 32 : i32
      %sub3A_526 = arith.constant 1 : i32
      %sub3A_527 = arith.subi %mul3A_339, %sub3A_526 : i32
      %jit3A_528 = arith.constant 4 : i32
      %div3A_529 = arith.divsi %sub3A_527, %jit3A_528 : i32
      %sign3A_530 = arith.constant 0 : i32
      %sign3A_531 = arith.cmpi sgt, %sub3A_527, %sign3A_530 : i32
      %sign3A_532 = arith.extui %sign3A_531 : i1 to i32
      %sign3A_533 = arith.constant 0 : i32
      %sign3A_534 = arith.cmpi slt, %sub3A_527, %sign3A_533 : i32
      %sign3A_535 = arith.extui %sign3A_534 : i1 to i32
      %sign3A_536 = arith.subi %sign3A_532, %sign3A_535 : i32
      %sign3A_537 = arith.constant 0 : i32
      %sign3A_538 = arith.cmpi sgt, %jit3A_528, %sign3A_537 : i32
      %sign3A_539 = arith.extui %sign3A_538 : i1 to i32
      %sign3A_540 = arith.constant 0 : i32
      %sign3A_541 = arith.cmpi slt, %jit3A_528, %sign3A_540 : i32
      %sign3A_542 = arith.extui %sign3A_541 : i1 to i32
      %sign3A_543 = arith.subi %sign3A_539, %sign3A_542 : i32
      %ne3A_544 = arith.cmpi ne, %sign3A_536, %sign3A_543 : i32
      %rem3A_545 = arith.remsi %sub3A_527, %jit3A_528 : i32
      %ne3A_546 = arith.constant 0 : i32
      %ne3A_547 = arith.cmpi ne, %rem3A_545, %ne3A_546 : i32
      %and3A_548 = arith.andi %ne3A_544, %ne3A_547 : i1
      %sub3A_549 = arith.constant 1 : i32
      %sub3A_550 = arith.subi %div3A_529, %sub3A_549 : i32
      %select_n3A_551 = arith.select %and3A_548, %sub3A_550, %div3A_529 : i32
      %jit3A_552 = arith.constant 4 : i32
      %eq3A_553 = arith.constant 0 : i32
      %eq3A_554 = arith.cmpi eq, %jit3A_552, %eq3A_553 : i32
      %jit3A_555 = arith.constant 1 : i32
      %select_n3A_556 = arith.select %eq3A_554, %jit3A_555, %jit3A_552 : i32
      %rem3A_557 = arith.remsi %sub3A_527, %select_n3A_556 : i32
      %ne3A_558 = arith.constant 0 : i32
      %ne3A_559 = arith.cmpi ne, %rem3A_557, %ne3A_558 : i32
      %lt3A_560 = arith.constant 0 : i32
      %lt3A_561 = arith.cmpi slt, %rem3A_557, %lt3A_560 : i32
      %lt3A_562 = arith.constant 0 : i32
      %lt3A_563 = arith.cmpi slt, %select_n3A_556, %lt3A_562 : i32
      %ne3A_564 = arith.xori %lt3A_561, %lt3A_563 : i1
      %and3A_565 = arith.andi %ne3A_564, %ne3A_559 : i1
      %add3A_566 = arith.addi %rem3A_557, %select_n3A_556 : i32
      %select_n3A_567 = arith.select %and3A_565, %add3A_566, %rem3A_557 : i32
      %mul3A_568 = arith.constant 128 : i32
      %mul3A_569 = arith.muli %select_n3A_567, %mul3A_568 : i32
      %add3A_570 = arith.addi %mul3A_2, %mul3A_569 : i32
      %dma_start3A_571 = arith.constant 0 : i32
      %dma_start3A_572 = arith.constant 0 : i32
      %dma_start3A_573 = tpu.memref_slice %arg10[%dma_start3A_571, %dma_start3A_572] : memref<32x128xf32, #tpu.memory_space<vmem>> -> memref<32x128xf32, #tpu.memory_space<vmem>>
      %dma_start3A_574 = arith.constant 0 : i32
      %dma_start3A_575 = tpu.memref_slice %arg4[%select_n3A_551, %dma_start3A_574, %add3A_570] : memref<50x32x16384xf32, #tpu.memory_space<hbm>> -> memref<1x32x128xf32, #tpu.memory_space<hbm>>
      %dma_start3A_576 = tpu.memref_squeeze %dma_start3A_575 : memref<1x32x128xf32, #tpu.memory_space<hbm>> -> memref<32x128xf32, #tpu.memory_space<hbm>>
      %dma_start3A_577 = arith.constant 0 : i32
      %dma_start3A_578 = tpu.memref_slice %arg4[%select_n3A_551, %dma_start3A_577, %add3A_570] : memref<50x32x16384xf32, #tpu.memory_space<hbm>> -> memref<1x32x128xf32, #tpu.memory_space<hbm>>
      %dma_start3A_579 = tpu.memref_squeeze %dma_start3A_578 : memref<1x32x128xf32, #tpu.memory_space<hbm>> -> memref<32x128xf32, #tpu.memory_space<hbm>>
      %dma_start3A_580 = arith.constant 0 : i32
      %dma_start3A_581 = arith.constant 0 : i32
      %dma_start3A_582 = tpu.memref_slice %arg10[%dma_start3A_580, %dma_start3A_581] : memref<32x128xf32, #tpu.memory_space<vmem>> -> memref<32x128xf32, #tpu.memory_space<vmem>>
      tpu.enqueue_dma source(%dma_start3A_582 : memref<32x128xf32, #tpu.memory_space<vmem>>) target(%dma_start3A_579 : memref<32x128xf32, #tpu.memory_space<hbm>>) target_semaphore(%arg14 : memref<!tpu.dma_semaphore, #tpu.memory_space<semaphore_mem>>)
      %dma_wait3A_583 = arith.constant 0 : i32
      %dma_wait3A_584 = arith.constant 0 : i32
      %dma_wait3A_585 = arith.constant 0 : i32
      %dma_wait3A_586 = tpu.memref_slice %arg10[%dma_wait3A_584, %dma_wait3A_585] : memref<32x128xf32, #tpu.memory_space<vmem>> -> memref<32x128xf32, #tpu.memory_space<vmem>>
      %dma_wait3A_587 = arith.constant 0 : i32
      %dma_wait3A_588 = arith.constant 0 : i32
      %dma_wait3A_589 = tpu.memref_slice %arg4[%dma_wait3A_583, %dma_wait3A_587, %dma_wait3A_588] : memref<50x32x16384xf32, #tpu.memory_space<hbm>> -> memref<1x32x128xf32, #tpu.memory_space<hbm>>
      %dma_wait3A_590 = tpu.memref_squeeze %dma_wait3A_589 : memref<1x32x128xf32, #tpu.memory_space<hbm>> -> memref<32x128xf32, #tpu.memory_space<hbm>>
      %dma_wait3A_591 = arith.constant 0 : i32
      %dma_wait3A_592 = arith.constant 0 : i32
      %dma_wait3A_593 = tpu.memref_slice %arg4[%dma_wait3A_583, %dma_wait3A_591, %dma_wait3A_592] : memref<50x32x16384xf32, #tpu.memory_space<hbm>> -> memref<1x32x128xf32, #tpu.memory_space<hbm>>
      %dma_wait3A_594 = tpu.memref_squeeze %dma_wait3A_593 : memref<1x32x128xf32, #tpu.memory_space<hbm>> -> memref<32x128xf32, #tpu.memory_space<hbm>>
      %dma_wait3A_595 = arith.constant 0 : i32
      %dma_wait3A_596 = arith.constant 0 : i32
      %dma_wait3A_597 = tpu.memref_slice %arg10[%dma_wait3A_595, %dma_wait3A_596] : memref<32x128xf32, #tpu.memory_space<vmem>> -> memref<32x128xf32, #tpu.memory_space<vmem>>
      tpu.wait_dma2 semaphore(%arg14 : memref<!tpu.dma_semaphore, #tpu.memory_space<semaphore_mem>>) src(%dma_wait3A_597 : memref<32x128xf32, #tpu.memory_space<vmem>>) dst(%dma_wait3A_594 : memref<32x128xf32, #tpu.memory_space<hbm>>)
      %add3A_598 = arith.constant 1 : i32
      %add3A_599 = arith.addi %mul3A_339, %add3A_598 : i32
      %jit3A_600 = arith.constant 4 : i32
      %eq3A_601 = arith.constant 0 : i32
      %eq3A_602 = arith.cmpi eq, %jit3A_600, %eq3A_601 : i32
      %jit3A_603 = arith.constant 1 : i32
      %select_n3A_604 = arith.select %eq3A_602, %jit3A_603, %jit3A_600 : i32
      %rem3A_605 = arith.remsi %add3A_599, %select_n3A_604 : i32
      %ne3A_606 = arith.constant 0 : i32
      %ne3A_607 = arith.cmpi ne, %rem3A_605, %ne3A_606 : i32
      %lt3A_608 = arith.constant 0 : i32
      %lt3A_609 = arith.cmpi slt, %rem3A_605, %lt3A_608 : i32
      %lt3A_610 = arith.constant 0 : i32
      %lt3A_611 = arith.cmpi slt, %select_n3A_604, %lt3A_610 : i32
      %ne3A_612 = arith.xori %lt3A_609, %lt3A_611 : i1
      %and3A_613 = arith.andi %ne3A_612, %ne3A_607 : i1
      %add3A_614 = arith.addi %rem3A_605, %select_n3A_604 : i32
      %select_n3A_615 = arith.select %and3A_613, %add3A_614, %rem3A_605 : i32
      %jit3A_616 = arith.constant 4 : i32
      %div3A_617 = arith.divsi %add3A_599, %jit3A_616 : i32
      %sign3A_618 = arith.constant 0 : i32
      %sign3A_619 = arith.cmpi sgt, %add3A_599, %sign3A_618 : i32
      %sign3A_620 = arith.extui %sign3A_619 : i1 to i32
      %sign3A_621 = arith.constant 0 : i32
      %sign3A_622 = arith.cmpi slt, %add3A_599, %sign3A_621 : i32
      %sign3A_623 = arith.extui %sign3A_622 : i1 to i32
      %sign3A_624 = arith.subi %sign3A_620, %sign3A_623 : i32
      %sign3A_625 = arith.constant 0 : i32
      %sign3A_626 = arith.cmpi sgt, %jit3A_616, %sign3A_625 : i32
      %sign3A_627 = arith.extui %sign3A_626 : i1 to i32
      %sign3A_628 = arith.constant 0 : i32
      %sign3A_629 = arith.cmpi slt, %jit3A_616, %sign3A_628 : i32
      %sign3A_630 = arith.extui %sign3A_629 : i1 to i32
      %sign3A_631 = arith.subi %sign3A_627, %sign3A_630 : i32
      %ne3A_632 = arith.cmpi ne, %sign3A_624, %sign3A_631 : i32
      %rem3A_633 = arith.remsi %add3A_599, %jit3A_616 : i32
      %ne3A_634 = arith.constant 0 : i32
      %ne3A_635 = arith.cmpi ne, %rem3A_633, %ne3A_634 : i32
      %and3A_636 = arith.andi %ne3A_632, %ne3A_635 : i1
      %sub3A_637 = arith.constant 1 : i32
      %sub3A_638 = arith.subi %div3A_617, %sub3A_637 : i32
      %select_n3A_639 = arith.select %and3A_636, %sub3A_638, %div3A_617 : i32
      %dma_start3A_640 = arith.constant 0 : i32
      %dma_start3A_641 = tpu.memref_slice %arg6[%select_n3A_615, %select_n3A_639, %dma_start3A_640] : memref<4x56x128xi32, #tpu.memory_space<vmem>> -> memref<1x1x128xi32, #tpu.memory_space<vmem>>
      %dma_start3A_642 = tpu.memref_squeeze %dma_start3A_641 : memref<1x1x128xi32, #tpu.memory_space<vmem>> -> memref<128xi32, #tpu.memory_space<vmem>>
      %dma_start3A_643 = arith.constant 0 : i32
      %dma_start3A_644 = arith.constant 0 : i32
      %dma_start3A_645 = tpu.memref_slice %arg3[%dma_start3A_643, %dma_start3A_644] : memref<250000x128xf32, #tpu.memory_space<hbm>> -> memref<250000x128xf32, #tpu.memory_space<hbm>>
      tpu.enqueue_indirect_dma source(%dma_start3A_645 : memref<250000x128xf32, #tpu.memory_space<hbm>>) target(%arg8 : memref<128x128xf32, #tpu.memory_space<vmem>>) offsets(%dma_start3A_642 : memref<128xi32, #tpu.memory_space<vmem>>) semaphore(%arg12 : memref<!tpu.dma_semaphore, #tpu.memory_space<semaphore_mem>>)
      %dma_wait3A_646 = arith.constant 0 : i32
      %dma_wait3A_647 = arith.constant 0 : i32
      %dma_wait3A_648 = tpu.memref_slice %arg3[%dma_wait3A_646, %dma_wait3A_647] : memref<250000x128xf32, #tpu.memory_space<hbm>> -> memref<128x128xf32, #tpu.memory_space<hbm>>
      %dma_wait3A_649 = arith.constant 0 : i32
      %dma_wait3A_650 = arith.constant 0 : i32
      %dma_wait3A_651 = tpu.memref_slice %arg3[%dma_wait3A_649, %dma_wait3A_650] : memref<250000x128xf32, #tpu.memory_space<hbm>> -> memref<128x128xf32, #tpu.memory_space<hbm>>
      tpu.wait_dma2 semaphore(%arg11 : memref<!tpu.dma_semaphore, #tpu.memory_space<semaphore_mem>>) src(%dma_wait3A_651 : memref<128x128xf32, #tpu.memory_space<hbm>>) dst(%arg7 : memref<128x128xf32, #tpu.memory_space<vmem>>)
      %jit3A_652 = arith.constant 4 : i32
      %eq3A_653 = arith.constant 0 : i32
      %eq3A_654 = arith.cmpi eq, %jit3A_652, %eq3A_653 : i32
      %jit3A_655 = arith.constant 1 : i32
      %select_n3A_656 = arith.select %eq3A_654, %jit3A_655, %jit3A_652 : i32
      %rem3A_657 = arith.remsi %mul3A_339, %select_n3A_656 : i32
      %ne3A_658 = arith.constant 0 : i32
      %ne3A_659 = arith.cmpi ne, %rem3A_657, %ne3A_658 : i32
      %lt3A_660 = arith.constant 0 : i32
      %lt3A_661 = arith.cmpi slt, %rem3A_657, %lt3A_660 : i32
      %lt3A_662 = arith.constant 0 : i32
      %lt3A_663 = arith.cmpi slt, %select_n3A_656, %lt3A_662 : i32
      %ne3A_664 = arith.xori %lt3A_661, %lt3A_663 : i1
      %and3A_665 = arith.andi %ne3A_664, %ne3A_659 : i1
      %add3A_666 = arith.addi %rem3A_657, %select_n3A_656 : i32
      %select_n3A_667 = arith.select %and3A_665, %add3A_666, %rem3A_657 : i32
      %jit3A_668 = arith.constant 4 : i32
      %div3A_669 = arith.divsi %mul3A_339, %jit3A_668 : i32
      %sign3A_670 = arith.constant 0 : i32
      %sign3A_671 = arith.cmpi sgt, %mul3A_339, %sign3A_670 : i32
      %sign3A_672 = arith.extui %sign3A_671 : i1 to i32
      %sign3A_673 = arith.constant 0 : i32
      %sign3A_674 = arith.cmpi slt, %mul3A_339, %sign3A_673 : i32
      %sign3A_675 = arith.extui %sign3A_674 : i1 to i32
      %sign3A_676 = arith.subi %sign3A_672, %sign3A_675 : i32
      %sign3A_677 = arith.constant 0 : i32
      %sign3A_678 = arith.cmpi sgt, %jit3A_668, %sign3A_677 : i32
      %sign3A_679 = arith.extui %sign3A_678 : i1 to i32
      %sign3A_680 = arith.constant 0 : i32
      %sign3A_681 = arith.cmpi slt, %jit3A_668, %sign3A_680 : i32
      %sign3A_682 = arith.extui %sign3A_681 : i1 to i32
      %sign3A_683 = arith.subi %sign3A_679, %sign3A_682 : i32
      %ne3A_684 = arith.cmpi ne, %sign3A_676, %sign3A_683 : i32
      %rem3A_685 = arith.remsi %mul3A_339, %jit3A_668 : i32
      %ne3A_686 = arith.constant 0 : i32
      %ne3A_687 = arith.cmpi ne, %rem3A_685, %ne3A_686 : i32
      %and3A_688 = arith.andi %ne3A_684, %ne3A_687 : i1
      %sub3A_689 = arith.constant 1 : i32
      %sub3A_690 = arith.subi %div3A_669, %sub3A_689 : i32
      %select_n3A_691 = arith.select %and3A_688, %sub3A_690, %div3A_669 : i32
      %get3A_692 = arith.index_cast %select_n3A_667 : i32 to index
      %get3A_693 = arith.index_cast %select_n3A_691 : i32 to index
      %get3A_694 = arith.constant 0 : index
      %get3A_695 = tpu.vector_load %arg5[%get3A_692, %get3A_693, %get3A_694] {strides = array<i32>} : memref<4x56x128xi32, #tpu.memory_space<vmem>>, vector<16xi32>,
      %and3A_696 = arith.constant 3 : i32
      %and3A_697 = vector.broadcast %and3A_696 : i32 to vector<16xi32>
      %and3A_698 = arith.andi %get3A_695, %and3A_697 : vector<16xi32>
      %mul3A_699 = arith.constant 32 : i32
      %mul3A_700 = vector.broadcast %mul3A_699 : i32 to vector<16xi32>
      %mul3A_701 = arith.muli %and3A_698, %mul3A_700 : vector<16xi32>
      %get3A_702 = arith.index_cast %select_n3A_667 : i32 to index
      %get3A_703 = arith.index_cast %select_n3A_691 : i32 to index
      %get3A_704 = arith.constant 16 : index
      %get3A_705 = tpu.vector_load %arg5[%get3A_702, %get3A_703, %get3A_704] {strides = array<i32>} : memref<4x56x128xi32, #tpu.memory_space<vmem>>, vector<16xi32>,
      %and3A_706 = arith.constant 3 : i32
      %and3A_707 = vector.broadcast %and3A_706 : i32 to vector<16xi32>
      %and3A_708 = arith.andi %get3A_705, %and3A_707 : vector<16xi32>
      %mul3A_709 = arith.constant 32 : i32
      %mul3A_710 = vector.broadcast %mul3A_709 : i32 to vector<16xi32>
      %mul3A_711 = arith.muli %and3A_708, %mul3A_710 : vector<16xi32>
      %get3A_712 = arith.index_cast %select_n3A_667 : i32 to index
      %get3A_713 = arith.index_cast %select_n3A_691 : i32 to index
      %get3A_714 = arith.constant 32 : index
      %get3A_715 = tpu.vector_load %arg5[%get3A_712, %get3A_713, %get3A_714] {strides = array<i32>} : memref<4x56x128xi32, #tpu.memory_space<vmem>>, vector<16xi32>,
      %and3A_716 = arith.constant 3 : i32
      %and3A_717 = vector.broadcast %and3A_716 : i32 to vector<16xi32>
      %and3A_718 = arith.andi %get3A_715, %and3A_717 : vector<16xi32>
      %mul3A_719 = arith.constant 32 : i32
      %mul3A_720 = vector.broadcast %mul3A_719 : i32 to vector<16xi32>
      %mul3A_721 = arith.muli %and3A_718, %mul3A_720 : vector<16xi32>
      %get3A_722 = arith.index_cast %select_n3A_667 : i32 to index
      %get3A_723 = arith.index_cast %select_n3A_691 : i32 to index
      %get3A_724 = arith.constant 48 : index
      %get3A_725 = tpu.vector_load %arg5[%get3A_722, %get3A_723, %get3A_724] {strides = array<i32>} : memref<4x56x128xi32, #tpu.memory_space<vmem>>, vector<16xi32>,
      %and3A_726 = arith.constant 3 : i32
      %and3A_727 = vector.broadcast %and3A_726 : i32 to vector<16xi32>
      %and3A_728 = arith.andi %get3A_725, %and3A_727 : vector<16xi32>
      %mul3A_729 = arith.constant 32 : i32
      %mul3A_730 = vector.broadcast %mul3A_729 : i32 to vector<16xi32>
      %mul3A_731 = arith.muli %and3A_728, %mul3A_730 : vector<16xi32>
      %get3A_732 = arith.index_cast %select_n3A_667 : i32 to index
      %get3A_733 = arith.index_cast %select_n3A_691 : i32 to index
      %get3A_734 = arith.constant 64 : index
      %get3A_735 = tpu.vector_load %arg5[%get3A_732, %get3A_733, %get3A_734] {strides = array<i32>} : memref<4x56x128xi32, #tpu.memory_space<vmem>>, vector<16xi32>,
      %and3A_736 = arith.constant 3 : i32
      %and3A_737 = vector.broadcast %and3A_736 : i32 to vector<16xi32>
      %and3A_738 = arith.andi %get3A_735, %and3A_737 : vector<16xi32>
      %mul3A_739 = arith.constant 32 : i32
      %mul3A_740 = vector.broadcast %mul3A_739 : i32 to vector<16xi32>
      %mul3A_741 = arith.muli %and3A_738, %mul3A_740 : vector<16xi32>
      %get3A_742 = arith.index_cast %select_n3A_667 : i32 to index
      %get3A_743 = arith.index_cast %select_n3A_691 : i32 to index
      %get3A_744 = arith.constant 80 : index
      %get3A_745 = tpu.vector_load %arg5[%get3A_742, %get3A_743, %get3A_744] {strides = array<i32>} : memref<4x56x128xi32, #tpu.memory_space<vmem>>, vector<16xi32>,
      %and3A_746 = arith.constant 3 : i32
      %and3A_747 = vector.broadcast %and3A_746 : i32 to vector<16xi32>
      %and3A_748 = arith.andi %get3A_745, %and3A_747 : vector<16xi32>
      %mul3A_749 = arith.constant 32 : i32
      %mul3A_750 = vector.broadcast %mul3A_749 : i32 to vector<16xi32>
      %mul3A_751 = arith.muli %and3A_748, %mul3A_750 : vector<16xi32>
      %get3A_752 = arith.index_cast %select_n3A_667 : i32 to index
      %get3A_753 = arith.index_cast %select_n3A_691 : i32 to index
      %get3A_754 = arith.constant 96 : index
      %get3A_755 = tpu.vector_load %arg5[%get3A_752, %get3A_753, %get3A_754] {strides = array<i32>} : memref<4x56x128xi32, #tpu.memory_space<vmem>>, vector<16xi32>,
      %and3A_756 = arith.constant 3 : i32
      %and3A_757 = vector.broadcast %and3A_756 : i32 to vector<16xi32>
      %and3A_758 = arith.andi %get3A_755, %and3A_757 : vector<16xi32>
      %mul3A_759 = arith.constant 32 : i32
      %mul3A_760 = vector.broadcast %mul3A_759 : i32 to vector<16xi32>
      %mul3A_761 = arith.muli %and3A_758, %mul3A_760 : vector<16xi32>
      %get3A_762 = arith.index_cast %select_n3A_667 : i32 to index
      %get3A_763 = arith.index_cast %select_n3A_691 : i32 to index
      %get3A_764 = arith.constant 112 : index
      %get3A_765 = tpu.vector_load %arg5[%get3A_762, %get3A_763, %get3A_764] {strides = array<i32>} : memref<4x56x128xi32, #tpu.memory_space<vmem>>, vector<16xi32>,
      %and3A_766 = arith.constant 3 : i32
      %and3A_767 = vector.broadcast %and3A_766 : i32 to vector<16xi32>
      %and3A_768 = arith.andi %get3A_765, %and3A_767 : vector<16xi32>
      %mul3A_769 = arith.constant 32 : i32
      %mul3A_770 = vector.broadcast %mul3A_769 : i32 to vector<16xi32>
      %mul3A_771 = arith.muli %and3A_768, %mul3A_770 : vector<16xi32>
      %scan3A_772 = arith.constant 0 : i32
      %scan3A_773 = arith.constant 0 : i32
      %scan3A_774 = arith.constant 32 : i32
      %scan3A_775 = arith.addi %scan3A_773, %scan3A_774 : i32
      %scan3A_776 = arith.constant 2 : i32
      scf.for %scan3A_833 = %scan3A_773 to %scan3A_775 step %scan3A_776  : i32 {
        %add3A_834 = vector.broadcast %scan3A_833 : i32 to vector<16xi32>
        %add3A_835 = arith.addi %add3A_834, %iota3A : vector<16xi32>
        %and3A_836 = arith.constant 31 : i32
        %and3A_837 = vector.broadcast %and3A_836 : i32 to vector<16xi32>
        %and3A_838 = arith.andi %add3A_835, %and3A_837 : vector<16xi32>
        %add3A_839 = arith.addi %mul3A_701, %and3A_838 : vector<16xi32>
        %gather3A = tpu.vector_load_idx %arg7[%add3A_21, %add3A_839] : memref<128x128xf32, #tpu.memory_space<vmem>>[vector<16xi32>, vector<16xi32>], vector<16xf32>,
        tpu.vector_store_idx %arg9[%and3A_838, %add3A_21], %gather3A : memref<32x128xf32, #tpu.memory_space<vmem>>[vector<16xi32>, vector<16xi32>], vector<16xf32>,
        %add3A_840 = arith.addi %mul3A_711, %and3A_838 : vector<16xi32>
        %gather3A_841 = tpu.vector_load_idx %arg7[%add3A_24, %add3A_840] : memref<128x128xf32, #tpu.memory_space<vmem>>[vector<16xi32>, vector<16xi32>], vector<16xf32>,
        tpu.vector_store_idx %arg9[%and3A_838, %add3A_24], %gather3A_841 : memref<32x128xf32, #tpu.memory_space<vmem>>[vector<16xi32>, vector<16xi32>], vector<16xf32>,
        %add3A_842 = arith.addi %mul3A_721, %and3A_838 : vector<16xi32>
        %gather3A_843 = tpu.vector_load_idx %arg7[%add3A_27, %add3A_842] : memref<128x128xf32, #tpu.memory_space<vmem>>[vector<16xi32>, vector<16xi32>], vector<16xf32>,
        tpu.vector_store_idx %arg9[%and3A_838, %add3A_27], %gather3A_843 : memref<32x128xf32, #tpu.memory_space<vmem>>[vector<16xi32>, vector<16xi32>], vector<16xf32>,
        %add3A_844 = arith.addi %mul3A_731, %and3A_838 : vector<16xi32>
        %gather3A_845 = tpu.vector_load_idx %arg7[%add3A_30, %add3A_844] : memref<128x128xf32, #tpu.memory_space<vmem>>[vector<16xi32>, vector<16xi32>], vector<16xf32>,
        tpu.vector_store_idx %arg9[%and3A_838, %add3A_30], %gather3A_845 : memref<32x128xf32, #tpu.memory_space<vmem>>[vector<16xi32>, vector<16xi32>], vector<16xf32>,
        %add3A_846 = arith.addi %mul3A_741, %and3A_838 : vector<16xi32>
        %gather3A_847 = tpu.vector_load_idx %arg7[%add3A_33, %add3A_846] : memref<128x128xf32, #tpu.memory_space<vmem>>[vector<16xi32>, vector<16xi32>], vector<16xf32>,
        tpu.vector_store_idx %arg9[%and3A_838, %add3A_33], %gather3A_847 : memref<32x128xf32, #tpu.memory_space<vmem>>[vector<16xi32>, vector<16xi32>], vector<16xf32>,
        %add3A_848 = arith.addi %mul3A_751, %and3A_838 : vector<16xi32>
        %gather3A_849 = tpu.vector_load_idx %arg7[%add3A_36, %add3A_848] : memref<128x128xf32, #tpu.memory_space<vmem>>[vector<16xi32>, vector<16xi32>], vector<16xf32>,
        tpu.vector_store_idx %arg9[%and3A_838, %add3A_36], %gather3A_849 : memref<32x128xf32, #tpu.memory_space<vmem>>[vector<16xi32>, vector<16xi32>], vector<16xf32>,
        %add3A_850 = arith.addi %mul3A_761, %and3A_838 : vector<16xi32>
        %gather3A_851 = tpu.vector_load_idx %arg7[%add3A_39, %add3A_850] : memref<128x128xf32, #tpu.memory_space<vmem>>[vector<16xi32>, vector<16xi32>], vector<16xf32>,
        tpu.vector_store_idx %arg9[%and3A_838, %add3A_39], %gather3A_851 : memref<32x128xf32, #tpu.memory_space<vmem>>[vector<16xi32>, vector<16xi32>], vector<16xf32>,
        %add3A_852 = arith.addi %mul3A_771, %and3A_838 : vector<16xi32>
        %gather3A_853 = tpu.vector_load_idx %arg7[%add3A_42, %add3A_852] : memref<128x128xf32, #tpu.memory_space<vmem>>[vector<16xi32>, vector<16xi32>], vector<16xf32>,
        tpu.vector_store_idx %arg9[%and3A_838, %add3A_42], %gather3A_853 : memref<32x128xf32, #tpu.memory_space<vmem>>[vector<16xi32>, vector<16xi32>], vector<16xf32>,
        %scan3A_854 = arith.constant 1 : i32
        %scan3A_855 = arith.addi %scan3A_833, %scan3A_854 : i32
        %add3A_856 = vector.broadcast %scan3A_855 : i32 to vector<16xi32>
        %add3A_857 = arith.addi %add3A_856, %iota3A : vector<16xi32>
        %and3A_858 = arith.constant 31 : i32
        %and3A_859 = vector.broadcast %and3A_858 : i32 to vector<16xi32>
        %and3A_860 = arith.andi %add3A_857, %and3A_859 : vector<16xi32>
        %add3A_861 = arith.addi %mul3A_701, %and3A_860 : vector<16xi32>
        %gather3A_862 = tpu.vector_load_idx %arg7[%add3A_21, %add3A_861] : memref<128x128xf32, #tpu.memory_space<vmem>>[vector<16xi32>, vector<16xi32>], vector<16xf32>,
        tpu.vector_store_idx %arg9[%and3A_860, %add3A_21], %gather3A_862 : memref<32x128xf32, #tpu.memory_space<vmem>>[vector<16xi32>, vector<16xi32>], vector<16xf32>,
        %add3A_863 = arith.addi %mul3A_711, %and3A_860 : vector<16xi32>
        %gather3A_864 = tpu.vector_load_idx %arg7[%add3A_24, %add3A_863] : memref<128x128xf32, #tpu.memory_space<vmem>>[vector<16xi32>, vector<16xi32>], vector<16xf32>,
        tpu.vector_store_idx %arg9[%and3A_860, %add3A_24], %gather3A_864 : memref<32x128xf32, #tpu.memory_space<vmem>>[vector<16xi32>, vector<16xi32>], vector<16xf32>,
        %add3A_865 = arith.addi %mul3A_721, %and3A_860 : vector<16xi32>
        %gather3A_866 = tpu.vector_load_idx %arg7[%add3A_27, %add3A_865] : memref<128x128xf32, #tpu.memory_space<vmem>>[vector<16xi32>, vector<16xi32>], vector<16xf32>,
        tpu.vector_store_idx %arg9[%and3A_860, %add3A_27], %gather3A_866 : memref<32x128xf32, #tpu.memory_space<vmem>>[vector<16xi32>, vector<16xi32>], vector<16xf32>,
        %add3A_867 = arith.addi %mul3A_731, %and3A_860 : vector<16xi32>
        %gather3A_868 = tpu.vector_load_idx %arg7[%add3A_30, %add3A_867] : memref<128x128xf32, #tpu.memory_space<vmem>>[vector<16xi32>, vector<16xi32>], vector<16xf32>,
        tpu.vector_store_idx %arg9[%and3A_860, %add3A_30], %gather3A_868 : memref<32x128xf32, #tpu.memory_space<vmem>>[vector<16xi32>, vector<16xi32>], vector<16xf32>,
        %add3A_869 = arith.addi %mul3A_741, %and3A_860 : vector<16xi32>
        %gather3A_870 = tpu.vector_load_idx %arg7[%add3A_33, %add3A_869] : memref<128x128xf32, #tpu.memory_space<vmem>>[vector<16xi32>, vector<16xi32>], vector<16xf32>,
        tpu.vector_store_idx %arg9[%and3A_860, %add3A_33], %gather3A_870 : memref<32x128xf32, #tpu.memory_space<vmem>>[vector<16xi32>, vector<16xi32>], vector<16xf32>,
        %add3A_871 = arith.addi %mul3A_751, %and3A_860 : vector<16xi32>
        %gather3A_872 = tpu.vector_load_idx %arg7[%add3A_36, %add3A_871] : memref<128x128xf32, #tpu.memory_space<vmem>>[vector<16xi32>, vector<16xi32>], vector<16xf32>,
        tpu.vector_store_idx %arg9[%and3A_860, %add3A_36], %gather3A_872 : memref<32x128xf32, #tpu.memory_space<vmem>>[vector<16xi32>, vector<16xi32>], vector<16xf32>,
        %add3A_873 = arith.addi %mul3A_761, %and3A_860 : vector<16xi32>
        %gather3A_874 = tpu.vector_load_idx %arg7[%add3A_39, %add3A_873] : memref<128x128xf32, #tpu.memory_space<vmem>>[vector<16xi32>, vector<16xi32>], vector<16xf32>,
        tpu.vector_store_idx %arg9[%and3A_860, %add3A_39], %gather3A_874 : memref<32x128xf32, #tpu.memory_space<vmem>>[vector<16xi32>, vector<16xi32>], vector<16xf32>,
        %add3A_875 = arith.addi %mul3A_771, %and3A_860 : vector<16xi32>
        %gather3A_876 = tpu.vector_load_idx %arg7[%add3A_42, %add3A_875] : memref<128x128xf32, #tpu.memory_space<vmem>>[vector<16xi32>, vector<16xi32>], vector<16xf32>,
        tpu.vector_store_idx %arg9[%and3A_860, %add3A_42], %gather3A_876 : memref<32x128xf32, #tpu.memory_space<vmem>>[vector<16xi32>, vector<16xi32>], vector<16xf32>,
      }
      %scan3A_777 = arith.constant 32 : i32
      %jit3A_778 = arith.constant 4 : i32
      %div3A_779 = arith.divsi %mul3A_339, %jit3A_778 : i32
      %sign3A_780 = arith.constant 0 : i32
      %sign3A_781 = arith.cmpi sgt, %mul3A_339, %sign3A_780 : i32
      %sign3A_782 = arith.extui %sign3A_781 : i1 to i32
      %sign3A_783 = arith.constant 0 : i32
      %sign3A_784 = arith.cmpi slt, %mul3A_339, %sign3A_783 : i32
      %sign3A_785 = arith.extui %sign3A_784 : i1 to i32
      %sign3A_786 = arith.subi %sign3A_782, %sign3A_785 : i32
      %sign3A_787 = arith.constant 0 : i32
      %sign3A_788 = arith.cmpi sgt, %jit3A_778, %sign3A_787 : i32
      %sign3A_789 = arith.extui %sign3A_788 : i1 to i32
      %sign3A_790 = arith.constant 0 : i32
      %sign3A_791 = arith.cmpi slt, %jit3A_778, %sign3A_790 : i32
      %sign3A_792 = arith.extui %sign3A_791 : i1 to i32
      %sign3A_793 = arith.subi %sign3A_789, %sign3A_792 : i32
      %ne3A_794 = arith.cmpi ne, %sign3A_786, %sign3A_793 : i32
      %rem3A_795 = arith.remsi %mul3A_339, %jit3A_778 : i32
      %ne3A_796 = arith.constant 0 : i32
      %ne3A_797 = arith.cmpi ne, %rem3A_795, %ne3A_796 : i32
      %and3A_798 = arith.andi %ne3A_794, %ne3A_797 : i1
      %sub3A_799 = arith.constant 1 : i32
      %sub3A_800 = arith.subi %div3A_779, %sub3A_799 : i32
      %select_n3A_801 = arith.select %and3A_798, %sub3A_800, %div3A_779 : i32
      %jit3A_802 = arith.constant 4 : i32
      %eq3A_803 = arith.constant 0 : i32
      %eq3A_804 = arith.cmpi eq, %jit3A_802, %eq3A_803 : i32
      %jit3A_805 = arith.constant 1 : i32
      %select_n3A_806 = arith.select %eq3A_804, %jit3A_805, %jit3A_802 : i32
      %rem3A_807 = arith.remsi %mul3A_339, %select_n3A_806 : i32
      %ne3A_808 = arith.constant 0 : i32
      %ne3A_809 = arith.cmpi ne, %rem3A_807, %ne3A_808 : i32
      %lt3A_810 = arith.constant 0 : i32
      %lt3A_811 = arith.cmpi slt, %rem3A_807, %lt3A_810 : i32
      %lt3A_812 = arith.constant 0 : i32
      %lt3A_813 = arith.cmpi slt, %select_n3A_806, %lt3A_812 : i32
      %ne3A_814 = arith.xori %lt3A_811, %lt3A_813 : i1
      %and3A_815 = arith.andi %ne3A_814, %ne3A_809 : i1
      %add3A_816 = arith.addi %rem3A_807, %select_n3A_806 : i32
      %select_n3A_817 = arith.select %and3A_815, %add3A_816, %rem3A_807 : i32
      %mul3A_818 = arith.constant 128 : i32
      %mul3A_819 = arith.muli %select_n3A_817, %mul3A_818 : i32
      %add3A_820 = arith.addi %mul3A_2, %mul3A_819 : i32
      %dma_start3A_821 = arith.constant 0 : i32
      %dma_start3A_822 = arith.constant 0 : i32
      %dma_start3A_823 = tpu.memref_slice %arg9[%dma_start3A_821, %dma_start3A_822] : memref<32x128xf32, #tpu.memory_space<vmem>> -> memref<32x128xf32, #tpu.memory_space<vmem>>
      %dma_start3A_824 = arith.constant 0 : i32
      %dma_start3A_825 = tpu.memref_slice %arg4[%select_n3A_801, %dma_start3A_824, %add3A_820] : memref<50x32x16384xf32, #tpu.memory_space<hbm>> -> memref<1x32x128xf32, #tpu.memory_space<hbm>>
      %dma_start3A_826 = tpu.memref_squeeze %dma_start3A_825 : memref<1x32x128xf32, #tpu.memory_space<hbm>> -> memref<32x128xf32, #tpu.memory_space<hbm>>
      %dma_start3A_827 = arith.constant 0 : i32
      %dma_start3A_828 = tpu.memref_slice %arg4[%select_n3A_801, %dma_start3A_827, %add3A_820] : memref<50x32x16384xf32, #tpu.memory_space<hbm>> -> memref<1x32x128xf32, #tpu.memory_space<hbm>>
      %dma_start3A_829 = tpu.memref_squeeze %dma_start3A_828 : memref<1x32x128xf32, #tpu.memory_space<hbm>> -> memref<32x128xf32, #tpu.memory_space<hbm>>
      %dma_start3A_830 = arith.constant 0 : i32
      %dma_start3A_831 = arith.constant 0 : i32
      %dma_start3A_832 = tpu.memref_slice %arg9[%dma_start3A_830, %dma_start3A_831] : memref<32x128xf32, #tpu.memory_space<vmem>> -> memref<32x128xf32, #tpu.memory_space<vmem>>
      tpu.enqueue_dma source(%dma_start3A_832 : memref<32x128xf32, #tpu.memory_space<vmem>>) target(%dma_start3A_829 : memref<32x128xf32, #tpu.memory_space<hbm>>) target_semaphore(%arg13 : memref<!tpu.dma_semaphore, #tpu.memory_space<semaphore_mem>>)
    }
    %scan3A_183 = arith.constant 99 : i32
    %dma_wait3A_184 = arith.constant 0 : i32
    %dma_wait3A_185 = arith.constant 0 : i32
    %dma_wait3A_186 = tpu.memref_slice %arg3[%dma_wait3A_184, %dma_wait3A_185] : memref<250000x128xf32, #tpu.memory_space<hbm>> -> memref<128x128xf32, #tpu.memory_space<hbm>>
    %dma_wait3A_187 = arith.constant 0 : i32
    %dma_wait3A_188 = arith.constant 0 : i32
    %dma_wait3A_189 = tpu.memref_slice %arg3[%dma_wait3A_187, %dma_wait3A_188] : memref<250000x128xf32, #tpu.memory_space<hbm>> -> memref<128x128xf32, #tpu.memory_space<hbm>>
    tpu.wait_dma2 semaphore(%arg12 : memref<!tpu.dma_semaphore, #tpu.memory_space<semaphore_mem>>) src(%dma_wait3A_189 : memref<128x128xf32, #tpu.memory_space<hbm>>) dst(%arg8 : memref<128x128xf32, #tpu.memory_space<vmem>>)
    %get3A_190 = arith.constant 3 : i32
    %get3A_191 = arith.constant 49 : i32
    %get3A_192 = arith.index_cast %get3A_190 : i32 to index
    %get3A_193 = arith.index_cast %get3A_191 : i32 to index
    %get3A_194 = arith.constant 0 : index
    %get3A_195 = tpu.vector_load %arg5[%get3A_192, %get3A_193, %get3A_194] {strides = array<i32>} : memref<4x56x128xi32, #tpu.memory_space<vmem>>, vector<16xi32>,
    %and3A_196 = arith.constant 3 : i32
    %and3A_197 = vector.broadcast %and3A_196 : i32 to vector<16xi32>
    %and3A_198 = arith.andi %get3A_195, %and3A_197 : vector<16xi32>
    %mul3A_199 = arith.constant 32 : i32
    %mul3A_200 = vector.broadcast %mul3A_199 : i32 to vector<16xi32>
    %mul3A_201 = arith.muli %and3A_198, %mul3A_200 : vector<16xi32>
    %get3A_202 = arith.constant 3 : i32
    %get3A_203 = arith.constant 49 : i32
    %get3A_204 = arith.index_cast %get3A_202 : i32 to index
    %get3A_205 = arith.index_cast %get3A_203 : i32 to index
    %get3A_206 = arith.constant 16 : index
    %get3A_207 = tpu.vector_load %arg5[%get3A_204, %get3A_205, %get3A_206] {strides = array<i32>} : memref<4x56x128xi32, #tpu.memory_space<vmem>>, vector<16xi32>,
    %and3A_208 = arith.constant 3 : i32
    %and3A_209 = vector.broadcast %and3A_208 : i32 to vector<16xi32>
    %and3A_210 = arith.andi %get3A_207, %and3A_209 : vector<16xi32>
    %mul3A_211 = arith.constant 32 : i32
    %mul3A_212 = vector.broadcast %mul3A_211 : i32 to vector<16xi32>
    %mul3A_213 = arith.muli %and3A_210, %mul3A_212 : vector<16xi32>
    %get3A_214 = arith.constant 3 : i32
    %get3A_215 = arith.constant 49 : i32
    %get3A_216 = arith.index_cast %get3A_214 : i32 to index
    %get3A_217 = arith.index_cast %get3A_215 : i32 to index
    %get3A_218 = arith.constant 32 : index
    %get3A_219 = tpu.vector_load %arg5[%get3A_216, %get3A_217, %get3A_218] {strides = array<i32>} : memref<4x56x128xi32, #tpu.memory_space<vmem>>, vector<16xi32>,
    %and3A_220 = arith.constant 3 : i32
    %and3A_221 = vector.broadcast %and3A_220 : i32 to vector<16xi32>
    %and3A_222 = arith.andi %get3A_219, %and3A_221 : vector<16xi32>
    %mul3A_223 = arith.constant 32 : i32
    %mul3A_224 = vector.broadcast %mul3A_223 : i32 to vector<16xi32>
    %mul3A_225 = arith.muli %and3A_222, %mul3A_224 : vector<16xi32>
    %get3A_226 = arith.constant 3 : i32
    %get3A_227 = arith.constant 49 : i32
    %get3A_228 = arith.index_cast %get3A_226 : i32 to index
    %get3A_229 = arith.index_cast %get3A_227 : i32 to index
    %get3A_230 = arith.constant 48 : index
    %get3A_231 = tpu.vector_load %arg5[%get3A_228, %get3A_229, %get3A_230] {strides = array<i32>} : memref<4x56x128xi32, #tpu.memory_space<vmem>>, vector<16xi32>,
    %and3A_232 = arith.constant 3 : i32
    %and3A_233 = vector.broadcast %and3A_232 : i32 to vector<16xi32>
    %and3A_234 = arith.andi %get3A_231, %and3A_233 : vector<16xi32>
    %mul3A_235 = arith.constant 32 : i32
    %mul3A_236 = vector.broadcast %mul3A_235 : i32 to vector<16xi32>
    %mul3A_237 = arith.muli %and3A_234, %mul3A_236 : vector<16xi32>
    %get3A_238 = arith.constant 3 : i32
    %get3A_239 = arith.constant 49 : i32
    %get3A_240 = arith.index_cast %get3A_238 : i32 to index
    %get3A_241 = arith.index_cast %get3A_239 : i32 to index
    %get3A_242 = arith.constant 64 : index
    %get3A_243 = tpu.vector_load %arg5[%get3A_240, %get3A_241, %get3A_242] {strides = array<i32>} : memref<4x56x128xi32, #tpu.memory_space<vmem>>, vector<16xi32>,
    %and3A_244 = arith.constant 3 : i32
    %and3A_245 = vector.broadcast %and3A_244 : i32 to vector<16xi32>
    %and3A_246 = arith.andi %get3A_243, %and3A_245 : vector<16xi32>
    %mul3A_247 = arith.constant 32 : i32
    %mul3A_248 = vector.broadcast %mul3A_247 : i32 to vector<16xi32>
    %mul3A_249 = arith.muli %and3A_246, %mul3A_248 : vector<16xi32>
    %get3A_250 = arith.constant 3 : i32
    %get3A_251 = arith.constant 49 : i32
    %get3A_252 = arith.index_cast %get3A_250 : i32 to index
    %get3A_253 = arith.index_cast %get3A_251 : i32 to index
    %get3A_254 = arith.constant 80 : index
    %get3A_255 = tpu.vector_load %arg5[%get3A_252, %get3A_253, %get3A_254] {strides = array<i32>} : memref<4x56x128xi32, #tpu.memory_space<vmem>>, vector<16xi32>,
    %and3A_256 = arith.constant 3 : i32
    %and3A_257 = vector.broadcast %and3A_256 : i32 to vector<16xi32>
    %and3A_258 = arith.andi %get3A_255, %and3A_257 : vector<16xi32>
    %mul3A_259 = arith.constant 32 : i32
    %mul3A_260 = vector.broadcast %mul3A_259 : i32 to vector<16xi32>
    %mul3A_261 = arith.muli %and3A_258, %mul3A_260 : vector<16xi32>
    %get3A_262 = arith.constant 3 : i32
    %get3A_263 = arith.constant 49 : i32
    %get3A_264 = arith.index_cast %get3A_262 : i32 to index
    %get3A_265 = arith.index_cast %get3A_263 : i32 to index
    %get3A_266 = arith.constant 96 : index
    %get3A_267 = tpu.vector_load %arg5[%get3A_264, %get3A_265, %get3A_266] {strides = array<i32>} : memref<4x56x128xi32, #tpu.memory_space<vmem>>, vector<16xi32>,
    %and3A_268 = arith.constant 3 : i32
    %and3A_269 = vector.broadcast %and3A_268 : i32 to vector<16xi32>
    %and3A_270 = arith.andi %get3A_267, %and3A_269 : vector<16xi32>
    %mul3A_271 = arith.constant 32 : i32
    %mul3A_272 = vector.broadcast %mul3A_271 : i32 to vector<16xi32>
    %mul3A_273 = arith.muli %and3A_270, %mul3A_272 : vector<16xi32>
    %get3A_274 = arith.constant 3 : i32
    %get3A_275 = arith.constant 49 : i32
    %get3A_276 = arith.index_cast %get3A_274 : i32 to index
    %get3A_277 = arith.index_cast %get3A_275 : i32 to index
    %get3A_278 = arith.constant 112 : index
    %get3A_279 = tpu.vector_load %arg5[%get3A_276, %get3A_277, %get3A_278] {strides = array<i32>} : memref<4x56x128xi32, #tpu.memory_space<vmem>>, vector<16xi32>,
    %and3A_280 = arith.constant 3 : i32
    %and3A_281 = vector.broadcast %and3A_280 : i32 to vector<16xi32>
    %and3A_282 = arith.andi %get3A_279, %and3A_281 : vector<16xi32>
    %mul3A_283 = arith.constant 32 : i32
    %mul3A_284 = vector.broadcast %mul3A_283 : i32 to vector<16xi32>
    %mul3A_285 = arith.muli %and3A_282, %mul3A_284 : vector<16xi32>
    %scan3A_286 = arith.constant 0 : i32
    %scan3A_287 = arith.constant 0 : i32
    %scan3A_288 = arith.constant 32 : i32
    %scan3A_289 = arith.addi %scan3A_287, %scan3A_288 : i32
    %scan3A_290 = arith.constant 2 : i32
    scf.for %scan3A_337 = %scan3A_287 to %scan3A_289 step %scan3A_290  : i32 {
      %add3A_338 = vector.broadcast %scan3A_337 : i32 to vector<16xi32>
      %add3A_339 = arith.addi %add3A_338, %iota3A : vector<16xi32>
      %and3A_340 = arith.constant 31 : i32
      %and3A_341 = vector.broadcast %and3A_340 : i32 to vector<16xi32>
      %and3A_342 = arith.andi %add3A_339, %and3A_341 : vector<16xi32>
      %add3A_343 = arith.addi %mul3A_201, %and3A_342 : vector<16xi32>
      %gather3A = tpu.vector_load_idx %arg8[%add3A_21, %add3A_343] : memref<128x128xf32, #tpu.memory_space<vmem>>[vector<16xi32>, vector<16xi32>], vector<16xf32>,
      tpu.vector_store_idx %arg10[%and3A_342, %add3A_21], %gather3A : memref<32x128xf32, #tpu.memory_space<vmem>>[vector<16xi32>, vector<16xi32>], vector<16xf32>,
      %add3A_344 = arith.addi %mul3A_213, %and3A_342 : vector<16xi32>
      %gather3A_345 = tpu.vector_load_idx %arg8[%add3A_24, %add3A_344] : memref<128x128xf32, #tpu.memory_space<vmem>>[vector<16xi32>, vector<16xi32>], vector<16xf32>,
      tpu.vector_store_idx %arg10[%and3A_342, %add3A_24], %gather3A_345 : memref<32x128xf32, #tpu.memory_space<vmem>>[vector<16xi32>, vector<16xi32>], vector<16xf32>,
      %add3A_346 = arith.addi %mul3A_225, %and3A_342 : vector<16xi32>
      %gather3A_347 = tpu.vector_load_idx %arg8[%add3A_27, %add3A_346] : memref<128x128xf32, #tpu.memory_space<vmem>>[vector<16xi32>, vector<16xi32>], vector<16xf32>,
      tpu.vector_store_idx %arg10[%and3A_342, %add3A_27], %gather3A_347 : memref<32x128xf32, #tpu.memory_space<vmem>>[vector<16xi32>, vector<16xi32>], vector<16xf32>,
      %add3A_348 = arith.addi %mul3A_237, %and3A_342 : vector<16xi32>
      %gather3A_349 = tpu.vector_load_idx %arg8[%add3A_30, %add3A_348] : memref<128x128xf32, #tpu.memory_space<vmem>>[vector<16xi32>, vector<16xi32>], vector<16xf32>,
      tpu.vector_store_idx %arg10[%and3A_342, %add3A_30], %gather3A_349 : memref<32x128xf32, #tpu.memory_space<vmem>>[vector<16xi32>, vector<16xi32>], vector<16xf32>,
      %add3A_350 = arith.addi %mul3A_249, %and3A_342 : vector<16xi32>
      %gather3A_351 = tpu.vector_load_idx %arg8[%add3A_33, %add3A_350] : memref<128x128xf32, #tpu.memory_space<vmem>>[vector<16xi32>, vector<16xi32>], vector<16xf32>,
      tpu.vector_store_idx %arg10[%and3A_342, %add3A_33], %gather3A_351 : memref<32x128xf32, #tpu.memory_space<vmem>>[vector<16xi32>, vector<16xi32>], vector<16xf32>,
      %add3A_352 = arith.addi %mul3A_261, %and3A_342 : vector<16xi32>
      %gather3A_353 = tpu.vector_load_idx %arg8[%add3A_36, %add3A_352] : memref<128x128xf32, #tpu.memory_space<vmem>>[vector<16xi32>, vector<16xi32>], vector<16xf32>,
      tpu.vector_store_idx %arg10[%and3A_342, %add3A_36], %gather3A_353 : memref<32x128xf32, #tpu.memory_space<vmem>>[vector<16xi32>, vector<16xi32>], vector<16xf32>,
      %add3A_354 = arith.addi %mul3A_273, %and3A_342 : vector<16xi32>
      %gather3A_355 = tpu.vector_load_idx %arg8[%add3A_39, %add3A_354] : memref<128x128xf32, #tpu.memory_space<vmem>>[vector<16xi32>, vector<16xi32>], vector<16xf32>,
      tpu.vector_store_idx %arg10[%and3A_342, %add3A_39], %gather3A_355 : memref<32x128xf32, #tpu.memory_space<vmem>>[vector<16xi32>, vector<16xi32>], vector<16xf32>,
      %add3A_356 = arith.addi %mul3A_285, %and3A_342 : vector<16xi32>
      %gather3A_357 = tpu.vector_load_idx %arg8[%add3A_42, %add3A_356] : memref<128x128xf32, #tpu.memory_space<vmem>>[vector<16xi32>, vector<16xi32>], vector<16xf32>,
      tpu.vector_store_idx %arg10[%and3A_342, %add3A_42], %gather3A_357 : memref<32x128xf32, #tpu.memory_space<vmem>>[vector<16xi32>, vector<16xi32>], vector<16xf32>,
      %scan3A_358 = arith.constant 1 : i32
      %scan3A_359 = arith.addi %scan3A_337, %scan3A_358 : i32
      %add3A_360 = vector.broadcast %scan3A_359 : i32 to vector<16xi32>
      %add3A_361 = arith.addi %add3A_360, %iota3A : vector<16xi32>
      %and3A_362 = arith.constant 31 : i32
      %and3A_363 = vector.broadcast %and3A_362 : i32 to vector<16xi32>
      %and3A_364 = arith.andi %add3A_361, %and3A_363 : vector<16xi32>
      %add3A_365 = arith.addi %mul3A_201, %and3A_364 : vector<16xi32>
      %gather3A_366 = tpu.vector_load_idx %arg8[%add3A_21, %add3A_365] : memref<128x128xf32, #tpu.memory_space<vmem>>[vector<16xi32>, vector<16xi32>], vector<16xf32>,
      tpu.vector_store_idx %arg10[%and3A_364, %add3A_21], %gather3A_366 : memref<32x128xf32, #tpu.memory_space<vmem>>[vector<16xi32>, vector<16xi32>], vector<16xf32>,
      %add3A_367 = arith.addi %mul3A_213, %and3A_364 : vector<16xi32>
      %gather3A_368 = tpu.vector_load_idx %arg8[%add3A_24, %add3A_367] : memref<128x128xf32, #tpu.memory_space<vmem>>[vector<16xi32>, vector<16xi32>], vector<16xf32>,
      tpu.vector_store_idx %arg10[%and3A_364, %add3A_24], %gather3A_368 : memref<32x128xf32, #tpu.memory_space<vmem>>[vector<16xi32>, vector<16xi32>], vector<16xf32>,
      %add3A_369 = arith.addi %mul3A_225, %and3A_364 : vector<16xi32>
      %gather3A_370 = tpu.vector_load_idx %arg8[%add3A_27, %add3A_369] : memref<128x128xf32, #tpu.memory_space<vmem>>[vector<16xi32>, vector<16xi32>], vector<16xf32>,
      tpu.vector_store_idx %arg10[%and3A_364, %add3A_27], %gather3A_370 : memref<32x128xf32, #tpu.memory_space<vmem>>[vector<16xi32>, vector<16xi32>], vector<16xf32>,
      %add3A_371 = arith.addi %mul3A_237, %and3A_364 : vector<16xi32>
      %gather3A_372 = tpu.vector_load_idx %arg8[%add3A_30, %add3A_371] : memref<128x128xf32, #tpu.memory_space<vmem>>[vector<16xi32>, vector<16xi32>], vector<16xf32>,
      tpu.vector_store_idx %arg10[%and3A_364, %add3A_30], %gather3A_372 : memref<32x128xf32, #tpu.memory_space<vmem>>[vector<16xi32>, vector<16xi32>], vector<16xf32>,
      %add3A_373 = arith.addi %mul3A_249, %and3A_364 : vector<16xi32>
      %gather3A_374 = tpu.vector_load_idx %arg8[%add3A_33, %add3A_373] : memref<128x128xf32, #tpu.memory_space<vmem>>[vector<16xi32>, vector<16xi32>], vector<16xf32>,
      tpu.vector_store_idx %arg10[%and3A_364, %add3A_33], %gather3A_374 : memref<32x128xf32, #tpu.memory_space<vmem>>[vector<16xi32>, vector<16xi32>], vector<16xf32>,
      %add3A_375 = arith.addi %mul3A_261, %and3A_364 : vector<16xi32>
      %gather3A_376 = tpu.vector_load_idx %arg8[%add3A_36, %add3A_375] : memref<128x128xf32, #tpu.memory_space<vmem>>[vector<16xi32>, vector<16xi32>], vector<16xf32>,
      tpu.vector_store_idx %arg10[%and3A_364, %add3A_36], %gather3A_376 : memref<32x128xf32, #tpu.memory_space<vmem>>[vector<16xi32>, vector<16xi32>], vector<16xf32>,
      %add3A_377 = arith.addi %mul3A_273, %and3A_364 : vector<16xi32>
      %gather3A_378 = tpu.vector_load_idx %arg8[%add3A_39, %add3A_377] : memref<128x128xf32, #tpu.memory_space<vmem>>[vector<16xi32>, vector<16xi32>], vector<16xf32>,
      tpu.vector_store_idx %arg10[%and3A_364, %add3A_39], %gather3A_378 : memref<32x128xf32, #tpu.memory_space<vmem>>[vector<16xi32>, vector<16xi32>], vector<16xf32>,
      %add3A_379 = arith.addi %mul3A_285, %and3A_364 : vector<16xi32>
      %gather3A_380 = tpu.vector_load_idx %arg8[%add3A_42, %add3A_379] : memref<128x128xf32, #tpu.memory_space<vmem>>[vector<16xi32>, vector<16xi32>], vector<16xf32>,
      tpu.vector_store_idx %arg10[%and3A_364, %add3A_42], %gather3A_380 : memref<32x128xf32, #tpu.memory_space<vmem>>[vector<16xi32>, vector<16xi32>], vector<16xf32>,
    }
    %scan3A_291 = arith.constant 32 : i32
    %add3A_292 = arith.constant 384 : i32
    %add3A_293 = arith.addi %mul3A_2, %add3A_292 : i32
    %dma_start3A_294 = arith.constant 49 : i32
    %dma_start3A_295 = arith.constant 0 : i32
    %dma_start3A_296 = arith.constant 0 : i32
    %dma_start3A_297 = tpu.memref_slice %arg10[%dma_start3A_295, %dma_start3A_296] : memref<32x128xf32, #tpu.memory_space<vmem>> -> memref<32x128xf32, #tpu.memory_space<vmem>>
    %dma_start3A_298 = arith.constant 0 : i32
    %dma_start3A_299 = tpu.memref_slice %arg4[%dma_start3A_294, %dma_start3A_298, %add3A_293] : memref<50x32x16384xf32, #tpu.memory_space<hbm>> -> memref<1x32x128xf32, #tpu.memory_space<hbm>>
    %dma_start3A_300 = tpu.memref_squeeze %dma_start3A_299 : memref<1x32x128xf32, #tpu.memory_space<hbm>> -> memref<32x128xf32, #tpu.memory_space<hbm>>
    %dma_start3A_301 = arith.constant 0 : i32
    %dma_start3A_302 = tpu.memref_slice %arg4[%dma_start3A_294, %dma_start3A_301, %add3A_293] : memref<50x32x16384xf32, #tpu.memory_space<hbm>> -> memref<1x32x128xf32, #tpu.memory_space<hbm>>
    %dma_start3A_303 = tpu.memref_squeeze %dma_start3A_302 : memref<1x32x128xf32, #tpu.memory_space<hbm>> -> memref<32x128xf32, #tpu.memory_space<hbm>>
    %dma_start3A_304 = arith.constant 0 : i32
    %dma_start3A_305 = arith.constant 0 : i32
    %dma_start3A_306 = tpu.memref_slice %arg10[%dma_start3A_304, %dma_start3A_305] : memref<32x128xf32, #tpu.memory_space<vmem>> -> memref<32x128xf32, #tpu.memory_space<vmem>>
    tpu.enqueue_dma source(%dma_start3A_306 : memref<32x128xf32, #tpu.memory_space<vmem>>) target(%dma_start3A_303 : memref<32x128xf32, #tpu.memory_space<hbm>>) target_semaphore(%arg14 : memref<!tpu.dma_semaphore, #tpu.memory_space<semaphore_mem>>)
    %dma_wait3A_307 = arith.constant 0 : i32
    %dma_wait3A_308 = arith.constant 0 : i32
    %dma_wait3A_309 = arith.constant 0 : i32
    %dma_wait3A_310 = tpu.memref_slice %arg9[%dma_wait3A_308, %dma_wait3A_309] : memref<32x128xf32, #tpu.memory_space<vmem>> -> memref<32x128xf32, #tpu.memory_space<vmem>>
    %dma_wait3A_311 = arith.constant 0 : i32
    %dma_wait3A_312 = arith.constant 0 : i32
    %dma_wait3A_313 = tpu.memref_slice %arg4[%dma_wait3A_307, %dma_wait3A_311, %dma_wait3A_312] : memref<50x32x16384xf32, #tpu.memory_space<hbm>> -> memref<1x32x128xf32, #tpu.memory_space<hbm>>
    %dma_wait3A_314 = tpu.memref_squeeze %dma_wait3A_313 : memref<1x32x128xf32, #tpu.memory_space<hbm>> -> memref<32x128xf32, #tpu.memory_space<hbm>>
    %dma_wait3A_315 = arith.constant 0 : i32
    %dma_wait3A_316 = arith.constant 0 : i32
    %dma_wait3A_317 = tpu.memref_slice %arg4[%dma_wait3A_307, %dma_wait3A_315, %dma_wait3A_316] : memref<50x32x16384xf32, #tpu.memory_space<hbm>> -> memref<1x32x128xf32, #tpu.memory_space<hbm>>
    %dma_wait3A_318 = tpu.memref_squeeze %dma_wait3A_317 : memref<1x32x128xf32, #tpu.memory_space<hbm>> -> memref<32x128xf32, #tpu.memory_space<hbm>>
    %dma_wait3A_319 = arith.constant 0 : i32
    %dma_wait3A_320 = arith.constant 0 : i32
    %dma_wait3A_321 = tpu.memref_slice %arg9[%dma_wait3A_319, %dma_wait3A_320] : memref<32x128xf32, #tpu.memory_space<vmem>> -> memref<32x128xf32, #tpu.memory_space<vmem>>
    tpu.wait_dma2 semaphore(%arg13 : memref<!tpu.dma_semaphore, #tpu.memory_space<semaphore_mem>>) src(%dma_wait3A_321 : memref<32x128xf32, #tpu.memory_space<vmem>>) dst(%dma_wait3A_318 : memref<32x128xf32, #tpu.memory_space<hbm>>)
    %dma_wait3A_322 = arith.constant 0 : i32
    %dma_wait3A_323 = arith.constant 0 : i32
    %dma_wait3A_324 = arith.constant 0 : i32
    %dma_wait3A_325 = tpu.memref_slice %arg10[%dma_wait3A_323, %dma_wait3A_324] : memref<32x128xf32, #tpu.memory_space<vmem>> -> memref<32x128xf32, #tpu.memory_space<vmem>>
    %dma_wait3A_326 = arith.constant 0 : i32
    %dma_wait3A_327 = arith.constant 0 : i32
    %dma_wait3A_328 = tpu.memref_slice %arg4[%dma_wait3A_322, %dma_wait3A_326, %dma_wait3A_327] : memref<50x32x16384xf32, #tpu.memory_space<hbm>> -> memref<1x32x128xf32, #tpu.memory_space<hbm>>
    %dma_wait3A_329 = tpu.memref_squeeze %dma_wait3A_328 : memref<1x32x128xf32, #tpu.memory_space<hbm>> -> memref<32x128xf32, #tpu.memory_space<hbm>>
    %dma_wait3A_330 = arith.constant 0 : i32
    %dma_wait3A_331 = arith.constant 0 : i32
    %dma_wait3A_332 = tpu.memref_slice %arg4[%dma_wait3A_322, %dma_wait3A_330, %dma_wait3A_331] : memref<50x32x16384xf32, #tpu.memory_space<hbm>> -> memref<1x32x128xf32, #tpu.memory_space<hbm>>
    %dma_wait3A_333 = tpu.memref_squeeze %dma_wait3A_332 : memref<1x32x128xf32, #tpu.memory_space<hbm>> -> memref<32x128xf32, #tpu.memory_space<hbm>>
    %dma_wait3A_334 = arith.constant 0 : i32
    %dma_wait3A_335 = arith.constant 0 : i32
    %dma_wait3A_336 = tpu.memref_slice %arg10[%dma_wait3A_334, %dma_wait3A_335] : memref<32x128xf32, #tpu.memory_space<vmem>> -> memref<32x128xf32, #tpu.memory_space<vmem>>
    tpu.wait_dma2 semaphore(%arg14 : memref<!tpu.dma_semaphore, #tpu.memory_space<semaphore_mem>>) src(%dma_wait3A_336 : memref<32x128xf32, #tpu.memory_space<vmem>>) dst(%dma_wait3A_333 : memref<32x128xf32, #tpu.memory_space<hbm>>)
    return
  }
}

#map = affine_map<(d0, d1) -> (0, 0)>
module attributes {stable_mosaic.version = 14 : i64} {
  func.func @_trans_body(%arg0: i32, %arg1: i32, %arg2: memref<32x1000000xf32, #tpu.memory_space<hbm>>, %arg3: memref<250000x128xf32, #tpu.memory_space<hbm>>, %arg4: memref<32x128xf32, #tpu.memory_space<vmem>>, %arg5: memref<32x128xf32, #tpu.memory_space<vmem>>, %arg6: memref<32x128xf32, #tpu.memory_space<vmem>>, %arg7: memref<32x128xf32, #tpu.memory_space<vmem>>, %arg8: memref<!tpu.dma_semaphore, #tpu.memory_space<semaphore_mem>>, %arg9: memref<!tpu.dma_semaphore, #tpu.memory_space<semaphore_mem>>, %arg10: memref<!tpu.dma_semaphore, #tpu.memory_space<semaphore_mem>>, %arg11: memref<!tpu.dma_semaphore, #tpu.memory_space<semaphore_mem>>) attributes {dimension_semantics = [#tpu.dimension_semantics<core_parallel>, #tpu.dimension_semantics<subcore_parallel>], iteration_bounds = array<i64: 2, 16>, scalar_prefetch = 0 : i64, scratch_operands = 8 : i64, tpu.core_type = #tpu.core_type<sc_vector_subcore>, window_params = [{transform_indices = #map}, {transform_indices = #map}]} {
    %mul3A = arith.constant 2 : i32
    %mul3A_0 = arith.muli %arg1, %mul3A : i32
    %add3A = arith.addi %mul3A_0, %arg0 : i32
    %iota3A = tpu.iota {dimensions = array<i32: 0>} : vector<16xi32>
    %add3A_1 = arith.constant 0 : i32
    %add3A_2 = vector.broadcast %add3A_1 : i32 to vector<16xi32>
    %add3A_3 = arith.addi %iota3A, %add3A_2 : vector<16xi32>
    %add3A_4 = arith.constant 16 : i32
    %add3A_5 = vector.broadcast %add3A_4 : i32 to vector<16xi32>
    %add3A_6 = arith.addi %iota3A, %add3A_5 : vector<16xi32>
    %add3A_7 = arith.constant 32 : i32
    %add3A_8 = vector.broadcast %add3A_7 : i32 to vector<16xi32>
    %add3A_9 = arith.addi %iota3A, %add3A_8 : vector<16xi32>
    %add3A_10 = arith.constant 48 : i32
    %add3A_11 = vector.broadcast %add3A_10 : i32 to vector<16xi32>
    %add3A_12 = arith.addi %iota3A, %add3A_11 : vector<16xi32>
    %add3A_13 = arith.constant 64 : i32
    %add3A_14 = vector.broadcast %add3A_13 : i32 to vector<16xi32>
    %add3A_15 = arith.addi %iota3A, %add3A_14 : vector<16xi32>
    %add3A_16 = arith.constant 80 : i32
    %add3A_17 = vector.broadcast %add3A_16 : i32 to vector<16xi32>
    %add3A_18 = arith.addi %iota3A, %add3A_17 : vector<16xi32>
    %add3A_19 = arith.constant 96 : i32
    %add3A_20 = vector.broadcast %add3A_19 : i32 to vector<16xi32>
    %add3A_21 = arith.addi %iota3A, %add3A_20 : vector<16xi32>
    %add3A_22 = arith.constant 112 : i32
    %add3A_23 = vector.broadcast %add3A_22 : i32 to vector<16xi32>
    %add3A_24 = arith.addi %iota3A, %add3A_23 : vector<16xi32>
    %shift_right_logical3A = arith.constant 2 : i32
    %shift_right_logical3A_25 = vector.broadcast %shift_right_logical3A : i32 to vector<16xi32>
    %shift_right_logical3A_26 = arith.shrui %add3A_3, %shift_right_logical3A_25 : vector<16xi32>
    %shift_right_logical3A_27 = arith.constant 2 : i32
    %shift_right_logical3A_28 = vector.broadcast %shift_right_logical3A_27 : i32 to vector<16xi32>
    %shift_right_logical3A_29 = arith.shrui %add3A_6, %shift_right_logical3A_28 : vector<16xi32>
    %shift_right_logical3A_30 = arith.constant 2 : i32
    %shift_right_logical3A_31 = vector.broadcast %shift_right_logical3A_30 : i32 to vector<16xi32>
    %shift_right_logical3A_32 = arith.shrui %add3A_9, %shift_right_logical3A_31 : vector<16xi32>
    %shift_right_logical3A_33 = arith.constant 2 : i32
    %shift_right_logical3A_34 = vector.broadcast %shift_right_logical3A_33 : i32 to vector<16xi32>
    %shift_right_logical3A_35 = arith.shrui %add3A_12, %shift_right_logical3A_34 : vector<16xi32>
    %shift_right_logical3A_36 = arith.constant 2 : i32
    %shift_right_logical3A_37 = vector.broadcast %shift_right_logical3A_36 : i32 to vector<16xi32>
    %shift_right_logical3A_38 = arith.shrui %add3A_15, %shift_right_logical3A_37 : vector<16xi32>
    %shift_right_logical3A_39 = arith.constant 2 : i32
    %shift_right_logical3A_40 = vector.broadcast %shift_right_logical3A_39 : i32 to vector<16xi32>
    %shift_right_logical3A_41 = arith.shrui %add3A_18, %shift_right_logical3A_40 : vector<16xi32>
    %shift_right_logical3A_42 = arith.constant 2 : i32
    %shift_right_logical3A_43 = vector.broadcast %shift_right_logical3A_42 : i32 to vector<16xi32>
    %shift_right_logical3A_44 = arith.shrui %add3A_21, %shift_right_logical3A_43 : vector<16xi32>
    %shift_right_logical3A_45 = arith.constant 2 : i32
    %shift_right_logical3A_46 = vector.broadcast %shift_right_logical3A_45 : i32 to vector<16xi32>
    %shift_right_logical3A_47 = arith.shrui %add3A_24, %shift_right_logical3A_46 : vector<16xi32>
    %and3A = arith.constant 3 : i32
    %and3A_48 = vector.broadcast %and3A : i32 to vector<16xi32>
    %and3A_49 = arith.andi %add3A_3, %and3A_48 : vector<16xi32>
    %mul3A_50 = arith.constant 32 : i32
    %mul3A_51 = vector.broadcast %mul3A_50 : i32 to vector<16xi32>
    %mul3A_52 = arith.muli %and3A_49, %mul3A_51 : vector<16xi32>
    %and3A_53 = arith.constant 3 : i32
    %and3A_54 = vector.broadcast %and3A_53 : i32 to vector<16xi32>
    %and3A_55 = arith.andi %add3A_6, %and3A_54 : vector<16xi32>
    %mul3A_56 = arith.constant 32 : i32
    %mul3A_57 = vector.broadcast %mul3A_56 : i32 to vector<16xi32>
    %mul3A_58 = arith.muli %and3A_55, %mul3A_57 : vector<16xi32>
    %and3A_59 = arith.constant 3 : i32
    %and3A_60 = vector.broadcast %and3A_59 : i32 to vector<16xi32>
    %and3A_61 = arith.andi %add3A_9, %and3A_60 : vector<16xi32>
    %mul3A_62 = arith.constant 32 : i32
    %mul3A_63 = vector.broadcast %mul3A_62 : i32 to vector<16xi32>
    %mul3A_64 = arith.muli %and3A_61, %mul3A_63 : vector<16xi32>
    %and3A_65 = arith.constant 3 : i32
    %and3A_66 = vector.broadcast %and3A_65 : i32 to vector<16xi32>
    %and3A_67 = arith.andi %add3A_12, %and3A_66 : vector<16xi32>
    %mul3A_68 = arith.constant 32 : i32
    %mul3A_69 = vector.broadcast %mul3A_68 : i32 to vector<16xi32>
    %mul3A_70 = arith.muli %and3A_67, %mul3A_69 : vector<16xi32>
    %and3A_71 = arith.constant 3 : i32
    %and3A_72 = vector.broadcast %and3A_71 : i32 to vector<16xi32>
    %and3A_73 = arith.andi %add3A_15, %and3A_72 : vector<16xi32>
    %mul3A_74 = arith.constant 32 : i32
    %mul3A_75 = vector.broadcast %mul3A_74 : i32 to vector<16xi32>
    %mul3A_76 = arith.muli %and3A_73, %mul3A_75 : vector<16xi32>
    %and3A_77 = arith.constant 3 : i32
    %and3A_78 = vector.broadcast %and3A_77 : i32 to vector<16xi32>
    %and3A_79 = arith.andi %add3A_18, %and3A_78 : vector<16xi32>
    %mul3A_80 = arith.constant 32 : i32
    %mul3A_81 = vector.broadcast %mul3A_80 : i32 to vector<16xi32>
    %mul3A_82 = arith.muli %and3A_79, %mul3A_81 : vector<16xi32>
    %and3A_83 = arith.constant 3 : i32
    %and3A_84 = vector.broadcast %and3A_83 : i32 to vector<16xi32>
    %and3A_85 = arith.andi %add3A_21, %and3A_84 : vector<16xi32>
    %mul3A_86 = arith.constant 32 : i32
    %mul3A_87 = vector.broadcast %mul3A_86 : i32 to vector<16xi32>
    %mul3A_88 = arith.muli %and3A_85, %mul3A_87 : vector<16xi32>
    %and3A_89 = arith.constant 3 : i32
    %and3A_90 = vector.broadcast %and3A_89 : i32 to vector<16xi32>
    %and3A_91 = arith.andi %add3A_24, %and3A_90 : vector<16xi32>
    %mul3A_92 = arith.constant 32 : i32
    %mul3A_93 = vector.broadcast %mul3A_92 : i32 to vector<16xi32>
    %mul3A_94 = arith.muli %and3A_91, %mul3A_93 : vector<16xi32>
    %mul3A_95 = arith.constant 128 : i32
    %mul3A_96 = arith.muli %add3A, %mul3A_95 : i32
    %dma_start3A = arith.constant 0 : i32
    %dma_start3A_97 = tpu.memref_slice %arg2[%dma_start3A, %mul3A_96] : memref<32x1000000xf32, #tpu.memory_space<hbm>> -> memref<32x128xf32, #tpu.memory_space<hbm>>
    %dma_start3A_98 = arith.constant 0 : i32
    %dma_start3A_99 = tpu.memref_slice %arg2[%dma_start3A_98, %mul3A_96] : memref<32x1000000xf32, #tpu.memory_space<hbm>> -> memref<32x128xf32, #tpu.memory_space<hbm>>
    tpu.enqueue_dma source(%dma_start3A_99 : memref<32x128xf32, #tpu.memory_space<hbm>>) target(%arg4 : memref<32x128xf32, #tpu.memory_space<vmem>>) target_semaphore(%arg8 : memref<!tpu.dma_semaphore, #tpu.memory_space<semaphore_mem>>)
    %add3A_100 = arith.constant 0 : i32
    %add3A_101 = arith.addi %add3A, %add3A_100 : i32
    %add3A_102 = arith.constant 32 : i32
    %add3A_103 = arith.addi %add3A_101, %add3A_102 : i32
    %lt3A = arith.constant 7812 : i32
    %lt3A_104 = arith.cmpi slt, %add3A_103, %lt3A : i32
    %convert_element_type3A = arith.extui %lt3A_104 : i1 to i32
    %cond3A = arith.constant 0 : i32
    %cond3A_105 = arith.cmpi ne, %convert_element_type3A, %cond3A : i32
    scf.if %cond3A_105 {
      %mul3A_141 = arith.constant 128 : i32
      %mul3A_142 = arith.muli %add3A_103, %mul3A_141 : i32
      %dma_start3A_143 = arith.constant 0 : i32
      %dma_start3A_144 = tpu.memref_slice %arg2[%dma_start3A_143, %mul3A_142] : memref<32x1000000xf32, #tpu.memory_space<hbm>> -> memref<32x128xf32, #tpu.memory_space<hbm>>
      %dma_start3A_145 = arith.constant 0 : i32
      %dma_start3A_146 = tpu.memref_slice %arg2[%dma_start3A_145, %mul3A_142] : memref<32x1000000xf32, #tpu.memory_space<hbm>> -> memref<32x128xf32, #tpu.memory_space<hbm>>
      tpu.enqueue_dma source(%dma_start3A_146 : memref<32x128xf32, #tpu.memory_space<hbm>>) target(%arg5 : memref<32x128xf32, #tpu.memory_space<vmem>>) target_semaphore(%arg9 : memref<!tpu.dma_semaphore, #tpu.memory_space<semaphore_mem>>)
    } else {
    }
    %lt3A_106 = arith.constant 7812 : i32
    %lt3A_107 = arith.cmpi slt, %add3A_101, %lt3A_106 : i32
    %convert_element_type3A_108 = arith.extui %lt3A_107 : i1 to i32
    %cond3A_109 = arith.constant 0 : i32
    %cond3A_110 = arith.cmpi ne, %convert_element_type3A_108, %cond3A_109 : i32
    scf.if %cond3A_110 {
      %dma_wait3A_141 = arith.constant 0 : i32
      %dma_wait3A_142 = arith.constant 0 : i32
      %dma_wait3A_143 = tpu.memref_slice %arg2[%dma_wait3A_141, %dma_wait3A_142] : memref<32x1000000xf32, #tpu.memory_space<hbm>> -> memref<32x128xf32, #tpu.memory_space<hbm>>
      %dma_wait3A_144 = arith.constant 0 : i32
      %dma_wait3A_145 = arith.constant 0 : i32
      %dma_wait3A_146 = tpu.memref_slice %arg2[%dma_wait3A_144, %dma_wait3A_145] : memref<32x1000000xf32, #tpu.memory_space<hbm>> -> memref<32x128xf32, #tpu.memory_space<hbm>>
      tpu.wait_dma2 semaphore(%arg8 : memref<!tpu.dma_semaphore, #tpu.memory_space<semaphore_mem>>) src(%dma_wait3A_146 : memref<32x128xf32, #tpu.memory_space<hbm>>) dst(%arg4 : memref<32x128xf32, #tpu.memory_space<vmem>>)
      %scan3A_147 = arith.constant 0 : i32
      %scan3A_148 = arith.constant 0 : i32
      %scan3A_149 = arith.constant 32 : i32
      %scan3A_150 = arith.addi %scan3A_148, %scan3A_149 : i32
      %scan3A_151 = arith.constant 4 : i32
      scf.for %scan3A_159 = %scan3A_148 to %scan3A_150 step %scan3A_151  : i32 {
        %add3A_160 = vector.broadcast %scan3A_159 : i32 to vector<16xi32>
        %add3A_161 = arith.addi %add3A_160, %iota3A : vector<16xi32>
        %and3A_162 = arith.constant 31 : i32
        %and3A_163 = vector.broadcast %and3A_162 : i32 to vector<16xi32>
        %and3A_164 = arith.andi %add3A_161, %and3A_163 : vector<16xi32>
        %gather3A = tpu.vector_load_idx %arg4[%and3A_164, %add3A_3] : memref<32x128xf32, #tpu.memory_space<vmem>>[vector<16xi32>, vector<16xi32>], vector<16xf32>,
        %add3A_165 = arith.addi %mul3A_52, %and3A_164 : vector<16xi32>
        tpu.vector_store_idx %arg6[%shift_right_logical3A_26, %add3A_165], %gather3A : memref<32x128xf32, #tpu.memory_space<vmem>>[vector<16xi32>, vector<16xi32>], vector<16xf32>,
        %gather3A_166 = tpu.vector_load_idx %arg4[%and3A_164, %add3A_6] : memref<32x128xf32, #tpu.memory_space<vmem>>[vector<16xi32>, vector<16xi32>], vector<16xf32>,
        %add3A_167 = arith.addi %mul3A_58, %and3A_164 : vector<16xi32>
        tpu.vector_store_idx %arg6[%shift_right_logical3A_29, %add3A_167], %gather3A_166 : memref<32x128xf32, #tpu.memory_space<vmem>>[vector<16xi32>, vector<16xi32>], vector<16xf32>,
        %gather3A_168 = tpu.vector_load_idx %arg4[%and3A_164, %add3A_9] : memref<32x128xf32, #tpu.memory_space<vmem>>[vector<16xi32>, vector<16xi32>], vector<16xf32>,
        %add3A_169 = arith.addi %mul3A_64, %and3A_164 : vector<16xi32>
        tpu.vector_store_idx %arg6[%shift_right_logical3A_32, %add3A_169], %gather3A_168 : memref<32x128xf32, #tpu.memory_space<vmem>>[vector<16xi32>, vector<16xi32>], vector<16xf32>,
        %gather3A_170 = tpu.vector_load_idx %arg4[%and3A_164, %add3A_12] : memref<32x128xf32, #tpu.memory_space<vmem>>[vector<16xi32>, vector<16xi32>], vector<16xf32>,
        %add3A_171 = arith.addi %mul3A_70, %and3A_164 : vector<16xi32>
        tpu.vector_store_idx %arg6[%shift_right_logical3A_35, %add3A_171], %gather3A_170 : memref<32x128xf32, #tpu.memory_space<vmem>>[vector<16xi32>, vector<16xi32>], vector<16xf32>,
        %gather3A_172 = tpu.vector_load_idx %arg4[%and3A_164, %add3A_15] : memref<32x128xf32, #tpu.memory_space<vmem>>[vector<16xi32>, vector<16xi32>], vector<16xf32>,
        %add3A_173 = arith.addi %mul3A_76, %and3A_164 : vector<16xi32>
        tpu.vector_store_idx %arg6[%shift_right_logical3A_38, %add3A_173], %gather3A_172 : memref<32x128xf32, #tpu.memory_space<vmem>>[vector<16xi32>, vector<16xi32>], vector<16xf32>,
        %gather3A_174 = tpu.vector_load_idx %arg4[%and3A_164, %add3A_18] : memref<32x128xf32, #tpu.memory_space<vmem>>[vector<16xi32>, vector<16xi32>], vector<16xf32>,
        %add3A_175 = arith.addi %mul3A_82, %and3A_164 : vector<16xi32>
        tpu.vector_store_idx %arg6[%shift_right_logical3A_41, %add3A_175], %gather3A_174 : memref<32x128xf32, #tpu.memory_space<vmem>>[vector<16xi32>, vector<16xi32>], vector<16xf32>,
        %gather3A_176 = tpu.vector_load_idx %arg4[%and3A_164, %add3A_21] : memref<32x128xf32, #tpu.memory_space<vmem>>[vector<16xi32>, vector<16xi32>], vector<16xf32>,
        %add3A_177 = arith.addi %mul3A_88, %and3A_164 : vector<16xi32>
        tpu.vector_store_idx %arg6[%shift_right_logical3A_44, %add3A_177], %gather3A_176 : memref<32x128xf32, #tpu.memory_space<vmem>>[vector<16xi32>, vector<16xi32>], vector<16xf32>,
        %gather3A_178 = tpu.vector_load_idx %arg4[%and3A_164, %add3A_24] : memref<32x128xf32, #tpu.memory_space<vmem>>[vector<16xi32>, vector<16xi32>], vector<16xf32>,
        %add3A_179 = arith.addi %mul3A_94, %and3A_164 : vector<16xi32>
        tpu.vector_store_idx %arg6[%shift_right_logical3A_47, %add3A_179], %gather3A_178 : memref<32x128xf32, #tpu.memory_space<vmem>>[vector<16xi32>, vector<16xi32>], vector<16xf32>,
        %scan3A_180 = arith.constant 1 : i32
        %scan3A_181 = arith.addi %scan3A_159, %scan3A_180 : i32
        %add3A_182 = vector.broadcast %scan3A_181 : i32 to vector<16xi32>
        %add3A_183 = arith.addi %add3A_182, %iota3A : vector<16xi32>
        %and3A_184 = arith.constant 31 : i32
        %and3A_185 = vector.broadcast %and3A_184 : i32 to vector<16xi32>
        %and3A_186 = arith.andi %add3A_183, %and3A_185 : vector<16xi32>
        %gather3A_187 = tpu.vector_load_idx %arg4[%and3A_186, %add3A_3] : memref<32x128xf32, #tpu.memory_space<vmem>>[vector<16xi32>, vector<16xi32>], vector<16xf32>,
        %add3A_188 = arith.addi %mul3A_52, %and3A_186 : vector<16xi32>
        tpu.vector_store_idx %arg6[%shift_right_logical3A_26, %add3A_188], %gather3A_187 : memref<32x128xf32, #tpu.memory_space<vmem>>[vector<16xi32>, vector<16xi32>], vector<16xf32>,
        %gather3A_189 = tpu.vector_load_idx %arg4[%and3A_186, %add3A_6] : memref<32x128xf32, #tpu.memory_space<vmem>>[vector<16xi32>, vector<16xi32>], vector<16xf32>,
        %add3A_190 = arith.addi %mul3A_58, %and3A_186 : vector<16xi32>
        tpu.vector_store_idx %arg6[%shift_right_logical3A_29, %add3A_190], %gather3A_189 : memref<32x128xf32, #tpu.memory_space<vmem>>[vector<16xi32>, vector<16xi32>], vector<16xf32>,
        %gather3A_191 = tpu.vector_load_idx %arg4[%and3A_186, %add3A_9] : memref<32x128xf32, #tpu.memory_space<vmem>>[vector<16xi32>, vector<16xi32>], vector<16xf32>,
        %add3A_192 = arith.addi %mul3A_64, %and3A_186 : vector<16xi32>
        tpu.vector_store_idx %arg6[%shift_right_logical3A_32, %add3A_192], %gather3A_191 : memref<32x128xf32, #tpu.memory_space<vmem>>[vector<16xi32>, vector<16xi32>], vector<16xf32>,
        %gather3A_193 = tpu.vector_load_idx %arg4[%and3A_186, %add3A_12] : memref<32x128xf32, #tpu.memory_space<vmem>>[vector<16xi32>, vector<16xi32>], vector<16xf32>,
        %add3A_194 = arith.addi %mul3A_70, %and3A_186 : vector<16xi32>
        tpu.vector_store_idx %arg6[%shift_right_logical3A_35, %add3A_194], %gather3A_193 : memref<32x128xf32, #tpu.memory_space<vmem>>[vector<16xi32>, vector<16xi32>], vector<16xf32>,
        %gather3A_195 = tpu.vector_load_idx %arg4[%and3A_186, %add3A_15] : memref<32x128xf32, #tpu.memory_space<vmem>>[vector<16xi32>, vector<16xi32>], vector<16xf32>,
        %add3A_196 = arith.addi %mul3A_76, %and3A_186 : vector<16xi32>
        tpu.vector_store_idx %arg6[%shift_right_logical3A_38, %add3A_196], %gather3A_195 : memref<32x128xf32, #tpu.memory_space<vmem>>[vector<16xi32>, vector<16xi32>], vector<16xf32>,
        %gather3A_197 = tpu.vector_load_idx %arg4[%and3A_186, %add3A_18] : memref<32x128xf32, #tpu.memory_space<vmem>>[vector<16xi32>, vector<16xi32>], vector<16xf32>,
        %add3A_198 = arith.addi %mul3A_82, %and3A_186 : vector<16xi32>
        tpu.vector_store_idx %arg6[%shift_right_logical3A_41, %add3A_198], %gather3A_197 : memref<32x128xf32, #tpu.memory_space<vmem>>[vector<16xi32>, vector<16xi32>], vector<16xf32>,
        %gather3A_199 = tpu.vector_load_idx %arg4[%and3A_186, %add3A_21] : memref<32x128xf32, #tpu.memory_space<vmem>>[vector<16xi32>, vector<16xi32>], vector<16xf32>,
        %add3A_200 = arith.addi %mul3A_88, %and3A_186 : vector<16xi32>
        tpu.vector_store_idx %arg6[%shift_right_logical3A_44, %add3A_200], %gather3A_199 : memref<32x128xf32, #tpu.memory_space<vmem>>[vector<16xi32>, vector<16xi32>], vector<16xf32>,
        %gather3A_201 = tpu.vector_load_idx %arg4[%and3A_186, %add3A_24] : memref<32x128xf32, #tpu.memory_space<vmem>>[vector<16xi32>, vector<16xi32>], vector<16xf32>,
        %add3A_202 = arith.addi %mul3A_94, %and3A_186 : vector<16xi32>
        tpu.vector_store_idx %arg6[%shift_right_logical3A_47, %add3A_202], %gather3A_201 : memref<32x128xf32, #tpu.memory_space<vmem>>[vector<16xi32>, vector<16xi32>], vector<16xf32>,
        %scan3A_203 = arith.constant 2 : i32
        %scan3A_204 = arith.addi %scan3A_159, %scan3A_203 : i32
        %add3A_205 = vector.broadcast %scan3A_204 : i32 to vector<16xi32>
        %add3A_206 = arith.addi %add3A_205, %iota3A : vector<16xi32>
        %and3A_207 = arith.constant 31 : i32
        %and3A_208 = vector.broadcast %and3A_207 : i32 to vector<16xi32>
        %and3A_209 = arith.andi %add3A_206, %and3A_208 : vector<16xi32>
        %gather3A_210 = tpu.vector_load_idx %arg4[%and3A_209, %add3A_3] : memref<32x128xf32, #tpu.memory_space<vmem>>[vector<16xi32>, vector<16xi32>], vector<16xf32>,
        %add3A_211 = arith.addi %mul3A_52, %and3A_209 : vector<16xi32>
        tpu.vector_store_idx %arg6[%shift_right_logical3A_26, %add3A_211], %gather3A_210 : memref<32x128xf32, #tpu.memory_space<vmem>>[vector<16xi32>, vector<16xi32>], vector<16xf32>,
        %gather3A_212 = tpu.vector_load_idx %arg4[%and3A_209, %add3A_6] : memref<32x128xf32, #tpu.memory_space<vmem>>[vector<16xi32>, vector<16xi32>], vector<16xf32>,
        %add3A_213 = arith.addi %mul3A_58, %and3A_209 : vector<16xi32>
        tpu.vector_store_idx %arg6[%shift_right_logical3A_29, %add3A_213], %gather3A_212 : memref<32x128xf32, #tpu.memory_space<vmem>>[vector<16xi32>, vector<16xi32>], vector<16xf32>,
        %gather3A_214 = tpu.vector_load_idx %arg4[%and3A_209, %add3A_9] : memref<32x128xf32, #tpu.memory_space<vmem>>[vector<16xi32>, vector<16xi32>], vector<16xf32>,
        %add3A_215 = arith.addi %mul3A_64, %and3A_209 : vector<16xi32>
        tpu.vector_store_idx %arg6[%shift_right_logical3A_32, %add3A_215], %gather3A_214 : memref<32x128xf32, #tpu.memory_space<vmem>>[vector<16xi32>, vector<16xi32>], vector<16xf32>,
        %gather3A_216 = tpu.vector_load_idx %arg4[%and3A_209, %add3A_12] : memref<32x128xf32, #tpu.memory_space<vmem>>[vector<16xi32>, vector<16xi32>], vector<16xf32>,
        %add3A_217 = arith.addi %mul3A_70, %and3A_209 : vector<16xi32>
        tpu.vector_store_idx %arg6[%shift_right_logical3A_35, %add3A_217], %gather3A_216 : memref<32x128xf32, #tpu.memory_space<vmem>>[vector<16xi32>, vector<16xi32>], vector<16xf32>,
        %gather3A_218 = tpu.vector_load_idx %arg4[%and3A_209, %add3A_15] : memref<32x128xf32, #tpu.memory_space<vmem>>[vector<16xi32>, vector<16xi32>], vector<16xf32>,
        %add3A_219 = arith.addi %mul3A_76, %and3A_209 : vector<16xi32>
        tpu.vector_store_idx %arg6[%shift_right_logical3A_38, %add3A_219], %gather3A_218 : memref<32x128xf32, #tpu.memory_space<vmem>>[vector<16xi32>, vector<16xi32>], vector<16xf32>,
        %gather3A_220 = tpu.vector_load_idx %arg4[%and3A_209, %add3A_18] : memref<32x128xf32, #tpu.memory_space<vmem>>[vector<16xi32>, vector<16xi32>], vector<16xf32>,
        %add3A_221 = arith.addi %mul3A_82, %and3A_209 : vector<16xi32>
        tpu.vector_store_idx %arg6[%shift_right_logical3A_41, %add3A_221], %gather3A_220 : memref<32x128xf32, #tpu.memory_space<vmem>>[vector<16xi32>, vector<16xi32>], vector<16xf32>,
        %gather3A_222 = tpu.vector_load_idx %arg4[%and3A_209, %add3A_21] : memref<32x128xf32, #tpu.memory_space<vmem>>[vector<16xi32>, vector<16xi32>], vector<16xf32>,
        %add3A_223 = arith.addi %mul3A_88, %and3A_209 : vector<16xi32>
        tpu.vector_store_idx %arg6[%shift_right_logical3A_44, %add3A_223], %gather3A_222 : memref<32x128xf32, #tpu.memory_space<vmem>>[vector<16xi32>, vector<16xi32>], vector<16xf32>,
        %gather3A_224 = tpu.vector_load_idx %arg4[%and3A_209, %add3A_24] : memref<32x128xf32, #tpu.memory_space<vmem>>[vector<16xi32>, vector<16xi32>], vector<16xf32>,
        %add3A_225 = arith.addi %mul3A_94, %and3A_209 : vector<16xi32>
        tpu.vector_store_idx %arg6[%shift_right_logical3A_47, %add3A_225], %gather3A_224 : memref<32x128xf32, #tpu.memory_space<vmem>>[vector<16xi32>, vector<16xi32>], vector<16xf32>,
        %scan3A_226 = arith.constant 3 : i32
        %scan3A_227 = arith.addi %scan3A_159, %scan3A_226 : i32
        %add3A_228 = vector.broadcast %scan3A_227 : i32 to vector<16xi32>
        %add3A_229 = arith.addi %add3A_228, %iota3A : vector<16xi32>
        %and3A_230 = arith.constant 31 : i32
        %and3A_231 = vector.broadcast %and3A_230 : i32 to vector<16xi32>
        %and3A_232 = arith.andi %add3A_229, %and3A_231 : vector<16xi32>
        %gather3A_233 = tpu.vector_load_idx %arg4[%and3A_232, %add3A_3] : memref<32x128xf32, #tpu.memory_space<vmem>>[vector<16xi32>, vector<16xi32>], vector<16xf32>,
        %add3A_234 = arith.addi %mul3A_52, %and3A_232 : vector<16xi32>
        tpu.vector_store_idx %arg6[%shift_right_logical3A_26, %add3A_234], %gather3A_233 : memref<32x128xf32, #tpu.memory_space<vmem>>[vector<16xi32>, vector<16xi32>], vector<16xf32>,
        %gather3A_235 = tpu.vector_load_idx %arg4[%and3A_232, %add3A_6] : memref<32x128xf32, #tpu.memory_space<vmem>>[vector<16xi32>, vector<16xi32>], vector<16xf32>,
        %add3A_236 = arith.addi %mul3A_58, %and3A_232 : vector<16xi32>
        tpu.vector_store_idx %arg6[%shift_right_logical3A_29, %add3A_236], %gather3A_235 : memref<32x128xf32, #tpu.memory_space<vmem>>[vector<16xi32>, vector<16xi32>], vector<16xf32>,
        %gather3A_237 = tpu.vector_load_idx %arg4[%and3A_232, %add3A_9] : memref<32x128xf32, #tpu.memory_space<vmem>>[vector<16xi32>, vector<16xi32>], vector<16xf32>,
        %add3A_238 = arith.addi %mul3A_64, %and3A_232 : vector<16xi32>
        tpu.vector_store_idx %arg6[%shift_right_logical3A_32, %add3A_238], %gather3A_237 : memref<32x128xf32, #tpu.memory_space<vmem>>[vector<16xi32>, vector<16xi32>], vector<16xf32>,
        %gather3A_239 = tpu.vector_load_idx %arg4[%and3A_232, %add3A_12] : memref<32x128xf32, #tpu.memory_space<vmem>>[vector<16xi32>, vector<16xi32>], vector<16xf32>,
        %add3A_240 = arith.addi %mul3A_70, %and3A_232 : vector<16xi32>
        tpu.vector_store_idx %arg6[%shift_right_logical3A_35, %add3A_240], %gather3A_239 : memref<32x128xf32, #tpu.memory_space<vmem>>[vector<16xi32>, vector<16xi32>], vector<16xf32>,
        %gather3A_241 = tpu.vector_load_idx %arg4[%and3A_232, %add3A_15] : memref<32x128xf32, #tpu.memory_space<vmem>>[vector<16xi32>, vector<16xi32>], vector<16xf32>,
        %add3A_242 = arith.addi %mul3A_76, %and3A_232 : vector<16xi32>
        tpu.vector_store_idx %arg6[%shift_right_logical3A_38, %add3A_242], %gather3A_241 : memref<32x128xf32, #tpu.memory_space<vmem>>[vector<16xi32>, vector<16xi32>], vector<16xf32>,
        %gather3A_243 = tpu.vector_load_idx %arg4[%and3A_232, %add3A_18] : memref<32x128xf32, #tpu.memory_space<vmem>>[vector<16xi32>, vector<16xi32>], vector<16xf32>,
        %add3A_244 = arith.addi %mul3A_82, %and3A_232 : vector<16xi32>
        tpu.vector_store_idx %arg6[%shift_right_logical3A_41, %add3A_244], %gather3A_243 : memref<32x128xf32, #tpu.memory_space<vmem>>[vector<16xi32>, vector<16xi32>], vector<16xf32>,
        %gather3A_245 = tpu.vector_load_idx %arg4[%and3A_232, %add3A_21] : memref<32x128xf32, #tpu.memory_space<vmem>>[vector<16xi32>, vector<16xi32>], vector<16xf32>,
        %add3A_246 = arith.addi %mul3A_88, %and3A_232 : vector<16xi32>
        tpu.vector_store_idx %arg6[%shift_right_logical3A_44, %add3A_246], %gather3A_245 : memref<32x128xf32, #tpu.memory_space<vmem>>[vector<16xi32>, vector<16xi32>], vector<16xf32>,
        %gather3A_247 = tpu.vector_load_idx %arg4[%and3A_232, %add3A_24] : memref<32x128xf32, #tpu.memory_space<vmem>>[vector<16xi32>, vector<16xi32>], vector<16xf32>,
        %add3A_248 = arith.addi %mul3A_94, %and3A_232 : vector<16xi32>
        tpu.vector_store_idx %arg6[%shift_right_logical3A_47, %add3A_248], %gather3A_247 : memref<32x128xf32, #tpu.memory_space<vmem>>[vector<16xi32>, vector<16xi32>], vector<16xf32>,
      }
      %scan3A_152 = arith.constant 32 : i32
      %mul3A_153 = arith.constant 32 : i32
      %mul3A_154 = arith.muli %add3A_101, %mul3A_153 : i32
      %dma_start3A_155 = arith.constant 0 : i32
      %dma_start3A_156 = tpu.memref_slice %arg3[%mul3A_154, %dma_start3A_155] : memref<250000x128xf32, #tpu.memory_space<hbm>> -> memref<32x128xf32, #tpu.memory_space<hbm>>
      %dma_start3A_157 = arith.constant 0 : i32
      %dma_start3A_158 = tpu.memref_slice %arg3[%mul3A_154, %dma_start3A_157] : memref<250000x128xf32, #tpu.memory_space<hbm>> -> memref<32x128xf32, #tpu.memory_space<hbm>>
      tpu.enqueue_dma source(%arg6 : memref<32x128xf32, #tpu.memory_space<vmem>>) target(%dma_start3A_158 : memref<32x128xf32, #tpu.memory_space<hbm>>) target_semaphore(%arg10 : memref<!tpu.dma_semaphore, #tpu.memory_space<semaphore_mem>>)
    } else {
    }
    %add3A_111 = arith.constant 32 : i32
    %add3A_112 = arith.addi %add3A, %add3A_111 : i32
    %add3A_113 = arith.constant 32 : i32
    %add3A_114 = arith.addi %add3A_112, %add3A_113 : i32
    %lt3A_115 = arith.constant 7812 : i32
    %lt3A_116 = arith.cmpi slt, %add3A_114, %lt3A_115 : i32
    %convert_element_type3A_117 = arith.extui %lt3A_116 : i1 to i32
    %cond3A_118 = arith.constant 0 : i32
    %cond3A_119 = arith.cmpi ne, %convert_element_type3A_117, %cond3A_118 : i32
    scf.if %cond3A_119 {
      %mul3A_141 = arith.constant 128 : i32
      %mul3A_142 = arith.muli %add3A_114, %mul3A_141 : i32
      %dma_start3A_143 = arith.constant 0 : i32
      %dma_start3A_144 = tpu.memref_slice %arg2[%dma_start3A_143, %mul3A_142] : memref<32x1000000xf32, #tpu.memory_space<hbm>> -> memref<32x128xf32, #tpu.memory_space<hbm>>
      %dma_start3A_145 = arith.constant 0 : i32
      %dma_start3A_146 = tpu.memref_slice %arg2[%dma_start3A_145, %mul3A_142] : memref<32x1000000xf32, #tpu.memory_space<hbm>> -> memref<32x128xf32, #tpu.memory_space<hbm>>
      tpu.enqueue_dma source(%dma_start3A_146 : memref<32x128xf32, #tpu.memory_space<hbm>>) target(%arg4 : memref<32x128xf32, #tpu.memory_space<vmem>>) target_semaphore(%arg8 : memref<!tpu.dma_semaphore, #tpu.memory_space<semaphore_mem>>)
    } else {
    }
    %lt3A_120 = arith.constant 7812 : i32
    %lt3A_121 = arith.cmpi slt, %add3A_112, %lt3A_120 : i32
    %convert_element_type3A_122 = arith.extui %lt3A_121 : i1 to i32
    %cond3A_123 = arith.constant 0 : i32
    %cond3A_124 = arith.cmpi ne, %convert_element_type3A_122, %cond3A_123 : i32
    scf.if %cond3A_124 {
      %dma_wait3A_141 = arith.constant 0 : i32
      %dma_wait3A_142 = arith.constant 0 : i32
      %dma_wait3A_143 = tpu.memref_slice %arg2[%dma_wait3A_141, %dma_wait3A_142] : memref<32x1000000xf32, #tpu.memory_space<hbm>> -> memref<32x128xf32, #tpu.memory_space<hbm>>
      %dma_wait3A_144 = arith.constant 0 : i32
      %dma_wait3A_145 = arith.constant 0 : i32
      %dma_wait3A_146 = tpu.memref_slice %arg2[%dma_wait3A_144, %dma_wait3A_145] : memref<32x1000000xf32, #tpu.memory_space<hbm>> -> memref<32x128xf32, #tpu.memory_space<hbm>>
      tpu.wait_dma2 semaphore(%arg9 : memref<!tpu.dma_semaphore, #tpu.memory_space<semaphore_mem>>) src(%dma_wait3A_146 : memref<32x128xf32, #tpu.memory_space<hbm>>) dst(%arg5 : memref<32x128xf32, #tpu.memory_space<vmem>>)
      %scan3A_147 = arith.constant 0 : i32
      %scan3A_148 = arith.constant 0 : i32
      %scan3A_149 = arith.constant 32 : i32
      %scan3A_150 = arith.addi %scan3A_148, %scan3A_149 : i32
      %scan3A_151 = arith.constant 4 : i32
      scf.for %scan3A_159 = %scan3A_148 to %scan3A_150 step %scan3A_151  : i32 {
        %add3A_160 = vector.broadcast %scan3A_159 : i32 to vector<16xi32>
        %add3A_161 = arith.addi %add3A_160, %iota3A : vector<16xi32>
        %and3A_162 = arith.constant 31 : i32
        %and3A_163 = vector.broadcast %and3A_162 : i32 to vector<16xi32>
        %and3A_164 = arith.andi %add3A_161, %and3A_163 : vector<16xi32>
        %gather3A = tpu.vector_load_idx %arg5[%and3A_164, %add3A_3] : memref<32x128xf32, #tpu.memory_space<vmem>>[vector<16xi32>, vector<16xi32>], vector<16xf32>,
        %add3A_165 = arith.addi %mul3A_52, %and3A_164 : vector<16xi32>
        tpu.vector_store_idx %arg7[%shift_right_logical3A_26, %add3A_165], %gather3A : memref<32x128xf32, #tpu.memory_space<vmem>>[vector<16xi32>, vector<16xi32>], vector<16xf32>,
        %gather3A_166 = tpu.vector_load_idx %arg5[%and3A_164, %add3A_6] : memref<32x128xf32, #tpu.memory_space<vmem>>[vector<16xi32>, vector<16xi32>], vector<16xf32>,
        %add3A_167 = arith.addi %mul3A_58, %and3A_164 : vector<16xi32>
        tpu.vector_store_idx %arg7[%shift_right_logical3A_29, %add3A_167], %gather3A_166 : memref<32x128xf32, #tpu.memory_space<vmem>>[vector<16xi32>, vector<16xi32>], vector<16xf32>,
        %gather3A_168 = tpu.vector_load_idx %arg5[%and3A_164, %add3A_9] : memref<32x128xf32, #tpu.memory_space<vmem>>[vector<16xi32>, vector<16xi32>], vector<16xf32>,
        %add3A_169 = arith.addi %mul3A_64, %and3A_164 : vector<16xi32>
        tpu.vector_store_idx %arg7[%shift_right_logical3A_32, %add3A_169], %gather3A_168 : memref<32x128xf32, #tpu.memory_space<vmem>>[vector<16xi32>, vector<16xi32>], vector<16xf32>,
        %gather3A_170 = tpu.vector_load_idx %arg5[%and3A_164, %add3A_12] : memref<32x128xf32, #tpu.memory_space<vmem>>[vector<16xi32>, vector<16xi32>], vector<16xf32>,
        %add3A_171 = arith.addi %mul3A_70, %and3A_164 : vector<16xi32>
        tpu.vector_store_idx %arg7[%shift_right_logical3A_35, %add3A_171], %gather3A_170 : memref<32x128xf32, #tpu.memory_space<vmem>>[vector<16xi32>, vector<16xi32>], vector<16xf32>,
        %gather3A_172 = tpu.vector_load_idx %arg5[%and3A_164, %add3A_15] : memref<32x128xf32, #tpu.memory_space<vmem>>[vector<16xi32>, vector<16xi32>], vector<16xf32>,
        %add3A_173 = arith.addi %mul3A_76, %and3A_164 : vector<16xi32>
        tpu.vector_store_idx %arg7[%shift_right_logical3A_38, %add3A_173], %gather3A_172 : memref<32x128xf32, #tpu.memory_space<vmem>>[vector<16xi32>, vector<16xi32>], vector<16xf32>,
        %gather3A_174 = tpu.vector_load_idx %arg5[%and3A_164, %add3A_18] : memref<32x128xf32, #tpu.memory_space<vmem>>[vector<16xi32>, vector<16xi32>], vector<16xf32>,
        %add3A_175 = arith.addi %mul3A_82, %and3A_164 : vector<16xi32>
        tpu.vector_store_idx %arg7[%shift_right_logical3A_41, %add3A_175], %gather3A_174 : memref<32x128xf32, #tpu.memory_space<vmem>>[vector<16xi32>, vector<16xi32>], vector<16xf32>,
        %gather3A_176 = tpu.vector_load_idx %arg5[%and3A_164, %add3A_21] : memref<32x128xf32, #tpu.memory_space<vmem>>[vector<16xi32>, vector<16xi32>], vector<16xf32>,
        %add3A_177 = arith.addi %mul3A_88, %and3A_164 : vector<16xi32>
        tpu.vector_store_idx %arg7[%shift_right_logical3A_44, %add3A_177], %gather3A_176 : memref<32x128xf32, #tpu.memory_space<vmem>>[vector<16xi32>, vector<16xi32>], vector<16xf32>,
        %gather3A_178 = tpu.vector_load_idx %arg5[%and3A_164, %add3A_24] : memref<32x128xf32, #tpu.memory_space<vmem>>[vector<16xi32>, vector<16xi32>], vector<16xf32>,
        %add3A_179 = arith.addi %mul3A_94, %and3A_164 : vector<16xi32>
        tpu.vector_store_idx %arg7[%shift_right_logical3A_47, %add3A_179], %gather3A_178 : memref<32x128xf32, #tpu.memory_space<vmem>>[vector<16xi32>, vector<16xi32>], vector<16xf32>,
        %scan3A_180 = arith.constant 1 : i32
        %scan3A_181 = arith.addi %scan3A_159, %scan3A_180 : i32
        %add3A_182 = vector.broadcast %scan3A_181 : i32 to vector<16xi32>
        %add3A_183 = arith.addi %add3A_182, %iota3A : vector<16xi32>
        %and3A_184 = arith.constant 31 : i32
        %and3A_185 = vector.broadcast %and3A_184 : i32 to vector<16xi32>
        %and3A_186 = arith.andi %add3A_183, %and3A_185 : vector<16xi32>
        %gather3A_187 = tpu.vector_load_idx %arg5[%and3A_186, %add3A_3] : memref<32x128xf32, #tpu.memory_space<vmem>>[vector<16xi32>, vector<16xi32>], vector<16xf32>,
        %add3A_188 = arith.addi %mul3A_52, %and3A_186 : vector<16xi32>
        tpu.vector_store_idx %arg7[%shift_right_logical3A_26, %add3A_188], %gather3A_187 : memref<32x128xf32, #tpu.memory_space<vmem>>[vector<16xi32>, vector<16xi32>], vector<16xf32>,
        %gather3A_189 = tpu.vector_load_idx %arg5[%and3A_186, %add3A_6] : memref<32x128xf32, #tpu.memory_space<vmem>>[vector<16xi32>, vector<16xi32>], vector<16xf32>,
        %add3A_190 = arith.addi %mul3A_58, %and3A_186 : vector<16xi32>
        tpu.vector_store_idx %arg7[%shift_right_logical3A_29, %add3A_190], %gather3A_189 : memref<32x128xf32, #tpu.memory_space<vmem>>[vector<16xi32>, vector<16xi32>], vector<16xf32>,
        %gather3A_191 = tpu.vector_load_idx %arg5[%and3A_186, %add3A_9] : memref<32x128xf32, #tpu.memory_space<vmem>>[vector<16xi32>, vector<16xi32>], vector<16xf32>,
        %add3A_192 = arith.addi %mul3A_64, %and3A_186 : vector<16xi32>
        tpu.vector_store_idx %arg7[%shift_right_logical3A_32, %add3A_192], %gather3A_191 : memref<32x128xf32, #tpu.memory_space<vmem>>[vector<16xi32>, vector<16xi32>], vector<16xf32>,
        %gather3A_193 = tpu.vector_load_idx %arg5[%and3A_186, %add3A_12] : memref<32x128xf32, #tpu.memory_space<vmem>>[vector<16xi32>, vector<16xi32>], vector<16xf32>,
        %add3A_194 = arith.addi %mul3A_70, %and3A_186 : vector<16xi32>
        tpu.vector_store_idx %arg7[%shift_right_logical3A_35, %add3A_194], %gather3A_193 : memref<32x128xf32, #tpu.memory_space<vmem>>[vector<16xi32>, vector<16xi32>], vector<16xf32>,
        %gather3A_195 = tpu.vector_load_idx %arg5[%and3A_186, %add3A_15] : memref<32x128xf32, #tpu.memory_space<vmem>>[vector<16xi32>, vector<16xi32>], vector<16xf32>,
        %add3A_196 = arith.addi %mul3A_76, %and3A_186 : vector<16xi32>
        tpu.vector_store_idx %arg7[%shift_right_logical3A_38, %add3A_196], %gather3A_195 : memref<32x128xf32, #tpu.memory_space<vmem>>[vector<16xi32>, vector<16xi32>], vector<16xf32>,
        %gather3A_197 = tpu.vector_load_idx %arg5[%and3A_186, %add3A_18] : memref<32x128xf32, #tpu.memory_space<vmem>>[vector<16xi32>, vector<16xi32>], vector<16xf32>,
        %add3A_198 = arith.addi %mul3A_82, %and3A_186 : vector<16xi32>
        tpu.vector_store_idx %arg7[%shift_right_logical3A_41, %add3A_198], %gather3A_197 : memref<32x128xf32, #tpu.memory_space<vmem>>[vector<16xi32>, vector<16xi32>], vector<16xf32>,
        %gather3A_199 = tpu.vector_load_idx %arg5[%and3A_186, %add3A_21] : memref<32x128xf32, #tpu.memory_space<vmem>>[vector<16xi32>, vector<16xi32>], vector<16xf32>,
        %add3A_200 = arith.addi %mul3A_88, %and3A_186 : vector<16xi32>
        tpu.vector_store_idx %arg7[%shift_right_logical3A_44, %add3A_200], %gather3A_199 : memref<32x128xf32, #tpu.memory_space<vmem>>[vector<16xi32>, vector<16xi32>], vector<16xf32>,
        %gather3A_201 = tpu.vector_load_idx %arg5[%and3A_186, %add3A_24] : memref<32x128xf32, #tpu.memory_space<vmem>>[vector<16xi32>, vector<16xi32>], vector<16xf32>,
        %add3A_202 = arith.addi %mul3A_94, %and3A_186 : vector<16xi32>
        tpu.vector_store_idx %arg7[%shift_right_logical3A_47, %add3A_202], %gather3A_201 : memref<32x128xf32, #tpu.memory_space<vmem>>[vector<16xi32>, vector<16xi32>], vector<16xf32>,
        %scan3A_203 = arith.constant 2 : i32
        %scan3A_204 = arith.addi %scan3A_159, %scan3A_203 : i32
        %add3A_205 = vector.broadcast %scan3A_204 : i32 to vector<16xi32>
        %add3A_206 = arith.addi %add3A_205, %iota3A : vector<16xi32>
        %and3A_207 = arith.constant 31 : i32
        %and3A_208 = vector.broadcast %and3A_207 : i32 to vector<16xi32>
        %and3A_209 = arith.andi %add3A_206, %and3A_208 : vector<16xi32>
        %gather3A_210 = tpu.vector_load_idx %arg5[%and3A_209, %add3A_3] : memref<32x128xf32, #tpu.memory_space<vmem>>[vector<16xi32>, vector<16xi32>], vector<16xf32>,
        %add3A_211 = arith.addi %mul3A_52, %and3A_209 : vector<16xi32>
        tpu.vector_store_idx %arg7[%shift_right_logical3A_26, %add3A_211], %gather3A_210 : memref<32x128xf32, #tpu.memory_space<vmem>>[vector<16xi32>, vector<16xi32>], vector<16xf32>,
        %gather3A_212 = tpu.vector_load_idx %arg5[%and3A_209, %add3A_6] : memref<32x128xf32, #tpu.memory_space<vmem>>[vector<16xi32>, vector<16xi32>], vector<16xf32>,
        %add3A_213 = arith.addi %mul3A_58, %and3A_209 : vector<16xi32>
        tpu.vector_store_idx %arg7[%shift_right_logical3A_29, %add3A_213], %gather3A_212 : memref<32x128xf32, #tpu.memory_space<vmem>>[vector<16xi32>, vector<16xi32>], vector<16xf32>,
        %gather3A_214 = tpu.vector_load_idx %arg5[%and3A_209, %add3A_9] : memref<32x128xf32, #tpu.memory_space<vmem>>[vector<16xi32>, vector<16xi32>], vector<16xf32>,
        %add3A_215 = arith.addi %mul3A_64, %and3A_209 : vector<16xi32>
        tpu.vector_store_idx %arg7[%shift_right_logical3A_32, %add3A_215], %gather3A_214 : memref<32x128xf32, #tpu.memory_space<vmem>>[vector<16xi32>, vector<16xi32>], vector<16xf32>,
        %gather3A_216 = tpu.vector_load_idx %arg5[%and3A_209, %add3A_12] : memref<32x128xf32, #tpu.memory_space<vmem>>[vector<16xi32>, vector<16xi32>], vector<16xf32>,
        %add3A_217 = arith.addi %mul3A_70, %and3A_209 : vector<16xi32>
        tpu.vector_store_idx %arg7[%shift_right_logical3A_35, %add3A_217], %gather3A_216 : memref<32x128xf32, #tpu.memory_space<vmem>>[vector<16xi32>, vector<16xi32>], vector<16xf32>,
        %gather3A_218 = tpu.vector_load_idx %arg5[%and3A_209, %add3A_15] : memref<32x128xf32, #tpu.memory_space<vmem>>[vector<16xi32>, vector<16xi32>], vector<16xf32>,
        %add3A_219 = arith.addi %mul3A_76, %and3A_209 : vector<16xi32>
        tpu.vector_store_idx %arg7[%shift_right_logical3A_38, %add3A_219], %gather3A_218 : memref<32x128xf32, #tpu.memory_space<vmem>>[vector<16xi32>, vector<16xi32>], vector<16xf32>,
        %gather3A_220 = tpu.vector_load_idx %arg5[%and3A_209, %add3A_18] : memref<32x128xf32, #tpu.memory_space<vmem>>[vector<16xi32>, vector<16xi32>], vector<16xf32>,
        %add3A_221 = arith.addi %mul3A_82, %and3A_209 : vector<16xi32>
        tpu.vector_store_idx %arg7[%shift_right_logical3A_41, %add3A_221], %gather3A_220 : memref<32x128xf32, #tpu.memory_space<vmem>>[vector<16xi32>, vector<16xi32>], vector<16xf32>,
        %gather3A_222 = tpu.vector_load_idx %arg5[%and3A_209, %add3A_21] : memref<32x128xf32, #tpu.memory_space<vmem>>[vector<16xi32>, vector<16xi32>], vector<16xf32>,
        %add3A_223 = arith.addi %mul3A_88, %and3A_209 : vector<16xi32>
        tpu.vector_store_idx %arg7[%shift_right_logical3A_44, %add3A_223], %gather3A_222 : memref<32x128xf32, #tpu.memory_space<vmem>>[vector<16xi32>, vector<16xi32>], vector<16xf32>,
        %gather3A_224 = tpu.vector_load_idx %arg5[%and3A_209, %add3A_24] : memref<32x128xf32, #tpu.memory_space<vmem>>[vector<16xi32>, vector<16xi32>], vector<16xf32>,
        %add3A_225 = arith.addi %mul3A_94, %and3A_209 : vector<16xi32>
        tpu.vector_store_idx %arg7[%shift_right_logical3A_47, %add3A_225], %gather3A_224 : memref<32x128xf32, #tpu.memory_space<vmem>>[vector<16xi32>, vector<16xi32>], vector<16xf32>,
        %scan3A_226 = arith.constant 3 : i32
        %scan3A_227 = arith.addi %scan3A_159, %scan3A_226 : i32
        %add3A_228 = vector.broadcast %scan3A_227 : i32 to vector<16xi32>
        %add3A_229 = arith.addi %add3A_228, %iota3A : vector<16xi32>
        %and3A_230 = arith.constant 31 : i32
        %and3A_231 = vector.broadcast %and3A_230 : i32 to vector<16xi32>
        %and3A_232 = arith.andi %add3A_229, %and3A_231 : vector<16xi32>
        %gather3A_233 = tpu.vector_load_idx %arg5[%and3A_232, %add3A_3] : memref<32x128xf32, #tpu.memory_space<vmem>>[vector<16xi32>, vector<16xi32>], vector<16xf32>,
        %add3A_234 = arith.addi %mul3A_52, %and3A_232 : vector<16xi32>
        tpu.vector_store_idx %arg7[%shift_right_logical3A_26, %add3A_234], %gather3A_233 : memref<32x128xf32, #tpu.memory_space<vmem>>[vector<16xi32>, vector<16xi32>], vector<16xf32>,
        %gather3A_235 = tpu.vector_load_idx %arg5[%and3A_232, %add3A_6] : memref<32x128xf32, #tpu.memory_space<vmem>>[vector<16xi32>, vector<16xi32>], vector<16xf32>,
        %add3A_236 = arith.addi %mul3A_58, %and3A_232 : vector<16xi32>
        tpu.vector_store_idx %arg7[%shift_right_logical3A_29, %add3A_236], %gather3A_235 : memref<32x128xf32, #tpu.memory_space<vmem>>[vector<16xi32>, vector<16xi32>], vector<16xf32>,
        %gather3A_237 = tpu.vector_load_idx %arg5[%and3A_232, %add3A_9] : memref<32x128xf32, #tpu.memory_space<vmem>>[vector<16xi32>, vector<16xi32>], vector<16xf32>,
        %add3A_238 = arith.addi %mul3A_64, %and3A_232 : vector<16xi32>
        tpu.vector_store_idx %arg7[%shift_right_logical3A_32, %add3A_238], %gather3A_237 : memref<32x128xf32, #tpu.memory_space<vmem>>[vector<16xi32>, vector<16xi32>], vector<16xf32>,
        %gather3A_239 = tpu.vector_load_idx %arg5[%and3A_232, %add3A_12] : memref<32x128xf32, #tpu.memory_space<vmem>>[vector<16xi32>, vector<16xi32>], vector<16xf32>,
        %add3A_240 = arith.addi %mul3A_70, %and3A_232 : vector<16xi32>
        tpu.vector_store_idx %arg7[%shift_right_logical3A_35, %add3A_240], %gather3A_239 : memref<32x128xf32, #tpu.memory_space<vmem>>[vector<16xi32>, vector<16xi32>], vector<16xf32>,
        %gather3A_241 = tpu.vector_load_idx %arg5[%and3A_232, %add3A_15] : memref<32x128xf32, #tpu.memory_space<vmem>>[vector<16xi32>, vector<16xi32>], vector<16xf32>,
        %add3A_242 = arith.addi %mul3A_76, %and3A_232 : vector<16xi32>
        tpu.vector_store_idx %arg7[%shift_right_logical3A_38, %add3A_242], %gather3A_241 : memref<32x128xf32, #tpu.memory_space<vmem>>[vector<16xi32>, vector<16xi32>], vector<16xf32>,
        %gather3A_243 = tpu.vector_load_idx %arg5[%and3A_232, %add3A_18] : memref<32x128xf32, #tpu.memory_space<vmem>>[vector<16xi32>, vector<16xi32>], vector<16xf32>,
        %add3A_244 = arith.addi %mul3A_82, %and3A_232 : vector<16xi32>
        tpu.vector_store_idx %arg7[%shift_right_logical3A_41, %add3A_244], %gather3A_243 : memref<32x128xf32, #tpu.memory_space<vmem>>[vector<16xi32>, vector<16xi32>], vector<16xf32>,
        %gather3A_245 = tpu.vector_load_idx %arg5[%and3A_232, %add3A_21] : memref<32x128xf32, #tpu.memory_space<vmem>>[vector<16xi32>, vector<16xi32>], vector<16xf32>,
        %add3A_246 = arith.addi %mul3A_88, %and3A_232 : vector<16xi32>
        tpu.vector_store_idx %arg7[%shift_right_logical3A_44, %add3A_246], %gather3A_245 : memref<32x128xf32, #tpu.memory_space<vmem>>[vector<16xi32>, vector<16xi32>], vector<16xf32>,
        %gather3A_247 = tpu.vector_load_idx %arg5[%and3A_232, %add3A_24] : memref<32x128xf32, #tpu.memory_space<vmem>>[vector<16xi32>, vector<16xi32>], vector<16xf32>,
        %add3A_248 = arith.addi %mul3A_94, %and3A_232 : vector<16xi32>
        tpu.vector_store_idx %arg7[%shift_right_logical3A_47, %add3A_248], %gather3A_247 : memref<32x128xf32, #tpu.memory_space<vmem>>[vector<16xi32>, vector<16xi32>], vector<16xf32>,
      }
      %scan3A_152 = arith.constant 32 : i32
      %mul3A_153 = arith.constant 32 : i32
      %mul3A_154 = arith.muli %add3A_112, %mul3A_153 : i32
      %dma_start3A_155 = arith.constant 0 : i32
      %dma_start3A_156 = tpu.memref_slice %arg3[%mul3A_154, %dma_start3A_155] : memref<250000x128xf32, #tpu.memory_space<hbm>> -> memref<32x128xf32, #tpu.memory_space<hbm>>
      %dma_start3A_157 = arith.constant 0 : i32
      %dma_start3A_158 = tpu.memref_slice %arg3[%mul3A_154, %dma_start3A_157] : memref<250000x128xf32, #tpu.memory_space<hbm>> -> memref<32x128xf32, #tpu.memory_space<hbm>>
      tpu.enqueue_dma source(%arg7 : memref<32x128xf32, #tpu.memory_space<vmem>>) target(%dma_start3A_158 : memref<32x128xf32, #tpu.memory_space<hbm>>) target_semaphore(%arg11 : memref<!tpu.dma_semaphore, #tpu.memory_space<semaphore_mem>>)
    } else {
    }
    %scan3A = arith.constant 0 : i32
    %scan3A_125 = arith.constant 1 : i32
    %scan3A_126 = arith.constant 122 : i32
    %scan3A_127 = arith.addi %scan3A_125, %scan3A_126 : i32
    %scan3A_128 = arith.constant 1 : i32
    scf.for %scan3A_141 = %scan3A_125 to %scan3A_127 step %scan3A_128  : i32 {
      %mul3A_142 = arith.constant 2 : i32
      %mul3A_143 = arith.muli %mul3A_142, %scan3A_141 : i32
      %mul3A_144 = arith.constant 32 : i32
      %mul3A_145 = arith.muli %mul3A_143, %mul3A_144 : i32
      %add3A_146 = arith.addi %add3A, %mul3A_145 : i32
      %add3A_147 = arith.constant 32 : i32
      %add3A_148 = arith.addi %add3A_146, %add3A_147 : i32
      %lt3A_149 = arith.constant 7812 : i32
      %lt3A_150 = arith.cmpi slt, %add3A_148, %lt3A_149 : i32
      %convert_element_type3A_151 = arith.extui %lt3A_150 : i1 to i32
      %cond3A_152 = arith.constant 0 : i32
      %cond3A_153 = arith.cmpi ne, %convert_element_type3A_151, %cond3A_152 : i32
      scf.if %cond3A_153 {
        %mul3A_178 = arith.constant 128 : i32
        %mul3A_179 = arith.muli %add3A_148, %mul3A_178 : i32
        %dma_start3A_180 = arith.constant 0 : i32
        %dma_start3A_181 = tpu.memref_slice %arg2[%dma_start3A_180, %mul3A_179] : memref<32x1000000xf32, #tpu.memory_space<hbm>> -> memref<32x128xf32, #tpu.memory_space<hbm>>
        %dma_start3A_182 = arith.constant 0 : i32
        %dma_start3A_183 = tpu.memref_slice %arg2[%dma_start3A_182, %mul3A_179] : memref<32x1000000xf32, #tpu.memory_space<hbm>> -> memref<32x128xf32, #tpu.memory_space<hbm>>
        tpu.enqueue_dma source(%dma_start3A_183 : memref<32x128xf32, #tpu.memory_space<hbm>>) target(%arg5 : memref<32x128xf32, #tpu.memory_space<vmem>>) target_semaphore(%arg9 : memref<!tpu.dma_semaphore, #tpu.memory_space<semaphore_mem>>)
      } else {
      }
      %lt3A_154 = arith.constant 7812 : i32
      %lt3A_155 = arith.cmpi slt, %add3A_146, %lt3A_154 : i32
      %convert_element_type3A_156 = arith.extui %lt3A_155 : i1 to i32
      %cond3A_157 = arith.constant 0 : i32
      %cond3A_158 = arith.cmpi ne, %convert_element_type3A_156, %cond3A_157 : i32
      scf.if %cond3A_158 {
        %dma_wait3A_178 = arith.constant 0 : i32
        %dma_wait3A_179 = arith.constant 0 : i32
        %dma_wait3A_180 = tpu.memref_slice %arg2[%dma_wait3A_178, %dma_wait3A_179] : memref<32x1000000xf32, #tpu.memory_space<hbm>> -> memref<32x128xf32, #tpu.memory_space<hbm>>
        %dma_wait3A_181 = arith.constant 0 : i32
        %dma_wait3A_182 = arith.constant 0 : i32
        %dma_wait3A_183 = tpu.memref_slice %arg2[%dma_wait3A_181, %dma_wait3A_182] : memref<32x1000000xf32, #tpu.memory_space<hbm>> -> memref<32x128xf32, #tpu.memory_space<hbm>>
        tpu.wait_dma2 semaphore(%arg8 : memref<!tpu.dma_semaphore, #tpu.memory_space<semaphore_mem>>) src(%dma_wait3A_183 : memref<32x128xf32, #tpu.memory_space<hbm>>) dst(%arg4 : memref<32x128xf32, #tpu.memory_space<vmem>>)
        %dma_wait3A_184 = arith.constant 0 : i32
        %dma_wait3A_185 = arith.constant 0 : i32
        %dma_wait3A_186 = tpu.memref_slice %arg3[%dma_wait3A_184, %dma_wait3A_185] : memref<250000x128xf32, #tpu.memory_space<hbm>> -> memref<32x128xf32, #tpu.memory_space<hbm>>
        %dma_wait3A_187 = arith.constant 0 : i32
        %dma_wait3A_188 = arith.constant 0 : i32
        %dma_wait3A_189 = tpu.memref_slice %arg3[%dma_wait3A_187, %dma_wait3A_188] : memref<250000x128xf32, #tpu.memory_space<hbm>> -> memref<32x128xf32, #tpu.memory_space<hbm>>
        tpu.wait_dma2 semaphore(%arg10 : memref<!tpu.dma_semaphore, #tpu.memory_space<semaphore_mem>>) src(%arg6 : memref<32x128xf32, #tpu.memory_space<vmem>>) dst(%dma_wait3A_189 : memref<32x128xf32, #tpu.memory_space<hbm>>)
        %scan3A_190 = arith.constant 0 : i32
        %scan3A_191 = arith.constant 0 : i32
        %scan3A_192 = arith.constant 32 : i32
        %scan3A_193 = arith.addi %scan3A_191, %scan3A_192 : i32
        %scan3A_194 = arith.constant 4 : i32
        scf.for %scan3A_202 = %scan3A_191 to %scan3A_193 step %scan3A_194  : i32 {
          %add3A_203 = vector.broadcast %scan3A_202 : i32 to vector<16xi32>
          %add3A_204 = arith.addi %add3A_203, %iota3A : vector<16xi32>
          %and3A_205 = arith.constant 31 : i32
          %and3A_206 = vector.broadcast %and3A_205 : i32 to vector<16xi32>
          %and3A_207 = arith.andi %add3A_204, %and3A_206 : vector<16xi32>
          %gather3A = tpu.vector_load_idx %arg4[%and3A_207, %add3A_3] : memref<32x128xf32, #tpu.memory_space<vmem>>[vector<16xi32>, vector<16xi32>], vector<16xf32>,
          %add3A_208 = arith.addi %mul3A_52, %and3A_207 : vector<16xi32>
          tpu.vector_store_idx %arg6[%shift_right_logical3A_26, %add3A_208], %gather3A : memref<32x128xf32, #tpu.memory_space<vmem>>[vector<16xi32>, vector<16xi32>], vector<16xf32>,
          %gather3A_209 = tpu.vector_load_idx %arg4[%and3A_207, %add3A_6] : memref<32x128xf32, #tpu.memory_space<vmem>>[vector<16xi32>, vector<16xi32>], vector<16xf32>,
          %add3A_210 = arith.addi %mul3A_58, %and3A_207 : vector<16xi32>
          tpu.vector_store_idx %arg6[%shift_right_logical3A_29, %add3A_210], %gather3A_209 : memref<32x128xf32, #tpu.memory_space<vmem>>[vector<16xi32>, vector<16xi32>], vector<16xf32>,
          %gather3A_211 = tpu.vector_load_idx %arg4[%and3A_207, %add3A_9] : memref<32x128xf32, #tpu.memory_space<vmem>>[vector<16xi32>, vector<16xi32>], vector<16xf32>,
          %add3A_212 = arith.addi %mul3A_64, %and3A_207 : vector<16xi32>
          tpu.vector_store_idx %arg6[%shift_right_logical3A_32, %add3A_212], %gather3A_211 : memref<32x128xf32, #tpu.memory_space<vmem>>[vector<16xi32>, vector<16xi32>], vector<16xf32>,
          %gather3A_213 = tpu.vector_load_idx %arg4[%and3A_207, %add3A_12] : memref<32x128xf32, #tpu.memory_space<vmem>>[vector<16xi32>, vector<16xi32>], vector<16xf32>,
          %add3A_214 = arith.addi %mul3A_70, %and3A_207 : vector<16xi32>
          tpu.vector_store_idx %arg6[%shift_right_logical3A_35, %add3A_214], %gather3A_213 : memref<32x128xf32, #tpu.memory_space<vmem>>[vector<16xi32>, vector<16xi32>], vector<16xf32>,
          %gather3A_215 = tpu.vector_load_idx %arg4[%and3A_207, %add3A_15] : memref<32x128xf32, #tpu.memory_space<vmem>>[vector<16xi32>, vector<16xi32>], vector<16xf32>,
          %add3A_216 = arith.addi %mul3A_76, %and3A_207 : vector<16xi32>
          tpu.vector_store_idx %arg6[%shift_right_logical3A_38, %add3A_216], %gather3A_215 : memref<32x128xf32, #tpu.memory_space<vmem>>[vector<16xi32>, vector<16xi32>], vector<16xf32>,
          %gather3A_217 = tpu.vector_load_idx %arg4[%and3A_207, %add3A_18] : memref<32x128xf32, #tpu.memory_space<vmem>>[vector<16xi32>, vector<16xi32>], vector<16xf32>,
          %add3A_218 = arith.addi %mul3A_82, %and3A_207 : vector<16xi32>
          tpu.vector_store_idx %arg6[%shift_right_logical3A_41, %add3A_218], %gather3A_217 : memref<32x128xf32, #tpu.memory_space<vmem>>[vector<16xi32>, vector<16xi32>], vector<16xf32>,
          %gather3A_219 = tpu.vector_load_idx %arg4[%and3A_207, %add3A_21] : memref<32x128xf32, #tpu.memory_space<vmem>>[vector<16xi32>, vector<16xi32>], vector<16xf32>,
          %add3A_220 = arith.addi %mul3A_88, %and3A_207 : vector<16xi32>
          tpu.vector_store_idx %arg6[%shift_right_logical3A_44, %add3A_220], %gather3A_219 : memref<32x128xf32, #tpu.memory_space<vmem>>[vector<16xi32>, vector<16xi32>], vector<16xf32>,
          %gather3A_221 = tpu.vector_load_idx %arg4[%and3A_207, %add3A_24] : memref<32x128xf32, #tpu.memory_space<vmem>>[vector<16xi32>, vector<16xi32>], vector<16xf32>,
          %add3A_222 = arith.addi %mul3A_94, %and3A_207 : vector<16xi32>
          tpu.vector_store_idx %arg6[%shift_right_logical3A_47, %add3A_222], %gather3A_221 : memref<32x128xf32, #tpu.memory_space<vmem>>[vector<16xi32>, vector<16xi32>], vector<16xf32>,
          %scan3A_223 = arith.constant 1 : i32
          %scan3A_224 = arith.addi %scan3A_202, %scan3A_223 : i32
          %add3A_225 = vector.broadcast %scan3A_224 : i32 to vector<16xi32>
          %add3A_226 = arith.addi %add3A_225, %iota3A : vector<16xi32>
          %and3A_227 = arith.constant 31 : i32
          %and3A_228 = vector.broadcast %and3A_227 : i32 to vector<16xi32>
          %and3A_229 = arith.andi %add3A_226, %and3A_228 : vector<16xi32>
          %gather3A_230 = tpu.vector_load_idx %arg4[%and3A_229, %add3A_3] : memref<32x128xf32, #tpu.memory_space<vmem>>[vector<16xi32>, vector<16xi32>], vector<16xf32>,
          %add3A_231 = arith.addi %mul3A_52, %and3A_229 : vector<16xi32>
          tpu.vector_store_idx %arg6[%shift_right_logical3A_26, %add3A_231], %gather3A_230 : memref<32x128xf32, #tpu.memory_space<vmem>>[vector<16xi32>, vector<16xi32>], vector<16xf32>,
          %gather3A_232 = tpu.vector_load_idx %arg4[%and3A_229, %add3A_6] : memref<32x128xf32, #tpu.memory_space<vmem>>[vector<16xi32>, vector<16xi32>], vector<16xf32>,
          %add3A_233 = arith.addi %mul3A_58, %and3A_229 : vector<16xi32>
          tpu.vector_store_idx %arg6[%shift_right_logical3A_29, %add3A_233], %gather3A_232 : memref<32x128xf32, #tpu.memory_space<vmem>>[vector<16xi32>, vector<16xi32>], vector<16xf32>,
          %gather3A_234 = tpu.vector_load_idx %arg4[%and3A_229, %add3A_9] : memref<32x128xf32, #tpu.memory_space<vmem>>[vector<16xi32>, vector<16xi32>], vector<16xf32>,
          %add3A_235 = arith.addi %mul3A_64, %and3A_229 : vector<16xi32>
          tpu.vector_store_idx %arg6[%shift_right_logical3A_32, %add3A_235], %gather3A_234 : memref<32x128xf32, #tpu.memory_space<vmem>>[vector<16xi32>, vector<16xi32>], vector<16xf32>,
          %gather3A_236 = tpu.vector_load_idx %arg4[%and3A_229, %add3A_12] : memref<32x128xf32, #tpu.memory_space<vmem>>[vector<16xi32>, vector<16xi32>], vector<16xf32>,
          %add3A_237 = arith.addi %mul3A_70, %and3A_229 : vector<16xi32>
          tpu.vector_store_idx %arg6[%shift_right_logical3A_35, %add3A_237], %gather3A_236 : memref<32x128xf32, #tpu.memory_space<vmem>>[vector<16xi32>, vector<16xi32>], vector<16xf32>,
          %gather3A_238 = tpu.vector_load_idx %arg4[%and3A_229, %add3A_15] : memref<32x128xf32, #tpu.memory_space<vmem>>[vector<16xi32>, vector<16xi32>], vector<16xf32>,
          %add3A_239 = arith.addi %mul3A_76, %and3A_229 : vector<16xi32>
          tpu.vector_store_idx %arg6[%shift_right_logical3A_38, %add3A_239], %gather3A_238 : memref<32x128xf32, #tpu.memory_space<vmem>>[vector<16xi32>, vector<16xi32>], vector<16xf32>,
          %gather3A_240 = tpu.vector_load_idx %arg4[%and3A_229, %add3A_18] : memref<32x128xf32, #tpu.memory_space<vmem>>[vector<16xi32>, vector<16xi32>], vector<16xf32>,
          %add3A_241 = arith.addi %mul3A_82, %and3A_229 : vector<16xi32>
          tpu.vector_store_idx %arg6[%shift_right_logical3A_41, %add3A_241], %gather3A_240 : memref<32x128xf32, #tpu.memory_space<vmem>>[vector<16xi32>, vector<16xi32>], vector<16xf32>,
          %gather3A_242 = tpu.vector_load_idx %arg4[%and3A_229, %add3A_21] : memref<32x128xf32, #tpu.memory_space<vmem>>[vector<16xi32>, vector<16xi32>], vector<16xf32>,
          %add3A_243 = arith.addi %mul3A_88, %and3A_229 : vector<16xi32>
          tpu.vector_store_idx %arg6[%shift_right_logical3A_44, %add3A_243], %gather3A_242 : memref<32x128xf32, #tpu.memory_space<vmem>>[vector<16xi32>, vector<16xi32>], vector<16xf32>,
          %gather3A_244 = tpu.vector_load_idx %arg4[%and3A_229, %add3A_24] : memref<32x128xf32, #tpu.memory_space<vmem>>[vector<16xi32>, vector<16xi32>], vector<16xf32>,
          %add3A_245 = arith.addi %mul3A_94, %and3A_229 : vector<16xi32>
          tpu.vector_store_idx %arg6[%shift_right_logical3A_47, %add3A_245], %gather3A_244 : memref<32x128xf32, #tpu.memory_space<vmem>>[vector<16xi32>, vector<16xi32>], vector<16xf32>,
          %scan3A_246 = arith.constant 2 : i32
          %scan3A_247 = arith.addi %scan3A_202, %scan3A_246 : i32
          %add3A_248 = vector.broadcast %scan3A_247 : i32 to vector<16xi32>
          %add3A_249 = arith.addi %add3A_248, %iota3A : vector<16xi32>
          %and3A_250 = arith.constant 31 : i32
          %and3A_251 = vector.broadcast %and3A_250 : i32 to vector<16xi32>
          %and3A_252 = arith.andi %add3A_249, %and3A_251 : vector<16xi32>
          %gather3A_253 = tpu.vector_load_idx %arg4[%and3A_252, %add3A_3] : memref<32x128xf32, #tpu.memory_space<vmem>>[vector<16xi32>, vector<16xi32>], vector<16xf32>,
          %add3A_254 = arith.addi %mul3A_52, %and3A_252 : vector<16xi32>
          tpu.vector_store_idx %arg6[%shift_right_logical3A_26, %add3A_254], %gather3A_253 : memref<32x128xf32, #tpu.memory_space<vmem>>[vector<16xi32>, vector<16xi32>], vector<16xf32>,
          %gather3A_255 = tpu.vector_load_idx %arg4[%and3A_252, %add3A_6] : memref<32x128xf32, #tpu.memory_space<vmem>>[vector<16xi32>, vector<16xi32>], vector<16xf32>,
          %add3A_256 = arith.addi %mul3A_58, %and3A_252 : vector<16xi32>
          tpu.vector_store_idx %arg6[%shift_right_logical3A_29, %add3A_256], %gather3A_255 : memref<32x128xf32, #tpu.memory_space<vmem>>[vector<16xi32>, vector<16xi32>], vector<16xf32>,
          %gather3A_257 = tpu.vector_load_idx %arg4[%and3A_252, %add3A_9] : memref<32x128xf32, #tpu.memory_space<vmem>>[vector<16xi32>, vector<16xi32>], vector<16xf32>,
          %add3A_258 = arith.addi %mul3A_64, %and3A_252 : vector<16xi32>
          tpu.vector_store_idx %arg6[%shift_right_logical3A_32, %add3A_258], %gather3A_257 : memref<32x128xf32, #tpu.memory_space<vmem>>[vector<16xi32>, vector<16xi32>], vector<16xf32>,
          %gather3A_259 = tpu.vector_load_idx %arg4[%and3A_252, %add3A_12] : memref<32x128xf32, #tpu.memory_space<vmem>>[vector<16xi32>, vector<16xi32>], vector<16xf32>,
          %add3A_260 = arith.addi %mul3A_70, %and3A_252 : vector<16xi32>
          tpu.vector_store_idx %arg6[%shift_right_logical3A_35, %add3A_260], %gather3A_259 : memref<32x128xf32, #tpu.memory_space<vmem>>[vector<16xi32>, vector<16xi32>], vector<16xf32>,
          %gather3A_261 = tpu.vector_load_idx %arg4[%and3A_252, %add3A_15] : memref<32x128xf32, #tpu.memory_space<vmem>>[vector<16xi32>, vector<16xi32>], vector<16xf32>,
          %add3A_262 = arith.addi %mul3A_76, %and3A_252 : vector<16xi32>
          tpu.vector_store_idx %arg6[%shift_right_logical3A_38, %add3A_262], %gather3A_261 : memref<32x128xf32, #tpu.memory_space<vmem>>[vector<16xi32>, vector<16xi32>], vector<16xf32>,
          %gather3A_263 = tpu.vector_load_idx %arg4[%and3A_252, %add3A_18] : memref<32x128xf32, #tpu.memory_space<vmem>>[vector<16xi32>, vector<16xi32>], vector<16xf32>,
          %add3A_264 = arith.addi %mul3A_82, %and3A_252 : vector<16xi32>
          tpu.vector_store_idx %arg6[%shift_right_logical3A_41, %add3A_264], %gather3A_263 : memref<32x128xf32, #tpu.memory_space<vmem>>[vector<16xi32>, vector<16xi32>], vector<16xf32>,
          %gather3A_265 = tpu.vector_load_idx %arg4[%and3A_252, %add3A_21] : memref<32x128xf32, #tpu.memory_space<vmem>>[vector<16xi32>, vector<16xi32>], vector<16xf32>,
          %add3A_266 = arith.addi %mul3A_88, %and3A_252 : vector<16xi32>
          tpu.vector_store_idx %arg6[%shift_right_logical3A_44, %add3A_266], %gather3A_265 : memref<32x128xf32, #tpu.memory_space<vmem>>[vector<16xi32>, vector<16xi32>], vector<16xf32>,
          %gather3A_267 = tpu.vector_load_idx %arg4[%and3A_252, %add3A_24] : memref<32x128xf32, #tpu.memory_space<vmem>>[vector<16xi32>, vector<16xi32>], vector<16xf32>,
          %add3A_268 = arith.addi %mul3A_94, %and3A_252 : vector<16xi32>
          tpu.vector_store_idx %arg6[%shift_right_logical3A_47, %add3A_268], %gather3A_267 : memref<32x128xf32, #tpu.memory_space<vmem>>[vector<16xi32>, vector<16xi32>], vector<16xf32>,
          %scan3A_269 = arith.constant 3 : i32
          %scan3A_270 = arith.addi %scan3A_202, %scan3A_269 : i32
          %add3A_271 = vector.broadcast %scan3A_270 : i32 to vector<16xi32>
          %add3A_272 = arith.addi %add3A_271, %iota3A : vector<16xi32>
          %and3A_273 = arith.constant 31 : i32
          %and3A_274 = vector.broadcast %and3A_273 : i32 to vector<16xi32>
          %and3A_275 = arith.andi %add3A_272, %and3A_274 : vector<16xi32>
          %gather3A_276 = tpu.vector_load_idx %arg4[%and3A_275, %add3A_3] : memref<32x128xf32, #tpu.memory_space<vmem>>[vector<16xi32>, vector<16xi32>], vector<16xf32>,
          %add3A_277 = arith.addi %mul3A_52, %and3A_275 : vector<16xi32>
          tpu.vector_store_idx %arg6[%shift_right_logical3A_26, %add3A_277], %gather3A_276 : memref<32x128xf32, #tpu.memory_space<vmem>>[vector<16xi32>, vector<16xi32>], vector<16xf32>,
          %gather3A_278 = tpu.vector_load_idx %arg4[%and3A_275, %add3A_6] : memref<32x128xf32, #tpu.memory_space<vmem>>[vector<16xi32>, vector<16xi32>], vector<16xf32>,
          %add3A_279 = arith.addi %mul3A_58, %and3A_275 : vector<16xi32>
          tpu.vector_store_idx %arg6[%shift_right_logical3A_29, %add3A_279], %gather3A_278 : memref<32x128xf32, #tpu.memory_space<vmem>>[vector<16xi32>, vector<16xi32>], vector<16xf32>,
          %gather3A_280 = tpu.vector_load_idx %arg4[%and3A_275, %add3A_9] : memref<32x128xf32, #tpu.memory_space<vmem>>[vector<16xi32>, vector<16xi32>], vector<16xf32>,
          %add3A_281 = arith.addi %mul3A_64, %and3A_275 : vector<16xi32>
          tpu.vector_store_idx %arg6[%shift_right_logical3A_32, %add3A_281], %gather3A_280 : memref<32x128xf32, #tpu.memory_space<vmem>>[vector<16xi32>, vector<16xi32>], vector<16xf32>,
          %gather3A_282 = tpu.vector_load_idx %arg4[%and3A_275, %add3A_12] : memref<32x128xf32, #tpu.memory_space<vmem>>[vector<16xi32>, vector<16xi32>], vector<16xf32>,
          %add3A_283 = arith.addi %mul3A_70, %and3A_275 : vector<16xi32>
          tpu.vector_store_idx %arg6[%shift_right_logical3A_35, %add3A_283], %gather3A_282 : memref<32x128xf32, #tpu.memory_space<vmem>>[vector<16xi32>, vector<16xi32>], vector<16xf32>,
          %gather3A_284 = tpu.vector_load_idx %arg4[%and3A_275, %add3A_15] : memref<32x128xf32, #tpu.memory_space<vmem>>[vector<16xi32>, vector<16xi32>], vector<16xf32>,
          %add3A_285 = arith.addi %mul3A_76, %and3A_275 : vector<16xi32>
          tpu.vector_store_idx %arg6[%shift_right_logical3A_38, %add3A_285], %gather3A_284 : memref<32x128xf32, #tpu.memory_space<vmem>>[vector<16xi32>, vector<16xi32>], vector<16xf32>,
          %gather3A_286 = tpu.vector_load_idx %arg4[%and3A_275, %add3A_18] : memref<32x128xf32, #tpu.memory_space<vmem>>[vector<16xi32>, vector<16xi32>], vector<16xf32>,
          %add3A_287 = arith.addi %mul3A_82, %and3A_275 : vector<16xi32>
          tpu.vector_store_idx %arg6[%shift_right_logical3A_41, %add3A_287], %gather3A_286 : memref<32x128xf32, #tpu.memory_space<vmem>>[vector<16xi32>, vector<16xi32>], vector<16xf32>,
          %gather3A_288 = tpu.vector_load_idx %arg4[%and3A_275, %add3A_21] : memref<32x128xf32, #tpu.memory_space<vmem>>[vector<16xi32>, vector<16xi32>], vector<16xf32>,
          %add3A_289 = arith.addi %mul3A_88, %and3A_275 : vector<16xi32>
          tpu.vector_store_idx %arg6[%shift_right_logical3A_44, %add3A_289], %gather3A_288 : memref<32x128xf32, #tpu.memory_space<vmem>>[vector<16xi32>, vector<16xi32>], vector<16xf32>,
          %gather3A_290 = tpu.vector_load_idx %arg4[%and3A_275, %add3A_24] : memref<32x128xf32, #tpu.memory_space<vmem>>[vector<16xi32>, vector<16xi32>], vector<16xf32>,
          %add3A_291 = arith.addi %mul3A_94, %and3A_275 : vector<16xi32>
          tpu.vector_store_idx %arg6[%shift_right_logical3A_47, %add3A_291], %gather3A_290 : memref<32x128xf32, #tpu.memory_space<vmem>>[vector<16xi32>, vector<16xi32>], vector<16xf32>,
        }
        %scan3A_195 = arith.constant 32 : i32
        %mul3A_196 = arith.constant 32 : i32
        %mul3A_197 = arith.muli %add3A_146, %mul3A_196 : i32
        %dma_start3A_198 = arith.constant 0 : i32
        %dma_start3A_199 = tpu.memref_slice %arg3[%mul3A_197, %dma_start3A_198] : memref<250000x128xf32, #tpu.memory_space<hbm>> -> memref<32x128xf32, #tpu.memory_space<hbm>>
        %dma_start3A_200 = arith.constant 0 : i32
        %dma_start3A_201 = tpu.memref_slice %arg3[%mul3A_197, %dma_start3A_200] : memref<250000x128xf32, #tpu.memory_space<hbm>> -> memref<32x128xf32, #tpu.memory_space<hbm>>
        tpu.enqueue_dma source(%arg6 : memref<32x128xf32, #tpu.memory_space<vmem>>) target(%dma_start3A_201 : memref<32x128xf32, #tpu.memory_space<hbm>>) target_semaphore(%arg10 : memref<!tpu.dma_semaphore, #tpu.memory_space<semaphore_mem>>)
      } else {
      }
      %mul3A_159 = arith.constant 2 : i32
      %mul3A_160 = arith.muli %mul3A_159, %scan3A_141 : i32
      %add3A_161 = arith.constant 1 : i32
      %add3A_162 = arith.addi %mul3A_160, %add3A_161 : i32
      %mul3A_163 = arith.constant 32 : i32
      %mul3A_164 = arith.muli %add3A_162, %mul3A_163 : i32
      %add3A_165 = arith.addi %add3A, %mul3A_164 : i32
      %add3A_166 = arith.constant 32 : i32
      %add3A_167 = arith.addi %add3A_165, %add3A_166 : i32
      %lt3A_168 = arith.constant 7812 : i32
      %lt3A_169 = arith.cmpi slt, %add3A_167, %lt3A_168 : i32
      %convert_element_type3A_170 = arith.extui %lt3A_169 : i1 to i32
      %cond3A_171 = arith.constant 0 : i32
      %cond3A_172 = arith.cmpi ne, %convert_element_type3A_170, %cond3A_171 : i32
      scf.if %cond3A_172 {
        %mul3A_178 = arith.constant 128 : i32
        %mul3A_179 = arith.muli %add3A_167, %mul3A_178 : i32
        %dma_start3A_180 = arith.constant 0 : i32
        %dma_start3A_181 = tpu.memref_slice %arg2[%dma_start3A_180, %mul3A_179] : memref<32x1000000xf32, #tpu.memory_space<hbm>> -> memref<32x128xf32, #tpu.memory_space<hbm>>
        %dma_start3A_182 = arith.constant 0 : i32
        %dma_start3A_183 = tpu.memref_slice %arg2[%dma_start3A_182, %mul3A_179] : memref<32x1000000xf32, #tpu.memory_space<hbm>> -> memref<32x128xf32, #tpu.memory_space<hbm>>
        tpu.enqueue_dma source(%dma_start3A_183 : memref<32x128xf32, #tpu.memory_space<hbm>>) target(%arg4 : memref<32x128xf32, #tpu.memory_space<vmem>>) target_semaphore(%arg8 : memref<!tpu.dma_semaphore, #tpu.memory_space<semaphore_mem>>)
      } else {
      }
      %lt3A_173 = arith.constant 7812 : i32
      %lt3A_174 = arith.cmpi slt, %add3A_165, %lt3A_173 : i32
      %convert_element_type3A_175 = arith.extui %lt3A_174 : i1 to i32
      %cond3A_176 = arith.constant 0 : i32
      %cond3A_177 = arith.cmpi ne, %convert_element_type3A_175, %cond3A_176 : i32
      scf.if %cond3A_177 {
        %dma_wait3A_178 = arith.constant 0 : i32
        %dma_wait3A_179 = arith.constant 0 : i32
        %dma_wait3A_180 = tpu.memref_slice %arg2[%dma_wait3A_178, %dma_wait3A_179] : memref<32x1000000xf32, #tpu.memory_space<hbm>> -> memref<32x128xf32, #tpu.memory_space<hbm>>
        %dma_wait3A_181 = arith.constant 0 : i32
        %dma_wait3A_182 = arith.constant 0 : i32
        %dma_wait3A_183 = tpu.memref_slice %arg2[%dma_wait3A_181, %dma_wait3A_182] : memref<32x1000000xf32, #tpu.memory_space<hbm>> -> memref<32x128xf32, #tpu.memory_space<hbm>>
        tpu.wait_dma2 semaphore(%arg9 : memref<!tpu.dma_semaphore, #tpu.memory_space<semaphore_mem>>) src(%dma_wait3A_183 : memref<32x128xf32, #tpu.memory_space<hbm>>) dst(%arg5 : memref<32x128xf32, #tpu.memory_space<vmem>>)
        %dma_wait3A_184 = arith.constant 0 : i32
        %dma_wait3A_185 = arith.constant 0 : i32
        %dma_wait3A_186 = tpu.memref_slice %arg3[%dma_wait3A_184, %dma_wait3A_185] : memref<250000x128xf32, #tpu.memory_space<hbm>> -> memref<32x128xf32, #tpu.memory_space<hbm>>
        %dma_wait3A_187 = arith.constant 0 : i32
        %dma_wait3A_188 = arith.constant 0 : i32
        %dma_wait3A_189 = tpu.memref_slice %arg3[%dma_wait3A_187, %dma_wait3A_188] : memref<250000x128xf32, #tpu.memory_space<hbm>> -> memref<32x128xf32, #tpu.memory_space<hbm>>
        tpu.wait_dma2 semaphore(%arg11 : memref<!tpu.dma_semaphore, #tpu.memory_space<semaphore_mem>>) src(%arg7 : memref<32x128xf32, #tpu.memory_space<vmem>>) dst(%dma_wait3A_189 : memref<32x128xf32, #tpu.memory_space<hbm>>)
        %scan3A_190 = arith.constant 0 : i32
        %scan3A_191 = arith.constant 0 : i32
        %scan3A_192 = arith.constant 32 : i32
        %scan3A_193 = arith.addi %scan3A_191, %scan3A_192 : i32
        %scan3A_194 = arith.constant 4 : i32
        scf.for %scan3A_202 = %scan3A_191 to %scan3A_193 step %scan3A_194  : i32 {
          %add3A_203 = vector.broadcast %scan3A_202 : i32 to vector<16xi32>
          %add3A_204 = arith.addi %add3A_203, %iota3A : vector<16xi32>
          %and3A_205 = arith.constant 31 : i32
          %and3A_206 = vector.broadcast %and3A_205 : i32 to vector<16xi32>
          %and3A_207 = arith.andi %add3A_204, %and3A_206 : vector<16xi32>
          %gather3A = tpu.vector_load_idx %arg5[%and3A_207, %add3A_3] : memref<32x128xf32, #tpu.memory_space<vmem>>[vector<16xi32>, vector<16xi32>], vector<16xf32>,
          %add3A_208 = arith.addi %mul3A_52, %and3A_207 : vector<16xi32>
          tpu.vector_store_idx %arg7[%shift_right_logical3A_26, %add3A_208], %gather3A : memref<32x128xf32, #tpu.memory_space<vmem>>[vector<16xi32>, vector<16xi32>], vector<16xf32>,
          %gather3A_209 = tpu.vector_load_idx %arg5[%and3A_207, %add3A_6] : memref<32x128xf32, #tpu.memory_space<vmem>>[vector<16xi32>, vector<16xi32>], vector<16xf32>,
          %add3A_210 = arith.addi %mul3A_58, %and3A_207 : vector<16xi32>
          tpu.vector_store_idx %arg7[%shift_right_logical3A_29, %add3A_210], %gather3A_209 : memref<32x128xf32, #tpu.memory_space<vmem>>[vector<16xi32>, vector<16xi32>], vector<16xf32>,
          %gather3A_211 = tpu.vector_load_idx %arg5[%and3A_207, %add3A_9] : memref<32x128xf32, #tpu.memory_space<vmem>>[vector<16xi32>, vector<16xi32>], vector<16xf32>,
          %add3A_212 = arith.addi %mul3A_64, %and3A_207 : vector<16xi32>
          tpu.vector_store_idx %arg7[%shift_right_logical3A_32, %add3A_212], %gather3A_211 : memref<32x128xf32, #tpu.memory_space<vmem>>[vector<16xi32>, vector<16xi32>], vector<16xf32>,
          %gather3A_213 = tpu.vector_load_idx %arg5[%and3A_207, %add3A_12] : memref<32x128xf32, #tpu.memory_space<vmem>>[vector<16xi32>, vector<16xi32>], vector<16xf32>,
          %add3A_214 = arith.addi %mul3A_70, %and3A_207 : vector<16xi32>
          tpu.vector_store_idx %arg7[%shift_right_logical3A_35, %add3A_214], %gather3A_213 : memref<32x128xf32, #tpu.memory_space<vmem>>[vector<16xi32>, vector<16xi32>], vector<16xf32>,
          %gather3A_215 = tpu.vector_load_idx %arg5[%and3A_207, %add3A_15] : memref<32x128xf32, #tpu.memory_space<vmem>>[vector<16xi32>, vector<16xi32>], vector<16xf32>,
          %add3A_216 = arith.addi %mul3A_76, %and3A_207 : vector<16xi32>
          tpu.vector_store_idx %arg7[%shift_right_logical3A_38, %add3A_216], %gather3A_215 : memref<32x128xf32, #tpu.memory_space<vmem>>[vector<16xi32>, vector<16xi32>], vector<16xf32>,
          %gather3A_217 = tpu.vector_load_idx %arg5[%and3A_207, %add3A_18] : memref<32x128xf32, #tpu.memory_space<vmem>>[vector<16xi32>, vector<16xi32>], vector<16xf32>,
          %add3A_218 = arith.addi %mul3A_82, %and3A_207 : vector<16xi32>
          tpu.vector_store_idx %arg7[%shift_right_logical3A_41, %add3A_218], %gather3A_217 : memref<32x128xf32, #tpu.memory_space<vmem>>[vector<16xi32>, vector<16xi32>], vector<16xf32>,
          %gather3A_219 = tpu.vector_load_idx %arg5[%and3A_207, %add3A_21] : memref<32x128xf32, #tpu.memory_space<vmem>>[vector<16xi32>, vector<16xi32>], vector<16xf32>,
          %add3A_220 = arith.addi %mul3A_88, %and3A_207 : vector<16xi32>
          tpu.vector_store_idx %arg7[%shift_right_logical3A_44, %add3A_220], %gather3A_219 : memref<32x128xf32, #tpu.memory_space<vmem>>[vector<16xi32>, vector<16xi32>], vector<16xf32>,
          %gather3A_221 = tpu.vector_load_idx %arg5[%and3A_207, %add3A_24] : memref<32x128xf32, #tpu.memory_space<vmem>>[vector<16xi32>, vector<16xi32>], vector<16xf32>,
          %add3A_222 = arith.addi %mul3A_94, %and3A_207 : vector<16xi32>
          tpu.vector_store_idx %arg7[%shift_right_logical3A_47, %add3A_222], %gather3A_221 : memref<32x128xf32, #tpu.memory_space<vmem>>[vector<16xi32>, vector<16xi32>], vector<16xf32>,
          %scan3A_223 = arith.constant 1 : i32
          %scan3A_224 = arith.addi %scan3A_202, %scan3A_223 : i32
          %add3A_225 = vector.broadcast %scan3A_224 : i32 to vector<16xi32>
          %add3A_226 = arith.addi %add3A_225, %iota3A : vector<16xi32>
          %and3A_227 = arith.constant 31 : i32
          %and3A_228 = vector.broadcast %and3A_227 : i32 to vector<16xi32>
          %and3A_229 = arith.andi %add3A_226, %and3A_228 : vector<16xi32>
          %gather3A_230 = tpu.vector_load_idx %arg5[%and3A_229, %add3A_3] : memref<32x128xf32, #tpu.memory_space<vmem>>[vector<16xi32>, vector<16xi32>], vector<16xf32>,
          %add3A_231 = arith.addi %mul3A_52, %and3A_229 : vector<16xi32>
          tpu.vector_store_idx %arg7[%shift_right_logical3A_26, %add3A_231], %gather3A_230 : memref<32x128xf32, #tpu.memory_space<vmem>>[vector<16xi32>, vector<16xi32>], vector<16xf32>,
          %gather3A_232 = tpu.vector_load_idx %arg5[%and3A_229, %add3A_6] : memref<32x128xf32, #tpu.memory_space<vmem>>[vector<16xi32>, vector<16xi32>], vector<16xf32>,
          %add3A_233 = arith.addi %mul3A_58, %and3A_229 : vector<16xi32>
          tpu.vector_store_idx %arg7[%shift_right_logical3A_29, %add3A_233], %gather3A_232 : memref<32x128xf32, #tpu.memory_space<vmem>>[vector<16xi32>, vector<16xi32>], vector<16xf32>,
          %gather3A_234 = tpu.vector_load_idx %arg5[%and3A_229, %add3A_9] : memref<32x128xf32, #tpu.memory_space<vmem>>[vector<16xi32>, vector<16xi32>], vector<16xf32>,
          %add3A_235 = arith.addi %mul3A_64, %and3A_229 : vector<16xi32>
          tpu.vector_store_idx %arg7[%shift_right_logical3A_32, %add3A_235], %gather3A_234 : memref<32x128xf32, #tpu.memory_space<vmem>>[vector<16xi32>, vector<16xi32>], vector<16xf32>,
          %gather3A_236 = tpu.vector_load_idx %arg5[%and3A_229, %add3A_12] : memref<32x128xf32, #tpu.memory_space<vmem>>[vector<16xi32>, vector<16xi32>], vector<16xf32>,
          %add3A_237 = arith.addi %mul3A_70, %and3A_229 : vector<16xi32>
          tpu.vector_store_idx %arg7[%shift_right_logical3A_35, %add3A_237], %gather3A_236 : memref<32x128xf32, #tpu.memory_space<vmem>>[vector<16xi32>, vector<16xi32>], vector<16xf32>,
          %gather3A_238 = tpu.vector_load_idx %arg5[%and3A_229, %add3A_15] : memref<32x128xf32, #tpu.memory_space<vmem>>[vector<16xi32>, vector<16xi32>], vector<16xf32>,
          %add3A_239 = arith.addi %mul3A_76, %and3A_229 : vector<16xi32>
          tpu.vector_store_idx %arg7[%shift_right_logical3A_38, %add3A_239], %gather3A_238 : memref<32x128xf32, #tpu.memory_space<vmem>>[vector<16xi32>, vector<16xi32>], vector<16xf32>,
          %gather3A_240 = tpu.vector_load_idx %arg5[%and3A_229, %add3A_18] : memref<32x128xf32, #tpu.memory_space<vmem>>[vector<16xi32>, vector<16xi32>], vector<16xf32>,
          %add3A_241 = arith.addi %mul3A_82, %and3A_229 : vector<16xi32>
          tpu.vector_store_idx %arg7[%shift_right_logical3A_41, %add3A_241], %gather3A_240 : memref<32x128xf32, #tpu.memory_space<vmem>>[vector<16xi32>, vector<16xi32>], vector<16xf32>,
          %gather3A_242 = tpu.vector_load_idx %arg5[%and3A_229, %add3A_21] : memref<32x128xf32, #tpu.memory_space<vmem>>[vector<16xi32>, vector<16xi32>], vector<16xf32>,
          %add3A_243 = arith.addi %mul3A_88, %and3A_229 : vector<16xi32>
          tpu.vector_store_idx %arg7[%shift_right_logical3A_44, %add3A_243], %gather3A_242 : memref<32x128xf32, #tpu.memory_space<vmem>>[vector<16xi32>, vector<16xi32>], vector<16xf32>,
          %gather3A_244 = tpu.vector_load_idx %arg5[%and3A_229, %add3A_24] : memref<32x128xf32, #tpu.memory_space<vmem>>[vector<16xi32>, vector<16xi32>], vector<16xf32>,
          %add3A_245 = arith.addi %mul3A_94, %and3A_229 : vector<16xi32>
          tpu.vector_store_idx %arg7[%shift_right_logical3A_47, %add3A_245], %gather3A_244 : memref<32x128xf32, #tpu.memory_space<vmem>>[vector<16xi32>, vector<16xi32>], vector<16xf32>,
          %scan3A_246 = arith.constant 2 : i32
          %scan3A_247 = arith.addi %scan3A_202, %scan3A_246 : i32
          %add3A_248 = vector.broadcast %scan3A_247 : i32 to vector<16xi32>
          %add3A_249 = arith.addi %add3A_248, %iota3A : vector<16xi32>
          %and3A_250 = arith.constant 31 : i32
          %and3A_251 = vector.broadcast %and3A_250 : i32 to vector<16xi32>
          %and3A_252 = arith.andi %add3A_249, %and3A_251 : vector<16xi32>
          %gather3A_253 = tpu.vector_load_idx %arg5[%and3A_252, %add3A_3] : memref<32x128xf32, #tpu.memory_space<vmem>>[vector<16xi32>, vector<16xi32>], vector<16xf32>,
          %add3A_254 = arith.addi %mul3A_52, %and3A_252 : vector<16xi32>
          tpu.vector_store_idx %arg7[%shift_right_logical3A_26, %add3A_254], %gather3A_253 : memref<32x128xf32, #tpu.memory_space<vmem>>[vector<16xi32>, vector<16xi32>], vector<16xf32>,
          %gather3A_255 = tpu.vector_load_idx %arg5[%and3A_252, %add3A_6] : memref<32x128xf32, #tpu.memory_space<vmem>>[vector<16xi32>, vector<16xi32>], vector<16xf32>,
          %add3A_256 = arith.addi %mul3A_58, %and3A_252 : vector<16xi32>
          tpu.vector_store_idx %arg7[%shift_right_logical3A_29, %add3A_256], %gather3A_255 : memref<32x128xf32, #tpu.memory_space<vmem>>[vector<16xi32>, vector<16xi32>], vector<16xf32>,
          %gather3A_257 = tpu.vector_load_idx %arg5[%and3A_252, %add3A_9] : memref<32x128xf32, #tpu.memory_space<vmem>>[vector<16xi32>, vector<16xi32>], vector<16xf32>,
          %add3A_258 = arith.addi %mul3A_64, %and3A_252 : vector<16xi32>
          tpu.vector_store_idx %arg7[%shift_right_logical3A_32, %add3A_258], %gather3A_257 : memref<32x128xf32, #tpu.memory_space<vmem>>[vector<16xi32>, vector<16xi32>], vector<16xf32>,
          %gather3A_259 = tpu.vector_load_idx %arg5[%and3A_252, %add3A_12] : memref<32x128xf32, #tpu.memory_space<vmem>>[vector<16xi32>, vector<16xi32>], vector<16xf32>,
          %add3A_260 = arith.addi %mul3A_70, %and3A_252 : vector<16xi32>
          tpu.vector_store_idx %arg7[%shift_right_logical3A_35, %add3A_260], %gather3A_259 : memref<32x128xf32, #tpu.memory_space<vmem>>[vector<16xi32>, vector<16xi32>], vector<16xf32>,
          %gather3A_261 = tpu.vector_load_idx %arg5[%and3A_252, %add3A_15] : memref<32x128xf32, #tpu.memory_space<vmem>>[vector<16xi32>, vector<16xi32>], vector<16xf32>,
          %add3A_262 = arith.addi %mul3A_76, %and3A_252 : vector<16xi32>
          tpu.vector_store_idx %arg7[%shift_right_logical3A_38, %add3A_262], %gather3A_261 : memref<32x128xf32, #tpu.memory_space<vmem>>[vector<16xi32>, vector<16xi32>], vector<16xf32>,
          %gather3A_263 = tpu.vector_load_idx %arg5[%and3A_252, %add3A_18] : memref<32x128xf32, #tpu.memory_space<vmem>>[vector<16xi32>, vector<16xi32>], vector<16xf32>,
          %add3A_264 = arith.addi %mul3A_82, %and3A_252 : vector<16xi32>
          tpu.vector_store_idx %arg7[%shift_right_logical3A_41, %add3A_264], %gather3A_263 : memref<32x128xf32, #tpu.memory_space<vmem>>[vector<16xi32>, vector<16xi32>], vector<16xf32>,
          %gather3A_265 = tpu.vector_load_idx %arg5[%and3A_252, %add3A_21] : memref<32x128xf32, #tpu.memory_space<vmem>>[vector<16xi32>, vector<16xi32>], vector<16xf32>,
          %add3A_266 = arith.addi %mul3A_88, %and3A_252 : vector<16xi32>
          tpu.vector_store_idx %arg7[%shift_right_logical3A_44, %add3A_266], %gather3A_265 : memref<32x128xf32, #tpu.memory_space<vmem>>[vector<16xi32>, vector<16xi32>], vector<16xf32>,
          %gather3A_267 = tpu.vector_load_idx %arg5[%and3A_252, %add3A_24] : memref<32x128xf32, #tpu.memory_space<vmem>>[vector<16xi32>, vector<16xi32>], vector<16xf32>,
          %add3A_268 = arith.addi %mul3A_94, %and3A_252 : vector<16xi32>
          tpu.vector_store_idx %arg7[%shift_right_logical3A_47, %add3A_268], %gather3A_267 : memref<32x128xf32, #tpu.memory_space<vmem>>[vector<16xi32>, vector<16xi32>], vector<16xf32>,
          %scan3A_269 = arith.constant 3 : i32
          %scan3A_270 = arith.addi %scan3A_202, %scan3A_269 : i32
          %add3A_271 = vector.broadcast %scan3A_270 : i32 to vector<16xi32>
          %add3A_272 = arith.addi %add3A_271, %iota3A : vector<16xi32>
          %and3A_273 = arith.constant 31 : i32
          %and3A_274 = vector.broadcast %and3A_273 : i32 to vector<16xi32>
          %and3A_275 = arith.andi %add3A_272, %and3A_274 : vector<16xi32>
          %gather3A_276 = tpu.vector_load_idx %arg5[%and3A_275, %add3A_3] : memref<32x128xf32, #tpu.memory_space<vmem>>[vector<16xi32>, vector<16xi32>], vector<16xf32>,
          %add3A_277 = arith.addi %mul3A_52, %and3A_275 : vector<16xi32>
          tpu.vector_store_idx %arg7[%shift_right_logical3A_26, %add3A_277], %gather3A_276 : memref<32x128xf32, #tpu.memory_space<vmem>>[vector<16xi32>, vector<16xi32>], vector<16xf32>,
          %gather3A_278 = tpu.vector_load_idx %arg5[%and3A_275, %add3A_6] : memref<32x128xf32, #tpu.memory_space<vmem>>[vector<16xi32>, vector<16xi32>], vector<16xf32>,
          %add3A_279 = arith.addi %mul3A_58, %and3A_275 : vector<16xi32>
          tpu.vector_store_idx %arg7[%shift_right_logical3A_29, %add3A_279], %gather3A_278 : memref<32x128xf32, #tpu.memory_space<vmem>>[vector<16xi32>, vector<16xi32>], vector<16xf32>,
          %gather3A_280 = tpu.vector_load_idx %arg5[%and3A_275, %add3A_9] : memref<32x128xf32, #tpu.memory_space<vmem>>[vector<16xi32>, vector<16xi32>], vector<16xf32>,
          %add3A_281 = arith.addi %mul3A_64, %and3A_275 : vector<16xi32>
          tpu.vector_store_idx %arg7[%shift_right_logical3A_32, %add3A_281], %gather3A_280 : memref<32x128xf32, #tpu.memory_space<vmem>>[vector<16xi32>, vector<16xi32>], vector<16xf32>,
          %gather3A_282 = tpu.vector_load_idx %arg5[%and3A_275, %add3A_12] : memref<32x128xf32, #tpu.memory_space<vmem>>[vector<16xi32>, vector<16xi32>], vector<16xf32>,
          %add3A_283 = arith.addi %mul3A_70, %and3A_275 : vector<16xi32>
          tpu.vector_store_idx %arg7[%shift_right_logical3A_35, %add3A_283], %gather3A_282 : memref<32x128xf32, #tpu.memory_space<vmem>>[vector<16xi32>, vector<16xi32>], vector<16xf32>,
          %gather3A_284 = tpu.vector_load_idx %arg5[%and3A_275, %add3A_15] : memref<32x128xf32, #tpu.memory_space<vmem>>[vector<16xi32>, vector<16xi32>], vector<16xf32>,
          %add3A_285 = arith.addi %mul3A_76, %and3A_275 : vector<16xi32>
          tpu.vector_store_idx %arg7[%shift_right_logical3A_38, %add3A_285], %gather3A_284 : memref<32x128xf32, #tpu.memory_space<vmem>>[vector<16xi32>, vector<16xi32>], vector<16xf32>,
          %gather3A_286 = tpu.vector_load_idx %arg5[%and3A_275, %add3A_18] : memref<32x128xf32, #tpu.memory_space<vmem>>[vector<16xi32>, vector<16xi32>], vector<16xf32>,
          %add3A_287 = arith.addi %mul3A_82, %and3A_275 : vector<16xi32>
          tpu.vector_store_idx %arg7[%shift_right_logical3A_41, %add3A_287], %gather3A_286 : memref<32x128xf32, #tpu.memory_space<vmem>>[vector<16xi32>, vector<16xi32>], vector<16xf32>,
          %gather3A_288 = tpu.vector_load_idx %arg5[%and3A_275, %add3A_21] : memref<32x128xf32, #tpu.memory_space<vmem>>[vector<16xi32>, vector<16xi32>], vector<16xf32>,
          %add3A_289 = arith.addi %mul3A_88, %and3A_275 : vector<16xi32>
          tpu.vector_store_idx %arg7[%shift_right_logical3A_44, %add3A_289], %gather3A_288 : memref<32x128xf32, #tpu.memory_space<vmem>>[vector<16xi32>, vector<16xi32>], vector<16xf32>,
          %gather3A_290 = tpu.vector_load_idx %arg5[%and3A_275, %add3A_24] : memref<32x128xf32, #tpu.memory_space<vmem>>[vector<16xi32>, vector<16xi32>], vector<16xf32>,
          %add3A_291 = arith.addi %mul3A_94, %and3A_275 : vector<16xi32>
          tpu.vector_store_idx %arg7[%shift_right_logical3A_47, %add3A_291], %gather3A_290 : memref<32x128xf32, #tpu.memory_space<vmem>>[vector<16xi32>, vector<16xi32>], vector<16xf32>,
        }
        %scan3A_195 = arith.constant 32 : i32
        %mul3A_196 = arith.constant 32 : i32
        %mul3A_197 = arith.muli %add3A_165, %mul3A_196 : i32
        %dma_start3A_198 = arith.constant 0 : i32
        %dma_start3A_199 = tpu.memref_slice %arg3[%mul3A_197, %dma_start3A_198] : memref<250000x128xf32, #tpu.memory_space<hbm>> -> memref<32x128xf32, #tpu.memory_space<hbm>>
        %dma_start3A_200 = arith.constant 0 : i32
        %dma_start3A_201 = tpu.memref_slice %arg3[%mul3A_197, %dma_start3A_200] : memref<250000x128xf32, #tpu.memory_space<hbm>> -> memref<32x128xf32, #tpu.memory_space<hbm>>
        tpu.enqueue_dma source(%arg7 : memref<32x128xf32, #tpu.memory_space<vmem>>) target(%dma_start3A_201 : memref<32x128xf32, #tpu.memory_space<hbm>>) target_semaphore(%arg11 : memref<!tpu.dma_semaphore, #tpu.memory_space<semaphore_mem>>)
      } else {
      }
    }
    %scan3A_129 = arith.constant 122 : i32
    %dma_wait3A = arith.constant 0 : i32
    %dma_wait3A_130 = arith.constant 0 : i32
    %dma_wait3A_131 = tpu.memref_slice %arg3[%dma_wait3A, %dma_wait3A_130] : memref<250000x128xf32, #tpu.memory_space<hbm>> -> memref<32x128xf32, #tpu.memory_space<hbm>>
    %dma_wait3A_132 = arith.constant 0 : i32
    %dma_wait3A_133 = arith.constant 0 : i32
    %dma_wait3A_134 = tpu.memref_slice %arg3[%dma_wait3A_132, %dma_wait3A_133] : memref<250000x128xf32, #tpu.memory_space<hbm>> -> memref<32x128xf32, #tpu.memory_space<hbm>>
    tpu.wait_dma2 semaphore(%arg10 : memref<!tpu.dma_semaphore, #tpu.memory_space<semaphore_mem>>) src(%arg6 : memref<32x128xf32, #tpu.memory_space<vmem>>) dst(%dma_wait3A_134 : memref<32x128xf32, #tpu.memory_space<hbm>>)
    %dma_wait3A_135 = arith.constant 0 : i32
    %dma_wait3A_136 = arith.constant 0 : i32
    %dma_wait3A_137 = tpu.memref_slice %arg3[%dma_wait3A_135, %dma_wait3A_136] : memref<250000x128xf32, #tpu.memory_space<hbm>> -> memref<32x128xf32, #tpu.memory_space<hbm>>
    %dma_wait3A_138 = arith.constant 0 : i32
    %dma_wait3A_139 = arith.constant 0 : i32
    %dma_wait3A_140 = tpu.memref_slice %arg3[%dma_wait3A_138, %dma_wait3A_139] : memref<250000x128xf32, #tpu.memory_space<hbm>> -> memref<32x128xf32, #tpu.memory_space<hbm>>
    tpu.wait_dma2 semaphore(%arg11 : memref<!tpu.dma_semaphore, #tpu.memory_space<semaphore_mem>>) src(%arg7 : memref<32x128xf32, #tpu.memory_space<vmem>>) dst(%dma_wait3A_140 : memref<32x128xf32, #tpu.memory_space<hbm>>)
    return
  }
}

</mosaic_0001>

<sc_bundles>
// kernel: kernel.4.cloned.1.call-start
scs
__scs_entry_jumppad:
0x0: {  	(pc) =	sbr.rel $0x88, $3  }
0x1: {  	(tag) =	ssettag $0x0;
	lr =	simm.s32 $0x1  }
0x2: {  	[smem:$0x3F9F] =	sst lr;
	_ =	strace $0xD0000000  }
0x3: {  	_ = 	snop  }
0x4: {  	_ = 	snop  }
0x5: {  	_ = 	snop  }
0x6: {  	_ = 	snop  }
0x7: {  	_ = 	snop  }
__scs_overlays_trampoline_lowered:
0x8: {  	[smem:$0x3FAE] =	sst s0  }
0x9: {  	[smem:$0x3FAF] =	sst s1  }
0xa: {  	[smem:$0x3FB0] =	sst s2  }
0xb: {  	[smem:$0x3FB1] =	sst s3  }
0xc: {  	[smem:$0x3FB2] =	sst s4  }
0xd: {  	[smem:$0x3FB3] =	sst s5  }
0xe: {  	[smem:$0x3FB4] =	sst s6  }
0xf: {  	[smem:$0x3FB5] =	sst s7  }
0x10: {  	[smem:$0x3FB6] =	sst s8  }
0x11: {  	[smem:$0x3FB7] =	sst s9;
	s0 =	simm.s32 @!p0 $0x0  }
0x12: {  	s1 =	sld [smem:$0x3F9D];
	s0 =	simm.s32 @p0 $0x1  }
0x13: {  	[smem:$0x3FB8] =	sst s0;
	s0 =	simm.s32 @!p1 $0x0  }
0x14: {  	s2 =	sld [smem:$0x3F9C];
	s0 =	simm.s32 @p1 $0x1  }
0x15: {  	[smem:$0x3FB9] =	sst s0;
	s0 =	simm.s32 @!p2 $0x0  }
0x16: {  	s3 =	sld [smem:$0x3FDB];
	s0 =	simm.s32 @p2 $0x1  }
0x17: {  	s4 =	simm.s32 $0x1BF5;
	[smem:$0x3FBB] =	sst s0  }
0x18: {  	s0 =	sld [smem:$0x3F9E];
	_ =	swait.ge [sflag:s4], $0x0  }
0x19: {  	s7 =	sld [smem:$0x3F9F]  }
0x1a: {  	s8 =	sadd.s32 $0xFFFFE003, lr  }
0x1b: {  	s9 =	sadd.s32 $0xFFFFFEF7, lr;
	s5 =	simm.s32 $0xFFFFFFFF;
	p2 =	slt.u32 s8, $0xFFFFF086  }
0x1c: {  	p1 =	slt.u32 s9, $0xF7A;
	s5 =	simm.s32 @!p2 $0x0  }
0x1d: {  	s5 =	simm.s32 @p1 $0x1;
	p0 =	seq.s32 s7, s2  }
0x1e: {  	s7 =	smul.u32 @!p0 $0xF7A, s2;
	p2 =	seq.s32 @!p0 s5, $0x0  }
0x1f: {  	s9 =	smul.u32 $0xF7A, s1;
	s8 =	simm.s32 @!p0 $0x1BF5;
	p2 =	por !p2, p0  }
0x20: {  	[sflag:s8] =	ssyncset.s32 @!p0 $0xFFFFF086;
	s6 =	sadd.s32 @!p0 s3, s7;
	s7 =	simm.s32 @!p0 $0x108  }
0x21: {  	s3 =	sadd.s32 s3, s9;
	s6 =	sadd.s32 @!p0 $0x88, s6;
	s7 =	simm.s32 @p2 $0x1082  }
0x22: {  	[simem:s7], [sflag:s8] =	dma.local @!p0 [hbm:s6], $0xF7A  }
0x23: {  	s9 =	sor.u32 $0xD0000000, s2;
	s6 =	simm.s32 $0x108;
	_ =	swait.ge @!p0 [sflag:s8], $0x0  }
0x24: {  	s3 =	sadd.s32 $0x88, s3;
	s6 =	simm.s32 @!p1 $0x1082;
	[sflag:s4] =	ssyncset.s32 $0xFFFFF086  }
0x25: {  	[simem:s6], [sflag:s4] =	dma.local [hbm:s3], $0xF7A  }
0x26: {  	[smem:$0x3F9F] =	sst s1;
	(tag) =	ssettag s2;
	_ =	strace s9  }
0x27: {  	s1 =	sld [smem:$0x3FAF]  }
0x28: {  	s2 =	sld [smem:$0x3FB0]  }
0x29: {  	s4 =	sld [smem:$0x3FB2]  }
0x2a: {  	p0 =	seq.s32 s5, $0x0;
	s5 =	sld [smem:$0x3FB3]  }
0x2b: {  	s6 =	sld [smem:$0x3FB4]  }
0x2c: {  	s7 =	sld [smem:$0x3FB5]  }
0x2d: {  	s3 =	simm.s32 $0x108;
	s8 =	sld [smem:$0x3FB6]  }
0x2e: {  	s3 =	simm.s32 @!p0 $0x1082;
	s9 =	sld [smem:$0x3FB7]  }
0x2f: {  	lr =	sadd.s32 s0, s3;
	s0 =	sld [smem:$0x3FAE]  }
0x30: {  	s3 =	sld [smem:$0x3FB1]  }
0x31: {  	[smem:$0x3FBA] =	sst s10  }
0x32: {  	s10 =	sld [smem:$0x3FB8];
	_ =	sdelay $0x3  }
0x33: {  	p0 =	seq.s32 s10, $0x1;
	s10 =	sld [smem:$0x3FBA];
	_ =	sdelay $0x3  }
0x34: {  	[smem:$0x3FBA] =	sst s10  }
0x35: {  	s10 =	sld [smem:$0x3FB9];
	_ =	sdelay $0x3  }
0x36: {  	p1 =	seq.s32 s10, $0x1;
	s10 =	sld [smem:$0x3FBA];
	_ =	sdelay $0x3  }
0x37: {  	[smem:$0x3FBA] =	sst s10  }
0x38: {  	s10 =	sld [smem:$0x3FBB]  }
0x39: {  	_ = 	snop;
	(pc) =	sbr.ind lr, $3  }
0x3a: {  	_ = 	snop  }
0x3b: {  	_ = 	snop  }
0x3c: {  	p2 =	seq.s32 s10, $0x1;
	s10 =	sld [smem:$0x3FBA]  }
0x3d: {  	_ =	shalt  }
0x3e: {  	_ =	shalt  }
0x3f: {  	_ =	shalt  }
0x40: {  	_ =	shalt  }
0x41: {  	_ =	shalt  }
0x42: {  	_ =	shalt  }
0x43: {  	_ =	shalt  }
0x44: {  	_ =	shalt  }
0x45: {  	_ =	shalt  }
0x46: {  	_ =	shalt  }
0x47: {  	_ =	shalt  }
0x48: {  	_ =	shalt  }
0x49: {  	_ =	shalt  }
0x4a: {  	_ =	shalt  }
0x4b: {  	_ =	shalt  }
0x4c: {  	_ =	shalt  }
0x4d: {  	_ =	shalt  }
0x4e: {  	_ =	shalt  }
0x4f: {  	_ =	shalt  }
0x50: {  	_ =	shalt  }
0x51: {  	_ =	shalt  }
0x52: {  	_ =	shalt  }
0x53: {  	_ =	shalt  }
0x54: {  	_ =	shalt  }
0x55: {  	_ =	shalt  }
0x56: {  	_ =	shalt  }
0x57: {  	_ =	shalt  }
0x58: {  	_ =	shalt  }
0x59: {  	_ =	shalt  }
0x5a: {  	_ =	shalt  }
0x5b: {  	_ =	shalt  }
0x5c: {  	_ =	shalt  }
0x5d: {  	_ =	shalt  }
0x5e: {  	_ =	shalt  }
0x5f: {  	_ =	shalt  }
0x60: {  	_ =	shalt  }
0x61: {  	_ =	shalt  }
0x62: {  	_ =	shalt  }
0x63: {  	_ =	shalt  }
0x64: {  	_ =	shalt  }
0x65: {  	_ =	shalt  }
0x66: {  	_ =	shalt  }
0x67: {  	_ =	shalt  }
0x68: {  	_ =	shalt  }
0x69: {  	_ =	shalt  }
0x6a: {  	_ =	shalt  }
0x6b: {  	_ =	shalt  }
0x6c: {  	_ =	shalt  }
0x6d: {  	_ =	shalt  }
0x6e: {  	_ =	shalt  }
0x6f: {  	_ =	shalt  }
0x70: {  	_ =	shalt  }
0x71: {  	_ =	shalt  }
0x72: {  	_ =	shalt  }
0x73: {  	_ =	shalt  }
0x74: {  	_ =	shalt  }
0x75: {  	_ =	shalt  }
0x76: {  	_ =	shalt  }
0x77: {  	_ =	shalt  }
0x78: {  	_ =	shalt  }
0x79: {  	_ =	shalt  }
0x7a: {  	_ =	shalt  }
0x7b: {  	_ =	shalt  }
0x7c: {  	_ =	shalt  }
0x7d: {  	_ =	shalt  }
0x7e: {  	_ =	shalt  }
0x7f: {  	_ =	shalt  }
0x80: {  	_ =	shalt  }
0x81: {  	_ =	shalt  }
0x82: {  	_ =	shalt  }
0x83: {  	_ =	shalt  }
0x84: {  	_ =	shalt  }
0x85: {  	_ =	shalt  }
0x86: {  	_ =	shalt  }
0x87: {  	_ =	shalt  }
.Lfunc_end0:
.L_simem_size_0:
called_computation_lowered:
.L_overlay_start_0:
0x88: {  	s2 =	sld [smem:$0x3FD9]  }
0x89: {  	s3 =	sld [smem:$0x3FFE];
	_ =	sdelay $0x1  }
0x8a: {  	s1 =	srdreg.scid  }
0x8b: {  	s0 =	sand.u32 $0x1, s1  }
0x8c: {  	s17 =	sshll.u32 s0, $0xA;
	s2 =	sadd.s32 s3, s2  }
0x8d: {  	s2 =	sadd.s32 s2, s17  }
0x8e: {  	[smem:$0x3FC6] =	sst s2  }
0x8f: {  	_ = 	snop  }
0x90: {  	s2 =	sld [smem:$0x3FC8];
	(tm) =	ssettm $0x1  }
0x91: {  	s18 =	sld [smem:$0x3FFB];
	_ =	sdelay $0x3  }
0x92: {  	_ =	strace s18  }
0x93: {  	s3 =	sld [smem:$0x3FFC];
	_ =	sdelay $0x3  }
0x94: {  	_ =	strace s3  }
0x95: {  	s3 =	sld [smem:$0x3FFD];
	_ =	sdelay $0x3  }
0x96: {  	_ =	strace s3  }
0x97: {  	_ =	strace $0x8FFFFFFF  }
0x98: {  	s19 =	sld [smem:$0x3FDB];
	_ =	sdelay $0x1  }
0x99: {  	s4 =	simm.s32 $_scs_section_size  }
0x9a: {  	s5 =	simm.s32 $_size__tile_overlayer_lowered;
	s6 =	simm.s32 $_tile_overlayer_lowered  }
0x9b: {  	s22 =	simm.s32 $0x1BFF;
	s21 =	sshll.u32 s6, $0x1;
	s3 =	sadd.s32 s4, s19  }
0x9c: {  	s7 =	simm.s32 $0x0;
	s20 =	sshll.u32 s5, $0x1;
	s5 =	sadd.s32 s21, s3  }
0x9d: {  	[timem:s7], [sflag:s22] =	dma.local [hbm:s5], s20  }
0x9e: {  	_ =	swait.ge [sflag:s22], s20  }
0x9f: {  	s4 =	ssub.s32 $0x0, s20;
	[sflag:s22] =	ssyncset.done $0x0  }
0xa0: {  	[sflag:s22] =	ssyncadd.s32 s4;
	_ =	sdelay $0x1  }
0xa1: {  	s23 =	simm.s32 $0x1B8B  }
0xa2: {  	_ =	swait.ge [sflag:s23], $0x1  }
0xa3: {  	[sflag:s23] =	ssyncset.done $0x0  }
0xa4: {  	s25 =	simm.s32 $0x1B8E;
	s24 =	sld [smem:$0x3FFE];
	[sflag:s23] =	ssyncadd.s32 $0xFFFFFFFF  }
0xa5: {  	s26 =	simm.s32 $execute0_lowered;
	[smem:$0x3FD2] =	sst s25  }
0xa6: {  	s5 =	sshll.u32 s26, $0x1;
	_ =	strace $0x80000046;
	[dreg:$0x1] =	wrdreg $0xFFFFFFFF  }
0xa7: {  	s28 =	simm.s32 $_size_execute0_lowered;
	s3 =	sadd.s32 s3, s5;
	[dreg:$0x0] =	wrdreg $0x0  }
0xa8: {  	s5 =	sshll.u32 s28, $0x1;
	[dreg:$0x2] =	wrdreg s3  }
0xa9: {  	[dreg:$0x3] =	wrdreg s5  }
0xaa: {  	[dreg:$0x4] =	wrdreg $0xC0  }
0xab: {  	_ =	task [dreg:s7], $0x5FFFF  }
0xac: {  	[dreg:$0x1] =	wrdreg $0xFFFFFFFF  }
0xad: {  	[dreg:$0x0] =	wrdreg $0x60  }
0xae: {  	[dreg:$0x2] =	wrdreg s2  }
0xaf: {  	[dreg:$0x3] =	wrdreg s24  }
0xb0: {  	[dreg:$0x4] =	wrdreg $0x9  }
0xb1: {  	_ =	task.clear_ibuf [dreg:s7], $0x5FFFF;
	_ =	strace $0x90000046  }
0xb2: {  	s29 =	simm.s32 $0x9;
	_ =	strace $0x80000048  }
0xb3: {  	_ =	swait.ge [sflag:s29], $0x1  }
0xb4: {  	[sflag:s29] =	ssyncadd.s32 $0xFFFFFFFF  }
0xb5: {  	_ =	strace $0x90000048  }
0xb6: {  	_ =	sfence  }
0xb7: {  	s30 =	sld [smem:$0x0];
	_ =	sdelay $0x2  }
0xb8: {  	s31 =	sshll.u32 s1, $0xD;
	s1 =	sshrl.u32 s1, $0x2  }
0xb9: {  	s3 =	sand.u32 $0x4000, s31;
	s1 =	sadd.s32 s1, s30  }
0xba: {  	s0 =	sor.u32 s3, s0;
	s1 =	sshll.u32 s1, $0x11  }
0xbb: {  	s0 =	sor.u32 s1, s0  }
0xbc: {  	s0 =	sadd.s32 $0x8F2B, s0  }
0xbd: {  	[sflag:s0] =	ssyncadd.remote.s32 $0x1  }
0xbe: {  	_ =	sfence.sel $0xFFFF  }
0xbf: {  	[dreg:$0x0] =	wrdreg $0xFFFFFFFF;
	(pc) =	sbr.abs _section_cstart, $3  }
0xc0: {  	[dreg:$0x1] =	wrdreg $0xFFFFFFFF  }
0xc1: {  	_ =	task.clear_ibuf [dreg:s7], $0x2FFFF;
	_ =	strace $0x9FFFFFFF  }
0xc2: {  	(tm) =	ssettm $0x7FFFFFFF  }
0xc3: {  	_ =	shalt  }
tec
execute0_lowered:
.L_overlay_start_1:
0x0: {  	(tag) =	ssettag $0x1  }
0x1: {  	s1 =	rddreg [dreg:$0x0]  }
0x2: {  	s4 =	rddreg [dreg:$0x1]  }
0x3: {  	s0 =	rddreg [dreg:$0x2];
	s3 =	simm.s32 $0x0;
	s5 =	srdreg.scid  }
0x4: {  	s2 =	stileid.u32;
	s13 =	simm.s32 $0x400;
	s14 =	simm.s32 $0x7A1400  }
0x5: {  	s15 =	simm.s32 $0x1000;
	s16 =	simm.s32 $0x1;
	s17 =	simm.s32 $0x2000  }
0x6: {  	s18 =	simm.s32 $0x2;
	s19 =	simm.s32 $0x3000;
	s20 =	simm.s32 $0x3  }
0x7: {  	s21 =	simm.s32 $0x4;
	s22 =	simm.s32 $0x0;
	[smem:$0x7FF] =	sst s3  }
0x8: {  	s5 =	sand.u32 $0x1, s5;
	s6 =	sshll.u32 s2, $0x1;
	s4 =	sadd.s32 $0x800, s4  }
0x9: {  	v0 =	vlaneseq.u32;
	s11 =	sadd.s32 $0x1000, s1;
	_ =	strace $0x80000047;
	s7 =	ssub.s32 $0x2, s5  }
.Ltmp0:
0xa: {  	v1 =	vmul.u32 $0x20, v0;
	v2 =	vor.u32 $0x10, v0;
	v4 =	vor.u32 $0x20, v0;
	s5 =	sor.u32 s5, s6;
	s29 =	sshrl.u32 s7, $0x1;
	(pc) =	sbr.rel .LBB2_1-.Ltmp0, $4  }
0xb: {  	v6 =	vor.u32 $0x30, v0;
	v8 =	vor.u32 $0x40, v0;
	v10 =	vor.u32 $0x50, v0;
	s8 =	sshll.u32 s5, $0x7;
	s9 =	sor.u32 $0x20, s5;
	s31 =	sshll.u32 s5, $0x9  }
0xc: {  	v12 =	vor.u32 $0x60, v0;
	v14 =	vor.u32 $0x70, v0;
	v3 =	vor.u32 $0x200, v1;
	s12 =	ssub.s32 s7, s29;
	s6 =	sadd.s32 s1, s8;
	s30 =	sshll.u32 s9, $0x7  }
0xd: {  	v5 =	vor.u32 $0x400, v1;
	v7 =	vor.u32 $0x600, v1;
	v9 =	vor.u32 $0x800, v1;
	s10 =	sshll.u32 s9, $0x9;
	s8 =	sadd.s32 s4, s31;
	s7 =	sadd.s32 s1, s30  }
0xe: {  	v11 =	vor.u32 $0xA00, v1;
	v13 =	vor.u32 $0xC00, v1;
	v15 =	vor.u32 $0xE00, v1;
	s9 =	sadd.s32 $0x2000, s6;
	s10 =	sadd.s32 s4, s10;
	s12 =	smax.u32 s12, $0x1  }
.LBB2_16:
0xf: {  	s22 =	sadd.s32 $0x1, s22  }
0x10: {  	_ =	swait.ge [sflag:s20], $0x1000;
	p0 =	sne.s32 s22, s12  }
.Ltmp1:
0x11: {  	[sflag:s20] =	ssyncset.done $0x0;
	(pc) =	sbr.rel @!p0 .LBB2_17-.Ltmp1, $4  }
0x12: {  	[sflag:s20] =	ssyncadd.s32 $0xFFFFF000  }
0x13: {  	_ =	swait.ge [sflag:s21], $0x1000  }
0x14: {  	[sflag:s21] =	ssyncset.done $0x0  }
0x15: {  	[sflag:s21] =	ssyncadd.s32 $0xFFFFF000  }
.LBB2_1:
0x16: {  	v16 =	vadd.s32 s3, v0  }
0x17: {  	v16 =	vand.u32 $0x1F, v16  }
0x18: {  	[tilespmem:s3], [sflag:$0x1] =	stream.strided.gather [hbm4b:s6+s13], $0x1000, s14, s13, $0x38;
	v17 =	vshll.u32 v16, $0x7;
	[tilespmem:$0x4000] =	vst v63  }
0x19: {  	v18 =	vor.u32 v0, v17  }
0x1a: {  	[tilespmem:s15], [sflag:$0x2] =	stream.strided.gather [hbm4b:s7+s13], $0x1000, s14, s13, $0x38;
	[tilespmem:$0x4000] =	vst v63  }
0x1b: {  	_ =	swait.ge [sflag:s16], $0x1000  }
0x1c: {  	[sflag:s16] =	ssyncset.done $0x0  }
0x1d: {  	[sflag:s16] =	ssyncadd.s32 $0xFFFFF000  }
0x1e: {  	v19 =	vor.u32 v1, v16;
	v18 =	vld.idx.msk [tilespmem:v18+s3+$0x0], $0xffff  }
0x1f: {  	v20 =	vor.u32 v2, v17;
	_ =	sdelay $0x3  }
0x20: {  	[tilespmem:v19+s17+$0x0] =	vst.idx.msk $0xffff, v18  }
0x21: {  	v19 =	vor.u32 v3, v16;
	v18 =	vld.idx.msk [tilespmem:v20+s3+$0x0], $0xffff  }
0x22: {  	v20 =	vor.u32 v4, v17;
	_ =	sdelay $0x3  }
0x23: {  	[tilespmem:v19+s17+$0x0] =	vst.idx.msk $0xffff, v18  }
0x24: {  	v19 =	vor.u32 v5, v16;
	v18 =	vld.idx.msk [tilespmem:v20+s3+$0x0], $0xffff  }
0x25: {  	v20 =	vor.u32 v6, v17;
	_ =	sdelay $0x3  }
0x26: {  	[tilespmem:v19+s17+$0x0] =	vst.idx.msk $0xffff, v18  }
0x27: {  	v19 =	vor.u32 v7, v16;
	v18 =	vld.idx.msk [tilespmem:v20+s3+$0x0], $0xffff  }
0x28: {  	v20 =	vor.u32 v8, v17;
	_ =	sdelay $0x3  }
0x29: {  	[tilespmem:v19+s17+$0x0] =	vst.idx.msk $0xffff, v18  }
0x2a: {  	v19 =	vor.u32 v9, v16;
	v18 =	vld.idx.msk [tilespmem:v20+s3+$0x0], $0xffff  }
0x2b: {  	v20 =	vor.u32 v10, v17;
	_ =	sdelay $0x3  }
0x2c: {  	[tilespmem:v19+s17+$0x0] =	vst.idx.msk $0xffff, v18  }
0x2d: {  	v19 =	vor.u32 v11, v16;
	v18 =	vld.idx.msk [tilespmem:v20+s3+$0x0], $0xffff  }
0x2e: {  	v20 =	vor.u32 v12, v17;
	_ =	sdelay $0x3  }
0x2f: {  	[tilespmem:v19+s17+$0x0] =	vst.idx.msk $0xffff, v18  }
0x30: {  	v19 =	vor.u32 v13, v16;
	v18 =	vld.idx.msk [tilespmem:v20+s3+$0x0], $0xffff  }
0x31: {  	v17 =	vor.u32 v14, v17;
	_ =	sdelay $0x1  }
0x32: {  	s23 =	simm.s32 $0x1  }
0x33: {  	v20 =	vadd.s32 s23, v0  }
0x34: {  	[tilespmem:v19+s17+$0x0] =	vst.idx.msk $0xffff, v18;
	v18 =	vand.u32 $0x1F, v20  }
0x35: {  	v16 =	vor.u32 v15, v16;
	v17 =	vld.idx.msk [tilespmem:v17+s3+$0x0], $0xffff;
	v19 =	vshll.u32 v18, $0x7  }
0x36: {  	v20 =	vor.u32 v0, v19;
	_ =	sdelay $0x3  }
0x37: {  	[tilespmem:v16+s17+$0x0] =	vst.idx.msk $0xffff, v17  }
0x38: {  	v17 =	vor.u32 v1, v18;
	v16 =	vld.idx.msk [tilespmem:v20+s3+$0x0], $0xffff  }
0x39: {  	v20 =	vor.u32 v2, v19;
	_ =	sdelay $0x3  }
0x3a: {  	[tilespmem:v17+s17+$0x0] =	vst.idx.msk $0xffff, v16  }
0x3b: {  	v17 =	vor.u32 v3, v18;
	v16 =	vld.idx.msk [tilespmem:v20+s3+$0x0], $0xffff  }
0x3c: {  	v20 =	vor.u32 v4, v19;
	_ =	sdelay $0x3  }
0x3d: {  	[tilespmem:v17+s17+$0x0] =	vst.idx.msk $0xffff, v16  }
0x3e: {  	v17 =	vor.u32 v5, v18;
	v16 =	vld.idx.msk [tilespmem:v20+s3+$0x0], $0xffff  }
0x3f: {  	v20 =	vor.u32 v6, v19;
	_ =	sdelay $0x3  }
0x40: {  	[tilespmem:v17+s17+$0x0] =	vst.idx.msk $0xffff, v16  }
0x41: {  	v17 =	vor.u32 v7, v18;
	v16 =	vld.idx.msk [tilespmem:v20+s3+$0x0], $0xffff  }
0x42: {  	v20 =	vor.u32 v8, v19;
	_ =	sdelay $0x3  }
0x43: {  	[tilespmem:v17+s17+$0x0] =	vst.idx.msk $0xffff, v16  }
0x44: {  	v17 =	vor.u32 v9, v18;
	v16 =	vld.idx.msk [tilespmem:v20+s3+$0x0], $0xffff  }
0x45: {  	v20 =	vor.u32 v10, v19;
	_ =	sdelay $0x3  }
0x46: {  	[tilespmem:v17+s17+$0x0] =	vst.idx.msk $0xffff, v16  }
0x47: {  	v17 =	vor.u32 v11, v18;
	v16 =	vld.idx.msk [tilespmem:v20+s3+$0x0], $0xffff  }
0x48: {  	v20 =	vor.u32 v12, v19;
	_ =	sdelay $0x3  }
0x49: {  	[tilespmem:v17+s17+$0x0] =	vst.idx.msk $0xffff, v16  }
0x4a: {  	v17 =	vor.u32 v13, v18;
	v16 =	vld.idx.msk [tilespmem:v20+s3+$0x0], $0xffff  }
0x4b: {  	v19 =	vor.u32 v14, v19;
	_ =	sdelay $0x1  }
0x4c: {  	s30 =	simm.s32 $0x2  }
0x4d: {  	v20 =	vadd.s32 s30, v0  }
0x4e: {  	[tilespmem:v17+s17+$0x0] =	vst.idx.msk $0xffff, v16;
	v17 =	vand.u32 $0x1F, v20  }
0x4f: {  	v18 =	vor.u32 v15, v18;
	v16 =	vld.idx.msk [tilespmem:v19+s3+$0x0], $0xffff;
	v19 =	vshll.u32 v17, $0x7  }
0x50: {  	v20 =	vor.u32 v0, v19;
	_ =	sdelay $0x3  }
0x51: {  	[tilespmem:v18+s17+$0x0] =	vst.idx.msk $0xffff, v16  }
0x52: {  	v18 =	vor.u32 v1, v17;
	v16 =	vld.idx.msk [tilespmem:v20+s3+$0x0], $0xffff  }
0x53: {  	v20 =	vor.u32 v2, v19;
	_ =	sdelay $0x3  }
0x54: {  	[tilespmem:v18+s17+$0x0] =	vst.idx.msk $0xffff, v16  }
0x55: {  	v18 =	vor.u32 v3, v17;
	v16 =	vld.idx.msk [tilespmem:v20+s3+$0x0], $0xffff  }
0x56: {  	v20 =	vor.u32 v4, v19;
	_ =	sdelay $0x3  }
0x57: {  	[tilespmem:v18+s17+$0x0] =	vst.idx.msk $0xffff, v16  }
0x58: {  	v18 =	vor.u32 v5, v17;
	v16 =	vld.idx.msk [tilespmem:v20+s3+$0x0], $0xffff  }
0x59: {  	v20 =	vor.u32 v6, v19;
	_ =	sdelay $0x3  }
0x5a: {  	[tilespmem:v18+s17+$0x0] =	vst.idx.msk $0xffff, v16  }
0x5b: {  	v18 =	vor.u32 v7, v17;
	v16 =	vld.idx.msk [tilespmem:v20+s3+$0x0], $0xffff  }
0x5c: {  	v20 =	vor.u32 v8, v19;
	_ =	sdelay $0x3  }
0x5d: {  	[tilespmem:v18+s17+$0x0] =	vst.idx.msk $0xffff, v16  }
0x5e: {  	v18 =	vor.u32 v9, v17;
	v16 =	vld.idx.msk [tilespmem:v20+s3+$0x0], $0xffff  }
0x5f: {  	v20 =	vor.u32 v10, v19;
	_ =	sdelay $0x3  }
0x60: {  	[tilespmem:v18+s17+$0x0] =	vst.idx.msk $0xffff, v16  }
0x61: {  	v18 =	vor.u32 v11, v17;
	v16 =	vld.idx.msk [tilespmem:v20+s3+$0x0], $0xffff  }
0x62: {  	v20 =	vor.u32 v12, v19;
	_ =	sdelay $0x3  }
0x63: {  	[tilespmem:v18+s17+$0x0] =	vst.idx.msk $0xffff, v16  }
0x64: {  	v18 =	vor.u32 v13, v17;
	v16 =	vld.idx.msk [tilespmem:v20+s3+$0x0], $0xffff  }
0x65: {  	v19 =	vor.u32 v14, v19;
	_ =	sdelay $0x1  }
0x66: {  	s31 =	simm.s32 $0x3  }
0x67: {  	v20 =	vadd.s32 s31, v0  }
0x68: {  	[tilespmem:v18+s17+$0x0] =	vst.idx.msk $0xffff, v16;
	v16 =	vand.u32 $0x1F, v20  }
0x69: {  	v17 =	vor.u32 v15, v17;
	v18 =	vld.idx.msk [tilespmem:v19+s3+$0x0], $0xffff;
	v19 =	vshll.u32 v16, $0x7  }
0x6a: {  	v20 =	vor.u32 v0, v19;
	_ =	sdelay $0x3  }
0x6b: {  	[tilespmem:v17+s17+$0x0] =	vst.idx.msk $0xffff, v18  }
0x6c: {  	v18 =	vor.u32 v1, v16;
	v17 =	vld.idx.msk [tilespmem:v20+s3+$0x0], $0xffff  }
0x6d: {  	v20 =	vor.u32 v2, v19;
	_ =	sdelay $0x3  }
0x6e: {  	[tilespmem:v18+s17+$0x0] =	vst.idx.msk $0xffff, v17  }
0x6f: {  	v18 =	vor.u32 v3, v16;
	v17 =	vld.idx.msk [tilespmem:v20+s3+$0x0], $0xffff  }
0x70: {  	v20 =	vor.u32 v4, v19;
	_ =	sdelay $0x3  }
0x71: {  	[tilespmem:v18+s17+$0x0] =	vst.idx.msk $0xffff, v17  }
0x72: {  	v18 =	vor.u32 v5, v16;
	v17 =	vld.idx.msk [tilespmem:v20+s3+$0x0], $0xffff  }
0x73: {  	v20 =	vor.u32 v6, v19;
	_ =	sdelay $0x3  }
0x74: {  	[tilespmem:v18+s17+$0x0] =	vst.idx.msk $0xffff, v17  }
0x75: {  	v18 =	vor.u32 v7, v16;
	v17 =	vld.idx.msk [tilespmem:v20+s3+$0x0], $0xffff  }
0x76: {  	v20 =	vor.u32 v8, v19;
	_ =	sdelay $0x3  }
0x77: {  	[tilespmem:v18+s17+$0x0] =	vst.idx.msk $0xffff, v17  }
0x78: {  	v18 =	vor.u32 v9, v16;
	v17 =	vld.idx.msk [tilespmem:v20+s3+$0x0], $0xffff  }
0x79: {  	v20 =	vor.u32 v10, v19;
	_ =	sdelay $0x3  }
0x7a: {  	[tilespmem:v18+s17+$0x0] =	vst.idx.msk $0xffff, v17  }
0x7b: {  	v18 =	vor.u32 v11, v16;
	v17 =	vld.idx.msk [tilespmem:v20+s3+$0x0], $0xffff  }
0x7c: {  	v20 =	vor.u32 v12, v19;
	_ =	sdelay $0x3  }
0x7d: {  	[tilespmem:v18+s17+$0x0] =	vst.idx.msk $0xffff, v17  }
0x7e: {  	v21 =	vor.u32 v13, v16;
	v20 =	vld.idx.msk [tilespmem:v20+s3+$0x0], $0xffff  }
0x7f: {  	v17 =	vor.u32 v14, v19;
	_ =	sdelay $0x2  }
0x80: {  	s23 =	simm.s32 $0x4  }
0x81: {  	s24 =	simm.s32 $0x8;
	v18 =	vadd.s32 s23, v0;
	[tilespmem:v21+s17+$0x0] =	vst.idx.msk $0xffff, v20  }
.LBB2_2:
0x82: {  	p0 =	slt.u32 s24, $0x1C;
	v18 =	vand.u32 $0x1F, v18;
	v17 =	vld.idx.msk [tilespmem:v17+s3+$0x0], $0xffff  }
0x83: {  	v16 =	vor.u32 v15, v16;
	v19 =	vshll.u32 v18, $0x7  }
0x84: {  	v20 =	vor.u32 v0, v19;
	_ =	sdelay $0x3  }
0x85: {  	[tilespmem:v16+s17+$0x0] =	vst.idx.msk $0xffff, v17  }
0x86: {  	v16 =	vld.idx.msk [tilespmem:v20+s3+$0x0], $0xffff  }
0x87: {  	v17 =	vor.u32 v1, v18  }
0x88: {  	v20 =	vor.u32 v2, v19;
	_ =	sdelay $0x3  }
0x89: {  	[tilespmem:v17+s17+$0x0] =	vst.idx.msk $0xffff, v16  }
0x8a: {  	v16 =	vld.idx.msk [tilespmem:v20+s3+$0x0], $0xffff  }
0x8b: {  	v17 =	vor.u32 v3, v18  }
0x8c: {  	v20 =	vor.u32 v4, v19;
	_ =	sdelay $0x3  }
0x8d: {  	[tilespmem:v17+s17+$0x0] =	vst.idx.msk $0xffff, v16  }
0x8e: {  	v16 =	vld.idx.msk [tilespmem:v20+s3+$0x0], $0xffff  }
0x8f: {  	v17 =	vor.u32 v5, v18  }
0x90: {  	v20 =	vor.u32 v6, v19;
	_ =	sdelay $0x3  }
0x91: {  	[tilespmem:v17+s17+$0x0] =	vst.idx.msk $0xffff, v16  }
0x92: {  	v16 =	vld.idx.msk [tilespmem:v20+s3+$0x0], $0xffff  }
0x93: {  	v17 =	vor.u32 v7, v18  }
0x94: {  	v20 =	vor.u32 v8, v19;
	_ =	sdelay $0x3  }
0x95: {  	[tilespmem:v17+s17+$0x0] =	vst.idx.msk $0xffff, v16  }
0x96: {  	v16 =	vld.idx.msk [tilespmem:v20+s3+$0x0], $0xffff  }
0x97: {  	v17 =	vor.u32 v9, v18  }
0x98: {  	v20 =	vor.u32 v10, v19;
	_ =	sdelay $0x3  }
0x99: {  	[tilespmem:v17+s17+$0x0] =	vst.idx.msk $0xffff, v16  }
0x9a: {  	v16 =	vld.idx.msk [tilespmem:v20+s3+$0x0], $0xffff  }
0x9b: {  	v17 =	vor.u32 v11, v18  }
0x9c: {  	v20 =	vor.u32 v12, v19;
	_ =	sdelay $0x3  }
0x9d: {  	[tilespmem:v17+s17+$0x0] =	vst.idx.msk $0xffff, v16  }
0x9e: {  	v16 =	vld.idx.msk [tilespmem:v20+s3+$0x0], $0xffff  }
0x9f: {  	v17 =	vor.u32 v13, v18  }
0xa0: {  	v19 =	vor.u32 v14, v19;
	_ =	sdelay $0x2  }
0xa1: {  	s25 =	sadd.s32 $0x1, s23  }
0xa2: {  	[tilespmem:v17+s17+$0x0] =	vst.idx.msk $0xffff, v16;
	v16 =	vadd.s32 s25, v0  }
0xa3: {  	v17 =	vld.idx.msk [tilespmem:v19+s3+$0x0], $0xffff;
	v16 =	vand.u32 $0x1F, v16  }
0xa4: {  	v18 =	vor.u32 v15, v18;
	v19 =	vshll.u32 v16, $0x7  }
0xa5: {  	v20 =	vor.u32 v0, v19;
	_ =	sdelay $0x3  }
0xa6: {  	[tilespmem:v18+s17+$0x0] =	vst.idx.msk $0xffff, v17  }
0xa7: {  	v17 =	vld.idx.msk [tilespmem:v20+s3+$0x0], $0xffff  }
0xa8: {  	v18 =	vor.u32 v1, v16  }
0xa9: {  	v20 =	vor.u32 v2, v19;
	_ =	sdelay $0x3  }
0xaa: {  	[tilespmem:v18+s17+$0x0] =	vst.idx.msk $0xffff, v17  }
0xab: {  	v17 =	vld.idx.msk [tilespmem:v20+s3+$0x0], $0xffff  }
0xac: {  	v18 =	vor.u32 v3, v16  }
0xad: {  	v20 =	vor.u32 v4, v19;
	_ =	sdelay $0x3  }
0xae: {  	[tilespmem:v18+s17+$0x0] =	vst.idx.msk $0xffff, v17  }
0xaf: {  	v17 =	vld.idx.msk [tilespmem:v20+s3+$0x0], $0xffff  }
0xb0: {  	v18 =	vor.u32 v5, v16  }
0xb1: {  	v20 =	vor.u32 v6, v19;
	_ =	sdelay $0x3  }
0xb2: {  	[tilespmem:v18+s17+$0x0] =	vst.idx.msk $0xffff, v17  }
0xb3: {  	v17 =	vld.idx.msk [tilespmem:v20+s3+$0x0], $0xffff  }
0xb4: {  	v18 =	vor.u32 v7, v16  }
0xb5: {  	v20 =	vor.u32 v8, v19;
	_ =	sdelay $0x3  }
0xb6: {  	[tilespmem:v18+s17+$0x0] =	vst.idx.msk $0xffff, v17  }
0xb7: {  	v17 =	vld.idx.msk [tilespmem:v20+s3+$0x0], $0xffff  }
0xb8: {  	v18 =	vor.u32 v9, v16  }
0xb9: {  	v20 =	vor.u32 v10, v19;
	_ =	sdelay $0x3  }
0xba: {  	[tilespmem:v18+s17+$0x0] =	vst.idx.msk $0xffff, v17  }
0xbb: {  	v17 =	vld.idx.msk [tilespmem:v20+s3+$0x0], $0xffff  }
0xbc: {  	v18 =	vor.u32 v11, v16  }
0xbd: {  	v20 =	vor.u32 v12, v19;
	_ =	sdelay $0x3  }
0xbe: {  	[tilespmem:v18+s17+$0x0] =	vst.idx.msk $0xffff, v17  }
0xbf: {  	v17 =	vld.idx.msk [tilespmem:v20+s3+$0x0], $0xffff  }
0xc0: {  	v18 =	vor.u32 v13, v16  }
0xc1: {  	v19 =	vor.u32 v14, v19;
	_ =	sdelay $0x2  }
0xc2: {  	s25 =	sadd.s32 $0x2, s23  }
0xc3: {  	[tilespmem:v18+s17+$0x0] =	vst.idx.msk $0xffff, v17;
	v17 =	vadd.s32 s25, v0  }
0xc4: {  	v18 =	vld.idx.msk [tilespmem:v19+s3+$0x0], $0xffff;
	v17 =	vand.u32 $0x1F, v17  }
0xc5: {  	v16 =	vor.u32 v15, v16;
	v19 =	vshll.u32 v17, $0x7  }
0xc6: {  	v20 =	vor.u32 v0, v19;
	_ =	sdelay $0x3  }
0xc7: {  	[tilespmem:v16+s17+$0x0] =	vst.idx.msk $0xffff, v18  }
0xc8: {  	v16 =	vld.idx.msk [tilespmem:v20+s3+$0x0], $0xffff  }
0xc9: {  	v18 =	vor.u32 v1, v17  }
0xca: {  	v20 =	vor.u32 v2, v19;
	_ =	sdelay $0x3  }
0xcb: {  	[tilespmem:v18+s17+$0x0] =	vst.idx.msk $0xffff, v16  }
0xcc: {  	v16 =	vld.idx.msk [tilespmem:v20+s3+$0x0], $0xffff  }
0xcd: {  	v18 =	vor.u32 v3, v17  }
0xce: {  	v20 =	vor.u32 v4, v19;
	_ =	sdelay $0x3  }
0xcf: {  	[tilespmem:v18+s17+$0x0] =	vst.idx.msk $0xffff, v16  }
0xd0: {  	v16 =	vld.idx.msk [tilespmem:v20+s3+$0x0], $0xffff  }
0xd1: {  	v18 =	vor.u32 v5, v17  }
0xd2: {  	v20 =	vor.u32 v6, v19;
	_ =	sdelay $0x3  }
0xd3: {  	[tilespmem:v18+s17+$0x0] =	vst.idx.msk $0xffff, v16  }
0xd4: {  	v16 =	vld.idx.msk [tilespmem:v20+s3+$0x0], $0xffff  }
0xd5: {  	v18 =	vor.u32 v7, v17  }
0xd6: {  	v20 =	vor.u32 v8, v19;
	_ =	sdelay $0x3  }
0xd7: {  	[tilespmem:v18+s17+$0x0] =	vst.idx.msk $0xffff, v16  }
0xd8: {  	v16 =	vld.idx.msk [tilespmem:v20+s3+$0x0], $0xffff  }
0xd9: {  	v18 =	vor.u32 v9, v17  }
0xda: {  	v20 =	vor.u32 v10, v19;
	_ =	sdelay $0x3  }
0xdb: {  	[tilespmem:v18+s17+$0x0] =	vst.idx.msk $0xffff, v16  }
0xdc: {  	v16 =	vld.idx.msk [tilespmem:v20+s3+$0x0], $0xffff  }
0xdd: {  	v18 =	vor.u32 v11, v17  }
0xde: {  	v20 =	vor.u32 v12, v19;
	_ =	sdelay $0x3  }
0xdf: {  	[tilespmem:v18+s17+$0x0] =	vst.idx.msk $0xffff, v16  }
0xe0: {  	v16 =	vld.idx.msk [tilespmem:v20+s3+$0x0], $0xffff  }
0xe1: {  	v18 =	vor.u32 v13, v17  }
0xe2: {  	v19 =	vor.u32 v14, v19;
	_ =	sdelay $0x2  }
0xe3: {  	s25 =	sadd.s32 $0x3, s23;
	s23 =	smov.u32 s24  }
0xe4: {  	[tilespmem:v18+s17+$0x0] =	vst.idx.msk $0xffff, v16;
	v16 =	vadd.s32 s25, v0  }
0xe5: {  	v18 =	vld.idx.msk [tilespmem:v19+s3+$0x0], $0xffff;
	v16 =	vand.u32 $0x1F, v16  }
0xe6: {  	v17 =	vor.u32 v15, v17;
	v19 =	vshll.u32 v16, $0x7  }
0xe7: {  	v20 =	vor.u32 v0, v19;
	_ =	sdelay $0x3  }
0xe8: {  	[tilespmem:v17+s17+$0x0] =	vst.idx.msk $0xffff, v18  }
0xe9: {  	v17 =	vld.idx.msk [tilespmem:v20+s3+$0x0], $0xffff  }
0xea: {  	v18 =	vor.u32 v1, v16  }
0xeb: {  	v20 =	vor.u32 v2, v19;
	_ =	sdelay $0x3  }
0xec: {  	[tilespmem:v18+s17+$0x0] =	vst.idx.msk $0xffff, v17  }
0xed: {  	v17 =	vld.idx.msk [tilespmem:v20+s3+$0x0], $0xffff  }
0xee: {  	v18 =	vor.u32 v3, v16  }
0xef: {  	v20 =	vor.u32 v4, v19;
	_ =	sdelay $0x3  }
0xf0: {  	[tilespmem:v18+s17+$0x0] =	vst.idx.msk $0xffff, v17  }
0xf1: {  	v17 =	vld.idx.msk [tilespmem:v20+s3+$0x0], $0xffff  }
0xf2: {  	v18 =	vor.u32 v5, v16  }
0xf3: {  	v20 =	vor.u32 v6, v19;
	_ =	sdelay $0x3  }
0xf4: {  	[tilespmem:v18+s17+$0x0] =	vst.idx.msk $0xffff, v17  }
0xf5: {  	v17 =	vld.idx.msk [tilespmem:v20+s3+$0x0], $0xffff  }
0xf6: {  	v18 =	vor.u32 v7, v16  }
0xf7: {  	v20 =	vor.u32 v8, v19;
	_ =	sdelay $0x3  }
0xf8: {  	[tilespmem:v18+s17+$0x0] =	vst.idx.msk $0xffff, v17  }
0xf9: {  	v17 =	vld.idx.msk [tilespmem:v20+s3+$0x0], $0xffff  }
0xfa: {  	v18 =	vor.u32 v9, v16  }
0xfb: {  	v20 =	vor.u32 v10, v19;
	_ =	sdelay $0x3  }
0xfc: {  	[tilespmem:v18+s17+$0x0] =	vst.idx.msk $0xffff, v17  }
0xfd: {  	v17 =	vld.idx.msk [tilespmem:v20+s3+$0x0], $0xffff  }
0xfe: {  	v18 =	vor.u32 v11, v16  }
0xff: {  	v20 =	vor.u32 v12, v19;
	_ =	sdelay $0x3  }
0x100: {  	[tilespmem:v18+s17+$0x0] =	vst.idx.msk $0xffff, v17  }
0x101: {  	v20 =	vld.idx.msk [tilespmem:v20+s3+$0x0], $0xffff  }
0x102: {  	v21 =	vor.u32 v13, v16  }
.Ltmp2:
0x103: {  	v17 =	vor.u32 v14, v19;
	(pc) =	sbr.rel @p0 .LBB2_2-.Ltmp2, $2  }
0x104: {  	_ =	sdelay $0x2  }
0x105: {  	s24 =	sadd.s32 $0x4, s24;
	v18 =	vadd.s32 s23, v0;
	[tilespmem:v21+s17+$0x0] =	vst.idx.msk $0xffff, v20  }
0x106: {  	_ =	sdelay $0x2  }
0x107: {  	v18 =	vand.u32 $0x1F, v18  }
0x108: {  	v17 =	vld.idx.msk [tilespmem:v17+s3+$0x0], $0xffff;
	v16 =	vor.u32 v15, v16;
	v19 =	vshll.u32 v18, $0x7  }
0x109: {  	v20 =	vor.u32 v0, v19;
	_ =	sdelay $0x3  }
0x10a: {  	[tilespmem:v16+s17+$0x0] =	vst.idx.msk $0xffff, v17  }
0x10b: {  	v17 =	vor.u32 v1, v18;
	v16 =	vld.idx.msk [tilespmem:v20+s3+$0x0], $0xffff  }
0x10c: {  	v20 =	vor.u32 v2, v19;
	_ =	sdelay $0x3  }
0x10d: {  	[tilespmem:v17+s17+$0x0] =	vst.idx.msk $0xffff, v16  }
0x10e: {  	v17 =	vor.u32 v3, v18;
	v16 =	vld.idx.msk [tilespmem:v20+s3+$0x0], $0xffff  }
0x10f: {  	v20 =	vor.u32 v4, v19;
	_ =	sdelay $0x3  }
0x110: {  	[tilespmem:v17+s17+$0x0] =	vst.idx.msk $0xffff, v16  }
0x111: {  	v17 =	vor.u32 v5, v18;
	v16 =	vld.idx.msk [tilespmem:v20+s3+$0x0], $0xffff  }
0x112: {  	v20 =	vor.u32 v6, v19;
	_ =	sdelay $0x3  }
0x113: {  	[tilespmem:v17+s17+$0x0] =	vst.idx.msk $0xffff, v16  }
0x114: {  	v17 =	vor.u32 v7, v18;
	v16 =	vld.idx.msk [tilespmem:v20+s3+$0x0], $0xffff  }
0x115: {  	v20 =	vor.u32 v8, v19;
	_ =	sdelay $0x3  }
0x116: {  	[tilespmem:v17+s17+$0x0] =	vst.idx.msk $0xffff, v16  }
0x117: {  	v17 =	vor.u32 v9, v18;
	v16 =	vld.idx.msk [tilespmem:v20+s3+$0x0], $0xffff  }
0x118: {  	v20 =	vor.u32 v10, v19;
	_ =	sdelay $0x3  }
0x119: {  	[tilespmem:v17+s17+$0x0] =	vst.idx.msk $0xffff, v16  }
0x11a: {  	v17 =	vor.u32 v11, v18;
	v16 =	vld.idx.msk [tilespmem:v20+s3+$0x0], $0xffff  }
0x11b: {  	v20 =	vor.u32 v12, v19;
	_ =	sdelay $0x3  }
0x11c: {  	[tilespmem:v17+s17+$0x0] =	vst.idx.msk $0xffff, v16  }
0x11d: {  	v17 =	vor.u32 v13, v18;
	v16 =	vld.idx.msk [tilespmem:v20+s3+$0x0], $0xffff  }
0x11e: {  	v19 =	vor.u32 v14, v19;
	_ =	sdelay $0x1  }
0x11f: {  	s24 =	sadd.s32 $0x1, s23  }
0x120: {  	v20 =	vadd.s32 s24, v0  }
0x121: {  	[tilespmem:v17+s17+$0x0] =	vst.idx.msk $0xffff, v16;
	v16 =	vand.u32 $0x1F, v20  }
0x122: {  	v18 =	vor.u32 v15, v18;
	v17 =	vld.idx.msk [tilespmem:v19+s3+$0x0], $0xffff;
	v19 =	vshll.u32 v16, $0x7  }
0x123: {  	v20 =	vor.u32 v0, v19;
	_ =	sdelay $0x3  }
0x124: {  	[tilespmem:v18+s17+$0x0] =	vst.idx.msk $0xffff, v17  }
0x125: {  	v18 =	vor.u32 v1, v16;
	v17 =	vld.idx.msk [tilespmem:v20+s3+$0x0], $0xffff  }
0x126: {  	v20 =	vor.u32 v2, v19;
	_ =	sdelay $0x3  }
0x127: {  	[tilespmem:v18+s17+$0x0] =	vst.idx.msk $0xffff, v17  }
0x128: {  	v18 =	vor.u32 v3, v16;
	v17 =	vld.idx.msk [tilespmem:v20+s3+$0x0], $0xffff  }
0x129: {  	v20 =	vor.u32 v4, v19;
	_ =	sdelay $0x3  }
0x12a: {  	[tilespmem:v18+s17+$0x0] =	vst.idx.msk $0xffff, v17  }
0x12b: {  	v18 =	vor.u32 v5, v16;
	v17 =	vld.idx.msk [tilespmem:v20+s3+$0x0], $0xffff  }
0x12c: {  	v20 =	vor.u32 v6, v19;
	_ =	sdelay $0x3  }
0x12d: {  	[tilespmem:v18+s17+$0x0] =	vst.idx.msk $0xffff, v17  }
0x12e: {  	v18 =	vor.u32 v7, v16;
	v17 =	vld.idx.msk [tilespmem:v20+s3+$0x0], $0xffff  }
0x12f: {  	v20 =	vor.u32 v8, v19;
	_ =	sdelay $0x3  }
0x130: {  	[tilespmem:v18+s17+$0x0] =	vst.idx.msk $0xffff, v17  }
0x131: {  	v18 =	vor.u32 v9, v16;
	v17 =	vld.idx.msk [tilespmem:v20+s3+$0x0], $0xffff  }
0x132: {  	v20 =	vor.u32 v10, v19;
	_ =	sdelay $0x3  }
0x133: {  	[tilespmem:v18+s17+$0x0] =	vst.idx.msk $0xffff, v17  }
0x134: {  	v18 =	vor.u32 v11, v16;
	v17 =	vld.idx.msk [tilespmem:v20+s3+$0x0], $0xffff  }
0x135: {  	v20 =	vor.u32 v12, v19;
	_ =	sdelay $0x3  }
0x136: {  	[tilespmem:v18+s17+$0x0] =	vst.idx.msk $0xffff, v17  }
0x137: {  	v18 =	vor.u32 v13, v16;
	v17 =	vld.idx.msk [tilespmem:v20+s3+$0x0], $0xffff  }
0x138: {  	v19 =	vor.u32 v14, v19;
	_ =	sdelay $0x1  }
0x139: {  	s25 =	sadd.s32 $0x2, s23  }
0x13a: {  	v20 =	vadd.s32 s25, v0  }
0x13b: {  	[tilespmem:v18+s17+$0x0] =	vst.idx.msk $0xffff, v17;
	v17 =	vand.u32 $0x1F, v20  }
0x13c: {  	v16 =	vor.u32 v15, v16;
	v18 =	vld.idx.msk [tilespmem:v19+s3+$0x0], $0xffff;
	v19 =	vshll.u32 v17, $0x7  }
0x13d: {  	v20 =	vor.u32 v0, v19;
	_ =	sdelay $0x3  }
0x13e: {  	[tilespmem:v16+s17+$0x0] =	vst.idx.msk $0xffff, v18  }
0x13f: {  	v18 =	vor.u32 v1, v17;
	v16 =	vld.idx.msk [tilespmem:v20+s3+$0x0], $0xffff  }
0x140: {  	v20 =	vor.u32 v2, v19;
	_ =	sdelay $0x3  }
0x141: {  	[tilespmem:v18+s17+$0x0] =	vst.idx.msk $0xffff, v16  }
0x142: {  	v18 =	vor.u32 v3, v17;
	v16 =	vld.idx.msk [tilespmem:v20+s3+$0x0], $0xffff  }
0x143: {  	v20 =	vor.u32 v4, v19;
	_ =	sdelay $0x3  }
0x144: {  	[tilespmem:v18+s17+$0x0] =	vst.idx.msk $0xffff, v16  }
0x145: {  	v18 =	vor.u32 v5, v17;
	v16 =	vld.idx.msk [tilespmem:v20+s3+$0x0], $0xffff  }
0x146: {  	v20 =	vor.u32 v6, v19;
	_ =	sdelay $0x3  }
0x147: {  	[tilespmem:v18+s17+$0x0] =	vst.idx.msk $0xffff, v16  }
0x148: {  	v18 =	vor.u32 v7, v17;
	v16 =	vld.idx.msk [tilespmem:v20+s3+$0x0], $0xffff  }
0x149: {  	v20 =	vor.u32 v8, v19;
	_ =	sdelay $0x3  }
0x14a: {  	[tilespmem:v18+s17+$0x0] =	vst.idx.msk $0xffff, v16  }
0x14b: {  	v18 =	vor.u32 v9, v17;
	v16 =	vld.idx.msk [tilespmem:v20+s3+$0x0], $0xffff  }
0x14c: {  	v20 =	vor.u32 v10, v19;
	_ =	sdelay $0x3  }
0x14d: {  	[tilespmem:v18+s17+$0x0] =	vst.idx.msk $0xffff, v16  }
0x14e: {  	v18 =	vor.u32 v11, v17;
	v16 =	vld.idx.msk [tilespmem:v20+s3+$0x0], $0xffff  }
0x14f: {  	v20 =	vor.u32 v12, v19;
	_ =	sdelay $0x3  }
0x150: {  	[tilespmem:v18+s17+$0x0] =	vst.idx.msk $0xffff, v16  }
0x151: {  	v18 =	vor.u32 v13, v17;
	v16 =	vld.idx.msk [tilespmem:v20+s3+$0x0], $0xffff  }
0x152: {  	v19 =	vor.u32 v14, v19;
	_ =	sdelay $0x1  }
0x153: {  	s26 =	sadd.s32 $0x3, s23  }
0x154: {  	v20 =	vadd.s32 s26, v0  }
0x155: {  	[tilespmem:v18+s17+$0x0] =	vst.idx.msk $0xffff, v16;
	v16 =	vand.u32 $0x1F, v20  }
0x156: {  	v17 =	vor.u32 v15, v17;
	v18 =	vld.idx.msk [tilespmem:v19+s3+$0x0], $0xffff;
	v19 =	vshll.u32 v16, $0x7  }
0x157: {  	v20 =	vor.u32 v0, v19;
	_ =	sdelay $0x3  }
0x158: {  	[tilespmem:v17+s17+$0x0] =	vst.idx.msk $0xffff, v18  }
0x159: {  	v18 =	vor.u32 v1, v16;
	v17 =	vld.idx.msk [tilespmem:v20+s3+$0x0], $0xffff  }
0x15a: {  	v20 =	vor.u32 v2, v19;
	_ =	sdelay $0x3  }
0x15b: {  	[tilespmem:v18+s17+$0x0] =	vst.idx.msk $0xffff, v17  }
0x15c: {  	v18 =	vor.u32 v3, v16;
	v17 =	vld.idx.msk [tilespmem:v20+s3+$0x0], $0xffff  }
0x15d: {  	v20 =	vor.u32 v4, v19;
	_ =	sdelay $0x3  }
0x15e: {  	[tilespmem:v18+s17+$0x0] =	vst.idx.msk $0xffff, v17  }
0x15f: {  	v18 =	vor.u32 v5, v16;
	v17 =	vld.idx.msk [tilespmem:v20+s3+$0x0], $0xffff  }
0x160: {  	v20 =	vor.u32 v6, v19;
	_ =	sdelay $0x3  }
0x161: {  	[tilespmem:v18+s17+$0x0] =	vst.idx.msk $0xffff, v17  }
0x162: {  	v18 =	vor.u32 v7, v16;
	v17 =	vld.idx.msk [tilespmem:v20+s3+$0x0], $0xffff  }
0x163: {  	v20 =	vor.u32 v8, v19;
	_ =	sdelay $0x3  }
0x164: {  	[tilespmem:v18+s17+$0x0] =	vst.idx.msk $0xffff, v17  }
0x165: {  	v18 =	vor.u32 v9, v16;
	v17 =	vld.idx.msk [tilespmem:v20+s3+$0x0], $0xffff  }
0x166: {  	v20 =	vor.u32 v10, v19;
	_ =	sdelay $0x3  }
0x167: {  	[tilespmem:v18+s17+$0x0] =	vst.idx.msk $0xffff, v17  }
0x168: {  	v18 =	vor.u32 v11, v16;
	v17 =	vld.idx.msk [tilespmem:v20+s3+$0x0], $0xffff  }
0x169: {  	v20 =	vor.u32 v12, v19;
	_ =	sdelay $0x3  }
0x16a: {  	[tilespmem:v18+s17+$0x0] =	vst.idx.msk $0xffff, v17  }
0x16b: {  	v18 =	vor.u32 v13, v16;
	v17 =	vld.idx.msk [tilespmem:v20+s3+$0x0], $0xffff  }
0x16c: {  	v19 =	vor.u32 v14, v19;
	_ =	sdelay $0x3  }
0x16d: {  	[tilespmem:v18+s17+$0x0] =	vst.idx.msk $0xffff, v17  }
0x16e: {  	v16 =	vor.u32 v15, v16;
	v17 =	vld.idx.msk [tilespmem:v19+s3+$0x0], $0xffff;
	_ =	sdelay $0x2  }
0x16f: {  	s28 =	simm.s32 $0x0  }
0x170: {  	v18 =	vadd.s32 s28, v0  }
0x171: {  	[tilespmem:v16+s17+$0x0] =	vst.idx.msk $0xffff, v17;
	v16 =	vand.u32 $0x1F, v18  }
0x172: {  	[hbm4b:s8+s28] =	stream.linear.scatter [tilespmem:s17], [sflag:$0x3], $0x1000, $0x38;
	v17 =	vshll.u32 v16, $0x7;
	[tilespmem:$0x4000] =	vst v63  }
0x173: {  	v18 =	vor.u32 v0, v17  }
0x174: {  	[tilespmem:s28], [sflag:$0x1] =	stream.strided.gather [hbm4b:s9+s13], $0x1000, s14, s13, $0x38;
	[tilespmem:$0x4000] =	vst v63  }
0x175: {  	_ =	swait.ge [sflag:s18], $0x1000  }
0x176: {  	[sflag:s18] =	ssyncset.done $0x0  }
0x177: {  	[sflag:s18] =	ssyncadd.s32 $0xFFFFF000  }
0x178: {  	v19 =	vor.u32 v1, v16;
	v18 =	vld.idx.msk [tilespmem:v18+s15+$0x0], $0xffff  }
0x179: {  	v20 =	vor.u32 v2, v17;
	_ =	sdelay $0x3  }
0x17a: {  	[tilespmem:v19+s19+$0x0] =	vst.idx.msk $0xffff, v18  }
0x17b: {  	v19 =	vor.u32 v3, v16;
	v18 =	vld.idx.msk [tilespmem:v20+s15+$0x0], $0xffff  }
0x17c: {  	v20 =	vor.u32 v4, v17;
	_ =	sdelay $0x3  }
0x17d: {  	[tilespmem:v19+s19+$0x0] =	vst.idx.msk $0xffff, v18  }
0x17e: {  	v19 =	vor.u32 v5, v16;
	v18 =	vld.idx.msk [tilespmem:v20+s15+$0x0], $0xffff  }
0x17f: {  	v20 =	vor.u32 v6, v17;
	_ =	sdelay $0x3  }
0x180: {  	[tilespmem:v19+s19+$0x0] =	vst.idx.msk $0xffff, v18  }
0x181: {  	v19 =	vor.u32 v7, v16;
	v18 =	vld.idx.msk [tilespmem:v20+s15+$0x0], $0xffff  }
0x182: {  	v20 =	vor.u32 v8, v17;
	_ =	sdelay $0x3  }
0x183: {  	[tilespmem:v19+s19+$0x0] =	vst.idx.msk $0xffff, v18  }
0x184: {  	v19 =	vor.u32 v9, v16;
	v18 =	vld.idx.msk [tilespmem:v20+s15+$0x0], $0xffff  }
0x185: {  	v20 =	vor.u32 v10, v17;
	_ =	sdelay $0x3  }
0x186: {  	[tilespmem:v19+s19+$0x0] =	vst.idx.msk $0xffff, v18  }
0x187: {  	v19 =	vor.u32 v11, v16;
	v18 =	vld.idx.msk [tilespmem:v20+s15+$0x0], $0xffff  }
0x188: {  	v20 =	vor.u32 v12, v17;
	_ =	sdelay $0x3  }
0x189: {  	[tilespmem:v19+s19+$0x0] =	vst.idx.msk $0xffff, v18  }
0x18a: {  	v19 =	vor.u32 v13, v16;
	v18 =	vld.idx.msk [tilespmem:v20+s15+$0x0], $0xffff  }
0x18b: {  	v17 =	vor.u32 v14, v17;
	_ =	sdelay $0x1  }
0x18c: {  	s29 =	simm.s32 $0x1  }
0x18d: {  	v20 =	vadd.s32 s29, v0  }
0x18e: {  	[tilespmem:v19+s19+$0x0] =	vst.idx.msk $0xffff, v18;
	v18 =	vand.u32 $0x1F, v20  }
0x18f: {  	v16 =	vor.u32 v15, v16;
	v17 =	vld.idx.msk [tilespmem:v17+s15+$0x0], $0xffff;
	v19 =	vshll.u32 v18, $0x7  }
0x190: {  	v20 =	vor.u32 v0, v19;
	_ =	sdelay $0x3  }
0x191: {  	[tilespmem:v16+s19+$0x0] =	vst.idx.msk $0xffff, v17  }
0x192: {  	v17 =	vor.u32 v1, v18;
	v16 =	vld.idx.msk [tilespmem:v20+s15+$0x0], $0xffff  }
0x193: {  	v20 =	vor.u32 v2, v19;
	_ =	sdelay $0x3  }
0x194: {  	[tilespmem:v17+s19+$0x0] =	vst.idx.msk $0xffff, v16  }
0x195: {  	v17 =	vor.u32 v3, v18;
	v16 =	vld.idx.msk [tilespmem:v20+s15+$0x0], $0xffff  }
0x196: {  	v20 =	vor.u32 v4, v19;
	_ =	sdelay $0x3  }
0x197: {  	[tilespmem:v17+s19+$0x0] =	vst.idx.msk $0xffff, v16  }
0x198: {  	v17 =	vor.u32 v5, v18;
	v16 =	vld.idx.msk [tilespmem:v20+s15+$0x0], $0xffff  }
0x199: {  	v20 =	vor.u32 v6, v19;
	_ =	sdelay $0x3  }
0x19a: {  	[tilespmem:v17+s19+$0x0] =	vst.idx.msk $0xffff, v16  }
0x19b: {  	v17 =	vor.u32 v7, v18;
	v16 =	vld.idx.msk [tilespmem:v20+s15+$0x0], $0xffff  }
0x19c: {  	v20 =	vor.u32 v8, v19;
	_ =	sdelay $0x3  }
0x19d: {  	[tilespmem:v17+s19+$0x0] =	vst.idx.msk $0xffff, v16  }
0x19e: {  	v17 =	vor.u32 v9, v18;
	v16 =	vld.idx.msk [tilespmem:v20+s15+$0x0], $0xffff  }
0x19f: {  	v20 =	vor.u32 v10, v19;
	_ =	sdelay $0x3  }
0x1a0: {  	[tilespmem:v17+s19+$0x0] =	vst.idx.msk $0xffff, v16  }
0x1a1: {  	v17 =	vor.u32 v11, v18;
	v16 =	vld.idx.msk [tilespmem:v20+s15+$0x0], $0xffff  }
0x1a2: {  	v20 =	vor.u32 v12, v19;
	_ =	sdelay $0x3  }
0x1a3: {  	[tilespmem:v17+s19+$0x0] =	vst.idx.msk $0xffff, v16  }
0x1a4: {  	v17 =	vor.u32 v13, v18;
	v16 =	vld.idx.msk [tilespmem:v20+s15+$0x0], $0xffff  }
0x1a5: {  	v19 =	vor.u32 v14, v19;
	_ =	sdelay $0x1  }
0x1a6: {  	s30 =	simm.s32 $0x2  }
0x1a7: {  	v20 =	vadd.s32 s30, v0  }
0x1a8: {  	[tilespmem:v17+s19+$0x0] =	vst.idx.msk $0xffff, v16;
	v17 =	vand.u32 $0x1F, v20  }
0x1a9: {  	v18 =	vor.u32 v15, v18;
	v16 =	vld.idx.msk [tilespmem:v19+s15+$0x0], $0xffff;
	v19 =	vshll.u32 v17, $0x7  }
0x1aa: {  	v20 =	vor.u32 v0, v19;
	_ =	sdelay $0x3  }
0x1ab: {  	[tilespmem:v18+s19+$0x0] =	vst.idx.msk $0xffff, v16  }
0x1ac: {  	v18 =	vor.u32 v1, v17;
	v16 =	vld.idx.msk [tilespmem:v20+s15+$0x0], $0xffff  }
0x1ad: {  	v20 =	vor.u32 v2, v19;
	_ =	sdelay $0x3  }
0x1ae: {  	[tilespmem:v18+s19+$0x0] =	vst.idx.msk $0xffff, v16  }
0x1af: {  	v18 =	vor.u32 v3, v17;
	v16 =	vld.idx.msk [tilespmem:v20+s15+$0x0], $0xffff  }
0x1b0: {  	v20 =	vor.u32 v4, v19;
	_ =	sdelay $0x3  }
0x1b1: {  	[tilespmem:v18+s19+$0x0] =	vst.idx.msk $0xffff, v16  }
0x1b2: {  	v18 =	vor.u32 v5, v17;
	v16 =	vld.idx.msk [tilespmem:v20+s15+$0x0], $0xffff  }
0x1b3: {  	v20 =	vor.u32 v6, v19;
	_ =	sdelay $0x3  }
0x1b4: {  	[tilespmem:v18+s19+$0x0] =	vst.idx.msk $0xffff, v16  }
0x1b5: {  	v18 =	vor.u32 v7, v17;
	v16 =	vld.idx.msk [tilespmem:v20+s15+$0x0], $0xffff  }
0x1b6: {  	v20 =	vor.u32 v8, v19;
	_ =	sdelay $0x3  }
0x1b7: {  	[tilespmem:v18+s19+$0x0] =	vst.idx.msk $0xffff, v16  }
0x1b8: {  	v18 =	vor.u32 v9, v17;
	v16 =	vld.idx.msk [tilespmem:v20+s15+$0x0], $0xffff  }
0x1b9: {  	v20 =	vor.u32 v10, v19;
	_ =	sdelay $0x3  }
0x1ba: {  	[tilespmem:v18+s19+$0x0] =	vst.idx.msk $0xffff, v16  }
0x1bb: {  	v18 =	vor.u32 v11, v17;
	v16 =	vld.idx.msk [tilespmem:v20+s15+$0x0], $0xffff  }
0x1bc: {  	v20 =	vor.u32 v12, v19;
	_ =	sdelay $0x3  }
0x1bd: {  	[tilespmem:v18+s19+$0x0] =	vst.idx.msk $0xffff, v16  }
0x1be: {  	v18 =	vor.u32 v13, v17;
	v16 =	vld.idx.msk [tilespmem:v20+s15+$0x0], $0xffff  }
0x1bf: {  	v19 =	vor.u32 v14, v19;
	_ =	sdelay $0x1  }
0x1c0: {  	s31 =	simm.s32 $0x3  }
0x1c1: {  	v20 =	vadd.s32 s31, v0  }
0x1c2: {  	[tilespmem:v18+s19+$0x0] =	vst.idx.msk $0xffff, v16;
	v16 =	vand.u32 $0x1F, v20  }
0x1c3: {  	v17 =	vor.u32 v15, v17;
	v18 =	vld.idx.msk [tilespmem:v19+s15+$0x0], $0xffff;
	v19 =	vshll.u32 v16, $0x7  }
0x1c4: {  	v20 =	vor.u32 v0, v19;
	_ =	sdelay $0x3  }
0x1c5: {  	[tilespmem:v17+s19+$0x0] =	vst.idx.msk $0xffff, v18  }
0x1c6: {  	v18 =	vor.u32 v1, v16;
	v17 =	vld.idx.msk [tilespmem:v20+s15+$0x0], $0xffff  }
0x1c7: {  	v20 =	vor.u32 v2, v19;
	_ =	sdelay $0x3  }
0x1c8: {  	[tilespmem:v18+s19+$0x0] =	vst.idx.msk $0xffff, v17  }
0x1c9: {  	v18 =	vor.u32 v3, v16;
	v17 =	vld.idx.msk [tilespmem:v20+s15+$0x0], $0xffff  }
0x1ca: {  	v20 =	vor.u32 v4, v19;
	_ =	sdelay $0x3  }
0x1cb: {  	[tilespmem:v18+s19+$0x0] =	vst.idx.msk $0xffff, v17  }
0x1cc: {  	v18 =	vor.u32 v5, v16;
	v17 =	vld.idx.msk [tilespmem:v20+s15+$0x0], $0xffff  }
0x1cd: {  	v20 =	vor.u32 v6, v19;
	_ =	sdelay $0x3  }
0x1ce: {  	[tilespmem:v18+s19+$0x0] =	vst.idx.msk $0xffff, v17  }
0x1cf: {  	v18 =	vor.u32 v7, v16;
	v17 =	vld.idx.msk [tilespmem:v20+s15+$0x0], $0xffff  }
0x1d0: {  	v20 =	vor.u32 v8, v19;
	_ =	sdelay $0x3  }
0x1d1: {  	[tilespmem:v18+s19+$0x0] =	vst.idx.msk $0xffff, v17  }
0x1d2: {  	v18 =	vor.u32 v9, v16;
	v17 =	vld.idx.msk [tilespmem:v20+s15+$0x0], $0xffff  }
0x1d3: {  	v20 =	vor.u32 v10, v19;
	_ =	sdelay $0x3  }
0x1d4: {  	[tilespmem:v18+s19+$0x0] =	vst.idx.msk $0xffff, v17  }
0x1d5: {  	v18 =	vor.u32 v11, v16;
	v17 =	vld.idx.msk [tilespmem:v20+s15+$0x0], $0xffff  }
0x1d6: {  	v20 =	vor.u32 v12, v19;
	_ =	sdelay $0x3  }
0x1d7: {  	[tilespmem:v18+s19+$0x0] =	vst.idx.msk $0xffff, v17  }
0x1d8: {  	v21 =	vor.u32 v13, v16;
	v20 =	vld.idx.msk [tilespmem:v20+s15+$0x0], $0xffff  }
0x1d9: {  	v17 =	vor.u32 v14, v19;
	_ =	sdelay $0x2  }
0x1da: {  	s23 =	simm.s32 $0x4  }
0x1db: {  	s24 =	simm.s32 $0x8;
	v18 =	vadd.s32 s23, v0;
	[tilespmem:v21+s19+$0x0] =	vst.idx.msk $0xffff, v20  }
.LBB2_4:
0x1dc: {  	p0 =	slt.u32 s24, $0x1C;
	v18 =	vand.u32 $0x1F, v18;
	v17 =	vld.idx.msk [tilespmem:v17+s15+$0x0], $0xffff  }
0x1dd: {  	v16 =	vor.u32 v15, v16;
	v19 =	vshll.u32 v18, $0x7  }
0x1de: {  	v20 =	vor.u32 v0, v19;
	_ =	sdelay $0x3  }
0x1df: {  	[tilespmem:v16+s19+$0x0] =	vst.idx.msk $0xffff, v17  }
0x1e0: {  	v16 =	vld.idx.msk [tilespmem:v20+s15+$0x0], $0xffff  }
0x1e1: {  	v17 =	vor.u32 v1, v18  }
0x1e2: {  	v20 =	vor.u32 v2, v19;
	_ =	sdelay $0x3  }
0x1e3: {  	[tilespmem:v17+s19+$0x0] =	vst.idx.msk $0xffff, v16  }
0x1e4: {  	v16 =	vld.idx.msk [tilespmem:v20+s15+$0x0], $0xffff  }
0x1e5: {  	v17 =	vor.u32 v3, v18  }
0x1e6: {  	v20 =	vor.u32 v4, v19;
	_ =	sdelay $0x3  }
0x1e7: {  	[tilespmem:v17+s19+$0x0] =	vst.idx.msk $0xffff, v16  }
0x1e8: {  	v16 =	vld.idx.msk [tilespmem:v20+s15+$0x0], $0xffff  }
0x1e9: {  	v17 =	vor.u32 v5, v18  }
0x1ea: {  	v20 =	vor.u32 v6, v19;
	_ =	sdelay $0x3  }
0x1eb: {  	[tilespmem:v17+s19+$0x0] =	vst.idx.msk $0xffff, v16  }
0x1ec: {  	v16 =	vld.idx.msk [tilespmem:v20+s15+$0x0], $0xffff  }
0x1ed: {  	v17 =	vor.u32 v7, v18  }
0x1ee: {  	v20 =	vor.u32 v8, v19;
	_ =	sdelay $0x3  }
0x1ef: {  	[tilespmem:v17+s19+$0x0] =	vst.idx.msk $0xffff, v16  }
0x1f0: {  	v16 =	vld.idx.msk [tilespmem:v20+s15+$0x0], $0xffff  }
0x1f1: {  	v17 =	vor.u32 v9, v18  }
0x1f2: {  	v20 =	vor.u32 v10, v19;
	_ =	sdelay $0x3  }
0x1f3: {  	[tilespmem:v17+s19+$0x0] =	vst.idx.msk $0xffff, v16  }
0x1f4: {  	v16 =	vld.idx.msk [tilespmem:v20+s15+$0x0], $0xffff  }
0x1f5: {  	v17 =	vor.u32 v11, v18  }
0x1f6: {  	v20 =	vor.u32 v12, v19;
	_ =	sdelay $0x3  }
0x1f7: {  	[tilespmem:v17+s19+$0x0] =	vst.idx.msk $0xffff, v16  }
0x1f8: {  	v16 =	vld.idx.msk [tilespmem:v20+s15+$0x0], $0xffff  }
0x1f9: {  	v17 =	vor.u32 v13, v18  }
0x1fa: {  	v19 =	vor.u32 v14, v19;
	_ =	sdelay $0x2  }
0x1fb: {  	s25 =	sadd.s32 $0x1, s23  }
0x1fc: {  	[tilespmem:v17+s19+$0x0] =	vst.idx.msk $0xffff, v16;
	v16 =	vadd.s32 s25, v0  }
0x1fd: {  	v17 =	vld.idx.msk [tilespmem:v19+s15+$0x0], $0xffff;
	v16 =	vand.u32 $0x1F, v16  }
0x1fe: {  	v18 =	vor.u32 v15, v18;
	v19 =	vshll.u32 v16, $0x7  }
0x1ff: {  	v20 =	vor.u32 v0, v19;
	_ =	sdelay $0x3  }
0x200: {  	[tilespmem:v18+s19+$0x0] =	vst.idx.msk $0xffff, v17  }
0x201: {  	v17 =	vld.idx.msk [tilespmem:v20+s15+$0x0], $0xffff  }
0x202: {  	v18 =	vor.u32 v1, v16  }
0x203: {  	v20 =	vor.u32 v2, v19;
	_ =	sdelay $0x3  }
0x204: {  	[tilespmem:v18+s19+$0x0] =	vst.idx.msk $0xffff, v17  }
0x205: {  	v17 =	vld.idx.msk [tilespmem:v20+s15+$0x0], $0xffff  }
0x206: {  	v18 =	vor.u32 v3, v16  }
0x207: {  	v20 =	vor.u32 v4, v19;
	_ =	sdelay $0x3  }
0x208: {  	[tilespmem:v18+s19+$0x0] =	vst.idx.msk $0xffff, v17  }
0x209: {  	v17 =	vld.idx.msk [tilespmem:v20+s15+$0x0], $0xffff  }
0x20a: {  	v18 =	vor.u32 v5, v16  }
0x20b: {  	v20 =	vor.u32 v6, v19;
	_ =	sdelay $0x3  }
0x20c: {  	[tilespmem:v18+s19+$0x0] =	vst.idx.msk $0xffff, v17  }
0x20d: {  	v17 =	vld.idx.msk [tilespmem:v20+s15+$0x0], $0xffff  }
0x20e: {  	v18 =	vor.u32 v7, v16  }
0x20f: {  	v20 =	vor.u32 v8, v19;
	_ =	sdelay $0x3  }
0x210: {  	[tilespmem:v18+s19+$0x0] =	vst.idx.msk $0xffff, v17  }
0x211: {  	v17 =	vld.idx.msk [tilespmem:v20+s15+$0x0], $0xffff  }
0x212: {  	v18 =	vor.u32 v9, v16  }
0x213: {  	v20 =	vor.u32 v10, v19;
	_ =	sdelay $0x3  }
0x214: {  	[tilespmem:v18+s19+$0x0] =	vst.idx.msk $0xffff, v17  }
0x215: {  	v17 =	vld.idx.msk [tilespmem:v20+s15+$0x0], $0xffff  }
0x216: {  	v18 =	vor.u32 v11, v16  }
0x217: {  	v20 =	vor.u32 v12, v19;
	_ =	sdelay $0x3  }
0x218: {  	[tilespmem:v18+s19+$0x0] =	vst.idx.msk $0xffff, v17  }
0x219: {  	v17 =	vld.idx.msk [tilespmem:v20+s15+$0x0], $0xffff  }
0x21a: {  	v18 =	vor.u32 v13, v16  }
0x21b: {  	v19 =	vor.u32 v14, v19;
	_ =	sdelay $0x2  }
0x21c: {  	s25 =	sadd.s32 $0x2, s23  }
0x21d: {  	[tilespmem:v18+s19+$0x0] =	vst.idx.msk $0xffff, v17;
	v17 =	vadd.s32 s25, v0  }
0x21e: {  	v18 =	vld.idx.msk [tilespmem:v19+s15+$0x0], $0xffff;
	v17 =	vand.u32 $0x1F, v17  }
0x21f: {  	v16 =	vor.u32 v15, v16;
	v19 =	vshll.u32 v17, $0x7  }
0x220: {  	v20 =	vor.u32 v0, v19;
	_ =	sdelay $0x3  }
0x221: {  	[tilespmem:v16+s19+$0x0] =	vst.idx.msk $0xffff, v18  }
0x222: {  	v16 =	vld.idx.msk [tilespmem:v20+s15+$0x0], $0xffff  }
0x223: {  	v18 =	vor.u32 v1, v17  }
0x224: {  	v20 =	vor.u32 v2, v19;
	_ =	sdelay $0x3  }
0x225: {  	[tilespmem:v18+s19+$0x0] =	vst.idx.msk $0xffff, v16  }
0x226: {  	v16 =	vld.idx.msk [tilespmem:v20+s15+$0x0], $0xffff  }
0x227: {  	v18 =	vor.u32 v3, v17  }
0x228: {  	v20 =	vor.u32 v4, v19;
	_ =	sdelay $0x3  }
0x229: {  	[tilespmem:v18+s19+$0x0] =	vst.idx.msk $0xffff, v16  }
0x22a: {  	v16 =	vld.idx.msk [tilespmem:v20+s15+$0x0], $0xffff  }
0x22b: {  	v18 =	vor.u32 v5, v17  }
0x22c: {  	v20 =	vor.u32 v6, v19;
	_ =	sdelay $0x3  }
0x22d: {  	[tilespmem:v18+s19+$0x0] =	vst.idx.msk $0xffff, v16  }
0x22e: {  	v16 =	vld.idx.msk [tilespmem:v20+s15+$0x0], $0xffff  }
0x22f: {  	v18 =	vor.u32 v7, v17  }
0x230: {  	v20 =	vor.u32 v8, v19;
	_ =	sdelay $0x3  }
0x231: {  	[tilespmem:v18+s19+$0x0] =	vst.idx.msk $0xffff, v16  }
0x232: {  	v16 =	vld.idx.msk [tilespmem:v20+s15+$0x0], $0xffff  }
0x233: {  	v18 =	vor.u32 v9, v17  }
0x234: {  	v20 =	vor.u32 v10, v19;
	_ =	sdelay $0x3  }
0x235: {  	[tilespmem:v18+s19+$0x0] =	vst.idx.msk $0xffff, v16  }
0x236: {  	v16 =	vld.idx.msk [tilespmem:v20+s15+$0x0], $0xffff  }
0x237: {  	v18 =	vor.u32 v11, v17  }
0x238: {  	v20 =	vor.u32 v12, v19;
	_ =	sdelay $0x3  }
0x239: {  	[tilespmem:v18+s19+$0x0] =	vst.idx.msk $0xffff, v16  }
0x23a: {  	v16 =	vld.idx.msk [tilespmem:v20+s15+$0x0], $0xffff  }
0x23b: {  	v18 =	vor.u32 v13, v17  }
0x23c: {  	v19 =	vor.u32 v14, v19;
	_ =	sdelay $0x2  }
0x23d: {  	s25 =	sadd.s32 $0x3, s23;
	s23 =	smov.u32 s24  }
0x23e: {  	[tilespmem:v18+s19+$0x0] =	vst.idx.msk $0xffff, v16;
	v16 =	vadd.s32 s25, v0  }
0x23f: {  	v18 =	vld.idx.msk [tilespmem:v19+s15+$0x0], $0xffff;
	v16 =	vand.u32 $0x1F, v16  }
0x240: {  	v17 =	vor.u32 v15, v17;
	v19 =	vshll.u32 v16, $0x7  }
0x241: {  	v20 =	vor.u32 v0, v19;
	_ =	sdelay $0x3  }
0x242: {  	[tilespmem:v17+s19+$0x0] =	vst.idx.msk $0xffff, v18  }
0x243: {  	v17 =	vld.idx.msk [tilespmem:v20+s15+$0x0], $0xffff  }
0x244: {  	v18 =	vor.u32 v1, v16  }
0x245: {  	v20 =	vor.u32 v2, v19;
	_ =	sdelay $0x3  }
0x246: {  	[tilespmem:v18+s19+$0x0] =	vst.idx.msk $0xffff, v17  }
0x247: {  	v17 =	vld.idx.msk [tilespmem:v20+s15+$0x0], $0xffff  }
0x248: {  	v18 =	vor.u32 v3, v16  }
0x249: {  	v20 =	vor.u32 v4, v19;
	_ =	sdelay $0x3  }
0x24a: {  	[tilespmem:v18+s19+$0x0] =	vst.idx.msk $0xffff, v17  }
0x24b: {  	v17 =	vld.idx.msk [tilespmem:v20+s15+$0x0], $0xffff  }
0x24c: {  	v18 =	vor.u32 v5, v16  }
0x24d: {  	v20 =	vor.u32 v6, v19;
	_ =	sdelay $0x3  }
0x24e: {  	[tilespmem:v18+s19+$0x0] =	vst.idx.msk $0xffff, v17  }
0x24f: {  	v17 =	vld.idx.msk [tilespmem:v20+s15+$0x0], $0xffff  }
0x250: {  	v18 =	vor.u32 v7, v16  }
0x251: {  	v20 =	vor.u32 v8, v19;
	_ =	sdelay $0x3  }
0x252: {  	[tilespmem:v18+s19+$0x0] =	vst.idx.msk $0xffff, v17  }
0x253: {  	v17 =	vld.idx.msk [tilespmem:v20+s15+$0x0], $0xffff  }
0x254: {  	v18 =	vor.u32 v9, v16  }
0x255: {  	v20 =	vor.u32 v10, v19;
	_ =	sdelay $0x3  }
0x256: {  	[tilespmem:v18+s19+$0x0] =	vst.idx.msk $0xffff, v17  }
0x257: {  	v17 =	vld.idx.msk [tilespmem:v20+s15+$0x0], $0xffff  }
0x258: {  	v18 =	vor.u32 v11, v16  }
0x259: {  	v20 =	vor.u32 v12, v19;
	_ =	sdelay $0x3  }
0x25a: {  	[tilespmem:v18+s19+$0x0] =	vst.idx.msk $0xffff, v17  }
0x25b: {  	v20 =	vld.idx.msk [tilespmem:v20+s15+$0x0], $0xffff  }
0x25c: {  	v21 =	vor.u32 v13, v16  }
.Ltmp3:
0x25d: {  	v17 =	vor.u32 v14, v19;
	(pc) =	sbr.rel @p0 .LBB2_4-.Ltmp3, $2  }
0x25e: {  	_ =	sdelay $0x2  }
0x25f: {  	s24 =	sadd.s32 $0x4, s24;
	v18 =	vadd.s32 s23, v0;
	[tilespmem:v21+s19+$0x0] =	vst.idx.msk $0xffff, v20  }
0x260: {  	_ =	sdelay $0x2  }
0x261: {  	v18 =	vand.u32 $0x1F, v18  }
0x262: {  	v17 =	vld.idx.msk [tilespmem:v17+s15+$0x0], $0xffff;
	v16 =	vor.u32 v15, v16;
	v19 =	vshll.u32 v18, $0x7  }
0x263: {  	v20 =	vor.u32 v0, v19;
	_ =	sdelay $0x3  }
0x264: {  	[tilespmem:v16+s19+$0x0] =	vst.idx.msk $0xffff, v17  }
0x265: {  	v17 =	vor.u32 v1, v18;
	v16 =	vld.idx.msk [tilespmem:v20+s15+$0x0], $0xffff  }
0x266: {  	v50 =	vor.u32 v2, v19;
	_ =	sdelay $0x3  }
0x267: {  	[tilespmem:v17+s19+$0x0] =	vst.idx.msk $0xffff, v16  }
0x268: {  	v17 =	vor.u32 v3, v18;
	v16 =	vld.idx.msk [tilespmem:v50+s15+$0x0], $0xffff  }
0x269: {  	v51 =	vor.u32 v4, v19;
	_ =	sdelay $0x3  }
0x26a: {  	[tilespmem:v17+s19+$0x0] =	vst.idx.msk $0xffff, v16  }
0x26b: {  	v17 =	vor.u32 v5, v18;
	v16 =	vld.idx.msk [tilespmem:v51+s15+$0x0], $0xffff  }
0x26c: {  	v52 =	vor.u32 v6, v19;
	_ =	sdelay $0x3  }
0x26d: {  	[tilespmem:v17+s19+$0x0] =	vst.idx.msk $0xffff, v16  }
0x26e: {  	v17 =	vor.u32 v7, v18;
	v16 =	vld.idx.msk [tilespmem:v52+s15+$0x0], $0xffff  }
0x26f: {  	v53 =	vor.u32 v8, v19;
	_ =	sdelay $0x3  }
0x270: {  	[tilespmem:v17+s19+$0x0] =	vst.idx.msk $0xffff, v16  }
0x271: {  	v17 =	vor.u32 v9, v18;
	v16 =	vld.idx.msk [tilespmem:v53+s15+$0x0], $0xffff  }
0x272: {  	v54 =	vor.u32 v10, v19;
	_ =	sdelay $0x3  }
0x273: {  	[tilespmem:v17+s19+$0x0] =	vst.idx.msk $0xffff, v16  }
0x274: {  	v17 =	vor.u32 v11, v18;
	v16 =	vld.idx.msk [tilespmem:v54+s15+$0x0], $0xffff  }
0x275: {  	v55 =	vor.u32 v12, v19;
	_ =	sdelay $0x3  }
0x276: {  	[tilespmem:v17+s19+$0x0] =	vst.idx.msk $0xffff, v16  }
0x277: {  	v17 =	vor.u32 v13, v18;
	v16 =	vld.idx.msk [tilespmem:v55+s15+$0x0], $0xffff  }
0x278: {  	v19 =	vor.u32 v14, v19;
	_ =	sdelay $0x1  }
0x279: {  	s24 =	sadd.s32 $0x1, s23  }
0x27a: {  	v56 =	vadd.s32 s24, v0  }
0x27b: {  	[tilespmem:v17+s19+$0x0] =	vst.idx.msk $0xffff, v16;
	v16 =	vand.u32 $0x1F, v56  }
0x27c: {  	v18 =	vor.u32 v15, v18;
	v17 =	vld.idx.msk [tilespmem:v19+s15+$0x0], $0xffff;
	v57 =	vshll.u32 v16, $0x7  }
0x27d: {  	v58 =	vor.u32 v0, v57;
	_ =	sdelay $0x3  }
0x27e: {  	[tilespmem:v18+s19+$0x0] =	vst.idx.msk $0xffff, v17  }
0x27f: {  	v59 =	vor.u32 v1, v16;
	v17 =	vld.idx.msk [tilespmem:v58+s15+$0x0], $0xffff  }
0x280: {  	v60 =	vor.u32 v2, v57;
	_ =	sdelay $0x3  }
0x281: {  	[tilespmem:v59+s19+$0x0] =	vst.idx.msk $0xffff, v17  }
0x282: {  	v61 =	vor.u32 v3, v16;
	v17 =	vld.idx.msk [tilespmem:v60+s15+$0x0], $0xffff  }
0x283: {  	v62 =	vor.u32 v4, v57;
	_ =	sdelay $0x3  }
0x284: {  	[tilespmem:v61+s19+$0x0] =	vst.idx.msk $0xffff, v17  }
0x285: {  	v63 =	vor.u32 v5, v16;
	v17 =	vld.idx.msk [tilespmem:v62+s15+$0x0], $0xffff  }
0x286: {  	v24 =	vor.u32 v6, v57;
	_ =	sdelay $0x3  }
0x287: {  	[tilespmem:v63+s19+$0x0] =	vst.idx.msk $0xffff, v17  }
0x288: {  	v25 =	vor.u32 v7, v16;
	v17 =	vld.idx.msk [tilespmem:v24+s15+$0x0], $0xffff  }
0x289: {  	v26 =	vor.u32 v8, v57;
	_ =	sdelay $0x3  }
0x28a: {  	[tilespmem:v25+s19+$0x0] =	vst.idx.msk $0xffff, v17  }
0x28b: {  	v27 =	vor.u32 v9, v16;
	v17 =	vld.idx.msk [tilespmem:v26+s15+$0x0], $0xffff  }
0x28c: {  	v28 =	vor.u32 v10, v57;
	_ =	sdelay $0x3  }
0x28d: {  	[tilespmem:v27+s19+$0x0] =	vst.idx.msk $0xffff, v17  }
0x28e: {  	v29 =	vor.u32 v11, v16;
	v17 =	vld.idx.msk [tilespmem:v28+s15+$0x0], $0xffff  }
0x28f: {  	v30 =	vor.u32 v12, v57;
	_ =	sdelay $0x3  }
0x290: {  	[tilespmem:v29+s19+$0x0] =	vst.idx.msk $0xffff, v17  }
0x291: {  	v31 =	vor.u32 v13, v16;
	v17 =	vld.idx.msk [tilespmem:v30+s15+$0x0], $0xffff  }
0x292: {  	v19 =	vor.u32 v14, v57;
	_ =	sdelay $0x1  }
0x293: {  	s30 =	sadd.s32 $0x2, s23  }
0x294: {  	v32 =	vadd.s32 s30, v0  }
0x295: {  	[tilespmem:v31+s19+$0x0] =	vst.idx.msk $0xffff, v17;
	v17 =	vand.u32 $0x1F, v32  }
0x296: {  	v16 =	vor.u32 v15, v16;
	v18 =	vld.idx.msk [tilespmem:v19+s15+$0x0], $0xffff;
	v33 =	vshll.u32 v17, $0x7  }
0x297: {  	v34 =	vor.u32 v0, v33;
	_ =	sdelay $0x3  }
0x298: {  	[tilespmem:v16+s19+$0x0] =	vst.idx.msk $0xffff, v18  }
0x299: {  	v35 =	vor.u32 v1, v17;
	v16 =	vld.idx.msk [tilespmem:v34+s15+$0x0], $0xffff  }
0x29a: {  	v36 =	vor.u32 v2, v33;
	_ =	sdelay $0x3  }
0x29b: {  	[tilespmem:v35+s19+$0x0] =	vst.idx.msk $0xffff, v16  }
0x29c: {  	v37 =	vor.u32 v3, v17;
	v16 =	vld.idx.msk [tilespmem:v36+s15+$0x0], $0xffff  }
0x29d: {  	v38 =	vor.u32 v4, v33;
	_ =	sdelay $0x3  }
0x29e: {  	[tilespmem:v37+s19+$0x0] =	vst.idx.msk $0xffff, v16  }
0x29f: {  	v39 =	vor.u32 v5, v17;
	v16 =	vld.idx.msk [tilespmem:v38+s15+$0x0], $0xffff  }
0x2a0: {  	v40 =	vor.u32 v6, v33;
	_ =	sdelay $0x3  }
0x2a1: {  	[tilespmem:v39+s19+$0x0] =	vst.idx.msk $0xffff, v16  }
0x2a2: {  	v41 =	vor.u32 v7, v17;
	v16 =	vld.idx.msk [tilespmem:v40+s15+$0x0], $0xffff  }
0x2a3: {  	v42 =	vor.u32 v8, v33;
	_ =	sdelay $0x3  }
0x2a4: {  	[tilespmem:v41+s19+$0x0] =	vst.idx.msk $0xffff, v16  }
0x2a5: {  	v43 =	vor.u32 v9, v17;
	v16 =	vld.idx.msk [tilespmem:v42+s15+$0x0], $0xffff  }
0x2a6: {  	v44 =	vor.u32 v10, v33;
	_ =	sdelay $0x3  }
0x2a7: {  	[tilespmem:v43+s19+$0x0] =	vst.idx.msk $0xffff, v16  }
0x2a8: {  	v45 =	vor.u32 v11, v17;
	v16 =	vld.idx.msk [tilespmem:v44+s15+$0x0], $0xffff  }
0x2a9: {  	v46 =	vor.u32 v12, v33;
	_ =	sdelay $0x3  }
0x2aa: {  	[tilespmem:v45+s19+$0x0] =	vst.idx.msk $0xffff, v16  }
0x2ab: {  	v47 =	vor.u32 v13, v17;
	v16 =	vld.idx.msk [tilespmem:v46+s15+$0x0], $0xffff  }
0x2ac: {  	v19 =	vor.u32 v14, v33;
	_ =	sdelay $0x1  }
0x2ad: {  	s31 =	sadd.s32 $0x3, s23  }
0x2ae: {  	v48 =	vadd.s32 s31, v0  }
0x2af: {  	[tilespmem:v47+s19+$0x0] =	vst.idx.msk $0xffff, v16;
	v16 =	vand.u32 $0x1F, v48  }
0x2b0: {  	v17 =	vor.u32 v15, v17;
	v18 =	vld.idx.msk [tilespmem:v19+s15+$0x0], $0xffff;
	v49 =	vshll.u32 v16, $0x7  }
0x2b1: {  	v50 =	vor.u32 v0, v49;
	_ =	sdelay $0x3  }
0x2b2: {  	[tilespmem:v17+s19+$0x0] =	vst.idx.msk $0xffff, v18  }
0x2b3: {  	v51 =	vor.u32 v1, v16;
	v17 =	vld.idx.msk [tilespmem:v50+s15+$0x0], $0xffff  }
0x2b4: {  	v52 =	vor.u32 v2, v49;
	_ =	sdelay $0x3  }
0x2b5: {  	[tilespmem:v51+s19+$0x0] =	vst.idx.msk $0xffff, v17  }
0x2b6: {  	v53 =	vor.u32 v3, v16;
	v17 =	vld.idx.msk [tilespmem:v52+s15+$0x0], $0xffff  }
0x2b7: {  	v54 =	vor.u32 v4, v49;
	_ =	sdelay $0x3  }
0x2b8: {  	[tilespmem:v53+s19+$0x0] =	vst.idx.msk $0xffff, v17  }
0x2b9: {  	v55 =	vor.u32 v5, v16;
	v17 =	vld.idx.msk [tilespmem:v54+s15+$0x0], $0xffff  }
0x2ba: {  	v56 =	vor.u32 v6, v49;
	_ =	sdelay $0x3  }
0x2bb: {  	[tilespmem:v55+s19+$0x0] =	vst.idx.msk $0xffff, v17  }
0x2bc: {  	v57 =	vor.u32 v7, v16;
	v17 =	vld.idx.msk [tilespmem:v56+s15+$0x0], $0xffff  }
0x2bd: {  	v58 =	vor.u32 v8, v49;
	_ =	sdelay $0x3  }
0x2be: {  	[tilespmem:v57+s19+$0x0] =	vst.idx.msk $0xffff, v17  }
0x2bf: {  	v59 =	vor.u32 v9, v16;
	v17 =	vld.idx.msk [tilespmem:v58+s15+$0x0], $0xffff  }
0x2c0: {  	v60 =	vor.u32 v10, v49;
	_ =	sdelay $0x3  }
0x2c1: {  	[tilespmem:v59+s19+$0x0] =	vst.idx.msk $0xffff, v17  }
0x2c2: {  	v61 =	vor.u32 v11, v16;
	v17 =	vld.idx.msk [tilespmem:v60+s15+$0x0], $0xffff  }
0x2c3: {  	v62 =	vor.u32 v12, v49;
	_ =	sdelay $0x3  }
0x2c4: {  	[tilespmem:v61+s19+$0x0] =	vst.idx.msk $0xffff, v17  }
0x2c5: {  	v63 =	vor.u32 v13, v16;
	v17 =	vld.idx.msk [tilespmem:v62+s15+$0x0], $0xffff  }
0x2c6: {  	v19 =	vor.u32 v14, v49;
	_ =	sdelay $0x3  }
0x2c7: {  	[tilespmem:v63+s19+$0x0] =	vst.idx.msk $0xffff, v17  }
0x2c8: {  	v16 =	vor.u32 v15, v16;
	v17 =	vld.idx.msk [tilespmem:v19+s15+$0x0], $0xffff;
	_ =	sdelay $0x1  }
.Ltmp4:
0x2c9: {  	_ = 	snop;
	(pc) =	sbr.rel .LBB2_6-.Ltmp4, $3  }
0x2ca: {  	_ =	sdelay $0x1  }
0x2cb: {  	s23 =	simm.s32 $0x1;
	[tilespmem:v16+s19+$0x0] =	vst.idx.msk $0xffff, v17  }
0x2cc: {  	[hbm4b:s10+s3] =	stream.linear.scatter [tilespmem:s19], [sflag:$0x4], $0x1000, $0x38;
	[tilespmem:$0x4000] =	vst v63  }
.LBB2_15:
0x2cd: {  	s23 =	sadd.s32 $0x1, s23  }
0x2ce: {  	p0 =	sne.s32 s23, $0x7B  }
.Ltmp5:
0x2cf: {  	_ = 	snop;
	(pc) =	sbr.rel @!p0 .LBB2_16-.Ltmp5, $1  }
0x2d0: {  	_ =	sdelay $0x3  }
.LBB2_6:
0x2d1: {  	s24 =	sshll.u32 s23, $0x6  }
0x2d2: {  	s25 =	sor.u32 s5, s24  }
0x2d3: {  	p1 =	sgt.u32 s25, $0x1E83  }
.Ltmp6:
0x2d4: {  	s24 =	sor.u32 $0x20, s25;
	(pc) =	sbr.rel @p1 .LBB2_15-.Ltmp6, $4  }
0x2d5: {  	p0 =	sgt.u32 s24, $0x1E83  }
0x2d6: {  	s26 =	sshll.u32 @!p0 s24, $0x7;
	s28 =	simm.s32 @!p0 $0x400  }
0x2d7: {  	s29 =	simm.s32 @!p0 $0x7A1400;
	s30 =	simm.s32 @!p0 $0x1000;
	s26 =	sadd.s32 @!p0 s1, s26  }
0x2d8: {  	[tilespmem:s30], [sflag:$0x2] =	stream.strided.gather @!p0 [hbm4b:s26+s28], $0x1000, s29, s28, $0x38;
	[tilespmem:$0x4000] =	vst v63  }
0x2d9: {  	s26 =	simm.s32 $0x0  }
0x2da: {  	v16 =	vadd.s32 s26, v0  }
0x2db: {  	v16 =	vand.u32 $0x1F, v16  }
0x2dc: {  	_ =	swait.ge [sflag:s16], $0x1000;
	v17 =	vshll.u32 v16, $0x7  }
0x2dd: {  	[sflag:s16] =	ssyncset.done $0x0;
	v18 =	vor.u32 v0, v17  }
0x2de: {  	[sflag:s16] =	ssyncadd.s32 $0xFFFFF000  }
0x2df: {  	_ =	swait.ge [sflag:s20], $0x1000  }
0x2e0: {  	[sflag:s20] =	ssyncset.done $0x0  }
0x2e1: {  	[sflag:s20] =	ssyncadd.s32 $0xFFFFF000  }
0x2e2: {  	v19 =	vor.u32 v1, v16;
	v18 =	vld.idx.msk [tilespmem:v18+s3+$0x0], $0xffff  }
0x2e3: {  	v20 =	vor.u32 v2, v17;
	_ =	sdelay $0x3  }
0x2e4: {  	[tilespmem:v19+s17+$0x0] =	vst.idx.msk $0xffff, v18  }
0x2e5: {  	v19 =	vor.u32 v3, v16;
	v18 =	vld.idx.msk [tilespmem:v20+s3+$0x0], $0xffff  }
0x2e6: {  	v20 =	vor.u32 v4, v17;
	_ =	sdelay $0x3  }
0x2e7: {  	[tilespmem:v19+s17+$0x0] =	vst.idx.msk $0xffff, v18  }
0x2e8: {  	v19 =	vor.u32 v5, v16;
	v18 =	vld.idx.msk [tilespmem:v20+s3+$0x0], $0xffff  }
0x2e9: {  	v20 =	vor.u32 v6, v17;
	_ =	sdelay $0x3  }
0x2ea: {  	[tilespmem:v19+s17+$0x0] =	vst.idx.msk $0xffff, v18  }
0x2eb: {  	v19 =	vor.u32 v7, v16;
	v18 =	vld.idx.msk [tilespmem:v20+s3+$0x0], $0xffff  }
0x2ec: {  	v20 =	vor.u32 v8, v17;
	_ =	sdelay $0x3  }
0x2ed: {  	[tilespmem:v19+s17+$0x0] =	vst.idx.msk $0xffff, v18  }
0x2ee: {  	v19 =	vor.u32 v9, v16;
	v18 =	vld.idx.msk [tilespmem:v20+s3+$0x0], $0xffff  }
0x2ef: {  	v20 =	vor.u32 v10, v17;
	_ =	sdelay $0x3  }
0x2f0: {  	[tilespmem:v19+s17+$0x0] =	vst.idx.msk $0xffff, v18  }
0x2f1: {  	v19 =	vor.u32 v11, v16;
	v18 =	vld.idx.msk [tilespmem:v20+s3+$0x0], $0xffff  }
0x2f2: {  	v20 =	vor.u32 v12, v17;
	_ =	sdelay $0x3  }
0x2f3: {  	[tilespmem:v19+s17+$0x0] =	vst.idx.msk $0xffff, v18  }
0x2f4: {  	v19 =	vor.u32 v13, v16;
	v18 =	vld.idx.msk [tilespmem:v20+s3+$0x0], $0xffff  }
0x2f5: {  	v17 =	vor.u32 v14, v17;
	_ =	sdelay $0x1  }
0x2f6: {  	s29 =	simm.s32 $0x1  }
0x2f7: {  	v20 =	vadd.s32 s29, v0  }
0x2f8: {  	[tilespmem:v19+s17+$0x0] =	vst.idx.msk $0xffff, v18;
	v18 =	vand.u32 $0x1F, v20  }
0x2f9: {  	v16 =	vor.u32 v15, v16;
	v17 =	vld.idx.msk [tilespmem:v17+s3+$0x0], $0xffff;
	v19 =	vshll.u32 v18, $0x7  }
0x2fa: {  	v20 =	vor.u32 v0, v19;
	_ =	sdelay $0x3  }
0x2fb: {  	[tilespmem:v16+s17+$0x0] =	vst.idx.msk $0xffff, v17  }
0x2fc: {  	v17 =	vor.u32 v1, v18;
	v16 =	vld.idx.msk [tilespmem:v20+s3+$0x0], $0xffff  }
0x2fd: {  	v20 =	vor.u32 v2, v19;
	_ =	sdelay $0x3  }
0x2fe: {  	[tilespmem:v17+s17+$0x0] =	vst.idx.msk $0xffff, v16  }
0x2ff: {  	v17 =	vor.u32 v3, v18;
	v16 =	vld.idx.msk [tilespmem:v20+s3+$0x0], $0xffff  }
0x300: {  	v20 =	vor.u32 v4, v19;
	_ =	sdelay $0x3  }
0x301: {  	[tilespmem:v17+s17+$0x0] =	vst.idx.msk $0xffff, v16  }
0x302: {  	v17 =	vor.u32 v5, v18;
	v16 =	vld.idx.msk [tilespmem:v20+s3+$0x0], $0xffff  }
0x303: {  	v20 =	vor.u32 v6, v19;
	_ =	sdelay $0x3  }
0x304: {  	[tilespmem:v17+s17+$0x0] =	vst.idx.msk $0xffff, v16  }
0x305: {  	v17 =	vor.u32 v7, v18;
	v16 =	vld.idx.msk [tilespmem:v20+s3+$0x0], $0xffff  }
0x306: {  	v20 =	vor.u32 v8, v19;
	_ =	sdelay $0x3  }
0x307: {  	[tilespmem:v17+s17+$0x0] =	vst.idx.msk $0xffff, v16  }
0x308: {  	v17 =	vor.u32 v9, v18;
	v16 =	vld.idx.msk [tilespmem:v20+s3+$0x0], $0xffff  }
0x309: {  	v20 =	vor.u32 v10, v19;
	_ =	sdelay $0x3  }
0x30a: {  	[tilespmem:v17+s17+$0x0] =	vst.idx.msk $0xffff, v16  }
0x30b: {  	v17 =	vor.u32 v11, v18;
	v16 =	vld.idx.msk [tilespmem:v20+s3+$0x0], $0xffff  }
0x30c: {  	v20 =	vor.u32 v12, v19;
	_ =	sdelay $0x3  }
0x30d: {  	[tilespmem:v17+s17+$0x0] =	vst.idx.msk $0xffff, v16  }
0x30e: {  	v17 =	vor.u32 v13, v18;
	v16 =	vld.idx.msk [tilespmem:v20+s3+$0x0], $0xffff  }
0x30f: {  	v19 =	vor.u32 v14, v19;
	_ =	sdelay $0x1  }
0x310: {  	s30 =	simm.s32 $0x2  }
0x311: {  	v20 =	vadd.s32 s30, v0  }
0x312: {  	[tilespmem:v17+s17+$0x0] =	vst.idx.msk $0xffff, v16;
	v17 =	vand.u32 $0x1F, v20  }
0x313: {  	v18 =	vor.u32 v15, v18;
	v16 =	vld.idx.msk [tilespmem:v19+s3+$0x0], $0xffff;
	v19 =	vshll.u32 v17, $0x7  }
0x314: {  	v20 =	vor.u32 v0, v19;
	_ =	sdelay $0x3  }
0x315: {  	[tilespmem:v18+s17+$0x0] =	vst.idx.msk $0xffff, v16  }
0x316: {  	v18 =	vor.u32 v1, v17;
	v16 =	vld.idx.msk [tilespmem:v20+s3+$0x0], $0xffff  }
0x317: {  	v20 =	vor.u32 v2, v19;
	_ =	sdelay $0x3  }
0x318: {  	[tilespmem:v18+s17+$0x0] =	vst.idx.msk $0xffff, v16  }
0x319: {  	v18 =	vor.u32 v3, v17;
	v16 =	vld.idx.msk [tilespmem:v20+s3+$0x0], $0xffff  }
0x31a: {  	v20 =	vor.u32 v4, v19;
	_ =	sdelay $0x3  }
0x31b: {  	[tilespmem:v18+s17+$0x0] =	vst.idx.msk $0xffff, v16  }
0x31c: {  	v18 =	vor.u32 v5, v17;
	v16 =	vld.idx.msk [tilespmem:v20+s3+$0x0], $0xffff  }
0x31d: {  	v20 =	vor.u32 v6, v19;
	_ =	sdelay $0x3  }
0x31e: {  	[tilespmem:v18+s17+$0x0] =	vst.idx.msk $0xffff, v16  }
0x31f: {  	v18 =	vor.u32 v7, v17;
	v16 =	vld.idx.msk [tilespmem:v20+s3+$0x0], $0xffff  }
0x320: {  	v20 =	vor.u32 v8, v19;
	_ =	sdelay $0x3  }
0x321: {  	[tilespmem:v18+s17+$0x0] =	vst.idx.msk $0xffff, v16  }
0x322: {  	v18 =	vor.u32 v9, v17;
	v16 =	vld.idx.msk [tilespmem:v20+s3+$0x0], $0xffff  }
0x323: {  	v20 =	vor.u32 v10, v19;
	_ =	sdelay $0x3  }
0x324: {  	[tilespmem:v18+s17+$0x0] =	vst.idx.msk $0xffff, v16  }
0x325: {  	v18 =	vor.u32 v11, v17;
	v16 =	vld.idx.msk [tilespmem:v20+s3+$0x0], $0xffff  }
0x326: {  	v20 =	vor.u32 v12, v19;
	_ =	sdelay $0x3  }
0x327: {  	[tilespmem:v18+s17+$0x0] =	vst.idx.msk $0xffff, v16  }
0x328: {  	v18 =	vor.u32 v13, v17;
	v16 =	vld.idx.msk [tilespmem:v20+s3+$0x0], $0xffff  }
0x329: {  	v19 =	vor.u32 v14, v19;
	_ =	sdelay $0x1  }
0x32a: {  	s31 =	simm.s32 $0x3  }
0x32b: {  	v20 =	vadd.s32 s31, v0  }
0x32c: {  	[tilespmem:v18+s17+$0x0] =	vst.idx.msk $0xffff, v16;
	v16 =	vand.u32 $0x1F, v20  }
0x32d: {  	v17 =	vor.u32 v15, v17;
	v18 =	vld.idx.msk [tilespmem:v19+s3+$0x0], $0xffff;
	v19 =	vshll.u32 v16, $0x7  }
0x32e: {  	v20 =	vor.u32 v0, v19;
	_ =	sdelay $0x3  }
0x32f: {  	[tilespmem:v17+s17+$0x0] =	vst.idx.msk $0xffff, v18  }
0x330: {  	v18 =	vor.u32 v1, v16;
	v17 =	vld.idx.msk [tilespmem:v20+s3+$0x0], $0xffff  }
0x331: {  	v20 =	vor.u32 v2, v19;
	_ =	sdelay $0x3  }
0x332: {  	[tilespmem:v18+s17+$0x0] =	vst.idx.msk $0xffff, v17  }
0x333: {  	v18 =	vor.u32 v3, v16;
	v17 =	vld.idx.msk [tilespmem:v20+s3+$0x0], $0xffff  }
0x334: {  	v20 =	vor.u32 v4, v19;
	_ =	sdelay $0x3  }
0x335: {  	[tilespmem:v18+s17+$0x0] =	vst.idx.msk $0xffff, v17  }
0x336: {  	v18 =	vor.u32 v5, v16;
	v17 =	vld.idx.msk [tilespmem:v20+s3+$0x0], $0xffff  }
0x337: {  	v20 =	vor.u32 v6, v19;
	_ =	sdelay $0x3  }
0x338: {  	[tilespmem:v18+s17+$0x0] =	vst.idx.msk $0xffff, v17  }
0x339: {  	v18 =	vor.u32 v7, v16;
	v17 =	vld.idx.msk [tilespmem:v20+s3+$0x0], $0xffff  }
0x33a: {  	v20 =	vor.u32 v8, v19;
	_ =	sdelay $0x3  }
0x33b: {  	[tilespmem:v18+s17+$0x0] =	vst.idx.msk $0xffff, v17  }
0x33c: {  	v18 =	vor.u32 v9, v16;
	v17 =	vld.idx.msk [tilespmem:v20+s3+$0x0], $0xffff  }
0x33d: {  	v20 =	vor.u32 v10, v19;
	_ =	sdelay $0x3  }
0x33e: {  	[tilespmem:v18+s17+$0x0] =	vst.idx.msk $0xffff, v17  }
0x33f: {  	v18 =	vor.u32 v11, v16;
	v17 =	vld.idx.msk [tilespmem:v20+s3+$0x0], $0xffff  }
0x340: {  	v20 =	vor.u32 v12, v19;
	_ =	sdelay $0x3  }
0x341: {  	[tilespmem:v18+s17+$0x0] =	vst.idx.msk $0xffff, v17  }
0x342: {  	v21 =	vor.u32 v13, v16;
	v20 =	vld.idx.msk [tilespmem:v20+s3+$0x0], $0xffff  }
0x343: {  	v17 =	vor.u32 v14, v19;
	_ =	sdelay $0x2  }
0x344: {  	s26 =	simm.s32 $0x4  }
0x345: {  	s28 =	simm.s32 $0x8;
	v18 =	vadd.s32 s26, v0;
	[tilespmem:v21+s17+$0x0] =	vst.idx.msk $0xffff, v20  }
.LBB2_8:
0x346: {  	p1 =	slt.u32 s28, $0x1C;
	v18 =	vand.u32 $0x1F, v18;
	v17 =	vld.idx.msk [tilespmem:v17+s3+$0x0], $0xffff  }
0x347: {  	v16 =	vor.u32 v15, v16;
	v19 =	vshll.u32 v18, $0x7  }
0x348: {  	v20 =	vor.u32 v0, v19;
	_ =	sdelay $0x3  }
0x349: {  	[tilespmem:v16+s17+$0x0] =	vst.idx.msk $0xffff, v17  }
0x34a: {  	v16 =	vld.idx.msk [tilespmem:v20+s3+$0x0], $0xffff  }
0x34b: {  	v17 =	vor.u32 v1, v18  }
0x34c: {  	v20 =	vor.u32 v2, v19;
	_ =	sdelay $0x3  }
0x34d: {  	[tilespmem:v17+s17+$0x0] =	vst.idx.msk $0xffff, v16  }
0x34e: {  	v16 =	vld.idx.msk [tilespmem:v20+s3+$0x0], $0xffff  }
0x34f: {  	v17 =	vor.u32 v3, v18  }
0x350: {  	v20 =	vor.u32 v4, v19;
	_ =	sdelay $0x3  }
0x351: {  	[tilespmem:v17+s17+$0x0] =	vst.idx.msk $0xffff, v16  }
0x352: {  	v16 =	vld.idx.msk [tilespmem:v20+s3+$0x0], $0xffff  }
0x353: {  	v17 =	vor.u32 v5, v18  }
0x354: {  	v20 =	vor.u32 v6, v19;
	_ =	sdelay $0x3  }
0x355: {  	[tilespmem:v17+s17+$0x0] =	vst.idx.msk $0xffff, v16  }
0x356: {  	v16 =	vld.idx.msk [tilespmem:v20+s3+$0x0], $0xffff  }
0x357: {  	v17 =	vor.u32 v7, v18  }
0x358: {  	v20 =	vor.u32 v8, v19;
	_ =	sdelay $0x3  }
0x359: {  	[tilespmem:v17+s17+$0x0] =	vst.idx.msk $0xffff, v16  }
0x35a: {  	v16 =	vld.idx.msk [tilespmem:v20+s3+$0x0], $0xffff  }
0x35b: {  	v17 =	vor.u32 v9, v18  }
0x35c: {  	v20 =	vor.u32 v10, v19;
	_ =	sdelay $0x3  }
0x35d: {  	[tilespmem:v17+s17+$0x0] =	vst.idx.msk $0xffff, v16  }
0x35e: {  	v16 =	vld.idx.msk [tilespmem:v20+s3+$0x0], $0xffff  }
0x35f: {  	v17 =	vor.u32 v11, v18  }
0x360: {  	v20 =	vor.u32 v12, v19;
	_ =	sdelay $0x3  }
0x361: {  	[tilespmem:v17+s17+$0x0] =	vst.idx.msk $0xffff, v16  }
0x362: {  	v16 =	vld.idx.msk [tilespmem:v20+s3+$0x0], $0xffff  }
0x363: {  	v17 =	vor.u32 v13, v18  }
0x364: {  	v19 =	vor.u32 v14, v19;
	_ =	sdelay $0x2  }
0x365: {  	s29 =	sadd.s32 $0x1, s26  }
0x366: {  	[tilespmem:v17+s17+$0x0] =	vst.idx.msk $0xffff, v16;
	v16 =	vadd.s32 s29, v0  }
0x367: {  	v17 =	vld.idx.msk [tilespmem:v19+s3+$0x0], $0xffff;
	v16 =	vand.u32 $0x1F, v16  }
0x368: {  	v18 =	vor.u32 v15, v18;
	v19 =	vshll.u32 v16, $0x7  }
0x369: {  	v20 =	vor.u32 v0, v19;
	_ =	sdelay $0x3  }
0x36a: {  	[tilespmem:v18+s17+$0x0] =	vst.idx.msk $0xffff, v17  }
0x36b: {  	v17 =	vld.idx.msk [tilespmem:v20+s3+$0x0], $0xffff  }
0x36c: {  	v18 =	vor.u32 v1, v16  }
0x36d: {  	v20 =	vor.u32 v2, v19;
	_ =	sdelay $0x3  }
0x36e: {  	[tilespmem:v18+s17+$0x0] =	vst.idx.msk $0xffff, v17  }
0x36f: {  	v17 =	vld.idx.msk [tilespmem:v20+s3+$0x0], $0xffff  }
0x370: {  	v18 =	vor.u32 v3, v16  }
0x371: {  	v20 =	vor.u32 v4, v19;
	_ =	sdelay $0x3  }
0x372: {  	[tilespmem:v18+s17+$0x0] =	vst.idx.msk $0xffff, v17  }
0x373: {  	v17 =	vld.idx.msk [tilespmem:v20+s3+$0x0], $0xffff  }
0x374: {  	v18 =	vor.u32 v5, v16  }
0x375: {  	v20 =	vor.u32 v6, v19;
	_ =	sdelay $0x3  }
0x376: {  	[tilespmem:v18+s17+$0x0] =	vst.idx.msk $0xffff, v17  }
0x377: {  	v17 =	vld.idx.msk [tilespmem:v20+s3+$0x0], $0xffff  }
0x378: {  	v18 =	vor.u32 v7, v16  }
0x379: {  	v20 =	vor.u32 v8, v19;
	_ =	sdelay $0x3  }
0x37a: {  	[tilespmem:v18+s17+$0x0] =	vst.idx.msk $0xffff, v17  }
0x37b: {  	v17 =	vld.idx.msk [tilespmem:v20+s3+$0x0], $0xffff  }
0x37c: {  	v18 =	vor.u32 v9, v16  }
0x37d: {  	v20 =	vor.u32 v10, v19;
	_ =	sdelay $0x3  }
0x37e: {  	[tilespmem:v18+s17+$0x0] =	vst.idx.msk $0xffff, v17  }
0x37f: {  	v17 =	vld.idx.msk [tilespmem:v20+s3+$0x0], $0xffff  }
0x380: {  	v18 =	vor.u32 v11, v16  }
0x381: {  	v20 =	vor.u32 v12, v19;
	_ =	sdelay $0x3  }
0x382: {  	[tilespmem:v18+s17+$0x0] =	vst.idx.msk $0xffff, v17  }
0x383: {  	v17 =	vld.idx.msk [tilespmem:v20+s3+$0x0], $0xffff  }
0x384: {  	v18 =	vor.u32 v13, v16  }
0x385: {  	v19 =	vor.u32 v14, v19;
	_ =	sdelay $0x2  }
0x386: {  	s29 =	sadd.s32 $0x2, s26  }
0x387: {  	[tilespmem:v18+s17+$0x0] =	vst.idx.msk $0xffff, v17;
	v17 =	vadd.s32 s29, v0  }
0x388: {  	v18 =	vld.idx.msk [tilespmem:v19+s3+$0x0], $0xffff;
	v17 =	vand.u32 $0x1F, v17  }
0x389: {  	v16 =	vor.u32 v15, v16;
	v19 =	vshll.u32 v17, $0x7  }
0x38a: {  	v20 =	vor.u32 v0, v19;
	_ =	sdelay $0x3  }
0x38b: {  	[tilespmem:v16+s17+$0x0] =	vst.idx.msk $0xffff, v18  }
0x38c: {  	v16 =	vld.idx.msk [tilespmem:v20+s3+$0x0], $0xffff  }
0x38d: {  	v18 =	vor.u32 v1, v17  }
0x38e: {  	v20 =	vor.u32 v2, v19;
	_ =	sdelay $0x3  }
0x38f: {  	[tilespmem:v18+s17+$0x0] =	vst.idx.msk $0xffff, v16  }
0x390: {  	v16 =	vld.idx.msk [tilespmem:v20+s3+$0x0], $0xffff  }
0x391: {  	v18 =	vor.u32 v3, v17  }
0x392: {  	v20 =	vor.u32 v4, v19;
	_ =	sdelay $0x3  }
0x393: {  	[tilespmem:v18+s17+$0x0] =	vst.idx.msk $0xffff, v16  }
0x394: {  	v16 =	vld.idx.msk [tilespmem:v20+s3+$0x0], $0xffff  }
0x395: {  	v18 =	vor.u32 v5, v17  }
0x396: {  	v20 =	vor.u32 v6, v19;
	_ =	sdelay $0x3  }
0x397: {  	[tilespmem:v18+s17+$0x0] =	vst.idx.msk $0xffff, v16  }
0x398: {  	v16 =	vld.idx.msk [tilespmem:v20+s3+$0x0], $0xffff  }
0x399: {  	v18 =	vor.u32 v7, v17  }
0x39a: {  	v20 =	vor.u32 v8, v19;
	_ =	sdelay $0x3  }
0x39b: {  	[tilespmem:v18+s17+$0x0] =	vst.idx.msk $0xffff, v16  }
0x39c: {  	v16 =	vld.idx.msk [tilespmem:v20+s3+$0x0], $0xffff  }
0x39d: {  	v18 =	vor.u32 v9, v17  }
0x39e: {  	v20 =	vor.u32 v10, v19;
	_ =	sdelay $0x3  }
0x39f: {  	[tilespmem:v18+s17+$0x0] =	vst.idx.msk $0xffff, v16  }
0x3a0: {  	v16 =	vld.idx.msk [tilespmem:v20+s3+$0x0], $0xffff  }
0x3a1: {  	v18 =	vor.u32 v11, v17  }
0x3a2: {  	v20 =	vor.u32 v12, v19;
	_ =	sdelay $0x3  }
0x3a3: {  	[tilespmem:v18+s17+$0x0] =	vst.idx.msk $0xffff, v16  }
0x3a4: {  	v16 =	vld.idx.msk [tilespmem:v20+s3+$0x0], $0xffff  }
0x3a5: {  	v18 =	vor.u32 v13, v17  }
0x3a6: {  	v19 =	vor.u32 v14, v19;
	_ =	sdelay $0x2  }
0x3a7: {  	s29 =	sadd.s32 $0x3, s26;
	s26 =	smov.u32 s28  }
0x3a8: {  	[tilespmem:v18+s17+$0x0] =	vst.idx.msk $0xffff, v16;
	v16 =	vadd.s32 s29, v0  }
0x3a9: {  	v18 =	vld.idx.msk [tilespmem:v19+s3+$0x0], $0xffff;
	v16 =	vand.u32 $0x1F, v16  }
0x3aa: {  	v17 =	vor.u32 v15, v17;
	v19 =	vshll.u32 v16, $0x7  }
0x3ab: {  	v20 =	vor.u32 v0, v19;
	_ =	sdelay $0x3  }
0x3ac: {  	[tilespmem:v17+s17+$0x0] =	vst.idx.msk $0xffff, v18  }
0x3ad: {  	v17 =	vld.idx.msk [tilespmem:v20+s3+$0x0], $0xffff  }
0x3ae: {  	v18 =	vor.u32 v1, v16  }
0x3af: {  	v20 =	vor.u32 v2, v19;
	_ =	sdelay $0x3  }
0x3b0: {  	[tilespmem:v18+s17+$0x0] =	vst.idx.msk $0xffff, v17  }
0x3b1: {  	v17 =	vld.idx.msk [tilespmem:v20+s3+$0x0], $0xffff  }
0x3b2: {  	v18 =	vor.u32 v3, v16  }
0x3b3: {  	v20 =	vor.u32 v4, v19;
	_ =	sdelay $0x3  }
0x3b4: {  	[tilespmem:v18+s17+$0x0] =	vst.idx.msk $0xffff, v17  }
0x3b5: {  	v17 =	vld.idx.msk [tilespmem:v20+s3+$0x0], $0xffff  }
0x3b6: {  	v18 =	vor.u32 v5, v16  }
0x3b7: {  	v20 =	vor.u32 v6, v19;
	_ =	sdelay $0x3  }
0x3b8: {  	[tilespmem:v18+s17+$0x0] =	vst.idx.msk $0xffff, v17  }
0x3b9: {  	v17 =	vld.idx.msk [tilespmem:v20+s3+$0x0], $0xffff  }
0x3ba: {  	v18 =	vor.u32 v7, v16  }
0x3bb: {  	v20 =	vor.u32 v8, v19;
	_ =	sdelay $0x3  }
0x3bc: {  	[tilespmem:v18+s17+$0x0] =	vst.idx.msk $0xffff, v17  }
0x3bd: {  	v17 =	vld.idx.msk [tilespmem:v20+s3+$0x0], $0xffff  }
0x3be: {  	v18 =	vor.u32 v9, v16  }
0x3bf: {  	v20 =	vor.u32 v10, v19;
	_ =	sdelay $0x3  }
0x3c0: {  	[tilespmem:v18+s17+$0x0] =	vst.idx.msk $0xffff, v17  }
0x3c1: {  	v17 =	vld.idx.msk [tilespmem:v20+s3+$0x0], $0xffff  }
0x3c2: {  	v18 =	vor.u32 v11, v16  }
0x3c3: {  	v20 =	vor.u32 v12, v19;
	_ =	sdelay $0x3  }
0x3c4: {  	[tilespmem:v18+s17+$0x0] =	vst.idx.msk $0xffff, v17  }
0x3c5: {  	v20 =	vld.idx.msk [tilespmem:v20+s3+$0x0], $0xffff  }
0x3c6: {  	v21 =	vor.u32 v13, v16  }
.Ltmp7:
0x3c7: {  	v17 =	vor.u32 v14, v19;
	(pc) =	sbr.rel @p1 .LBB2_8-.Ltmp7, $2  }
0x3c8: {  	_ =	sdelay $0x2  }
0x3c9: {  	s28 =	sadd.s32 $0x4, s28;
	v18 =	vadd.s32 s26, v0;
	[tilespmem:v21+s17+$0x0] =	vst.idx.msk $0xffff, v20  }
0x3ca: {  	_ =	sdelay $0x2  }
0x3cb: {  	v18 =	vand.u32 $0x1F, v18  }
0x3cc: {  	v17 =	vld.idx.msk [tilespmem:v17+s3+$0x0], $0xffff;
	v16 =	vor.u32 v15, v16;
	v19 =	vshll.u32 v18, $0x7  }
0x3cd: {  	v20 =	vor.u32 v0, v19;
	_ =	sdelay $0x3  }
0x3ce: {  	[tilespmem:v16+s17+$0x0] =	vst.idx.msk $0xffff, v17  }
0x3cf: {  	v17 =	vor.u32 v1, v18;
	v16 =	vld.idx.msk [tilespmem:v20+s3+$0x0], $0xffff  }
0x3d0: {  	v50 =	vor.u32 v2, v19;
	_ =	sdelay $0x3  }
0x3d1: {  	[tilespmem:v17+s17+$0x0] =	vst.idx.msk $0xffff, v16  }
0x3d2: {  	v17 =	vor.u32 v3, v18;
	v16 =	vld.idx.msk [tilespmem:v50+s3+$0x0], $0xffff  }
0x3d3: {  	v51 =	vor.u32 v4, v19;
	_ =	sdelay $0x3  }
0x3d4: {  	[tilespmem:v17+s17+$0x0] =	vst.idx.msk $0xffff, v16  }
0x3d5: {  	v17 =	vor.u32 v5, v18;
	v16 =	vld.idx.msk [tilespmem:v51+s3+$0x0], $0xffff  }
0x3d6: {  	v52 =	vor.u32 v6, v19;
	_ =	sdelay $0x3  }
0x3d7: {  	[tilespmem:v17+s17+$0x0] =	vst.idx.msk $0xffff, v16  }
0x3d8: {  	v17 =	vor.u32 v7, v18;
	v16 =	vld.idx.msk [tilespmem:v52+s3+$0x0], $0xffff  }
0x3d9: {  	v53 =	vor.u32 v8, v19;
	_ =	sdelay $0x3  }
0x3da: {  	[tilespmem:v17+s17+$0x0] =	vst.idx.msk $0xffff, v16  }
0x3db: {  	v17 =	vor.u32 v9, v18;
	v16 =	vld.idx.msk [tilespmem:v53+s3+$0x0], $0xffff  }
0x3dc: {  	v54 =	vor.u32 v10, v19;
	_ =	sdelay $0x3  }
0x3dd: {  	[tilespmem:v17+s17+$0x0] =	vst.idx.msk $0xffff, v16  }
0x3de: {  	v17 =	vor.u32 v11, v18;
	v16 =	vld.idx.msk [tilespmem:v54+s3+$0x0], $0xffff  }
0x3df: {  	v55 =	vor.u32 v12, v19;
	_ =	sdelay $0x3  }
0x3e0: {  	[tilespmem:v17+s17+$0x0] =	vst.idx.msk $0xffff, v16  }
0x3e1: {  	v17 =	vor.u32 v13, v18;
	v16 =	vld.idx.msk [tilespmem:v55+s3+$0x0], $0xffff  }
0x3e2: {  	v19 =	vor.u32 v14, v19;
	_ =	sdelay $0x1  }
0x3e3: {  	s28 =	sadd.s32 $0x1, s26  }
0x3e4: {  	v56 =	vadd.s32 s28, v0  }
0x3e5: {  	[tilespmem:v17+s17+$0x0] =	vst.idx.msk $0xffff, v16;
	v16 =	vand.u32 $0x1F, v56  }
0x3e6: {  	v18 =	vor.u32 v15, v18;
	v17 =	vld.idx.msk [tilespmem:v19+s3+$0x0], $0xffff;
	v57 =	vshll.u32 v16, $0x7  }
0x3e7: {  	v58 =	vor.u32 v0, v57;
	_ =	sdelay $0x3  }
0x3e8: {  	[tilespmem:v18+s17+$0x0] =	vst.idx.msk $0xffff, v17  }
0x3e9: {  	v59 =	vor.u32 v1, v16;
	v17 =	vld.idx.msk [tilespmem:v58+s3+$0x0], $0xffff  }
0x3ea: {  	v60 =	vor.u32 v2, v57;
	_ =	sdelay $0x3  }
0x3eb: {  	[tilespmem:v59+s17+$0x0] =	vst.idx.msk $0xffff, v17  }
0x3ec: {  	v61 =	vor.u32 v3, v16;
	v17 =	vld.idx.msk [tilespmem:v60+s3+$0x0], $0xffff  }
0x3ed: {  	v62 =	vor.u32 v4, v57;
	_ =	sdelay $0x3  }
0x3ee: {  	[tilespmem:v61+s17+$0x0] =	vst.idx.msk $0xffff, v17  }
0x3ef: {  	v63 =	vor.u32 v5, v16;
	v17 =	vld.idx.msk [tilespmem:v62+s3+$0x0], $0xffff  }
0x3f0: {  	v24 =	vor.u32 v6, v57;
	_ =	sdelay $0x3  }
0x3f1: {  	[tilespmem:v63+s17+$0x0] =	vst.idx.msk $0xffff, v17  }
0x3f2: {  	v25 =	vor.u32 v7, v16;
	v17 =	vld.idx.msk [tilespmem:v24+s3+$0x0], $0xffff  }
0x3f3: {  	v26 =	vor.u32 v8, v57;
	_ =	sdelay $0x3  }
0x3f4: {  	[tilespmem:v25+s17+$0x0] =	vst.idx.msk $0xffff, v17  }
0x3f5: {  	v27 =	vor.u32 v9, v16;
	v17 =	vld.idx.msk [tilespmem:v26+s3+$0x0], $0xffff  }
0x3f6: {  	v28 =	vor.u32 v10, v57;
	_ =	sdelay $0x3  }
0x3f7: {  	[tilespmem:v27+s17+$0x0] =	vst.idx.msk $0xffff, v17  }
0x3f8: {  	v29 =	vor.u32 v11, v16;
	v17 =	vld.idx.msk [tilespmem:v28+s3+$0x0], $0xffff  }
0x3f9: {  	v30 =	vor.u32 v12, v57;
	_ =	sdelay $0x3  }
0x3fa: {  	[tilespmem:v29+s17+$0x0] =	vst.idx.msk $0xffff, v17  }
0x3fb: {  	v31 =	vor.u32 v13, v16;
	v17 =	vld.idx.msk [tilespmem:v30+s3+$0x0], $0xffff  }
0x3fc: {  	v19 =	vor.u32 v14, v57;
	_ =	sdelay $0x1  }
0x3fd: {  	s30 =	sadd.s32 $0x2, s26  }
0x3fe: {  	v32 =	vadd.s32 s30, v0  }
0x3ff: {  	[tilespmem:v31+s17+$0x0] =	vst.idx.msk $0xffff, v17;
	v17 =	vand.u32 $0x1F, v32  }
0x400: {  	v16 =	vor.u32 v15, v16;
	v18 =	vld.idx.msk [tilespmem:v19+s3+$0x0], $0xffff;
	v33 =	vshll.u32 v17, $0x7  }
0x401: {  	v34 =	vor.u32 v0, v33;
	_ =	sdelay $0x3  }
0x402: {  	[tilespmem:v16+s17+$0x0] =	vst.idx.msk $0xffff, v18  }
0x403: {  	v35 =	vor.u32 v1, v17;
	v16 =	vld.idx.msk [tilespmem:v34+s3+$0x0], $0xffff  }
0x404: {  	v36 =	vor.u32 v2, v33;
	_ =	sdelay $0x3  }
0x405: {  	[tilespmem:v35+s17+$0x0] =	vst.idx.msk $0xffff, v16  }
0x406: {  	v37 =	vor.u32 v3, v17;
	v16 =	vld.idx.msk [tilespmem:v36+s3+$0x0], $0xffff  }
0x407: {  	v38 =	vor.u32 v4, v33;
	_ =	sdelay $0x3  }
0x408: {  	[tilespmem:v37+s17+$0x0] =	vst.idx.msk $0xffff, v16  }
0x409: {  	v39 =	vor.u32 v5, v17;
	v16 =	vld.idx.msk [tilespmem:v38+s3+$0x0], $0xffff  }
0x40a: {  	v40 =	vor.u32 v6, v33;
	_ =	sdelay $0x3  }
0x40b: {  	[tilespmem:v39+s17+$0x0] =	vst.idx.msk $0xffff, v16  }
0x40c: {  	v41 =	vor.u32 v7, v17;
	v16 =	vld.idx.msk [tilespmem:v40+s3+$0x0], $0xffff  }
0x40d: {  	v42 =	vor.u32 v8, v33;
	_ =	sdelay $0x3  }
0x40e: {  	[tilespmem:v41+s17+$0x0] =	vst.idx.msk $0xffff, v16  }
0x40f: {  	v43 =	vor.u32 v9, v17;
	v16 =	vld.idx.msk [tilespmem:v42+s3+$0x0], $0xffff  }
0x410: {  	v44 =	vor.u32 v10, v33;
	_ =	sdelay $0x3  }
0x411: {  	[tilespmem:v43+s17+$0x0] =	vst.idx.msk $0xffff, v16  }
0x412: {  	v45 =	vor.u32 v11, v17;
	v16 =	vld.idx.msk [tilespmem:v44+s3+$0x0], $0xffff  }
0x413: {  	v46 =	vor.u32 v12, v33;
	_ =	sdelay $0x3  }
0x414: {  	[tilespmem:v45+s17+$0x0] =	vst.idx.msk $0xffff, v16  }
0x415: {  	v47 =	vor.u32 v13, v17;
	v16 =	vld.idx.msk [tilespmem:v46+s3+$0x0], $0xffff  }
0x416: {  	v19 =	vor.u32 v14, v33;
	_ =	sdelay $0x1  }
0x417: {  	s31 =	sadd.s32 $0x3, s26  }
0x418: {  	v48 =	vadd.s32 s31, v0  }
0x419: {  	[tilespmem:v47+s17+$0x0] =	vst.idx.msk $0xffff, v16;
	v16 =	vand.u32 $0x1F, v48  }
0x41a: {  	v17 =	vor.u32 v15, v17;
	v18 =	vld.idx.msk [tilespmem:v19+s3+$0x0], $0xffff;
	v49 =	vshll.u32 v16, $0x7  }
0x41b: {  	v50 =	vor.u32 v0, v49;
	_ =	sdelay $0x3  }
0x41c: {  	[tilespmem:v17+s17+$0x0] =	vst.idx.msk $0xffff, v18  }
0x41d: {  	v51 =	vor.u32 v1, v16;
	v17 =	vld.idx.msk [tilespmem:v50+s3+$0x0], $0xffff  }
0x41e: {  	v52 =	vor.u32 v2, v49;
	_ =	sdelay $0x3  }
0x41f: {  	[tilespmem:v51+s17+$0x0] =	vst.idx.msk $0xffff, v17  }
0x420: {  	v53 =	vor.u32 v3, v16;
	v17 =	vld.idx.msk [tilespmem:v52+s3+$0x0], $0xffff  }
0x421: {  	v54 =	vor.u32 v4, v49;
	_ =	sdelay $0x3  }
0x422: {  	[tilespmem:v53+s17+$0x0] =	vst.idx.msk $0xffff, v17  }
0x423: {  	v55 =	vor.u32 v5, v16;
	v17 =	vld.idx.msk [tilespmem:v54+s3+$0x0], $0xffff  }
0x424: {  	v56 =	vor.u32 v6, v49;
	_ =	sdelay $0x3  }
0x425: {  	[tilespmem:v55+s17+$0x0] =	vst.idx.msk $0xffff, v17  }
0x426: {  	v57 =	vor.u32 v7, v16;
	v17 =	vld.idx.msk [tilespmem:v56+s3+$0x0], $0xffff  }
0x427: {  	v58 =	vor.u32 v8, v49;
	_ =	sdelay $0x3  }
0x428: {  	[tilespmem:v57+s17+$0x0] =	vst.idx.msk $0xffff, v17  }
0x429: {  	v59 =	vor.u32 v9, v16;
	v17 =	vld.idx.msk [tilespmem:v58+s3+$0x0], $0xffff  }
0x42a: {  	v60 =	vor.u32 v10, v49;
	_ =	sdelay $0x3  }
0x42b: {  	[tilespmem:v59+s17+$0x0] =	vst.idx.msk $0xffff, v17  }
0x42c: {  	v61 =	vor.u32 v11, v16;
	v17 =	vld.idx.msk [tilespmem:v60+s3+$0x0], $0xffff  }
0x42d: {  	v62 =	vor.u32 v12, v49;
	_ =	sdelay $0x3  }
0x42e: {  	[tilespmem:v61+s17+$0x0] =	vst.idx.msk $0xffff, v17  }
0x42f: {  	v63 =	vor.u32 v13, v16;
	v17 =	vld.idx.msk [tilespmem:v62+s3+$0x0], $0xffff  }
0x430: {  	v19 =	vor.u32 v14, v49;
	_ =	sdelay $0x3  }
0x431: {  	[tilespmem:v63+s17+$0x0] =	vst.idx.msk $0xffff, v17  }
0x432: {  	v16 =	vor.u32 v15, v16;
	v17 =	vld.idx.msk [tilespmem:v19+s3+$0x0], $0xffff  }
0x433: {  	p1 =	sgt.u32 s24, $0x1E63  }
.Ltmp8:
0x434: {  	_ = 	snop;
	(pc) =	sbr.rel @p1 .LBB2_11-.Ltmp8, $4  }
0x435: {  	_ = 	snop  }
0x436: {  	s25 =	sshll.u32 s25, $0x9  }
0x437: {  	s25 =	sadd.s32 s4, s25;
	[tilespmem:v16+s17+$0x0] =	vst.idx.msk $0xffff, v17  }
0x438: {  	[hbm4b:s25+s3] =	stream.linear.scatter [tilespmem:s17], [sflag:$0x3], $0x1000, $0x38;
	[tilespmem:$0x4000] =	vst v63  }
.Ltmp9:
0x439: {  	(pc) =	sbr.rel .LBB2_12-.Ltmp9, $4  }
0x43a: {  	_ = 	snop  }
0x43b: {  	s25 =	sshll.u32 s24, $0x7  }
0x43c: {  	s25 =	sadd.s32 s25, s11  }
0x43d: {  	[tilespmem:s3], [sflag:$0x1] =	stream.strided.gather [hbm4b:s25+s13], $0x1000, s14, s13, $0x38;
	[tilespmem:$0x4000] =	vst v63  }
.LBB2_11:
.Ltmp10:
0x43e: {  	(pc) =	sbr.rel @p0 .LBB2_15-.Ltmp10, $1  }
0x43f: {  	_ =	sdelay $0x3  }
.LBB2_12:
0x440: {  	s25 =	simm.s32 $0x0  }
0x441: {  	v16 =	vadd.s32 s25, v0  }
0x442: {  	v16 =	vand.u32 $0x1F, v16  }
0x443: {  	_ =	swait.ge [sflag:s18], $0x1000;
	v17 =	vshll.u32 v16, $0x7  }
0x444: {  	[sflag:s18] =	ssyncset.done $0x0;
	v18 =	vor.u32 v0, v17  }
0x445: {  	[sflag:s18] =	ssyncadd.s32 $0xFFFFF000  }
0x446: {  	_ =	swait.ge [sflag:s21], $0x1000  }
0x447: {  	[sflag:s21] =	ssyncset.done $0x0  }
0x448: {  	[sflag:s21] =	ssyncadd.s32 $0xFFFFF000  }
0x449: {  	v19 =	vor.u32 v1, v16;
	v18 =	vld.idx.msk [tilespmem:v18+s15+$0x0], $0xffff  }
0x44a: {  	v20 =	vor.u32 v2, v17;
	_ =	sdelay $0x3  }
0x44b: {  	[tilespmem:v19+s19+$0x0] =	vst.idx.msk $0xffff, v18  }
0x44c: {  	v19 =	vor.u32 v3, v16;
	v18 =	vld.idx.msk [tilespmem:v20+s15+$0x0], $0xffff  }
0x44d: {  	v20 =	vor.u32 v4, v17;
	_ =	sdelay $0x3  }
0x44e: {  	[tilespmem:v19+s19+$0x0] =	vst.idx.msk $0xffff, v18  }
0x44f: {  	v19 =	vor.u32 v5, v16;
	v18 =	vld.idx.msk [tilespmem:v20+s15+$0x0], $0xffff  }
0x450: {  	v20 =	vor.u32 v6, v17;
	_ =	sdelay $0x3  }
0x451: {  	[tilespmem:v19+s19+$0x0] =	vst.idx.msk $0xffff, v18  }
0x452: {  	v19 =	vor.u32 v7, v16;
	v18 =	vld.idx.msk [tilespmem:v20+s15+$0x0], $0xffff  }
0x453: {  	v20 =	vor.u32 v8, v17;
	_ =	sdelay $0x3  }
0x454: {  	[tilespmem:v19+s19+$0x0] =	vst.idx.msk $0xffff, v18  }
0x455: {  	v19 =	vor.u32 v9, v16;
	v18 =	vld.idx.msk [tilespmem:v20+s15+$0x0], $0xffff  }
0x456: {  	v20 =	vor.u32 v10, v17;
	_ =	sdelay $0x3  }
0x457: {  	[tilespmem:v19+s19+$0x0] =	vst.idx.msk $0xffff, v18  }
0x458: {  	v19 =	vor.u32 v11, v16;
	v18 =	vld.idx.msk [tilespmem:v20+s15+$0x0], $0xffff  }
0x459: {  	v20 =	vor.u32 v12, v17;
	_ =	sdelay $0x3  }
0x45a: {  	[tilespmem:v19+s19+$0x0] =	vst.idx.msk $0xffff, v18  }
0x45b: {  	v19 =	vor.u32 v13, v16;
	v18 =	vld.idx.msk [tilespmem:v20+s15+$0x0], $0xffff  }
0x45c: {  	v17 =	vor.u32 v14, v17;
	_ =	sdelay $0x1  }
0x45d: {  	s29 =	simm.s32 $0x1  }
0x45e: {  	v20 =	vadd.s32 s29, v0  }
0x45f: {  	[tilespmem:v19+s19+$0x0] =	vst.idx.msk $0xffff, v18;
	v18 =	vand.u32 $0x1F, v20  }
0x460: {  	v16 =	vor.u32 v15, v16;
	v17 =	vld.idx.msk [tilespmem:v17+s15+$0x0], $0xffff;
	v19 =	vshll.u32 v18, $0x7  }
0x461: {  	v20 =	vor.u32 v0, v19;
	_ =	sdelay $0x3  }
0x462: {  	[tilespmem:v16+s19+$0x0] =	vst.idx.msk $0xffff, v17  }
0x463: {  	v17 =	vor.u32 v1, v18;
	v16 =	vld.idx.msk [tilespmem:v20+s15+$0x0], $0xffff  }
0x464: {  	v20 =	vor.u32 v2, v19;
	_ =	sdelay $0x3  }
0x465: {  	[tilespmem:v17+s19+$0x0] =	vst.idx.msk $0xffff, v16  }
0x466: {  	v17 =	vor.u32 v3, v18;
	v16 =	vld.idx.msk [tilespmem:v20+s15+$0x0], $0xffff  }
0x467: {  	v20 =	vor.u32 v4, v19;
	_ =	sdelay $0x3  }
0x468: {  	[tilespmem:v17+s19+$0x0] =	vst.idx.msk $0xffff, v16  }
0x469: {  	v17 =	vor.u32 v5, v18;
	v16 =	vld.idx.msk [tilespmem:v20+s15+$0x0], $0xffff  }
0x46a: {  	v20 =	vor.u32 v6, v19;
	_ =	sdelay $0x3  }
0x46b: {  	[tilespmem:v17+s19+$0x0] =	vst.idx.msk $0xffff, v16  }
0x46c: {  	v17 =	vor.u32 v7, v18;
	v16 =	vld.idx.msk [tilespmem:v20+s15+$0x0], $0xffff  }
0x46d: {  	v20 =	vor.u32 v8, v19;
	_ =	sdelay $0x3  }
0x46e: {  	[tilespmem:v17+s19+$0x0] =	vst.idx.msk $0xffff, v16  }
0x46f: {  	v17 =	vor.u32 v9, v18;
	v16 =	vld.idx.msk [tilespmem:v20+s15+$0x0], $0xffff  }
0x470: {  	v20 =	vor.u32 v10, v19;
	_ =	sdelay $0x3  }
0x471: {  	[tilespmem:v17+s19+$0x0] =	vst.idx.msk $0xffff, v16  }
0x472: {  	v17 =	vor.u32 v11, v18;
	v16 =	vld.idx.msk [tilespmem:v20+s15+$0x0], $0xffff  }
0x473: {  	v20 =	vor.u32 v12, v19;
	_ =	sdelay $0x3  }
0x474: {  	[tilespmem:v17+s19+$0x0] =	vst.idx.msk $0xffff, v16  }
0x475: {  	v17 =	vor.u32 v13, v18;
	v16 =	vld.idx.msk [tilespmem:v20+s15+$0x0], $0xffff  }
0x476: {  	v19 =	vor.u32 v14, v19;
	_ =	sdelay $0x1  }
0x477: {  	s30 =	simm.s32 $0x2  }
0x478: {  	v20 =	vadd.s32 s30, v0  }
0x479: {  	[tilespmem:v17+s19+$0x0] =	vst.idx.msk $0xffff, v16;
	v17 =	vand.u32 $0x1F, v20  }
0x47a: {  	v18 =	vor.u32 v15, v18;
	v16 =	vld.idx.msk [tilespmem:v19+s15+$0x0], $0xffff;
	v19 =	vshll.u32 v17, $0x7  }
0x47b: {  	v20 =	vor.u32 v0, v19;
	_ =	sdelay $0x3  }
0x47c: {  	[tilespmem:v18+s19+$0x0] =	vst.idx.msk $0xffff, v16  }
0x47d: {  	v18 =	vor.u32 v1, v17;
	v16 =	vld.idx.msk [tilespmem:v20+s15+$0x0], $0xffff  }
0x47e: {  	v20 =	vor.u32 v2, v19;
	_ =	sdelay $0x3  }
0x47f: {  	[tilespmem:v18+s19+$0x0] =	vst.idx.msk $0xffff, v16  }
0x480: {  	v18 =	vor.u32 v3, v17;
	v16 =	vld.idx.msk [tilespmem:v20+s15+$0x0], $0xffff  }
0x481: {  	v20 =	vor.u32 v4, v19;
	_ =	sdelay $0x3  }
0x482: {  	[tilespmem:v18+s19+$0x0] =	vst.idx.msk $0xffff, v16  }
0x483: {  	v18 =	vor.u32 v5, v17;
	v16 =	vld.idx.msk [tilespmem:v20+s15+$0x0], $0xffff  }
0x484: {  	v20 =	vor.u32 v6, v19;
	_ =	sdelay $0x3  }
0x485: {  	[tilespmem:v18+s19+$0x0] =	vst.idx.msk $0xffff, v16  }
0x486: {  	v18 =	vor.u32 v7, v17;
	v16 =	vld.idx.msk [tilespmem:v20+s15+$0x0], $0xffff  }
0x487: {  	v20 =	vor.u32 v8, v19;
	_ =	sdelay $0x3  }
0x488: {  	[tilespmem:v18+s19+$0x0] =	vst.idx.msk $0xffff, v16  }
0x489: {  	v18 =	vor.u32 v9, v17;
	v16 =	vld.idx.msk [tilespmem:v20+s15+$0x0], $0xffff  }
0x48a: {  	v20 =	vor.u32 v10, v19;
	_ =	sdelay $0x3  }
0x48b: {  	[tilespmem:v18+s19+$0x0] =	vst.idx.msk $0xffff, v16  }
0x48c: {  	v18 =	vor.u32 v11, v17;
	v16 =	vld.idx.msk [tilespmem:v20+s15+$0x0], $0xffff  }
0x48d: {  	v20 =	vor.u32 v12, v19;
	_ =	sdelay $0x3  }
0x48e: {  	[tilespmem:v18+s19+$0x0] =	vst.idx.msk $0xffff, v16  }
0x48f: {  	v18 =	vor.u32 v13, v17;
	v16 =	vld.idx.msk [tilespmem:v20+s15+$0x0], $0xffff  }
0x490: {  	v19 =	vor.u32 v14, v19;
	_ =	sdelay $0x1  }
0x491: {  	s31 =	simm.s32 $0x3  }
0x492: {  	v20 =	vadd.s32 s31, v0  }
0x493: {  	[tilespmem:v18+s19+$0x0] =	vst.idx.msk $0xffff, v16;
	v16 =	vand.u32 $0x1F, v20  }
0x494: {  	v17 =	vor.u32 v15, v17;
	v18 =	vld.idx.msk [tilespmem:v19+s15+$0x0], $0xffff;
	v19 =	vshll.u32 v16, $0x7  }
0x495: {  	v20 =	vor.u32 v0, v19;
	_ =	sdelay $0x3  }
0x496: {  	[tilespmem:v17+s19+$0x0] =	vst.idx.msk $0xffff, v18  }
0x497: {  	v18 =	vor.u32 v1, v16;
	v17 =	vld.idx.msk [tilespmem:v20+s15+$0x0], $0xffff  }
0x498: {  	v20 =	vor.u32 v2, v19;
	_ =	sdelay $0x3  }
0x499: {  	[tilespmem:v18+s19+$0x0] =	vst.idx.msk $0xffff, v17  }
0x49a: {  	v18 =	vor.u32 v3, v16;
	v17 =	vld.idx.msk [tilespmem:v20+s15+$0x0], $0xffff  }
0x49b: {  	v20 =	vor.u32 v4, v19;
	_ =	sdelay $0x3  }
0x49c: {  	[tilespmem:v18+s19+$0x0] =	vst.idx.msk $0xffff, v17  }
0x49d: {  	v18 =	vor.u32 v5, v16;
	v17 =	vld.idx.msk [tilespmem:v20+s15+$0x0], $0xffff  }
0x49e: {  	v20 =	vor.u32 v6, v19;
	_ =	sdelay $0x3  }
0x49f: {  	[tilespmem:v18+s19+$0x0] =	vst.idx.msk $0xffff, v17  }
0x4a0: {  	v18 =	vor.u32 v7, v16;
	v17 =	vld.idx.msk [tilespmem:v20+s15+$0x0], $0xffff  }
0x4a1: {  	v20 =	vor.u32 v8, v19;
	_ =	sdelay $0x3  }
0x4a2: {  	[tilespmem:v18+s19+$0x0] =	vst.idx.msk $0xffff, v17  }
0x4a3: {  	v18 =	vor.u32 v9, v16;
	v17 =	vld.idx.msk [tilespmem:v20+s15+$0x0], $0xffff  }
0x4a4: {  	v20 =	vor.u32 v10, v19;
	_ =	sdelay $0x3  }
0x4a5: {  	[tilespmem:v18+s19+$0x0] =	vst.idx.msk $0xffff, v17  }
0x4a6: {  	v18 =	vor.u32 v11, v16;
	v17 =	vld.idx.msk [tilespmem:v20+s15+$0x0], $0xffff  }
0x4a7: {  	v20 =	vor.u32 v12, v19;
	_ =	sdelay $0x3  }
0x4a8: {  	[tilespmem:v18+s19+$0x0] =	vst.idx.msk $0xffff, v17  }
0x4a9: {  	v21 =	vor.u32 v13, v16;
	v20 =	vld.idx.msk [tilespmem:v20+s15+$0x0], $0xffff  }
0x4aa: {  	v17 =	vor.u32 v14, v19;
	_ =	sdelay $0x2  }
0x4ab: {  	s25 =	simm.s32 $0x4  }
0x4ac: {  	s26 =	simm.s32 $0x8;
	v18 =	vadd.s32 s25, v0;
	[tilespmem:v21+s19+$0x0] =	vst.idx.msk $0xffff, v20  }
.LBB2_13:
0x4ad: {  	p0 =	slt.u32 s26, $0x1C;
	v18 =	vand.u32 $0x1F, v18;
	v17 =	vld.idx.msk [tilespmem:v17+s15+$0x0], $0xffff  }
0x4ae: {  	v16 =	vor.u32 v15, v16;
	v19 =	vshll.u32 v18, $0x7  }
0x4af: {  	v20 =	vor.u32 v0, v19;
	_ =	sdelay $0x3  }
0x4b0: {  	[tilespmem:v16+s19+$0x0] =	vst.idx.msk $0xffff, v17  }
0x4b1: {  	v16 =	vld.idx.msk [tilespmem:v20+s15+$0x0], $0xffff  }
0x4b2: {  	v17 =	vor.u32 v1, v18  }
0x4b3: {  	v20 =	vor.u32 v2, v19;
	_ =	sdelay $0x3  }
0x4b4: {  	[tilespmem:v17+s19+$0x0] =	vst.idx.msk $0xffff, v16  }
0x4b5: {  	v16 =	vld.idx.msk [tilespmem:v20+s15+$0x0], $0xffff  }
0x4b6: {  	v17 =	vor.u32 v3, v18  }
0x4b7: {  	v20 =	vor.u32 v4, v19;
	_ =	sdelay $0x3  }
0x4b8: {  	[tilespmem:v17+s19+$0x0] =	vst.idx.msk $0xffff, v16  }
0x4b9: {  	v16 =	vld.idx.msk [tilespmem:v20+s15+$0x0], $0xffff  }
0x4ba: {  	v17 =	vor.u32 v5, v18  }
0x4bb: {  	v20 =	vor.u32 v6, v19;
	_ =	sdelay $0x3  }
0x4bc: {  	[tilespmem:v17+s19+$0x0] =	vst.idx.msk $0xffff, v16  }
0x4bd: {  	v16 =	vld.idx.msk [tilespmem:v20+s15+$0x0], $0xffff  }
0x4be: {  	v17 =	vor.u32 v7, v18  }
0x4bf: {  	v20 =	vor.u32 v8, v19;
	_ =	sdelay $0x3  }
0x4c0: {  	[tilespmem:v17+s19+$0x0] =	vst.idx.msk $0xffff, v16  }
0x4c1: {  	v16 =	vld.idx.msk [tilespmem:v20+s15+$0x0], $0xffff  }
0x4c2: {  	v17 =	vor.u32 v9, v18  }
0x4c3: {  	v20 =	vor.u32 v10, v19;
	_ =	sdelay $0x3  }
0x4c4: {  	[tilespmem:v17+s19+$0x0] =	vst.idx.msk $0xffff, v16  }
0x4c5: {  	v16 =	vld.idx.msk [tilespmem:v20+s15+$0x0], $0xffff  }
0x4c6: {  	v17 =	vor.u32 v11, v18  }
0x4c7: {  	v20 =	vor.u32 v12, v19;
	_ =	sdelay $0x3  }
0x4c8: {  	[tilespmem:v17+s19+$0x0] =	vst.idx.msk $0xffff, v16  }
0x4c9: {  	v16 =	vld.idx.msk [tilespmem:v20+s15+$0x0], $0xffff  }
0x4ca: {  	v17 =	vor.u32 v13, v18  }
0x4cb: {  	v19 =	vor.u32 v14, v19;
	_ =	sdelay $0x2  }
0x4cc: {  	s28 =	sadd.s32 $0x1, s25  }
0x4cd: {  	[tilespmem:v17+s19+$0x0] =	vst.idx.msk $0xffff, v16;
	v16 =	vadd.s32 s28, v0  }
0x4ce: {  	v17 =	vld.idx.msk [tilespmem:v19+s15+$0x0], $0xffff;
	v16 =	vand.u32 $0x1F, v16  }
0x4cf: {  	v18 =	vor.u32 v15, v18;
	v19 =	vshll.u32 v16, $0x7  }
0x4d0: {  	v20 =	vor.u32 v0, v19;
	_ =	sdelay $0x3  }
0x4d1: {  	[tilespmem:v18+s19+$0x0] =	vst.idx.msk $0xffff, v17  }
0x4d2: {  	v17 =	vld.idx.msk [tilespmem:v20+s15+$0x0], $0xffff  }
0x4d3: {  	v18 =	vor.u32 v1, v16  }
0x4d4: {  	v20 =	vor.u32 v2, v19;
	_ =	sdelay $0x3  }
0x4d5: {  	[tilespmem:v18+s19+$0x0] =	vst.idx.msk $0xffff, v17  }
0x4d6: {  	v17 =	vld.idx.msk [tilespmem:v20+s15+$0x0], $0xffff  }
0x4d7: {  	v18 =	vor.u32 v3, v16  }
0x4d8: {  	v20 =	vor.u32 v4, v19;
	_ =	sdelay $0x3  }
0x4d9: {  	[tilespmem:v18+s19+$0x0] =	vst.idx.msk $0xffff, v17  }
0x4da: {  	v17 =	vld.idx.msk [tilespmem:v20+s15+$0x0], $0xffff  }
0x4db: {  	v18 =	vor.u32 v5, v16  }
0x4dc: {  	v20 =	vor.u32 v6, v19;
	_ =	sdelay $0x3  }
0x4dd: {  	[tilespmem:v18+s19+$0x0] =	vst.idx.msk $0xffff, v17  }
0x4de: {  	v17 =	vld.idx.msk [tilespmem:v20+s15+$0x0], $0xffff  }
0x4df: {  	v18 =	vor.u32 v7, v16  }
0x4e0: {  	v20 =	vor.u32 v8, v19;
	_ =	sdelay $0x3  }
0x4e1: {  	[tilespmem:v18+s19+$0x0] =	vst.idx.msk $0xffff, v17  }
0x4e2: {  	v17 =	vld.idx.msk [tilespmem:v20+s15+$0x0], $0xffff  }
0x4e3: {  	v18 =	vor.u32 v9, v16  }
0x4e4: {  	v20 =	vor.u32 v10, v19;
	_ =	sdelay $0x3  }
0x4e5: {  	[tilespmem:v18+s19+$0x0] =	vst.idx.msk $0xffff, v17  }
0x4e6: {  	v17 =	vld.idx.msk [tilespmem:v20+s15+$0x0], $0xffff  }
0x4e7: {  	v18 =	vor.u32 v11, v16  }
0x4e8: {  	v20 =	vor.u32 v12, v19;
	_ =	sdelay $0x3  }
0x4e9: {  	[tilespmem:v18+s19+$0x0] =	vst.idx.msk $0xffff, v17  }
0x4ea: {  	v17 =	vld.idx.msk [tilespmem:v20+s15+$0x0], $0xffff  }
0x4eb: {  	v18 =	vor.u32 v13, v16  }
0x4ec: {  	v19 =	vor.u32 v14, v19;
	_ =	sdelay $0x2  }
0x4ed: {  	s28 =	sadd.s32 $0x2, s25  }
0x4ee: {  	[tilespmem:v18+s19+$0x0] =	vst.idx.msk $0xffff, v17;
	v17 =	vadd.s32 s28, v0  }
0x4ef: {  	v18 =	vld.idx.msk [tilespmem:v19+s15+$0x0], $0xffff;
	v17 =	vand.u32 $0x1F, v17  }
0x4f0: {  	v16 =	vor.u32 v15, v16;
	v19 =	vshll.u32 v17, $0x7  }
0x4f1: {  	v20 =	vor.u32 v0, v19;
	_ =	sdelay $0x3  }
0x4f2: {  	[tilespmem:v16+s19+$0x0] =	vst.idx.msk $0xffff, v18  }
0x4f3: {  	v16 =	vld.idx.msk [tilespmem:v20+s15+$0x0], $0xffff  }
0x4f4: {  	v18 =	vor.u32 v1, v17  }
0x4f5: {  	v20 =	vor.u32 v2, v19;
	_ =	sdelay $0x3  }
0x4f6: {  	[tilespmem:v18+s19+$0x0] =	vst.idx.msk $0xffff, v16  }
0x4f7: {  	v16 =	vld.idx.msk [tilespmem:v20+s15+$0x0], $0xffff  }
0x4f8: {  	v18 =	vor.u32 v3, v17  }
0x4f9: {  	v20 =	vor.u32 v4, v19;
	_ =	sdelay $0x3  }
0x4fa: {  	[tilespmem:v18+s19+$0x0] =	vst.idx.msk $0xffff, v16  }
0x4fb: {  	v16 =	vld.idx.msk [tilespmem:v20+s15+$0x0], $0xffff  }
0x4fc: {  	v18 =	vor.u32 v5, v17  }
0x4fd: {  	v20 =	vor.u32 v6, v19;
	_ =	sdelay $0x3  }
0x4fe: {  	[tilespmem:v18+s19+$0x0] =	vst.idx.msk $0xffff, v16  }
0x4ff: {  	v16 =	vld.idx.msk [tilespmem:v20+s15+$0x0], $0xffff  }
0x500: {  	v18 =	vor.u32 v7, v17  }
0x501: {  	v20 =	vor.u32 v8, v19;
	_ =	sdelay $0x3  }
0x502: {  	[tilespmem:v18+s19+$0x0] =	vst.idx.msk $0xffff, v16  }
0x503: {  	v16 =	vld.idx.msk [tilespmem:v20+s15+$0x0], $0xffff  }
0x504: {  	v18 =	vor.u32 v9, v17  }
0x505: {  	v20 =	vor.u32 v10, v19;
	_ =	sdelay $0x3  }
0x506: {  	[tilespmem:v18+s19+$0x0] =	vst.idx.msk $0xffff, v16  }
0x507: {  	v16 =	vld.idx.msk [tilespmem:v20+s15+$0x0], $0xffff  }
0x508: {  	v18 =	vor.u32 v11, v17  }
0x509: {  	v20 =	vor.u32 v12, v19;
	_ =	sdelay $0x3  }
0x50a: {  	[tilespmem:v18+s19+$0x0] =	vst.idx.msk $0xffff, v16  }
0x50b: {  	v16 =	vld.idx.msk [tilespmem:v20+s15+$0x0], $0xffff  }
0x50c: {  	v18 =	vor.u32 v13, v17  }
0x50d: {  	v19 =	vor.u32 v14, v19;
	_ =	sdelay $0x2  }
0x50e: {  	s28 =	sadd.s32 $0x3, s25;
	s25 =	smov.u32 s26  }
0x50f: {  	[tilespmem:v18+s19+$0x0] =	vst.idx.msk $0xffff, v16;
	v16 =	vadd.s32 s28, v0  }
0x510: {  	v18 =	vld.idx.msk [tilespmem:v19+s15+$0x0], $0xffff;
	v16 =	vand.u32 $0x1F, v16  }
0x511: {  	v17 =	vor.u32 v15, v17;
	v19 =	vshll.u32 v16, $0x7  }
0x512: {  	v20 =	vor.u32 v0, v19;
	_ =	sdelay $0x3  }
0x513: {  	[tilespmem:v17+s19+$0x0] =	vst.idx.msk $0xffff, v18  }
0x514: {  	v17 =	vld.idx.msk [tilespmem:v20+s15+$0x0], $0xffff  }
0x515: {  	v18 =	vor.u32 v1, v16  }
0x516: {  	v20 =	vor.u32 v2, v19;
	_ =	sdelay $0x3  }
0x517: {  	[tilespmem:v18+s19+$0x0] =	vst.idx.msk $0xffff, v17  }
0x518: {  	v17 =	vld.idx.msk [tilespmem:v20+s15+$0x0], $0xffff  }
0x519: {  	v18 =	vor.u32 v3, v16  }
0x51a: {  	v20 =	vor.u32 v4, v19;
	_ =	sdelay $0x3  }
0x51b: {  	[tilespmem:v18+s19+$0x0] =	vst.idx.msk $0xffff, v17  }
0x51c: {  	v17 =	vld.idx.msk [tilespmem:v20+s15+$0x0], $0xffff  }
0x51d: {  	v18 =	vor.u32 v5, v16  }
0x51e: {  	v20 =	vor.u32 v6, v19;
	_ =	sdelay $0x3  }
0x51f: {  	[tilespmem:v18+s19+$0x0] =	vst.idx.msk $0xffff, v17  }
0x520: {  	v17 =	vld.idx.msk [tilespmem:v20+s15+$0x0], $0xffff  }
0x521: {  	v18 =	vor.u32 v7, v16  }
0x522: {  	v20 =	vor.u32 v8, v19;
	_ =	sdelay $0x3  }
0x523: {  	[tilespmem:v18+s19+$0x0] =	vst.idx.msk $0xffff, v17  }
0x524: {  	v17 =	vld.idx.msk [tilespmem:v20+s15+$0x0], $0xffff  }
0x525: {  	v18 =	vor.u32 v9, v16  }
0x526: {  	v20 =	vor.u32 v10, v19;
	_ =	sdelay $0x3  }
0x527: {  	[tilespmem:v18+s19+$0x0] =	vst.idx.msk $0xffff, v17  }
0x528: {  	v17 =	vld.idx.msk [tilespmem:v20+s15+$0x0], $0xffff  }
0x529: {  	v18 =	vor.u32 v11, v16  }
0x52a: {  	v20 =	vor.u32 v12, v19;
	_ =	sdelay $0x3  }
0x52b: {  	[tilespmem:v18+s19+$0x0] =	vst.idx.msk $0xffff, v17  }
0x52c: {  	v20 =	vld.idx.msk [tilespmem:v20+s15+$0x0], $0xffff  }
0x52d: {  	v21 =	vor.u32 v13, v16  }
.Ltmp11:
0x52e: {  	v17 =	vor.u32 v14, v19;
	(pc) =	sbr.rel @p0 .LBB2_13-.Ltmp11, $2  }
0x52f: {  	_ =	sdelay $0x2  }
0x530: {  	s26 =	sadd.s32 $0x4, s26;
	v18 =	vadd.s32 s25, v0;
	[tilespmem:v21+s19+$0x0] =	vst.idx.msk $0xffff, v20  }
0x531: {  	_ =	sdelay $0x2  }
0x532: {  	v18 =	vand.u32 $0x1F, v18  }
0x533: {  	v17 =	vld.idx.msk [tilespmem:v17+s15+$0x0], $0xffff;
	v16 =	vor.u32 v15, v16;
	v19 =	vshll.u32 v18, $0x7  }
0x534: {  	v20 =	vor.u32 v0, v19;
	_ =	sdelay $0x3  }
0x535: {  	[tilespmem:v16+s19+$0x0] =	vst.idx.msk $0xffff, v17  }
0x536: {  	v17 =	vor.u32 v1, v18;
	v16 =	vld.idx.msk [tilespmem:v20+s15+$0x0], $0xffff  }
0x537: {  	v50 =	vor.u32 v2, v19;
	_ =	sdelay $0x3  }
0x538: {  	[tilespmem:v17+s19+$0x0] =	vst.idx.msk $0xffff, v16  }
0x539: {  	v17 =	vor.u32 v3, v18;
	v16 =	vld.idx.msk [tilespmem:v50+s15+$0x0], $0xffff  }
0x53a: {  	v51 =	vor.u32 v4, v19;
	_ =	sdelay $0x3  }
0x53b: {  	[tilespmem:v17+s19+$0x0] =	vst.idx.msk $0xffff, v16  }
0x53c: {  	v17 =	vor.u32 v5, v18;
	v16 =	vld.idx.msk [tilespmem:v51+s15+$0x0], $0xffff  }
0x53d: {  	v52 =	vor.u32 v6, v19;
	_ =	sdelay $0x3  }
0x53e: {  	[tilespmem:v17+s19+$0x0] =	vst.idx.msk $0xffff, v16  }
0x53f: {  	v17 =	vor.u32 v7, v18;
	v16 =	vld.idx.msk [tilespmem:v52+s15+$0x0], $0xffff  }
0x540: {  	v53 =	vor.u32 v8, v19;
	_ =	sdelay $0x3  }
0x541: {  	[tilespmem:v17+s19+$0x0] =	vst.idx.msk $0xffff, v16  }
0x542: {  	v17 =	vor.u32 v9, v18;
	v16 =	vld.idx.msk [tilespmem:v53+s15+$0x0], $0xffff  }
0x543: {  	v54 =	vor.u32 v10, v19;
	_ =	sdelay $0x3  }
0x544: {  	[tilespmem:v17+s19+$0x0] =	vst.idx.msk $0xffff, v16  }
0x545: {  	v17 =	vor.u32 v11, v18;
	v16 =	vld.idx.msk [tilespmem:v54+s15+$0x0], $0xffff  }
0x546: {  	v55 =	vor.u32 v12, v19;
	_ =	sdelay $0x3  }
0x547: {  	[tilespmem:v17+s19+$0x0] =	vst.idx.msk $0xffff, v16  }
0x548: {  	v17 =	vor.u32 v13, v18;
	v16 =	vld.idx.msk [tilespmem:v55+s15+$0x0], $0xffff  }
0x549: {  	v19 =	vor.u32 v14, v19;
	_ =	sdelay $0x1  }
0x54a: {  	s26 =	sadd.s32 $0x1, s25  }
0x54b: {  	v56 =	vadd.s32 s26, v0  }
0x54c: {  	[tilespmem:v17+s19+$0x0] =	vst.idx.msk $0xffff, v16;
	v16 =	vand.u32 $0x1F, v56  }
0x54d: {  	v18 =	vor.u32 v15, v18;
	v17 =	vld.idx.msk [tilespmem:v19+s15+$0x0], $0xffff;
	v57 =	vshll.u32 v16, $0x7  }
0x54e: {  	v58 =	vor.u32 v0, v57;
	_ =	sdelay $0x3  }
0x54f: {  	[tilespmem:v18+s19+$0x0] =	vst.idx.msk $0xffff, v17  }
0x550: {  	v59 =	vor.u32 v1, v16;
	v17 =	vld.idx.msk [tilespmem:v58+s15+$0x0], $0xffff  }
0x551: {  	v60 =	vor.u32 v2, v57;
	_ =	sdelay $0x3  }
0x552: {  	[tilespmem:v59+s19+$0x0] =	vst.idx.msk $0xffff, v17  }
0x553: {  	v61 =	vor.u32 v3, v16;
	v17 =	vld.idx.msk [tilespmem:v60+s15+$0x0], $0xffff  }
0x554: {  	v62 =	vor.u32 v4, v57;
	_ =	sdelay $0x3  }
0x555: {  	[tilespmem:v61+s19+$0x0] =	vst.idx.msk $0xffff, v17  }
0x556: {  	v63 =	vor.u32 v5, v16;
	v17 =	vld.idx.msk [tilespmem:v62+s15+$0x0], $0xffff  }
0x557: {  	v24 =	vor.u32 v6, v57;
	_ =	sdelay $0x3  }
0x558: {  	[tilespmem:v63+s19+$0x0] =	vst.idx.msk $0xffff, v17  }
0x559: {  	v25 =	vor.u32 v7, v16;
	v17 =	vld.idx.msk [tilespmem:v24+s15+$0x0], $0xffff  }
0x55a: {  	v26 =	vor.u32 v8, v57;
	_ =	sdelay $0x3  }
0x55b: {  	[tilespmem:v25+s19+$0x0] =	vst.idx.msk $0xffff, v17  }
0x55c: {  	v27 =	vor.u32 v9, v16;
	v17 =	vld.idx.msk [tilespmem:v26+s15+$0x0], $0xffff  }
0x55d: {  	v28 =	vor.u32 v10, v57;
	_ =	sdelay $0x3  }
0x55e: {  	[tilespmem:v27+s19+$0x0] =	vst.idx.msk $0xffff, v17  }
0x55f: {  	v29 =	vor.u32 v11, v16;
	v17 =	vld.idx.msk [tilespmem:v28+s15+$0x0], $0xffff  }
0x560: {  	v30 =	vor.u32 v12, v57;
	_ =	sdelay $0x3  }
0x561: {  	[tilespmem:v29+s19+$0x0] =	vst.idx.msk $0xffff, v17  }
0x562: {  	v31 =	vor.u32 v13, v16;
	v17 =	vld.idx.msk [tilespmem:v30+s15+$0x0], $0xffff  }
0x563: {  	v19 =	vor.u32 v14, v57;
	_ =	sdelay $0x1  }
0x564: {  	s30 =	sadd.s32 $0x2, s25  }
0x565: {  	v32 =	vadd.s32 s30, v0  }
0x566: {  	[tilespmem:v31+s19+$0x0] =	vst.idx.msk $0xffff, v17;
	v17 =	vand.u32 $0x1F, v32  }
0x567: {  	v16 =	vor.u32 v15, v16;
	v18 =	vld.idx.msk [tilespmem:v19+s15+$0x0], $0xffff;
	v33 =	vshll.u32 v17, $0x7  }
0x568: {  	v34 =	vor.u32 v0, v33;
	_ =	sdelay $0x3  }
0x569: {  	[tilespmem:v16+s19+$0x0] =	vst.idx.msk $0xffff, v18  }
0x56a: {  	v35 =	vor.u32 v1, v17;
	v16 =	vld.idx.msk [tilespmem:v34+s15+$0x0], $0xffff  }
0x56b: {  	v36 =	vor.u32 v2, v33;
	_ =	sdelay $0x3  }
0x56c: {  	[tilespmem:v35+s19+$0x0] =	vst.idx.msk $0xffff, v16  }
0x56d: {  	v37 =	vor.u32 v3, v17;
	v16 =	vld.idx.msk [tilespmem:v36+s15+$0x0], $0xffff  }
0x56e: {  	v38 =	vor.u32 v4, v33;
	_ =	sdelay $0x3  }
0x56f: {  	[tilespmem:v37+s19+$0x0] =	vst.idx.msk $0xffff, v16  }
0x570: {  	v39 =	vor.u32 v5, v17;
	v16 =	vld.idx.msk [tilespmem:v38+s15+$0x0], $0xffff  }
0x571: {  	v40 =	vor.u32 v6, v33;
	_ =	sdelay $0x3  }
0x572: {  	[tilespmem:v39+s19+$0x0] =	vst.idx.msk $0xffff, v16  }
0x573: {  	v41 =	vor.u32 v7, v17;
	v16 =	vld.idx.msk [tilespmem:v40+s15+$0x0], $0xffff  }
0x574: {  	v42 =	vor.u32 v8, v33;
	_ =	sdelay $0x3  }
0x575: {  	[tilespmem:v41+s19+$0x0] =	vst.idx.msk $0xffff, v16  }
0x576: {  	v43 =	vor.u32 v9, v17;
	v16 =	vld.idx.msk [tilespmem:v42+s15+$0x0], $0xffff  }
0x577: {  	v44 =	vor.u32 v10, v33;
	_ =	sdelay $0x3  }
0x578: {  	[tilespmem:v43+s19+$0x0] =	vst.idx.msk $0xffff, v16  }
0x579: {  	v45 =	vor.u32 v11, v17;
	v16 =	vld.idx.msk [tilespmem:v44+s15+$0x0], $0xffff  }
0x57a: {  	v46 =	vor.u32 v12, v33;
	_ =	sdelay $0x3  }
0x57b: {  	[tilespmem:v45+s19+$0x0] =	vst.idx.msk $0xffff, v16  }
0x57c: {  	v47 =	vor.u32 v13, v17;
	v16 =	vld.idx.msk [tilespmem:v46+s15+$0x0], $0xffff  }
0x57d: {  	v19 =	vor.u32 v14, v33;
	_ =	sdelay $0x1  }
0x57e: {  	s31 =	sadd.s32 $0x3, s25  }
0x57f: {  	v48 =	vadd.s32 s31, v0  }
0x580: {  	[tilespmem:v47+s19+$0x0] =	vst.idx.msk $0xffff, v16;
	v16 =	vand.u32 $0x1F, v48  }
0x581: {  	v17 =	vor.u32 v15, v17;
	v18 =	vld.idx.msk [tilespmem:v19+s15+$0x0], $0xffff;
	v49 =	vshll.u32 v16, $0x7  }
0x582: {  	v50 =	vor.u32 v0, v49;
	_ =	sdelay $0x3  }
0x583: {  	[tilespmem:v17+s19+$0x0] =	vst.idx.msk $0xffff, v18  }
0x584: {  	v51 =	vor.u32 v1, v16;
	v17 =	vld.idx.msk [tilespmem:v50+s15+$0x0], $0xffff  }
0x585: {  	v52 =	vor.u32 v2, v49;
	_ =	sdelay $0x3  }
0x586: {  	[tilespmem:v51+s19+$0x0] =	vst.idx.msk $0xffff, v17  }
0x587: {  	v53 =	vor.u32 v3, v16;
	v17 =	vld.idx.msk [tilespmem:v52+s15+$0x0], $0xffff  }
0x588: {  	v54 =	vor.u32 v4, v49;
	_ =	sdelay $0x3  }
0x589: {  	[tilespmem:v53+s19+$0x0] =	vst.idx.msk $0xffff, v17  }
0x58a: {  	v55 =	vor.u32 v5, v16;
	v17 =	vld.idx.msk [tilespmem:v54+s15+$0x0], $0xffff  }
0x58b: {  	v56 =	vor.u32 v6, v49;
	_ =	sdelay $0x3  }
0x58c: {  	[tilespmem:v55+s19+$0x0] =	vst.idx.msk $0xffff, v17  }
0x58d: {  	v57 =	vor.u32 v7, v16;
	v17 =	vld.idx.msk [tilespmem:v56+s15+$0x0], $0xffff  }
0x58e: {  	v58 =	vor.u32 v8, v49;
	_ =	sdelay $0x3  }
0x58f: {  	[tilespmem:v57+s19+$0x0] =	vst.idx.msk $0xffff, v17  }
0x590: {  	v59 =	vor.u32 v9, v16;
	v17 =	vld.idx.msk [tilespmem:v58+s15+$0x0], $0xffff  }
0x591: {  	v60 =	vor.u32 v10, v49;
	_ =	sdelay $0x3  }
0x592: {  	[tilespmem:v59+s19+$0x0] =	vst.idx.msk $0xffff, v17  }
0x593: {  	v61 =	vor.u32 v11, v16;
	v17 =	vld.idx.msk [tilespmem:v60+s15+$0x0], $0xffff  }
0x594: {  	v62 =	vor.u32 v12, v49;
	_ =	sdelay $0x3  }
0x595: {  	[tilespmem:v61+s19+$0x0] =	vst.idx.msk $0xffff, v17  }
0x596: {  	v63 =	vor.u32 v13, v16;
	v17 =	vld.idx.msk [tilespmem:v62+s15+$0x0], $0xffff  }
0x597: {  	v19 =	vor.u32 v14, v49;
	_ =	sdelay $0x3  }
0x598: {  	[tilespmem:v63+s19+$0x0] =	vst.idx.msk $0xffff, v17  }
0x599: {  	v16 =	vor.u32 v15, v16;
	v17 =	vld.idx.msk [tilespmem:v19+s15+$0x0], $0xffff;
	_ =	sdelay $0x1  }
.Ltmp12:
0x59a: {  	_ = 	snop;
	(pc) =	sbr.rel .LBB2_15-.Ltmp12, $4  }
0x59b: {  	_ = 	snop  }
0x59c: {  	s24 =	sshll.u32 s24, $0x9  }
0x59d: {  	s24 =	sadd.s32 s4, s24;
	[tilespmem:v16+s19+$0x0] =	vst.idx.msk $0xffff, v17  }
0x59e: {  	[hbm4b:s24+s3] =	stream.linear.scatter [tilespmem:s19], [sflag:$0x4], $0x1000, $0x38;
	[tilespmem:$0x4000] =	vst v63  }
.LBB2_17:
0x59f: {  	_ =	sfence.sel $0x180000  }
0x5a0: {  	[bflag:$0x0] =	sbarrier.arrive $0xFFFF  }
0x5a1: {  	p0 =	sne.s32 s2, $0x0;
	_ =	strace $0x90000047  }
0x5a2: {  	s0 =	sadd.s32 @!p0 $0x100000, s0;
	[bflag:$0x2] =	sbarrier.arrive $0xFFFF  }
0x5a3: {  	[sflag:s0] =	ssyncadd.tile.s32 @!p0 $0x1;
	_ =	shalt  }
.Lfunc_end2:
_tile_overlayer_lowered:
.L_overlay_start_2:
0x5a4: {  	(tag) =	ssettag $0x2  }
0x5a5: {  	s0 =	rddreg [dreg:$0x0];
	s2 =	stileid.u32  }
0x5a6: {  	s1 =	rddreg [dreg:$0x1];
	p0 =	sne.s32 s2, $0x0  }
0x5a7: {  	s3 =	rddreg [dreg:$0x2];
	[bflag:$0x3] =	sbarrier.arrive $0xFFFF;
	s2 =	simm.s32 @!p0 $0x1C05  }
0x5a8: {  	[timem:s3], [sflag:s2] =	dma.local @!p0 [hbm:s0], s1  }
0x5a9: {  	s0 =	simm.s32 @!p0 $0x5  }
0x5aa: {  	_ =	swait.ge @!p0 [sflag:s0], s1  }
0x5ab: {  	s1 =	ssub.s32 @!p0 $0x0, s1;
	[sflag:s0] =	ssyncset.done @!p0 $0x0  }
0x5ac: {  	[sflag:s0] =	ssyncadd.s32 @!p0 s1  }
0x5ad: {  	[bflag:$0x3] =	sbarrier.arrive $0xFFFF  }
0x5ae: {  	_ =	shalt  }

// kernel: kernel.7.cloned.1.call-start
scs
__scs_entry_jumppad:
0x0: {  	(pc) =	sbr.rel $0x88, $3  }
0x1: {  	(tag) =	ssettag $0x0;
	lr =	simm.s32 $0x1  }
0x2: {  	[smem:$0x3F9F] =	sst lr;
	_ =	strace $0xD0000000  }
0x3: {  	_ = 	snop  }
0x4: {  	_ = 	snop  }
0x5: {  	_ = 	snop  }
0x6: {  	_ = 	snop  }
0x7: {  	_ = 	snop  }
__scs_overlays_trampoline_lowered:
0x8: {  	[smem:$0x3FAE] =	sst s0  }
0x9: {  	[smem:$0x3FAF] =	sst s1  }
0xa: {  	[smem:$0x3FB0] =	sst s2  }
0xb: {  	[smem:$0x3FB1] =	sst s3  }
0xc: {  	[smem:$0x3FB2] =	sst s4  }
0xd: {  	[smem:$0x3FB3] =	sst s5  }
0xe: {  	[smem:$0x3FB4] =	sst s6  }
0xf: {  	[smem:$0x3FB5] =	sst s7  }
0x10: {  	[smem:$0x3FB6] =	sst s8  }
0x11: {  	[smem:$0x3FB7] =	sst s9;
	s0 =	simm.s32 @!p0 $0x0  }
0x12: {  	s1 =	sld [smem:$0x3F9D];
	s0 =	simm.s32 @p0 $0x1  }
0x13: {  	[smem:$0x3FB8] =	sst s0;
	s0 =	simm.s32 @!p1 $0x0  }
0x14: {  	s2 =	sld [smem:$0x3F9C];
	s0 =	simm.s32 @p1 $0x1  }
0x15: {  	[smem:$0x3FB9] =	sst s0;
	s0 =	simm.s32 @!p2 $0x0  }
0x16: {  	s3 =	sld [smem:$0x3FDB];
	s0 =	simm.s32 @p2 $0x1  }
0x17: {  	s4 =	simm.s32 $0x1BF5;
	[smem:$0x3FBB] =	sst s0  }
0x18: {  	s0 =	sld [smem:$0x3F9E];
	_ =	swait.ge [sflag:s4], $0x0  }
0x19: {  	s7 =	sld [smem:$0x3F9F]  }
0x1a: {  	s8 =	sadd.s32 $0xFFFFE003, lr  }
0x1b: {  	s9 =	sadd.s32 $0xFFFFFEF7, lr;
	s5 =	simm.s32 $0xFFFFFFFF;
	p2 =	slt.u32 s8, $0xFFFFF086  }
0x1c: {  	p1 =	slt.u32 s9, $0xF7A;
	s5 =	simm.s32 @!p2 $0x0  }
0x1d: {  	s5 =	simm.s32 @p1 $0x1;
	p0 =	seq.s32 s7, s2  }
0x1e: {  	s7 =	smul.u32 @!p0 $0xF7A, s2;
	p2 =	seq.s32 @!p0 s5, $0x0  }
0x1f: {  	s9 =	smul.u32 $0xF7A, s1;
	s8 =	simm.s32 @!p0 $0x1BF5;
	p2 =	por !p2, p0  }
0x20: {  	[sflag:s8] =	ssyncset.s32 @!p0 $0xFFFFF086;
	s6 =	sadd.s32 @!p0 s3, s7;
	s7 =	simm.s32 @!p0 $0x108  }
0x21: {  	s3 =	sadd.s32 s3, s9;
	s6 =	sadd.s32 @!p0 $0x88, s6;
	s7 =	simm.s32 @p2 $0x1082  }
0x22: {  	[simem:s7], [sflag:s8] =	dma.local @!p0 [hbm:s6], $0xF7A  }
0x23: {  	s9 =	sor.u32 $0xD0000000, s2;
	s6 =	simm.s32 $0x108;
	_ =	swait.ge @!p0 [sflag:s8], $0x0  }
0x24: {  	s3 =	sadd.s32 $0x88, s3;
	s6 =	simm.s32 @!p1 $0x1082;
	[sflag:s4] =	ssyncset.s32 $0xFFFFF086  }
0x25: {  	[simem:s6], [sflag:s4] =	dma.local [hbm:s3], $0xF7A  }
0x26: {  	[smem:$0x3F9F] =	sst s1;
	(tag) =	ssettag s2;
	_ =	strace s9  }
0x27: {  	s1 =	sld [smem:$0x3FAF]  }
0x28: {  	s2 =	sld [smem:$0x3FB0]  }
0x29: {  	s4 =	sld [smem:$0x3FB2]  }
0x2a: {  	p0 =	seq.s32 s5, $0x0;
	s5 =	sld [smem:$0x3FB3]  }
0x2b: {  	s6 =	sld [smem:$0x3FB4]  }
0x2c: {  	s7 =	sld [smem:$0x3FB5]  }
0x2d: {  	s3 =	simm.s32 $0x108;
	s8 =	sld [smem:$0x3FB6]  }
0x2e: {  	s3 =	simm.s32 @!p0 $0x1082;
	s9 =	sld [smem:$0x3FB7]  }
0x2f: {  	lr =	sadd.s32 s0, s3;
	s0 =	sld [smem:$0x3FAE]  }
0x30: {  	s3 =	sld [smem:$0x3FB1]  }
0x31: {  	[smem:$0x3FBA] =	sst s10  }
0x32: {  	s10 =	sld [smem:$0x3FB8];
	_ =	sdelay $0x3  }
0x33: {  	p0 =	seq.s32 s10, $0x1;
	s10 =	sld [smem:$0x3FBA];
	_ =	sdelay $0x3  }
0x34: {  	[smem:$0x3FBA] =	sst s10  }
0x35: {  	s10 =	sld [smem:$0x3FB9];
	_ =	sdelay $0x3  }
0x36: {  	p1 =	seq.s32 s10, $0x1;
	s10 =	sld [smem:$0x3FBA];
	_ =	sdelay $0x3  }
0x37: {  	[smem:$0x3FBA] =	sst s10  }
0x38: {  	s10 =	sld [smem:$0x3FBB]  }
0x39: {  	_ = 	snop;
	(pc) =	sbr.ind lr, $3  }
0x3a: {  	_ = 	snop  }
0x3b: {  	_ = 	snop  }
0x3c: {  	p2 =	seq.s32 s10, $0x1;
	s10 =	sld [smem:$0x3FBA]  }
0x3d: {  	_ =	shalt  }
0x3e: {  	_ =	shalt  }
0x3f: {  	_ =	shalt  }
0x40: {  	_ =	shalt  }
0x41: {  	_ =	shalt  }
0x42: {  	_ =	shalt  }
0x43: {  	_ =	shalt  }
0x44: {  	_ =	shalt  }
0x45: {  	_ =	shalt  }
0x46: {  	_ =	shalt  }
0x47: {  	_ =	shalt  }
0x48: {  	_ =	shalt  }
0x49: {  	_ =	shalt  }
0x4a: {  	_ =	shalt  }
0x4b: {  	_ =	shalt  }
0x4c: {  	_ =	shalt  }
0x4d: {  	_ =	shalt  }
0x4e: {  	_ =	shalt  }
0x4f: {  	_ =	shalt  }
0x50: {  	_ =	shalt  }
0x51: {  	_ =	shalt  }
0x52: {  	_ =	shalt  }
0x53: {  	_ =	shalt  }
0x54: {  	_ =	shalt  }
0x55: {  	_ =	shalt  }
0x56: {  	_ =	shalt  }
0x57: {  	_ =	shalt  }
0x58: {  	_ =	shalt  }
0x59: {  	_ =	shalt  }
0x5a: {  	_ =	shalt  }
0x5b: {  	_ =	shalt  }
0x5c: {  	_ =	shalt  }
0x5d: {  	_ =	shalt  }
0x5e: {  	_ =	shalt  }
0x5f: {  	_ =	shalt  }
0x60: {  	_ =	shalt  }
0x61: {  	_ =	shalt  }
0x62: {  	_ =	shalt  }
0x63: {  	_ =	shalt  }
0x64: {  	_ =	shalt  }
0x65: {  	_ =	shalt  }
0x66: {  	_ =	shalt  }
0x67: {  	_ =	shalt  }
0x68: {  	_ =	shalt  }
0x69: {  	_ =	shalt  }
0x6a: {  	_ =	shalt  }
0x6b: {  	_ =	shalt  }
0x6c: {  	_ =	shalt  }
0x6d: {  	_ =	shalt  }
0x6e: {  	_ =	shalt  }
0x6f: {  	_ =	shalt  }
0x70: {  	_ =	shalt  }
0x71: {  	_ =	shalt  }
0x72: {  	_ =	shalt  }
0x73: {  	_ =	shalt  }
0x74: {  	_ =	shalt  }
0x75: {  	_ =	shalt  }
0x76: {  	_ =	shalt  }
0x77: {  	_ =	shalt  }
0x78: {  	_ =	shalt  }
0x79: {  	_ =	shalt  }
0x7a: {  	_ =	shalt  }
0x7b: {  	_ =	shalt  }
0x7c: {  	_ =	shalt  }
0x7d: {  	_ =	shalt  }
0x7e: {  	_ =	shalt  }
0x7f: {  	_ =	shalt  }
0x80: {  	_ =	shalt  }
0x81: {  	_ =	shalt  }
0x82: {  	_ =	shalt  }
0x83: {  	_ =	shalt  }
0x84: {  	_ =	shalt  }
0x85: {  	_ =	shalt  }
0x86: {  	_ =	shalt  }
0x87: {  	_ =	shalt  }
.Lfunc_end0:
.L_simem_size_0:
called_computation.1_lowered:
.L_overlay_start_0:
0x88: {  	s2 =	sld [smem:$0x3FD9]  }
0x89: {  	s3 =	sld [smem:$0x3FFE];
	_ =	sdelay $0x1  }
0x8a: {  	s1 =	srdreg.scid  }
0x8b: {  	s0 =	sand.u32 $0x1, s1  }
0x8c: {  	s17 =	sshll.u32 s0, $0xA;
	s2 =	sadd.s32 s3, s2  }
0x8d: {  	s2 =	sadd.s32 s2, s17  }
0x8e: {  	[smem:$0x3FC6] =	sst s2  }
0x8f: {  	_ = 	snop  }
0x90: {  	s2 =	sld [smem:$0x3FC9]  }
0x91: {  	s18 =	sld [smem:$0x3FD0];
	(tm) =	ssettm $0x1  }
0x92: {  	s4 =	sld [smem:$0x3FFB];
	_ =	sdelay $0x3  }
0x93: {  	_ =	strace s4  }
0x94: {  	s4 =	sld [smem:$0x3FFC];
	_ =	sdelay $0x3  }
0x95: {  	_ =	strace s4  }
0x96: {  	s4 =	sld [smem:$0x3FFD];
	_ =	sdelay $0x3  }
0x97: {  	_ =	strace s4  }
0x98: {  	_ =	strace $0x8FFFFFFF  }
0x99: {  	s19 =	sld [smem:$0x3FDB];
	_ =	sdelay $0x1  }
0x9a: {  	s5 =	simm.s32 $_scs_section_size  }
0x9b: {  	s6 =	simm.s32 $_size__tile_overlayer_lowered;
	s7 =	simm.s32 $_tile_overlayer_lowered  }
0x9c: {  	s22 =	simm.s32 $0x1BFF;
	s21 =	sshll.u32 s7, $0x1;
	s4 =	sadd.s32 s5, s19  }
0x9d: {  	s8 =	simm.s32 $0x0;
	s20 =	sshll.u32 s6, $0x1;
	s6 =	sadd.s32 s21, s4  }
0x9e: {  	[timem:s8], [sflag:s22] =	dma.local [hbm:s6], s20  }
0x9f: {  	_ =	swait.ge [sflag:s22], s20  }
0xa0: {  	s5 =	ssub.s32 $0x0, s20;
	[sflag:s22] =	ssyncset.done $0x0  }
0xa1: {  	[sflag:s22] =	ssyncadd.s32 s5;
	_ =	sdelay $0x1  }
0xa2: {  	s23 =	simm.s32 $0x1B8B  }
0xa3: {  	_ =	swait.ge [sflag:s23], $0x1  }
0xa4: {  	[sflag:s23] =	ssyncset.done $0x0  }
0xa5: {  	s25 =	simm.s32 $0x1B8E;
	s24 =	sld [smem:$0x3FFE];
	[sflag:s23] =	ssyncadd.s32 $0xFFFFFFFF  }
0xa6: {  	s26 =	simm.s32 $execute0_lowered;
	[smem:$0x3FD2] =	sst s25  }
0xa7: {  	s6 =	sshll.u32 s26, $0x1;
	_ =	strace $0x80000049;
	[dreg:$0x1] =	wrdreg $0xFFFFFFFF  }
0xa8: {  	s28 =	simm.s32 $_size_execute0_lowered;
	s4 =	sadd.s32 s4, s6;
	[dreg:$0x0] =	wrdreg $0x0  }
0xa9: {  	s6 =	sshll.u32 s28, $0x1;
	[dreg:$0x2] =	wrdreg s4  }
0xaa: {  	[dreg:$0x3] =	wrdreg s6  }
0xab: {  	[dreg:$0x4] =	wrdreg $0xC0  }
0xac: {  	_ =	task [dreg:s8], $0x5FFFF  }
0xad: {  	[dreg:$0x1] =	wrdreg $0xFFFFFFFF  }
0xae: {  	[dreg:$0x0] =	wrdreg $0x60  }
0xaf: {  	[dreg:$0x2] =	wrdreg s2  }
0xb0: {  	[dreg:$0x3] =	wrdreg s24  }
0xb1: {  	[dreg:$0x4] =	wrdreg s18  }
0xb2: {  	[dreg:$0x5] =	wrdreg $0x9  }
0xb3: {  	_ =	task.clear_ibuf [dreg:s8], $0x6FFFF;
	_ =	strace $0x90000049  }
0xb4: {  	s29 =	simm.s32 $0x9;
	_ =	strace $0x8000004B  }
0xb5: {  	_ =	swait.ge [sflag:s29], $0x1  }
0xb6: {  	[sflag:s29] =	ssyncadd.s32 $0xFFFFFFFF  }
0xb7: {  	_ =	strace $0x9000004B  }
0xb8: {  	_ =	sfence  }
0xb9: {  	s30 =	sld [smem:$0x0];
	_ =	sdelay $0x2  }
0xba: {  	s31 =	sshll.u32 s1, $0xD;
	s1 =	sshrl.u32 s1, $0x2  }
0xbb: {  	s3 =	sand.u32 $0x4000, s31;
	s1 =	sadd.s32 s1, s30  }
0xbc: {  	s0 =	sor.u32 s3, s0;
	s1 =	sshll.u32 s1, $0x11  }
0xbd: {  	s0 =	sor.u32 s1, s0  }
0xbe: {  	s0 =	sadd.s32 $0x8F2B, s0  }
0xbf: {  	[sflag:s0] =	ssyncadd.remote.s32 $0x1  }
0xc0: {  	_ =	sfence.sel $0xFFFF  }
0xc1: {  	[dreg:$0x0] =	wrdreg $0xFFFFFFFF;
	(pc) =	sbr.abs _section_cstart, $3  }
0xc2: {  	[dreg:$0x1] =	wrdreg $0xFFFFFFFF  }
0xc3: {  	_ =	task.clear_ibuf [dreg:s8], $0x2FFFF;
	_ =	strace $0x9FFFFFFF  }
0xc4: {  	(tm) =	ssettm $0x7FFFFFFF  }
0xc5: {  	_ =	shalt  }
tec
execute0_lowered:
.L_overlay_start_1:
0x0: {  	(tag) =	ssettag $0x1  }
0x1: {  	s0 =	rddreg [dreg:$0x0]  }
0x2: {  	s1 =	rddreg [dreg:$0x1]  }
0x3: {  	s5 =	rddreg [dreg:$0x2];
	s3 =	srdreg.scid;
	s2 =	simm.s32 $0x0  }
0x4: {  	s4 =	stileid.u32;
	s12 =	simm.s32 $0x400;
	s13 =	simm.s32 $0x20000  }
0x5: {  	s15 =	simm.s32 $0x5;
	s28 =	simm.s32 $0xE000;
	s30 =	simm.s32 $0x12000  }
0x6: {  	s31 =	simm.s32 $0x1;
	s14 =	simm.s32 $0x2;
	s3 =	sand.u32 $0x1, s3  }
0x7: {  	s16 =	simm.s32 $0x17000;
	s4 =	sshll.u32 s4, $0xA;
	s6 =	sshll.u32 s3, $0x9  }
0x8: {  	s18 =	simm.s32 $0x4;
	[smem:$0x7FF] =	sst s2;
	s9 =	sor.u32 s6, s4  }
0x9: {  	_ =	strace $0x8000004A;
	s7 =	ssub.s32 $0x2, s3;
	s4 =	sadd.s32 s0, s9  }
0xa: {  	s21 =	sshrl.u32 s7, $0x1;
	s9 =	sadd.s32 s5, s9;
	s23 =	sadd.s32 $0x18000, s4  }
0xb: {  	s22 =	ssub.s32 s7, s21;
	s5 =	sadd.s32 $0x310180, s9;
	[dreg:$0x4] =	wrdreg s23  }
0xc: {  	v0 =	vlaneseq.u32;
	s19 =	simm.s32 $0x0;
	s0 =	smax.u32 s22, $0x1;
	[dreg:$0x6] =	wrdreg s5  }
0xd: {  	v1 =	vmul.u32 $0x80, v0;
	v9 =	vor.u32 $0x10, v0;
	v10 =	vor.u32 $0x20, v0;
	s3 =	sadd.s32 $0x800, s1;
	s24 =	sadd.s32 $0x80, s4;
	[dreg:$0x7] =	wrdreg s0  }
0xe: {  	v11 =	vor.u32 $0x30, v0;
	v12 =	vor.u32 $0x40, v0;
	v13 =	vor.u32 $0x50, v0;
	s7 =	sadd.s32 $0x100, s4;
	[dreg:$0x5] =	wrdreg s24;
	s25 =	sadd.s32 $0x18000, s24  }
0xf: {  	v14 =	vor.u32 $0x60, v0;
	v15 =	vor.u32 $0x70, v0;
	v2 =	vor.u32 $0x800, v1;
	s8 =	sadd.s32 $0x180, s4;
	s26 =	sadd.s32 $0x18000, s7;
	[dreg:$0x8] =	wrdreg s25  }
0x10: {  	s1 =	simm.s32 $0x3;
	v3 =	vor.u32 $0x1000, v1;
	v4 =	vor.u32 $0x1800, v1;
	v5 =	vor.u32 $0x2000, v1;
	s29 =	sadd.s32 $0x18000, s8;
	[dreg:$0x9] =	wrdreg s26  }
0x11: {  	v6 =	vor.u32 $0x2800, v1;
	v7 =	vor.u32 $0x3000, v1;
	v8 =	vor.u32 $0x3800, v1;
	s0 =	simm.s32 $0x16000;
	[dreg:$0xa] =	wrdreg s29;
	s25 =	simm.s32 $0x80  }
.LBB2_1:
0x12: {  	[tilespmem:s2], [sflag:$0x5] =	stream.strided.gather [hbm4b:s4+s12], $0x1800, s13, s12, $0x38;
	[tilespmem:$0x18000] =	vst v63  }
0x13: {  	s5 =	rddreg [dreg:$0x4];
	s6 =	simm.s32 $0x1800  }
0x14: {  	[tilespmem:s6], [sflag:$0x5] =	stream.linear.gather [hbm4b:s5+s2], $0x100, $0x38;
	[tilespmem:$0x18000] =	vst v63  }
0x15: {  	_ =	swait.ge [sflag:s15], $0x1900  }
0x16: {  	[sflag:s15] =	ssyncset.done $0x0  }
0x17: {  	s29 =	simm.s32 $0x1C00;
	s26 =	rddreg [dreg:$0x5];
	[sflag:s15] =	ssyncadd.s32 $0xFFFFE700  }
0x18: {  	[tilespmem:s29], [sflag:$0x5] =	stream.strided.gather [hbm4b:s26+s12], $0x1800, s13, s12, $0x38;
	[tilespmem:$0x18000] =	vst v63  }
0x19: {  	s11 =	simm.s32 $0x3400;
	s10 =	rddreg [dreg:$0x8]  }
0x1a: {  	[tilespmem:s11], [sflag:$0x5] =	stream.linear.gather [hbm4b:s10+s2], $0x100, $0x38;
	[tilespmem:$0x18000] =	vst v63  }
0x1b: {  	s5 =	simm.s32 $0x0;
	_ =	swait.ge [sflag:s15], $0x1900  }
0x1c: {  	s10 =	sand.u32 $0xFFF0, s5;
	[sflag:s15] =	ssyncset.done $0x0  }
0x1d: {  	s17 =	simm.s32 $0x3800;
	s10 =	sshrl.u32 s10, $0x4;
	[sflag:s15] =	ssyncadd.s32 $0xFFFFE700  }
0x1e: {  	[tilespmem:s17], [sflag:$0x5] =	stream.strided.gather [hbm4b:s7+s12], $0x1800, s13, s12, $0x38;
	[tilespmem:$0x18000] =	vst v63  }
0x1f: {  	s21 =	simm.s32 $0x5000;
	s20 =	rddreg [dreg:$0x9];
	s10 =	smul.u32 $0xA3E, s10  }
0x20: {  	[tilespmem:s21], [sflag:$0x5] =	stream.linear.gather [hbm4b:s20+s2], $0x100, $0x38;
	[tilespmem:$0x18000] =	vst v63  }
0x21: {  	_ =	swait.ge [sflag:s15], $0x1900  }
0x22: {  	s22 =	simm.s32 $0x5400;
	s10 =	sshrl.u32 s10, $0x10;
	[sflag:s15] =	ssyncset.done $0x0  }
0x23: {  	s17 =	simm.s32 $0x6C00;
	s11 =	smul.u32 $0x190, s10;
	[sflag:s15] =	ssyncadd.s32 $0xFFFFE700  }
0x24: {  	[tilespmem:s22], [sflag:$0x5] =	stream.strided.gather [hbm4b:s8+s12], $0x1800, s13, s12, $0x38;
	[tilespmem:$0x18000] =	vst v63  }
0x25: {  	s10 =	smul.u32 $0x1C00, s10;
	s21 =	ssub.s32 $0x0, s11;
	s23 =	rddreg [dreg:$0xa]  }
0x26: {  	[tilespmem:s17], [sflag:$0x5] =	stream.linear.gather [hbm4b:s23+s2], $0x100, $0x38;
	[tilespmem:$0x18000] =	vst v63  }
0x27: {  	s21 =	sshll.u32 s21, $0x4;
	_ =	swait.ge [sflag:s15], $0x1900  }
0x28: {  	s21 =	sadd.s32 s21, s10;
	[sflag:s15] =	ssyncset.done $0x0  }
0x29: {  	s21 =	sand.u32 $0xFFF0, s21;
	[sflag:s15] =	ssyncadd.s32 $0xFFFFE700  }
0x2a: {  	s22 =	sor.u32 $0x1, s5;
	v16 =	vld [tilespmem:s21+$0x0]  }
0x2b: {  	s22 =	ssub.s32 s22, s11  }
0x2c: {  	s22 =	sshll.u32 s22, $0x4  }
0x2d: {  	s22 =	sand.u32 $0x1F80, s22  }
0x2e: {  	s22 =	sadd.s32 s10, s22  }
0x2f: {  	s22 =	sor.u32 $0x10, s22;
	v16 =	vshrl.u32 v16, $0x2  }
0x30: {  	s24 =	sand.u32 $0xFF90, s22;
	[tilespmem:s21+$0x7000] =	vst v16  }
0x31: {  	s26 =	sor.u32 $0x2, s5;
	v16 =	vld [tilespmem:s24+$0x0]  }
0x32: {  	s22 =	ssub.s32 s26, s11  }
0x33: {  	s22 =	sshll.u32 s22, $0x4  }
0x34: {  	s22 =	sand.u32 $0x1F80, s22  }
0x35: {  	s22 =	sadd.s32 s10, s22  }
0x36: {  	s22 =	sor.u32 $0x20, s22;
	v16 =	vshrl.u32 v16, $0x2  }
0x37: {  	s29 =	sand.u32 $0xFFA0, s22;
	[tilespmem:s24+$0x7000] =	vst v16  }
0x38: {  	s6 =	sor.u32 $0x3, s5;
	v16 =	vld [tilespmem:s29+$0x0]  }
0x39: {  	s22 =	ssub.s32 s6, s11  }
0x3a: {  	s22 =	sshll.u32 s22, $0x4  }
0x3b: {  	s22 =	sand.u32 $0x1F80, s22  }
0x3c: {  	s22 =	sadd.s32 s10, s22  }
0x3d: {  	s22 =	sor.u32 $0x30, s22;
	v16 =	vshrl.u32 v16, $0x2  }
0x3e: {  	s17 =	sand.u32 $0xFFB0, s22;
	[tilespmem:s29+$0x7000] =	vst v16  }
0x3f: {  	s20 =	sor.u32 $0x4, s5;
	v16 =	vld [tilespmem:s17+$0x0]  }
0x40: {  	s22 =	ssub.s32 s20, s11  }
0x41: {  	s22 =	sshll.u32 s22, $0x4  }
0x42: {  	s22 =	sand.u32 $0x1F80, s22  }
0x43: {  	s22 =	sadd.s32 s10, s22  }
0x44: {  	s22 =	sor.u32 $0x40, s22;
	v16 =	vshrl.u32 v16, $0x2  }
0x45: {  	s23 =	sand.u32 $0xFFC0, s22;
	[tilespmem:s17+$0x7000] =	vst v16  }
0x46: {  	s24 =	sor.u32 $0x5, s5;
	v16 =	vld [tilespmem:s23+$0x0]  }
0x47: {  	s22 =	ssub.s32 s24, s11  }
0x48: {  	s22 =	sshll.u32 s22, $0x4  }
0x49: {  	s22 =	sand.u32 $0x1F80, s22  }
0x4a: {  	s22 =	sadd.s32 s10, s22  }
0x4b: {  	s22 =	sor.u32 $0x50, s22;
	v16 =	vshrl.u32 v16, $0x2  }
0x4c: {  	s26 =	sand.u32 $0xFFD0, s22;
	[tilespmem:s23+$0x7000] =	vst v16  }
0x4d: {  	s29 =	sor.u32 $0x6, s5;
	v16 =	vld [tilespmem:s26+$0x0]  }
0x4e: {  	s22 =	ssub.s32 s29, s11  }
0x4f: {  	s24 =	sor.u32 $0x7, s5;
	s22 =	sshll.u32 s22, $0x4  }
0x50: {  	s11 =	ssub.s32 s24, s11;
	s22 =	sand.u32 $0x1F80, s22  }
0x51: {  	s11 =	sshll.u32 s11, $0x4;
	s22 =	sadd.s32 s10, s22  }
0x52: {  	s11 =	sand.u32 $0x1F80, s11;
	s22 =	sor.u32 $0x60, s22;
	v16 =	vshrl.u32 v16, $0x2  }
0x53: {  	s10 =	sadd.s32 s10, s11;
	s11 =	sand.u32 $0xFFE0, s22;
	[tilespmem:s26+$0x7000] =	vst v16  }
0x54: {  	s10 =	sor.u32 $0x70, s10;
	v16 =	vld [tilespmem:s11+$0x0]  }
.LBB2_2:
0x55: {  	_ = 	snop  }
0x56: {  	s5 =	sadd.s32 $0x8, s5  }
0x57: {  	s21 =	sand.u32 $0xFFF0, s5;
	p0 =	slt.u32 s5, $0x638  }
0x58: {  	s21 =	sshrl.u32 s21, $0x4  }
0x59: {  	s21 =	smul.u32 $0xA3E, s21;
	v16 =	vshrl.u32 v16, $0x2  }
0x5a: {  	s10 =	sand.u32 $0xFFF0, s10;
	[tilespmem:s11+$0x7000] =	vst v16  }
0x5b: {  	s22 =	sor.u32 $0x7, s5;
	s11 =	sshrl.u32 s21, $0x10;
	s21 =	sor.u32 $0x6, s5;
	v16 =	vld [tilespmem:s10+$0x0]  }
0x5c: {  	s26 =	sor.u32 $0x4, s5;
	s29 =	sor.u32 $0x5, s5;
	s24 =	smul.u32 $0x190, s11  }
0x5d: {  	s17 =	sor.u32 $0x1, s5;
	s20 =	sor.u32 $0x2, s5;
	s23 =	sor.u32 $0x3, s5  }
0x5e: {  	s11 =	smul.u32 $0x1C00, s11;
	s6 =	ssub.s32 s5, s24;
	s17 =	ssub.s32 s17, s24  }
0x5f: {  	s20 =	ssub.s32 s20, s24;
	s6 =	sshll.u32 s6, $0x4;
	s17 =	sshll.u32 s17, $0x4  }
0x60: {  	s20 =	sshll.u32 s20, $0x4;
	s6 =	sadd.s32 s6, s11;
	s17 =	sand.u32 $0x1F80, s17;
	v16 =	vshrl.u32 v16, $0x2  }
0x61: {  	s20 =	sand.u32 $0x1F80, s20;
	s6 =	sand.u32 $0xFFF0, s6;
	s17 =	sadd.s32 s11, s17;
	[tilespmem:s10+$0x7000] =	vst v16  }
0x62: {  	s10 =	sor.u32 $0x10, s17;
	s17 =	sadd.s32 s11, s20;
	s20 =	ssub.s32 s23, s24;
	v16 =	vld [tilespmem:s6+$0x0]  }
0x63: {  	s23 =	ssub.s32 s26, s24;
	s17 =	sor.u32 $0x20, s17;
	s20 =	sshll.u32 s20, $0x4  }
0x64: {  	s26 =	ssub.s32 s29, s24;
	s23 =	sshll.u32 s23, $0x4;
	s20 =	sand.u32 $0x1F80, s20  }
0x65: {  	s26 =	sshll.u32 s26, $0x4;
	s23 =	sand.u32 $0x1F80, s23;
	s20 =	sadd.s32 s11, s20  }
0x66: {  	s26 =	sand.u32 $0x1F80, s26;
	s23 =	sadd.s32 s11, s23;
	s20 =	sor.u32 $0x30, s20  }
0x67: {  	s21 =	ssub.s32 s21, s24;
	s26 =	sadd.s32 s11, s26;
	s23 =	sor.u32 $0x40, s23;
	v16 =	vshrl.u32 v16, $0x2  }
0x68: {  	s26 =	sor.u32 $0x50, s26;
	[tilespmem:s6+$0x7000] =	vst v16;
	s6 =	sand.u32 $0xFF90, s10;
	s10 =	sshll.u32 s21, $0x4  }
0x69: {  	s21 =	ssub.s32 s22, s24;
	v16 =	vld [tilespmem:s6+$0x0];
	s10 =	sand.u32 $0x1F80, s10  }
0x6a: {  	s21 =	sshll.u32 s21, $0x4;
	s10 =	sadd.s32 s11, s10  }
0x6b: {  	s22 =	sor.u32 $0x60, s10;
	s10 =	sand.u32 $0x1F80, s21  }
0x6c: {  	s10 =	sadd.s32 s11, s10  }
0x6d: {  	s10 =	sor.u32 $0x70, s10  }
0x6e: {  	v16 =	vshrl.u32 v16, $0x2  }
0x6f: {  	[tilespmem:s6+$0x7000] =	vst v16;
	s6 =	sand.u32 $0xFFA0, s17  }
0x70: {  	v16 =	vld [tilespmem:s6+$0x0];
	_ =	sdelay $0x4  }
0x71: {  	v16 =	vshrl.u32 v16, $0x2  }
0x72: {  	[tilespmem:s6+$0x7000] =	vst v16;
	s6 =	sand.u32 $0xFFB0, s20  }
0x73: {  	v16 =	vld [tilespmem:s6+$0x0];
	_ =	sdelay $0x4  }
0x74: {  	v16 =	vshrl.u32 v16, $0x2  }
0x75: {  	[tilespmem:s6+$0x7000] =	vst v16;
	s6 =	sand.u32 $0xFFC0, s23  }
0x76: {  	v16 =	vld [tilespmem:s6+$0x0];
	_ =	sdelay $0x4  }
0x77: {  	v16 =	vshrl.u32 v16, $0x2  }
0x78: {  	[tilespmem:s6+$0x7000] =	vst v16;
	s6 =	sand.u32 $0xFFD0, s26  }
0x79: {  	v16 =	vld [tilespmem:s6+$0x0];
	_ =	sdelay $0x2  }
.Ltmp0:
0x7a: {  	(pc) =	sbr.rel @p0 .LBB2_2-.Ltmp0, $4  }
0x7b: {  	_ = 	snop  }
0x7c: {  	v16 =	vshrl.u32 v16, $0x2  }
0x7d: {  	s11 =	sand.u32 $0xFFE0, s22;
	[tilespmem:s6+$0x7000] =	vst v16  }
0x7e: {  	v16 =	vld [tilespmem:s11+$0x0]  }
0x7f: {  	_ =	sdelay $0x3  }
0x80: {  	v16 =	vshrl.u32 v16, $0x2  }
0x81: {  	s5 =	sand.u32 $0xFFF0, s10;
	[tilespmem:s11+$0x7000] =	vst v16  }
0x82: {  	v16 =	vld [tilespmem:s5+$0x0];
	_ =	sdelay $0x4  }
0x83: {  	v16 =	vshrl.u32 v16, $0x2  }
0x84: {  	s23 =	simm.s32 $0x7000;
	[tilespmem:s5+$0x7000] =	vst v16  }
0x85: {  	[tilespmem:s28], [sflag:$0x1] =	stream.indirect.gather [hbm4b:s3+s25], $0x80, s23, s25, $0xb8;
	[tilespmem:$0x18000] =	vst v63  }
0x86: {  	s24 =	simm.s32 $0x8C00  }
0x87: {  	[tilespmem:s30], [sflag:$0x2] =	stream.indirect.gather [hbm4b:s3+s25], $0x80, s24, s25, $0xb8;
	[tilespmem:$0x18000] =	vst v63  }
0x88: {  	_ =	swait.ge [sflag:s31], $0x4000  }
0x89: {  	[sflag:s31] =	ssyncset.done $0x0  }
0x8a: {  	[sflag:s31] =	ssyncadd.s32 $0xFFFFC000  }
0x8b: {  	v16 =	vld [tilespmem:$0x0];
	_ =	sdelay $0x4  }
0x8c: {  	s26 =	simm.s32 $0x0;
	v16 =	vshll.u32 v16, $0x5  }
0x8d: {  	v18 =	vadd.s32 s26, v0;
	v17 =	vld [tilespmem:$0x10];
	v16 =	vand.u32 $0x60, v16  }
0x8e: {  	v24 =	vand.u32 $0x1F, v18;
	v16 =	vor.u32 v1, v16  }
0x8f: {  	v18 =	vor.u32 v24, v16;
	_ =	sdelay $0x2  }
0x90: {  	v17 =	vshll.u32 v17, $0x5  }
0x91: {  	v25 =	vshll.u32 v24, $0x7;
	v19 =	vld [tilespmem:$0x20];
	v17 =	vand.u32 $0x60, v17  }
0x92: {  	v21 =	vor.u32 v0, v25;
	v17 =	vor.u32 v2, v17;
	v18 =	vld.idx.msk [tilespmem:v18+s28+$0x0], $0xffff  }
0x93: {  	v20 =	vld [tilespmem:$0x30];
	v23 =	vor.u32 v24, v17  }
0x94: {  	v22 =	vld [tilespmem:$0x40]  }
0x95: {  	v26 =	vld [tilespmem:$0x50]  }
0x96: {  	v27 =	vld [tilespmem:$0x60];
	v19 =	vshll.u32 v19, $0x5  }
0x97: {  	v28 =	vld [tilespmem:$0x70];
	v19 =	vand.u32 $0x60, v19;
	[tilespmem:v21+s0+$0x0] =	vst.idx.msk $0xffff, v18  }
0x98: {  	v18 =	vor.u32 v3, v19;
	v21 =	vor.u32 v9, v25;
	v19 =	vld.idx.msk [tilespmem:v23+s28+$0x0], $0xffff  }
0x99: {  	v23 =	vor.u32 v24, v18;
	_ =	sdelay $0x2  }
0x9a: {  	v20 =	vshll.u32 v20, $0x5  }
0x9b: {  	v20 =	vand.u32 $0x60, v20;
	[tilespmem:v21+s0+$0x0] =	vst.idx.msk $0xffff, v19  }
0x9c: {  	v19 =	vor.u32 v4, v20;
	v21 =	vor.u32 v10, v25;
	v20 =	vld.idx.msk [tilespmem:v23+s28+$0x0], $0xffff  }
0x9d: {  	v23 =	vor.u32 v24, v19;
	_ =	sdelay $0x2  }
0x9e: {  	v22 =	vshll.u32 v22, $0x5  }
0x9f: {  	v22 =	vand.u32 $0x60, v22;
	[tilespmem:v21+s0+$0x0] =	vst.idx.msk $0xffff, v20  }
0xa0: {  	v20 =	vor.u32 v5, v22;
	v22 =	vor.u32 v11, v25;
	v21 =	vld.idx.msk [tilespmem:v23+s28+$0x0], $0xffff  }
0xa1: {  	v23 =	vor.u32 v24, v20;
	_ =	sdelay $0x2  }
0xa2: {  	v26 =	vshll.u32 v26, $0x5  }
0xa3: {  	v26 =	vand.u32 $0x60, v26;
	[tilespmem:v22+s0+$0x0] =	vst.idx.msk $0xffff, v21  }
0xa4: {  	v21 =	vor.u32 v6, v26;
	v22 =	vld.idx.msk [tilespmem:v23+s28+$0x0], $0xffff;
	v23 =	vor.u32 v12, v25  }
0xa5: {  	v26 =	vor.u32 v24, v21;
	_ =	sdelay $0x2  }
0xa6: {  	v27 =	vshll.u32 v27, $0x5  }
0xa7: {  	v27 =	vand.u32 $0x60, v27;
	[tilespmem:v23+s0+$0x0] =	vst.idx.msk $0xffff, v22  }
0xa8: {  	v22 =	vor.u32 v7, v27;
	v23 =	vld.idx.msk [tilespmem:v26+s28+$0x0], $0xffff;
	v26 =	vor.u32 v13, v25  }
0xa9: {  	v27 =	vor.u32 v24, v22;
	_ =	sdelay $0x2  }
0xaa: {  	v28 =	vshll.u32 v28, $0x5  }
0xab: {  	v28 =	vand.u32 $0x60, v28;
	[tilespmem:v26+s0+$0x0] =	vst.idx.msk $0xffff, v23  }
0xac: {  	v23 =	vor.u32 v8, v28;
	v26 =	vld.idx.msk [tilespmem:v27+s28+$0x0], $0xffff;
	v27 =	vor.u32 v14, v25  }
0xad: {  	v24 =	vor.u32 v24, v23;
	_ =	sdelay $0x2  }
0xae: {  	s29 =	simm.s32 $0x1  }
0xaf: {  	[tilespmem:v27+s0+$0x0] =	vst.idx.msk $0xffff, v26;
	v26 =	vadd.s32 s29, v0  }
0xb0: {  	v25 =	vor.u32 v15, v25;
	v24 =	vld.idx.msk [tilespmem:v24+s28+$0x0], $0xffff;
	v26 =	vand.u32 $0x1F, v26  }
0xb1: {  	v27 =	vor.u32 v26, v16;
	_ =	sdelay $0x3  }
0xb2: {  	[tilespmem:v25+s0+$0x0] =	vst.idx.msk $0xffff, v24;
	v24 =	vshll.u32 v26, $0x7  }
0xb3: {  	v25 =	vld.idx.msk [tilespmem:v27+s28+$0x0], $0xffff;
	v27 =	vor.u32 v0, v24  }
0xb4: {  	v57 =	vor.u32 v26, v17;
	_ =	sdelay $0x3  }
0xb5: {  	[tilespmem:v27+s0+$0x0] =	vst.idx.msk $0xffff, v25  }
0xb6: {  	v27 =	vor.u32 v9, v24;
	v25 =	vld.idx.msk [tilespmem:v57+s28+$0x0], $0xffff  }
0xb7: {  	v58 =	vor.u32 v26, v18;
	_ =	sdelay $0x3  }
0xb8: {  	[tilespmem:v27+s0+$0x0] =	vst.idx.msk $0xffff, v25  }
0xb9: {  	v27 =	vor.u32 v10, v24;
	v25 =	vld.idx.msk [tilespmem:v58+s28+$0x0], $0xffff  }
0xba: {  	v59 =	vor.u32 v26, v19;
	_ =	sdelay $0x3  }
0xbb: {  	[tilespmem:v27+s0+$0x0] =	vst.idx.msk $0xffff, v25  }
0xbc: {  	v27 =	vor.u32 v11, v24;
	v25 =	vld.idx.msk [tilespmem:v59+s28+$0x0], $0xffff  }
0xbd: {  	v60 =	vor.u32 v26, v20;
	_ =	sdelay $0x3  }
0xbe: {  	[tilespmem:v27+s0+$0x0] =	vst.idx.msk $0xffff, v25  }
0xbf: {  	v27 =	vor.u32 v12, v24;
	v25 =	vld.idx.msk [tilespmem:v60+s28+$0x0], $0xffff  }
0xc0: {  	v61 =	vor.u32 v26, v21;
	_ =	sdelay $0x3  }
0xc1: {  	[tilespmem:v27+s0+$0x0] =	vst.idx.msk $0xffff, v25  }
0xc2: {  	v27 =	vor.u32 v13, v24;
	v25 =	vld.idx.msk [tilespmem:v61+s28+$0x0], $0xffff  }
0xc3: {  	v62 =	vor.u32 v26, v22;
	_ =	sdelay $0x3  }
0xc4: {  	[tilespmem:v27+s0+$0x0] =	vst.idx.msk $0xffff, v25  }
0xc5: {  	v27 =	vor.u32 v14, v24;
	v25 =	vld.idx.msk [tilespmem:v62+s28+$0x0], $0xffff  }
0xc6: {  	v63 =	vor.u32 v26, v23;
	_ =	sdelay $0x3  }
0xc7: {  	s5 =	simm.s32 $0x2;
	[tilespmem:v27+s0+$0x0] =	vst.idx.msk $0xffff, v25  }
0xc8: {  	s10 =	simm.s32 $0x4;
	v26 =	vadd.s32 s5, v0;
	v25 =	vld.idx.msk [tilespmem:v63+s28+$0x0], $0xffff  }
.LBB2_4:
0xc9: {  	p0 =	slt.u32 s10, $0x1E;
	v26 =	vand.u32 $0x1F, v26;
	v24 =	vor.u32 v15, v24  }
0xca: {  	v27 =	vor.u32 v26, v16;
	_ =	sdelay $0x3  }
0xcb: {  	[tilespmem:v24+s0+$0x0] =	vst.idx.msk $0xffff, v25  }
0xcc: {  	v25 =	vshll.u32 v26, $0x7;
	v24 =	vld.idx.msk [tilespmem:v27+s28+$0x0], $0xffff  }
0xcd: {  	v27 =	vor.u32 v0, v25  }
0xce: {  	v28 =	vor.u32 v26, v17;
	_ =	sdelay $0x3  }
0xcf: {  	[tilespmem:v27+s0+$0x0] =	vst.idx.msk $0xffff, v24  }
0xd0: {  	v24 =	vld.idx.msk [tilespmem:v28+s28+$0x0], $0xffff  }
0xd1: {  	v27 =	vor.u32 v9, v25  }
0xd2: {  	v28 =	vor.u32 v26, v18;
	_ =	sdelay $0x3  }
0xd3: {  	[tilespmem:v27+s0+$0x0] =	vst.idx.msk $0xffff, v24  }
0xd4: {  	v24 =	vld.idx.msk [tilespmem:v28+s28+$0x0], $0xffff  }
0xd5: {  	v27 =	vor.u32 v10, v25  }
0xd6: {  	v28 =	vor.u32 v26, v19;
	_ =	sdelay $0x3  }
0xd7: {  	[tilespmem:v27+s0+$0x0] =	vst.idx.msk $0xffff, v24  }
0xd8: {  	v24 =	vld.idx.msk [tilespmem:v28+s28+$0x0], $0xffff  }
0xd9: {  	v27 =	vor.u32 v11, v25  }
0xda: {  	v28 =	vor.u32 v26, v20;
	_ =	sdelay $0x3  }
0xdb: {  	[tilespmem:v27+s0+$0x0] =	vst.idx.msk $0xffff, v24  }
0xdc: {  	v24 =	vld.idx.msk [tilespmem:v28+s28+$0x0], $0xffff  }
0xdd: {  	v27 =	vor.u32 v12, v25  }
0xde: {  	v28 =	vor.u32 v26, v21;
	_ =	sdelay $0x3  }
0xdf: {  	[tilespmem:v27+s0+$0x0] =	vst.idx.msk $0xffff, v24  }
0xe0: {  	v24 =	vld.idx.msk [tilespmem:v28+s28+$0x0], $0xffff  }
0xe1: {  	v27 =	vor.u32 v13, v25  }
0xe2: {  	v28 =	vor.u32 v26, v22;
	_ =	sdelay $0x3  }
0xe3: {  	[tilespmem:v27+s0+$0x0] =	vst.idx.msk $0xffff, v24  }
0xe4: {  	v24 =	vld.idx.msk [tilespmem:v28+s28+$0x0], $0xffff  }
0xe5: {  	v27 =	vor.u32 v14, v25  }
0xe6: {  	v26 =	vor.u32 v26, v23;
	_ =	sdelay $0x3  }
0xe7: {  	s6 =	sadd.s32 $0x1, s5;
	s5 =	smov.u32 s10;
	[tilespmem:v27+s0+$0x0] =	vst.idx.msk $0xffff, v24  }
0xe8: {  	v24 =	vld.idx.msk [tilespmem:v26+s28+$0x0], $0xffff;
	v26 =	vadd.s32 s6, v0  }
0xe9: {  	v25 =	vor.u32 v15, v25;
	v26 =	vand.u32 $0x1F, v26  }
0xea: {  	v27 =	vor.u32 v26, v16;
	_ =	sdelay $0x3  }
0xeb: {  	[tilespmem:v25+s0+$0x0] =	vst.idx.msk $0xffff, v24  }
0xec: {  	v24 =	vshll.u32 v26, $0x7;
	v25 =	vld.idx.msk [tilespmem:v27+s28+$0x0], $0xffff  }
0xed: {  	v27 =	vor.u32 v0, v24  }
0xee: {  	v28 =	vor.u32 v26, v17;
	_ =	sdelay $0x3  }
0xef: {  	[tilespmem:v27+s0+$0x0] =	vst.idx.msk $0xffff, v25  }
0xf0: {  	v25 =	vld.idx.msk [tilespmem:v28+s28+$0x0], $0xffff  }
0xf1: {  	v27 =	vor.u32 v9, v24  }
0xf2: {  	v28 =	vor.u32 v26, v18;
	_ =	sdelay $0x3  }
0xf3: {  	[tilespmem:v27+s0+$0x0] =	vst.idx.msk $0xffff, v25  }
0xf4: {  	v25 =	vld.idx.msk [tilespmem:v28+s28+$0x0], $0xffff  }
0xf5: {  	v27 =	vor.u32 v10, v24  }
0xf6: {  	v28 =	vor.u32 v26, v19;
	_ =	sdelay $0x3  }
0xf7: {  	[tilespmem:v27+s0+$0x0] =	vst.idx.msk $0xffff, v25  }
0xf8: {  	v25 =	vld.idx.msk [tilespmem:v28+s28+$0x0], $0xffff  }
0xf9: {  	v27 =	vor.u32 v11, v24  }
0xfa: {  	v28 =	vor.u32 v26, v20;
	_ =	sdelay $0x3  }
0xfb: {  	[tilespmem:v27+s0+$0x0] =	vst.idx.msk $0xffff, v25  }
0xfc: {  	v25 =	vld.idx.msk [tilespmem:v28+s28+$0x0], $0xffff  }
0xfd: {  	v27 =	vor.u32 v12, v24  }
0xfe: {  	v28 =	vor.u32 v26, v21;
	_ =	sdelay $0x3  }
0xff: {  	[tilespmem:v27+s0+$0x0] =	vst.idx.msk $0xffff, v25  }
0x100: {  	v25 =	vld.idx.msk [tilespmem:v28+s28+$0x0], $0xffff  }
0x101: {  	v27 =	vor.u32 v13, v24  }
0x102: {  	v28 =	vor.u32 v26, v22;
	_ =	sdelay $0x3  }
0x103: {  	[tilespmem:v27+s0+$0x0] =	vst.idx.msk $0xffff, v25  }
0x104: {  	v25 =	vld.idx.msk [tilespmem:v28+s28+$0x0], $0xffff  }
0x105: {  	v27 =	vor.u32 v14, v24  }
0x106: {  	v28 =	vor.u32 v26, v23  }
.Ltmp1:
0x107: {  	(pc) =	sbr.rel @p0 .LBB2_4-.Ltmp1, $3  }
0x108: {  	_ =	sdelay $0x1  }
0x109: {  	[tilespmem:v27+s0+$0x0] =	vst.idx.msk $0xffff, v25  }
0x10a: {  	s10 =	sadd.s32 $0x2, s10;
	v26 =	vadd.s32 s5, v0;
	v25 =	vld.idx.msk [tilespmem:v28+s28+$0x0], $0xffff  }
0x10b: {  	v26 =	vand.u32 $0x1F, v26;
	v24 =	vor.u32 v15, v24  }
0x10c: {  	v27 =	vor.u32 v26, v16;
	_ =	sdelay $0x3  }
0x10d: {  	v42 =	vshll.u32 v26, $0x7;
	[tilespmem:v24+s0+$0x0] =	vst.idx.msk $0xffff, v25  }
0x10e: {  	v43 =	vor.u32 v0, v42;
	v25 =	vld.idx.msk [tilespmem:v27+s28+$0x0], $0xffff  }
0x10f: {  	v28 =	vor.u32 v26, v17;
	_ =	sdelay $0x3  }
0x110: {  	[tilespmem:v43+s0+$0x0] =	vst.idx.msk $0xffff, v25  }
0x111: {  	v44 =	vor.u32 v9, v42;
	v25 =	vld.idx.msk [tilespmem:v28+s28+$0x0], $0xffff  }
0x112: {  	v45 =	vor.u32 v26, v18;
	_ =	sdelay $0x3  }
0x113: {  	[tilespmem:v44+s0+$0x0] =	vst.idx.msk $0xffff, v25  }
0x114: {  	v46 =	vor.u32 v10, v42;
	v25 =	vld.idx.msk [tilespmem:v45+s28+$0x0], $0xffff  }
0x115: {  	v47 =	vor.u32 v26, v19;
	_ =	sdelay $0x3  }
0x116: {  	[tilespmem:v46+s0+$0x0] =	vst.idx.msk $0xffff, v25  }
0x117: {  	v48 =	vor.u32 v11, v42;
	v25 =	vld.idx.msk [tilespmem:v47+s28+$0x0], $0xffff  }
0x118: {  	v49 =	vor.u32 v26, v20;
	_ =	sdelay $0x3  }
0x119: {  	[tilespmem:v48+s0+$0x0] =	vst.idx.msk $0xffff, v25  }
0x11a: {  	v50 =	vor.u32 v12, v42;
	v25 =	vld.idx.msk [tilespmem:v49+s28+$0x0], $0xffff  }
0x11b: {  	v51 =	vor.u32 v26, v21;
	_ =	sdelay $0x3  }
0x11c: {  	[tilespmem:v50+s0+$0x0] =	vst.idx.msk $0xffff, v25  }
0x11d: {  	v52 =	vor.u32 v13, v42;
	v25 =	vld.idx.msk [tilespmem:v51+s28+$0x0], $0xffff  }
0x11e: {  	v53 =	vor.u32 v26, v22;
	_ =	sdelay $0x3  }
0x11f: {  	[tilespmem:v52+s0+$0x0] =	vst.idx.msk $0xffff, v25  }
0x120: {  	v54 =	vor.u32 v14, v42;
	v25 =	vld.idx.msk [tilespmem:v53+s28+$0x0], $0xffff  }
0x121: {  	v26 =	vor.u32 v26, v23;
	_ =	sdelay $0x2  }
0x122: {  	s5 =	sadd.s32 $0x1, s5  }
0x123: {  	v55 =	vadd.s32 s5, v0;
	[tilespmem:v54+s0+$0x0] =	vst.idx.msk $0xffff, v25  }
0x124: {  	v24 =	vor.u32 v15, v42;
	v25 =	vand.u32 $0x1F, v55;
	v26 =	vld.idx.msk [tilespmem:v26+s28+$0x0], $0xffff  }
0x125: {  	v16 =	vor.u32 v25, v16;
	_ =	sdelay $0x3  }
0x126: {  	v56 =	vshll.u32 v25, $0x7;
	[tilespmem:v24+s0+$0x0] =	vst.idx.msk $0xffff, v26  }
0x127: {  	v57 =	vor.u32 v0, v56;
	v16 =	vld.idx.msk [tilespmem:v16+s28+$0x0], $0xffff  }
0x128: {  	v17 =	vor.u32 v25, v17;
	_ =	sdelay $0x3  }
0x129: {  	[tilespmem:v57+s0+$0x0] =	vst.idx.msk $0xffff, v16  }
0x12a: {  	v16 =	vld.idx.msk [tilespmem:v17+s28+$0x0], $0xffff;
	v17 =	vor.u32 v9, v56  }
0x12b: {  	v58 =	vor.u32 v25, v18;
	_ =	sdelay $0x3  }
0x12c: {  	[tilespmem:v17+s0+$0x0] =	vst.idx.msk $0xffff, v16  }
0x12d: {  	v17 =	vor.u32 v10, v56;
	v16 =	vld.idx.msk [tilespmem:v58+s28+$0x0], $0xffff  }
0x12e: {  	v59 =	vor.u32 v25, v19;
	_ =	sdelay $0x3  }
0x12f: {  	[tilespmem:v17+s0+$0x0] =	vst.idx.msk $0xffff, v16  }
0x130: {  	v17 =	vor.u32 v11, v56;
	v16 =	vld.idx.msk [tilespmem:v59+s28+$0x0], $0xffff  }
0x131: {  	v60 =	vor.u32 v25, v20;
	_ =	sdelay $0x3  }
0x132: {  	[tilespmem:v17+s0+$0x0] =	vst.idx.msk $0xffff, v16  }
0x133: {  	v17 =	vor.u32 v12, v56;
	v16 =	vld.idx.msk [tilespmem:v60+s28+$0x0], $0xffff  }
0x134: {  	v61 =	vor.u32 v25, v21;
	_ =	sdelay $0x3  }
0x135: {  	[tilespmem:v17+s0+$0x0] =	vst.idx.msk $0xffff, v16  }
0x136: {  	v17 =	vor.u32 v13, v56;
	v16 =	vld.idx.msk [tilespmem:v61+s28+$0x0], $0xffff  }
0x137: {  	v62 =	vor.u32 v25, v22;
	_ =	sdelay $0x3  }
0x138: {  	[tilespmem:v17+s0+$0x0] =	vst.idx.msk $0xffff, v16  }
0x139: {  	v17 =	vor.u32 v14, v56;
	v16 =	vld.idx.msk [tilespmem:v62+s28+$0x0], $0xffff  }
0x13a: {  	v63 =	vor.u32 v25, v23;
	_ =	sdelay $0x3  }
0x13b: {  	[tilespmem:v17+s0+$0x0] =	vst.idx.msk $0xffff, v16  }
0x13c: {  	v17 =	vor.u32 v15, v56;
	v16 =	vld.idx.msk [tilespmem:v63+s28+$0x0], $0xffff;
	_ =	sdelay $0x4  }
0x13d: {  	s21 =	simm.s32 $0x1;
	[tilespmem:v17+s0+$0x0] =	vst.idx.msk $0xffff, v16  }
0x13e: {  	[hbm4b:s9+s12] =	stream.strided.scatter [tilespmem:s0], [sflag:$0x3], $0x1000, s13, s12, $0x38;
	[tilespmem:$0x18000] =	vst v63  }
.LBB2_6:
0x13f: {  	s5 =	sshll.u32 s21, $0x1  }
0x140: {  	s22 =	sand.u32 $0x2, s5  }
0x141: {  	s24 =	sshrl.u32 s21, $0x1;
	_ =	swait.ge [sflag:s1], $0x1000;
	s6 =	smul.u32 $0x1C00, s22  }
0x142: {  	s10 =	sshll.u32 s24, $0x7;
	[sflag:s1] =	ssyncset.done $0x0  }
0x143: {  	s5 =	sadd.s32 $0xFFFFFFFF, s5;
	[sflag:s1] =	ssyncadd.s32 $0xFFFFF000;
	s26 =	sadd.s32 s10, s6  }
0x144: {  	s29 =	sand.u32 $0x3, s5;
	s20 =	sshrl.u32 s5, $0x2;
	s6 =	sadd.s32 $0x7000, s26  }
0x145: {  	[tilespmem:s28], [sflag:$0x1] =	stream.indirect.gather [hbm4b:s3+s25], $0x80, s6, s25, $0xb8;
	[tilespmem:$0x18000] =	vst v63  }
0x146: {  	s5 =	sshrl.u32 s5, $0x1F;
	s23 =	smul.u32 $0x7000, s29;
	s6 =	sand.u32 $0x3F, s20  }
0x147: {  	_ =	swait.ge [sflag:s14], $0x4000;
	s5 =	sadd.s32 s5, s6  }
0x148: {  	s11 =	sshrl.u32 s23, $0x2;
	[sflag:s14] =	ssyncset.done $0x0;
	s17 =	sshll.u32 s5, $0x7  }
0x149: {  	[sflag:s14] =	ssyncadd.s32 $0xFFFFC000;
	s6 =	sadd.s32 s17, s11  }
0x14a: {  	v16 =	vld [tilespmem:s6+$0x0];
	_ =	sdelay $0x4  }
0x14b: {  	s20 =	simm.s32 $0x0;
	v16 =	vshll.u32 v16, $0x5  }
0x14c: {  	v18 =	vadd.s32 s20, v0;
	v17 =	vld [tilespmem:s6+$0x10];
	v16 =	vand.u32 $0x60, v16  }
0x14d: {  	v24 =	vand.u32 $0x1F, v18;
	v16 =	vor.u32 v1, v16  }
0x14e: {  	v18 =	vor.u32 v24, v16;
	_ =	sdelay $0x2  }
0x14f: {  	v17 =	vshll.u32 v17, $0x5  }
0x150: {  	v25 =	vshll.u32 v24, $0x7;
	v19 =	vld [tilespmem:s6+$0x20];
	v17 =	vand.u32 $0x60, v17  }
0x151: {  	v21 =	vor.u32 v0, v25;
	v17 =	vor.u32 v2, v17;
	v18 =	vld.idx.msk [tilespmem:v18+s30+$0x0], $0xffff  }
0x152: {  	v20 =	vld [tilespmem:s6+$0x30];
	v23 =	vor.u32 v24, v17  }
0x153: {  	v22 =	vld [tilespmem:s6+$0x40]  }
0x154: {  	v26 =	vld [tilespmem:s6+$0x50]  }
0x155: {  	v27 =	vld [tilespmem:s6+$0x60];
	v19 =	vshll.u32 v19, $0x5  }
0x156: {  	v28 =	vld [tilespmem:s6+$0x70];
	v19 =	vand.u32 $0x60, v19;
	[tilespmem:v21+s16+$0x0] =	vst.idx.msk $0xffff, v18  }
0x157: {  	v18 =	vor.u32 v3, v19;
	v21 =	vor.u32 v9, v25;
	v19 =	vld.idx.msk [tilespmem:v23+s30+$0x0], $0xffff  }
0x158: {  	v23 =	vor.u32 v24, v18;
	_ =	sdelay $0x2  }
0x159: {  	v20 =	vshll.u32 v20, $0x5  }
0x15a: {  	v20 =	vand.u32 $0x60, v20;
	[tilespmem:v21+s16+$0x0] =	vst.idx.msk $0xffff, v19  }
0x15b: {  	v19 =	vor.u32 v4, v20;
	v21 =	vor.u32 v10, v25;
	v20 =	vld.idx.msk [tilespmem:v23+s30+$0x0], $0xffff  }
0x15c: {  	v23 =	vor.u32 v24, v19;
	_ =	sdelay $0x2  }
0x15d: {  	v22 =	vshll.u32 v22, $0x5  }
0x15e: {  	v22 =	vand.u32 $0x60, v22;
	[tilespmem:v21+s16+$0x0] =	vst.idx.msk $0xffff, v20  }
0x15f: {  	v20 =	vor.u32 v5, v22;
	v22 =	vor.u32 v11, v25;
	v21 =	vld.idx.msk [tilespmem:v23+s30+$0x0], $0xffff  }
0x160: {  	v23 =	vor.u32 v24, v20;
	_ =	sdelay $0x2  }
0x161: {  	v26 =	vshll.u32 v26, $0x5  }
0x162: {  	v26 =	vand.u32 $0x60, v26;
	[tilespmem:v22+s16+$0x0] =	vst.idx.msk $0xffff, v21  }
0x163: {  	v21 =	vor.u32 v6, v26;
	v22 =	vld.idx.msk [tilespmem:v23+s30+$0x0], $0xffff;
	v23 =	vor.u32 v12, v25  }
0x164: {  	v26 =	vor.u32 v24, v21;
	_ =	sdelay $0x2  }
0x165: {  	v27 =	vshll.u32 v27, $0x5  }
0x166: {  	v27 =	vand.u32 $0x60, v27;
	[tilespmem:v23+s16+$0x0] =	vst.idx.msk $0xffff, v22  }
0x167: {  	v22 =	vor.u32 v7, v27;
	v23 =	vld.idx.msk [tilespmem:v26+s30+$0x0], $0xffff;
	v26 =	vor.u32 v13, v25  }
0x168: {  	v27 =	vor.u32 v24, v22;
	_ =	sdelay $0x2  }
0x169: {  	v28 =	vshll.u32 v28, $0x5  }
0x16a: {  	v28 =	vand.u32 $0x60, v28;
	[tilespmem:v26+s16+$0x0] =	vst.idx.msk $0xffff, v23  }
0x16b: {  	v23 =	vor.u32 v8, v28;
	v26 =	vld.idx.msk [tilespmem:v27+s30+$0x0], $0xffff;
	v27 =	vor.u32 v14, v25  }
0x16c: {  	v24 =	vor.u32 v24, v23;
	_ =	sdelay $0x2  }
0x16d: {  	s23 =	simm.s32 $0x1  }
0x16e: {  	[tilespmem:v27+s16+$0x0] =	vst.idx.msk $0xffff, v26;
	v26 =	vadd.s32 s23, v0  }
0x16f: {  	v25 =	vor.u32 v15, v25;
	v24 =	vld.idx.msk [tilespmem:v24+s30+$0x0], $0xffff;
	v26 =	vand.u32 $0x1F, v26  }
0x170: {  	v27 =	vor.u32 v26, v16;
	_ =	sdelay $0x3  }
0x171: {  	[tilespmem:v25+s16+$0x0] =	vst.idx.msk $0xffff, v24;
	v24 =	vshll.u32 v26, $0x7  }
0x172: {  	v25 =	vld.idx.msk [tilespmem:v27+s30+$0x0], $0xffff;
	v27 =	vor.u32 v0, v24  }
0x173: {  	v57 =	vor.u32 v26, v17;
	_ =	sdelay $0x3  }
0x174: {  	[tilespmem:v27+s16+$0x0] =	vst.idx.msk $0xffff, v25  }
0x175: {  	v27 =	vor.u32 v9, v24;
	v25 =	vld.idx.msk [tilespmem:v57+s30+$0x0], $0xffff  }
0x176: {  	v58 =	vor.u32 v26, v18;
	_ =	sdelay $0x3  }
0x177: {  	[tilespmem:v27+s16+$0x0] =	vst.idx.msk $0xffff, v25  }
0x178: {  	v27 =	vor.u32 v10, v24;
	v25 =	vld.idx.msk [tilespmem:v58+s30+$0x0], $0xffff  }
0x179: {  	v59 =	vor.u32 v26, v19;
	_ =	sdelay $0x3  }
0x17a: {  	[tilespmem:v27+s16+$0x0] =	vst.idx.msk $0xffff, v25  }
0x17b: {  	v27 =	vor.u32 v11, v24;
	v25 =	vld.idx.msk [tilespmem:v59+s30+$0x0], $0xffff  }
0x17c: {  	v60 =	vor.u32 v26, v20;
	_ =	sdelay $0x3  }
0x17d: {  	[tilespmem:v27+s16+$0x0] =	vst.idx.msk $0xffff, v25  }
0x17e: {  	v27 =	vor.u32 v12, v24;
	v25 =	vld.idx.msk [tilespmem:v60+s30+$0x0], $0xffff  }
0x17f: {  	v61 =	vor.u32 v26, v21;
	_ =	sdelay $0x3  }
0x180: {  	[tilespmem:v27+s16+$0x0] =	vst.idx.msk $0xffff, v25  }
0x181: {  	v27 =	vor.u32 v13, v24;
	v25 =	vld.idx.msk [tilespmem:v61+s30+$0x0], $0xffff  }
0x182: {  	v62 =	vor.u32 v26, v22;
	_ =	sdelay $0x3  }
0x183: {  	[tilespmem:v27+s16+$0x0] =	vst.idx.msk $0xffff, v25  }
0x184: {  	v27 =	vor.u32 v14, v24;
	v25 =	vld.idx.msk [tilespmem:v62+s30+$0x0], $0xffff  }
0x185: {  	v63 =	vor.u32 v26, v23;
	_ =	sdelay $0x3  }
0x186: {  	s10 =	simm.s32 $0x2;
	[tilespmem:v27+s16+$0x0] =	vst.idx.msk $0xffff, v25  }
0x187: {  	s11 =	simm.s32 $0x4;
	v26 =	vadd.s32 s10, v0;
	v25 =	vld.idx.msk [tilespmem:v63+s30+$0x0], $0xffff  }
.LBB2_7:
0x188: {  	p0 =	slt.u32 s11, $0x1E;
	v26 =	vand.u32 $0x1F, v26;
	v24 =	vor.u32 v15, v24  }
0x189: {  	v27 =	vor.u32 v26, v16;
	_ =	sdelay $0x3  }
0x18a: {  	[tilespmem:v24+s16+$0x0] =	vst.idx.msk $0xffff, v25  }
0x18b: {  	v25 =	vshll.u32 v26, $0x7;
	v24 =	vld.idx.msk [tilespmem:v27+s30+$0x0], $0xffff  }
0x18c: {  	v27 =	vor.u32 v0, v25  }
0x18d: {  	v28 =	vor.u32 v26, v17;
	_ =	sdelay $0x3  }
0x18e: {  	[tilespmem:v27+s16+$0x0] =	vst.idx.msk $0xffff, v24  }
0x18f: {  	v24 =	vld.idx.msk [tilespmem:v28+s30+$0x0], $0xffff  }
0x190: {  	v27 =	vor.u32 v9, v25  }
0x191: {  	v28 =	vor.u32 v26, v18;
	_ =	sdelay $0x3  }
0x192: {  	[tilespmem:v27+s16+$0x0] =	vst.idx.msk $0xffff, v24  }
0x193: {  	v24 =	vld.idx.msk [tilespmem:v28+s30+$0x0], $0xffff  }
0x194: {  	v27 =	vor.u32 v10, v25  }
0x195: {  	v28 =	vor.u32 v26, v19;
	_ =	sdelay $0x3  }
0x196: {  	[tilespmem:v27+s16+$0x0] =	vst.idx.msk $0xffff, v24  }
0x197: {  	v24 =	vld.idx.msk [tilespmem:v28+s30+$0x0], $0xffff  }
0x198: {  	v27 =	vor.u32 v11, v25  }
0x199: {  	v28 =	vor.u32 v26, v20;
	_ =	sdelay $0x3  }
0x19a: {  	[tilespmem:v27+s16+$0x0] =	vst.idx.msk $0xffff, v24  }
0x19b: {  	v24 =	vld.idx.msk [tilespmem:v28+s30+$0x0], $0xffff  }
0x19c: {  	v27 =	vor.u32 v12, v25  }
0x19d: {  	v28 =	vor.u32 v26, v21;
	_ =	sdelay $0x3  }
0x19e: {  	[tilespmem:v27+s16+$0x0] =	vst.idx.msk $0xffff, v24  }
0x19f: {  	v24 =	vld.idx.msk [tilespmem:v28+s30+$0x0], $0xffff  }
0x1a0: {  	v27 =	vor.u32 v13, v25  }
0x1a1: {  	v28 =	vor.u32 v26, v22;
	_ =	sdelay $0x3  }
0x1a2: {  	[tilespmem:v27+s16+$0x0] =	vst.idx.msk $0xffff, v24  }
0x1a3: {  	v24 =	vld.idx.msk [tilespmem:v28+s30+$0x0], $0xffff  }
0x1a4: {  	v27 =	vor.u32 v14, v25  }
0x1a5: {  	v26 =	vor.u32 v26, v23;
	_ =	sdelay $0x3  }
0x1a6: {  	s6 =	sadd.s32 $0x1, s10;
	s10 =	smov.u32 s11;
	[tilespmem:v27+s16+$0x0] =	vst.idx.msk $0xffff, v24  }
0x1a7: {  	v24 =	vld.idx.msk [tilespmem:v26+s30+$0x0], $0xffff;
	v26 =	vadd.s32 s6, v0  }
0x1a8: {  	v25 =	vor.u32 v15, v25;
	v26 =	vand.u32 $0x1F, v26  }
0x1a9: {  	v27 =	vor.u32 v26, v16;
	_ =	sdelay $0x3  }
0x1aa: {  	[tilespmem:v25+s16+$0x0] =	vst.idx.msk $0xffff, v24  }
0x1ab: {  	v24 =	vshll.u32 v26, $0x7;
	v25 =	vld.idx.msk [tilespmem:v27+s30+$0x0], $0xffff  }
0x1ac: {  	v27 =	vor.u32 v0, v24  }
0x1ad: {  	v28 =	vor.u32 v26, v17;
	_ =	sdelay $0x3  }
0x1ae: {  	[tilespmem:v27+s16+$0x0] =	vst.idx.msk $0xffff, v25  }
0x1af: {  	v25 =	vld.idx.msk [tilespmem:v28+s30+$0x0], $0xffff  }
0x1b0: {  	v27 =	vor.u32 v9, v24  }
0x1b1: {  	v28 =	vor.u32 v26, v18;
	_ =	sdelay $0x3  }
0x1b2: {  	[tilespmem:v27+s16+$0x0] =	vst.idx.msk $0xffff, v25  }
0x1b3: {  	v25 =	vld.idx.msk [tilespmem:v28+s30+$0x0], $0xffff  }
0x1b4: {  	v27 =	vor.u32 v10, v24  }
0x1b5: {  	v28 =	vor.u32 v26, v19;
	_ =	sdelay $0x3  }
0x1b6: {  	[tilespmem:v27+s16+$0x0] =	vst.idx.msk $0xffff, v25  }
0x1b7: {  	v25 =	vld.idx.msk [tilespmem:v28+s30+$0x0], $0xffff  }
0x1b8: {  	v27 =	vor.u32 v11, v24  }
0x1b9: {  	v28 =	vor.u32 v26, v20;
	_ =	sdelay $0x3  }
0x1ba: {  	[tilespmem:v27+s16+$0x0] =	vst.idx.msk $0xffff, v25  }
0x1bb: {  	v25 =	vld.idx.msk [tilespmem:v28+s30+$0x0], $0xffff  }
0x1bc: {  	v27 =	vor.u32 v12, v24  }
0x1bd: {  	v28 =	vor.u32 v26, v21;
	_ =	sdelay $0x3  }
0x1be: {  	[tilespmem:v27+s16+$0x0] =	vst.idx.msk $0xffff, v25  }
0x1bf: {  	v25 =	vld.idx.msk [tilespmem:v28+s30+$0x0], $0xffff  }
0x1c0: {  	v27 =	vor.u32 v13, v24  }
0x1c1: {  	v28 =	vor.u32 v26, v22;
	_ =	sdelay $0x3  }
0x1c2: {  	[tilespmem:v27+s16+$0x0] =	vst.idx.msk $0xffff, v25  }
0x1c3: {  	v25 =	vld.idx.msk [tilespmem:v28+s30+$0x0], $0xffff  }
0x1c4: {  	v27 =	vor.u32 v14, v24  }
0x1c5: {  	v28 =	vor.u32 v26, v23  }
.Ltmp2:
0x1c6: {  	(pc) =	sbr.rel @p0 .LBB2_7-.Ltmp2, $3  }
0x1c7: {  	_ =	sdelay $0x1  }
0x1c8: {  	[tilespmem:v27+s16+$0x0] =	vst.idx.msk $0xffff, v25  }
0x1c9: {  	s11 =	sadd.s32 $0x2, s11;
	v26 =	vadd.s32 s10, v0;
	v25 =	vld.idx.msk [tilespmem:v28+s30+$0x0], $0xffff  }
0x1ca: {  	v26 =	vand.u32 $0x1F, v26;
	v24 =	vor.u32 v15, v24  }
0x1cb: {  	v27 =	vor.u32 v26, v16;
	_ =	sdelay $0x3  }
0x1cc: {  	[tilespmem:v24+s16+$0x0] =	vst.idx.msk $0xffff, v25;
	v24 =	vshll.u32 v26, $0x7  }
0x1cd: {  	v25 =	vld.idx.msk [tilespmem:v27+s30+$0x0], $0xffff;
	v27 =	vor.u32 v0, v24  }
0x1ce: {  	v28 =	vor.u32 v26, v17;
	_ =	sdelay $0x3  }
0x1cf: {  	[tilespmem:v27+s16+$0x0] =	vst.idx.msk $0xffff, v25  }
0x1d0: {  	v27 =	vor.u32 v9, v24;
	v25 =	vld.idx.msk [tilespmem:v28+s30+$0x0], $0xffff  }
0x1d1: {  	v51 =	vor.u32 v26, v18;
	_ =	sdelay $0x3  }
0x1d2: {  	[tilespmem:v27+s16+$0x0] =	vst.idx.msk $0xffff, v25  }
0x1d3: {  	v27 =	vor.u32 v10, v24;
	v25 =	vld.idx.msk [tilespmem:v51+s30+$0x0], $0xffff  }
0x1d4: {  	v52 =	vor.u32 v26, v19;
	_ =	sdelay $0x3  }
0x1d5: {  	[tilespmem:v27+s16+$0x0] =	vst.idx.msk $0xffff, v25  }
0x1d6: {  	v27 =	vor.u32 v11, v24;
	v25 =	vld.idx.msk [tilespmem:v52+s30+$0x0], $0xffff  }
0x1d7: {  	v53 =	vor.u32 v26, v20;
	_ =	sdelay $0x3  }
0x1d8: {  	[tilespmem:v27+s16+$0x0] =	vst.idx.msk $0xffff, v25  }
0x1d9: {  	v27 =	vor.u32 v12, v24;
	v25 =	vld.idx.msk [tilespmem:v53+s30+$0x0], $0xffff  }
0x1da: {  	v54 =	vor.u32 v26, v21;
	_ =	sdelay $0x3  }
0x1db: {  	[tilespmem:v27+s16+$0x0] =	vst.idx.msk $0xffff, v25  }
0x1dc: {  	v27 =	vor.u32 v13, v24;
	v25 =	vld.idx.msk [tilespmem:v54+s30+$0x0], $0xffff  }
0x1dd: {  	v55 =	vor.u32 v26, v22;
	_ =	sdelay $0x3  }
0x1de: {  	[tilespmem:v27+s16+$0x0] =	vst.idx.msk $0xffff, v25  }
0x1df: {  	v27 =	vor.u32 v14, v24;
	v25 =	vld.idx.msk [tilespmem:v55+s30+$0x0], $0xffff  }
0x1e0: {  	v26 =	vor.u32 v26, v23;
	_ =	sdelay $0x2  }
0x1e1: {  	s6 =	sadd.s32 $0x1, s10  }
0x1e2: {  	[tilespmem:v27+s16+$0x0] =	vst.idx.msk $0xffff, v25;
	v25 =	vadd.s32 s6, v0  }
0x1e3: {  	v24 =	vor.u32 v15, v24;
	v26 =	vld.idx.msk [tilespmem:v26+s30+$0x0], $0xffff;
	v25 =	vand.u32 $0x1F, v25  }
0x1e4: {  	v16 =	vor.u32 v25, v16;
	_ =	sdelay $0x3  }
0x1e5: {  	[tilespmem:v24+s16+$0x0] =	vst.idx.msk $0xffff, v26;
	v24 =	vshll.u32 v25, $0x7  }
0x1e6: {  	v16 =	vld.idx.msk [tilespmem:v16+s30+$0x0], $0xffff;
	v26 =	vor.u32 v0, v24  }
0x1e7: {  	v17 =	vor.u32 v25, v17;
	_ =	sdelay $0x3  }
0x1e8: {  	[tilespmem:v26+s16+$0x0] =	vst.idx.msk $0xffff, v16  }
0x1e9: {  	v16 =	vld.idx.msk [tilespmem:v17+s30+$0x0], $0xffff;
	v17 =	vor.u32 v9, v24  }
0x1ea: {  	v18 =	vor.u32 v25, v18;
	_ =	sdelay $0x3  }
0x1eb: {  	[tilespmem:v17+s16+$0x0] =	vst.idx.msk $0xffff, v16  }
0x1ec: {  	v17 =	vor.u32 v10, v24;
	v16 =	vld.idx.msk [tilespmem:v18+s30+$0x0], $0xffff  }
0x1ed: {  	v18 =	vor.u32 v25, v19;
	_ =	sdelay $0x3  }
0x1ee: {  	[tilespmem:v17+s16+$0x0] =	vst.idx.msk $0xffff, v16  }
0x1ef: {  	v17 =	vor.u32 v11, v24;
	v16 =	vld.idx.msk [tilespmem:v18+s30+$0x0], $0xffff  }
0x1f0: {  	v18 =	vor.u32 v25, v20;
	_ =	sdelay $0x3  }
0x1f1: {  	[tilespmem:v17+s16+$0x0] =	vst.idx.msk $0xffff, v16  }
0x1f2: {  	v17 =	vor.u32 v12, v24;
	v16 =	vld.idx.msk [tilespmem:v18+s30+$0x0], $0xffff  }
0x1f3: {  	v18 =	vor.u32 v25, v21;
	_ =	sdelay $0x3  }
0x1f4: {  	[tilespmem:v17+s16+$0x0] =	vst.idx.msk $0xffff, v16  }
0x1f5: {  	v17 =	vor.u32 v13, v24;
	v16 =	vld.idx.msk [tilespmem:v18+s30+$0x0], $0xffff  }
0x1f6: {  	v18 =	vor.u32 v25, v22;
	_ =	sdelay $0x3  }
0x1f7: {  	[tilespmem:v17+s16+$0x0] =	vst.idx.msk $0xffff, v16  }
0x1f8: {  	v17 =	vor.u32 v14, v24;
	v16 =	vld.idx.msk [tilespmem:v18+s30+$0x0], $0xffff  }
0x1f9: {  	v18 =	vor.u32 v25, v23;
	_ =	sdelay $0x3  }
0x1fa: {  	[tilespmem:v17+s16+$0x0] =	vst.idx.msk $0xffff, v16  }
0x1fb: {  	v17 =	vor.u32 v15, v24;
	v16 =	vld.idx.msk [tilespmem:v18+s30+$0x0], $0xffff;
	_ =	sdelay $0x2  }
0x1fc: {  	s11 =	sshll.u32 s29, $0x7  }
0x1fd: {  	s5 =	sshll.u32 s5, $0x10;
	s6 =	sadd.s32 s11, s9  }
0x1fe: {  	s17 =	smul.u32 $0x7000, s22;
	s20 =	sshll.u32 s21, $0x6;
	s5 =	sadd.s32 s5, s6;
	[tilespmem:v17+s16+$0x0] =	vst.idx.msk $0xffff, v16  }
0x1ff: {  	[hbm4b:s5+s12] =	stream.strided.scatter [tilespmem:s16], [sflag:$0x4], $0x1000, s13, s12, $0x38;
	[tilespmem:$0x18000] =	vst v63  }
0x200: {  	s6 =	sand.u32 $0x1F80, s20;
	s5 =	sshrl.u32 s17, $0x2;
	_ =	swait.ge [sflag:s18], $0x1000  }
0x201: {  	s5 =	sadd.s32 s6, s5;
	[sflag:s18] =	ssyncset.done $0x0  }
0x202: {  	s5 =	sadd.s32 $0x8C00, s5;
	[sflag:s18] =	ssyncadd.s32 $0xFFFFF000  }
0x203: {  	[tilespmem:s30], [sflag:$0x2] =	stream.indirect.gather [hbm4b:s3+s25], $0x80, s5, s25, $0xb8;
	[tilespmem:$0x18000] =	vst v63  }
0x204: {  	_ =	swait.ge [sflag:s31], $0x4000  }
0x205: {  	[sflag:s31] =	ssyncset.done $0x0  }
0x206: {  	[sflag:s31] =	ssyncadd.s32 $0xFFFFC000  }
0x207: {  	v16 =	vld [tilespmem:s26+$0x0];
	_ =	sdelay $0x4  }
0x208: {  	s23 =	simm.s32 $0x0;
	v16 =	vshll.u32 v16, $0x5  }
0x209: {  	v18 =	vadd.s32 s23, v0;
	v17 =	vld [tilespmem:s26+$0x10];
	v16 =	vand.u32 $0x60, v16  }
0x20a: {  	v24 =	vand.u32 $0x1F, v18;
	v16 =	vor.u32 v1, v16  }
0x20b: {  	v18 =	vor.u32 v24, v16;
	_ =	sdelay $0x2  }
0x20c: {  	v17 =	vshll.u32 v17, $0x5  }
0x20d: {  	v25 =	vshll.u32 v24, $0x7;
	v19 =	vld [tilespmem:s26+$0x20];
	v17 =	vand.u32 $0x60, v17  }
0x20e: {  	v21 =	vor.u32 v0, v25;
	v17 =	vor.u32 v2, v17;
	v18 =	vld.idx.msk [tilespmem:v18+s28+$0x0], $0xffff  }
0x20f: {  	v20 =	vld [tilespmem:s26+$0x30];
	v23 =	vor.u32 v24, v17  }
0x210: {  	v22 =	vld [tilespmem:s26+$0x40]  }
0x211: {  	v26 =	vld [tilespmem:s26+$0x50]  }
0x212: {  	v27 =	vld [tilespmem:s26+$0x60];
	v19 =	vshll.u32 v19, $0x5  }
0x213: {  	v56 =	vld [tilespmem:s26+$0x70];
	v19 =	vand.u32 $0x60, v19;
	[tilespmem:v21+s0+$0x0] =	vst.idx.msk $0xffff, v18  }
0x214: {  	v18 =	vor.u32 v3, v19;
	v21 =	vor.u32 v9, v25;
	v19 =	vld.idx.msk [tilespmem:v23+s28+$0x0], $0xffff  }
0x215: {  	v23 =	vor.u32 v24, v18;
	_ =	sdelay $0x2  }
0x216: {  	v20 =	vshll.u32 v20, $0x5  }
0x217: {  	v20 =	vand.u32 $0x60, v20;
	[tilespmem:v21+s0+$0x0] =	vst.idx.msk $0xffff, v19  }
0x218: {  	v19 =	vor.u32 v4, v20;
	v21 =	vor.u32 v10, v25;
	v20 =	vld.idx.msk [tilespmem:v23+s28+$0x0], $0xffff  }
0x219: {  	v23 =	vor.u32 v24, v19;
	_ =	sdelay $0x2  }
0x21a: {  	v22 =	vshll.u32 v22, $0x5  }
0x21b: {  	v22 =	vand.u32 $0x60, v22;
	[tilespmem:v21+s0+$0x0] =	vst.idx.msk $0xffff, v20  }
0x21c: {  	v20 =	vor.u32 v5, v22;
	v22 =	vor.u32 v11, v25;
	v21 =	vld.idx.msk [tilespmem:v23+s28+$0x0], $0xffff  }
0x21d: {  	v23 =	vor.u32 v24, v20;
	_ =	sdelay $0x2  }
0x21e: {  	v26 =	vshll.u32 v26, $0x5  }
0x21f: {  	v26 =	vand.u32 $0x60, v26;
	[tilespmem:v22+s0+$0x0] =	vst.idx.msk $0xffff, v21  }
0x220: {  	v21 =	vor.u32 v6, v26;
	v22 =	vld.idx.msk [tilespmem:v23+s28+$0x0], $0xffff;
	v23 =	vor.u32 v12, v25  }
0x221: {  	v26 =	vor.u32 v24, v21;
	_ =	sdelay $0x2  }
0x222: {  	v27 =	vshll.u32 v27, $0x5  }
0x223: {  	v27 =	vand.u32 $0x60, v27;
	[tilespmem:v23+s0+$0x0] =	vst.idx.msk $0xffff, v22  }
0x224: {  	v22 =	vor.u32 v7, v27;
	v23 =	vld.idx.msk [tilespmem:v26+s28+$0x0], $0xffff;
	v26 =	vor.u32 v13, v25  }
0x225: {  	v27 =	vor.u32 v24, v22;
	_ =	sdelay $0x2  }
0x226: {  	v28 =	vshll.u32 v56, $0x5  }
0x227: {  	v28 =	vand.u32 $0x60, v28;
	[tilespmem:v26+s0+$0x0] =	vst.idx.msk $0xffff, v23  }
0x228: {  	v23 =	vor.u32 v8, v28;
	v26 =	vld.idx.msk [tilespmem:v27+s28+$0x0], $0xffff;
	v27 =	vor.u32 v14, v25  }
0x229: {  	v24 =	vor.u32 v24, v23;
	_ =	sdelay $0x2  }
0x22a: {  	s29 =	simm.s32 $0x1  }
0x22b: {  	[tilespmem:v27+s0+$0x0] =	vst.idx.msk $0xffff, v26;
	v26 =	vadd.s32 s29, v0  }
0x22c: {  	v25 =	vor.u32 v15, v25;
	v24 =	vld.idx.msk [tilespmem:v24+s28+$0x0], $0xffff;
	v26 =	vand.u32 $0x1F, v26  }
0x22d: {  	v27 =	vor.u32 v26, v16;
	_ =	sdelay $0x3  }
0x22e: {  	[tilespmem:v25+s0+$0x0] =	vst.idx.msk $0xffff, v24;
	v24 =	vshll.u32 v26, $0x7  }
0x22f: {  	v25 =	vld.idx.msk [tilespmem:v27+s28+$0x0], $0xffff;
	v27 =	vor.u32 v0, v24  }
0x230: {  	v57 =	vor.u32 v26, v17;
	_ =	sdelay $0x3  }
0x231: {  	[tilespmem:v27+s0+$0x0] =	vst.idx.msk $0xffff, v25  }
0x232: {  	v27 =	vor.u32 v9, v24;
	v25 =	vld.idx.msk [tilespmem:v57+s28+$0x0], $0xffff  }
0x233: {  	v58 =	vor.u32 v26, v18;
	_ =	sdelay $0x3  }
0x234: {  	[tilespmem:v27+s0+$0x0] =	vst.idx.msk $0xffff, v25  }
0x235: {  	v27 =	vor.u32 v10, v24;
	v25 =	vld.idx.msk [tilespmem:v58+s28+$0x0], $0xffff  }
0x236: {  	v59 =	vor.u32 v26, v19;
	_ =	sdelay $0x3  }
0x237: {  	[tilespmem:v27+s0+$0x0] =	vst.idx.msk $0xffff, v25  }
0x238: {  	v27 =	vor.u32 v11, v24;
	v25 =	vld.idx.msk [tilespmem:v59+s28+$0x0], $0xffff  }
0x239: {  	v60 =	vor.u32 v26, v20;
	_ =	sdelay $0x3  }
0x23a: {  	[tilespmem:v27+s0+$0x0] =	vst.idx.msk $0xffff, v25  }
0x23b: {  	v27 =	vor.u32 v12, v24;
	v25 =	vld.idx.msk [tilespmem:v60+s28+$0x0], $0xffff  }
0x23c: {  	v61 =	vor.u32 v26, v21;
	_ =	sdelay $0x3  }
0x23d: {  	[tilespmem:v27+s0+$0x0] =	vst.idx.msk $0xffff, v25  }
0x23e: {  	v27 =	vor.u32 v13, v24;
	v25 =	vld.idx.msk [tilespmem:v61+s28+$0x0], $0xffff  }
0x23f: {  	v62 =	vor.u32 v26, v22;
	_ =	sdelay $0x3  }
0x240: {  	[tilespmem:v27+s0+$0x0] =	vst.idx.msk $0xffff, v25  }
0x241: {  	v27 =	vor.u32 v14, v24;
	v25 =	vld.idx.msk [tilespmem:v62+s28+$0x0], $0xffff  }
0x242: {  	v63 =	vor.u32 v26, v23;
	_ =	sdelay $0x3  }
0x243: {  	s5 =	simm.s32 $0x2;
	[tilespmem:v27+s0+$0x0] =	vst.idx.msk $0xffff, v25  }
0x244: {  	s10 =	simm.s32 $0x4;
	v26 =	vadd.s32 s5, v0;
	v25 =	vld.idx.msk [tilespmem:v63+s28+$0x0], $0xffff  }
.LBB2_9:
0x245: {  	p0 =	slt.u32 s10, $0x1E;
	v26 =	vand.u32 $0x1F, v26;
	v24 =	vor.u32 v15, v24  }
0x246: {  	v27 =	vor.u32 v26, v16;
	_ =	sdelay $0x3  }
0x247: {  	[tilespmem:v24+s0+$0x0] =	vst.idx.msk $0xffff, v25  }
0x248: {  	v25 =	vshll.u32 v26, $0x7;
	v24 =	vld.idx.msk [tilespmem:v27+s28+$0x0], $0xffff  }
0x249: {  	v27 =	vor.u32 v0, v25  }
0x24a: {  	v28 =	vor.u32 v26, v17;
	_ =	sdelay $0x3  }
0x24b: {  	[tilespmem:v27+s0+$0x0] =	vst.idx.msk $0xffff, v24  }
0x24c: {  	v24 =	vld.idx.msk [tilespmem:v28+s28+$0x0], $0xffff  }
0x24d: {  	v27 =	vor.u32 v9, v25  }
0x24e: {  	v28 =	vor.u32 v26, v18;
	_ =	sdelay $0x3  }
0x24f: {  	[tilespmem:v27+s0+$0x0] =	vst.idx.msk $0xffff, v24  }
0x250: {  	v24 =	vld.idx.msk [tilespmem:v28+s28+$0x0], $0xffff  }
0x251: {  	v27 =	vor.u32 v10, v25  }
0x252: {  	v28 =	vor.u32 v26, v19;
	_ =	sdelay $0x3  }
0x253: {  	[tilespmem:v27+s0+$0x0] =	vst.idx.msk $0xffff, v24  }
0x254: {  	v24 =	vld.idx.msk [tilespmem:v28+s28+$0x0], $0xffff  }
0x255: {  	v27 =	vor.u32 v11, v25  }
0x256: {  	v28 =	vor.u32 v26, v20;
	_ =	sdelay $0x3  }
0x257: {  	[tilespmem:v27+s0+$0x0] =	vst.idx.msk $0xffff, v24  }
0x258: {  	v24 =	vld.idx.msk [tilespmem:v28+s28+$0x0], $0xffff  }
0x259: {  	v27 =	vor.u32 v12, v25  }
0x25a: {  	v28 =	vor.u32 v26, v21;
	_ =	sdelay $0x3  }
0x25b: {  	[tilespmem:v27+s0+$0x0] =	vst.idx.msk $0xffff, v24  }
0x25c: {  	v24 =	vld.idx.msk [tilespmem:v28+s28+$0x0], $0xffff  }
0x25d: {  	v27 =	vor.u32 v13, v25  }
0x25e: {  	v28 =	vor.u32 v26, v22;
	_ =	sdelay $0x3  }
0x25f: {  	[tilespmem:v27+s0+$0x0] =	vst.idx.msk $0xffff, v24  }
0x260: {  	v24 =	vld.idx.msk [tilespmem:v28+s28+$0x0], $0xffff  }
0x261: {  	v27 =	vor.u32 v14, v25  }
0x262: {  	v26 =	vor.u32 v26, v23;
	_ =	sdelay $0x3  }
0x263: {  	s6 =	sadd.s32 $0x1, s5;
	s5 =	smov.u32 s10;
	[tilespmem:v27+s0+$0x0] =	vst.idx.msk $0xffff, v24  }
0x264: {  	v24 =	vld.idx.msk [tilespmem:v26+s28+$0x0], $0xffff;
	v26 =	vadd.s32 s6, v0  }
0x265: {  	v25 =	vor.u32 v15, v25;
	v26 =	vand.u32 $0x1F, v26  }
0x266: {  	v27 =	vor.u32 v26, v16;
	_ =	sdelay $0x3  }
0x267: {  	[tilespmem:v25+s0+$0x0] =	vst.idx.msk $0xffff, v24  }
0x268: {  	v24 =	vshll.u32 v26, $0x7;
	v25 =	vld.idx.msk [tilespmem:v27+s28+$0x0], $0xffff  }
0x269: {  	v27 =	vor.u32 v0, v24  }
0x26a: {  	v28 =	vor.u32 v26, v17;
	_ =	sdelay $0x3  }
0x26b: {  	[tilespmem:v27+s0+$0x0] =	vst.idx.msk $0xffff, v25  }
0x26c: {  	v25 =	vld.idx.msk [tilespmem:v28+s28+$0x0], $0xffff  }
0x26d: {  	v27 =	vor.u32 v9, v24  }
0x26e: {  	v28 =	vor.u32 v26, v18;
	_ =	sdelay $0x3  }
0x26f: {  	[tilespmem:v27+s0+$0x0] =	vst.idx.msk $0xffff, v25  }
0x270: {  	v25 =	vld.idx.msk [tilespmem:v28+s28+$0x0], $0xffff  }
0x271: {  	v27 =	vor.u32 v10, v24  }
0x272: {  	v28 =	vor.u32 v26, v19;
	_ =	sdelay $0x3  }
0x273: {  	[tilespmem:v27+s0+$0x0] =	vst.idx.msk $0xffff, v25  }
0x274: {  	v25 =	vld.idx.msk [tilespmem:v28+s28+$0x0], $0xffff  }
0x275: {  	v27 =	vor.u32 v11, v24  }
0x276: {  	v28 =	vor.u32 v26, v20;
	_ =	sdelay $0x3  }
0x277: {  	[tilespmem:v27+s0+$0x0] =	vst.idx.msk $0xffff, v25  }
0x278: {  	v25 =	vld.idx.msk [tilespmem:v28+s28+$0x0], $0xffff  }
0x279: {  	v27 =	vor.u32 v12, v24  }
0x27a: {  	v28 =	vor.u32 v26, v21;
	_ =	sdelay $0x3  }
0x27b: {  	[tilespmem:v27+s0+$0x0] =	vst.idx.msk $0xffff, v25  }
0x27c: {  	v25 =	vld.idx.msk [tilespmem:v28+s28+$0x0], $0xffff  }
0x27d: {  	v27 =	vor.u32 v13, v24  }
0x27e: {  	v28 =	vor.u32 v26, v22;
	_ =	sdelay $0x3  }
0x27f: {  	[tilespmem:v27+s0+$0x0] =	vst.idx.msk $0xffff, v25  }
0x280: {  	v25 =	vld.idx.msk [tilespmem:v28+s28+$0x0], $0xffff  }
0x281: {  	v27 =	vor.u32 v14, v24  }
0x282: {  	v28 =	vor.u32 v26, v23  }
.Ltmp3:
0x283: {  	(pc) =	sbr.rel @p0 .LBB2_9-.Ltmp3, $3  }
0x284: {  	_ =	sdelay $0x1  }
0x285: {  	[tilespmem:v27+s0+$0x0] =	vst.idx.msk $0xffff, v25  }
0x286: {  	s10 =	sadd.s32 $0x2, s10;
	v26 =	vadd.s32 s5, v0;
	v25 =	vld.idx.msk [tilespmem:v28+s28+$0x0], $0xffff  }
0x287: {  	v26 =	vand.u32 $0x1F, v26;
	v24 =	vor.u32 v15, v24  }
0x288: {  	v27 =	vor.u32 v26, v16;
	_ =	sdelay $0x3  }
0x289: {  	v42 =	vshll.u32 v26, $0x7;
	[tilespmem:v24+s0+$0x0] =	vst.idx.msk $0xffff, v25  }
0x28a: {  	v43 =	vor.u32 v0, v42;
	v25 =	vld.idx.msk [tilespmem:v27+s28+$0x0], $0xffff  }
0x28b: {  	v28 =	vor.u32 v26, v17;
	_ =	sdelay $0x3  }
0x28c: {  	[tilespmem:v43+s0+$0x0] =	vst.idx.msk $0xffff, v25  }
0x28d: {  	v44 =	vor.u32 v9, v42;
	v25 =	vld.idx.msk [tilespmem:v28+s28+$0x0], $0xffff  }
0x28e: {  	v45 =	vor.u32 v26, v18;
	_ =	sdelay $0x3  }
0x28f: {  	[tilespmem:v44+s0+$0x0] =	vst.idx.msk $0xffff, v25  }
0x290: {  	v46 =	vor.u32 v10, v42;
	v25 =	vld.idx.msk [tilespmem:v45+s28+$0x0], $0xffff  }
0x291: {  	v47 =	vor.u32 v26, v19;
	_ =	sdelay $0x3  }
0x292: {  	[tilespmem:v46+s0+$0x0] =	vst.idx.msk $0xffff, v25  }
0x293: {  	v48 =	vor.u32 v11, v42;
	v25 =	vld.idx.msk [tilespmem:v47+s28+$0x0], $0xffff  }
0x294: {  	v49 =	vor.u32 v26, v20;
	_ =	sdelay $0x3  }
0x295: {  	[tilespmem:v48+s0+$0x0] =	vst.idx.msk $0xffff, v25  }
0x296: {  	v50 =	vor.u32 v12, v42;
	v25 =	vld.idx.msk [tilespmem:v49+s28+$0x0], $0xffff  }
0x297: {  	v51 =	vor.u32 v26, v21;
	_ =	sdelay $0x3  }
0x298: {  	[tilespmem:v50+s0+$0x0] =	vst.idx.msk $0xffff, v25  }
0x299: {  	v52 =	vor.u32 v13, v42;
	v25 =	vld.idx.msk [tilespmem:v51+s28+$0x0], $0xffff  }
0x29a: {  	v53 =	vor.u32 v26, v22;
	_ =	sdelay $0x3  }
0x29b: {  	[tilespmem:v52+s0+$0x0] =	vst.idx.msk $0xffff, v25  }
0x29c: {  	v54 =	vor.u32 v14, v42;
	v25 =	vld.idx.msk [tilespmem:v53+s28+$0x0], $0xffff  }
0x29d: {  	v26 =	vor.u32 v26, v23;
	_ =	sdelay $0x2  }
0x29e: {  	s5 =	sadd.s32 $0x1, s5  }
0x29f: {  	v55 =	vadd.s32 s5, v0;
	[tilespmem:v54+s0+$0x0] =	vst.idx.msk $0xffff, v25  }
0x2a0: {  	v24 =	vor.u32 v15, v42;
	v25 =	vand.u32 $0x1F, v55;
	v26 =	vld.idx.msk [tilespmem:v26+s28+$0x0], $0xffff  }
0x2a1: {  	v16 =	vor.u32 v25, v16;
	_ =	sdelay $0x3  }
0x2a2: {  	v56 =	vshll.u32 v25, $0x7;
	[tilespmem:v24+s0+$0x0] =	vst.idx.msk $0xffff, v26  }
0x2a3: {  	v57 =	vor.u32 v0, v56;
	v16 =	vld.idx.msk [tilespmem:v16+s28+$0x0], $0xffff  }
0x2a4: {  	v17 =	vor.u32 v25, v17;
	_ =	sdelay $0x3  }
0x2a5: {  	[tilespmem:v57+s0+$0x0] =	vst.idx.msk $0xffff, v16  }
0x2a6: {  	v16 =	vld.idx.msk [tilespmem:v17+s28+$0x0], $0xffff;
	v17 =	vor.u32 v9, v56  }
0x2a7: {  	v58 =	vor.u32 v25, v18;
	_ =	sdelay $0x3  }
0x2a8: {  	[tilespmem:v17+s0+$0x0] =	vst.idx.msk $0xffff, v16  }
0x2a9: {  	v17 =	vor.u32 v10, v56;
	v16 =	vld.idx.msk [tilespmem:v58+s28+$0x0], $0xffff  }
0x2aa: {  	v59 =	vor.u32 v25, v19;
	_ =	sdelay $0x3  }
0x2ab: {  	[tilespmem:v17+s0+$0x0] =	vst.idx.msk $0xffff, v16  }
0x2ac: {  	v17 =	vor.u32 v11, v56;
	v16 =	vld.idx.msk [tilespmem:v59+s28+$0x0], $0xffff  }
0x2ad: {  	v60 =	vor.u32 v25, v20;
	_ =	sdelay $0x3  }
0x2ae: {  	[tilespmem:v17+s0+$0x0] =	vst.idx.msk $0xffff, v16  }
0x2af: {  	v17 =	vor.u32 v12, v56;
	v16 =	vld.idx.msk [tilespmem:v60+s28+$0x0], $0xffff  }
0x2b0: {  	v61 =	vor.u32 v25, v21;
	_ =	sdelay $0x3  }
0x2b1: {  	[tilespmem:v17+s0+$0x0] =	vst.idx.msk $0xffff, v16  }
0x2b2: {  	v17 =	vor.u32 v13, v56;
	v16 =	vld.idx.msk [tilespmem:v61+s28+$0x0], $0xffff  }
0x2b3: {  	v62 =	vor.u32 v25, v22;
	_ =	sdelay $0x3  }
0x2b4: {  	[tilespmem:v17+s0+$0x0] =	vst.idx.msk $0xffff, v16  }
0x2b5: {  	v17 =	vor.u32 v14, v56;
	v16 =	vld.idx.msk [tilespmem:v62+s28+$0x0], $0xffff  }
0x2b6: {  	v63 =	vor.u32 v25, v23;
	_ =	sdelay $0x3  }
0x2b7: {  	[tilespmem:v17+s0+$0x0] =	vst.idx.msk $0xffff, v16  }
0x2b8: {  	s21 =	sadd.s32 $0x1, s21;
	v17 =	vor.u32 v15, v56;
	v16 =	vld.idx.msk [tilespmem:v63+s28+$0x0], $0xffff  }
0x2b9: {  	p0 =	sne.s32 s21, $0x64  }
.Ltmp4:
0x2ba: {  	_ = 	snop;
	(pc) =	sbr.rel @p0 .LBB2_6-.Ltmp4, $4  }
0x2bb: {  	s29 =	sshll.u32 s24, $0x10  }
0x2bc: {  	s6 =	sshll.u32 s22, $0x7;
	s5 =	sadd.s32 s29, s9  }
0x2bd: {  	s5 =	sadd.s32 s6, s5;
	[tilespmem:v17+s0+$0x0] =	vst.idx.msk $0xffff, v16  }
0x2be: {  	[hbm4b:s5+s12] =	stream.strided.scatter [tilespmem:s0], [sflag:$0x3], $0x1000, s13, s12, $0x38;
	[tilespmem:$0x18000] =	vst v63  }
0x2bf: {  	_ =	swait.ge [sflag:s14], $0x4000  }
0x2c0: {  	[sflag:s14] =	ssyncset.done $0x0  }
0x2c1: {  	[sflag:s14] =	ssyncadd.s32 $0xFFFFC000  }
0x2c2: {  	v16 =	vld [tilespmem:$0x6C80];
	_ =	sdelay $0x4  }
0x2c3: {  	s5 =	simm.s32 $0x0;
	v16 =	vshll.u32 v16, $0x5  }
0x2c4: {  	v18 =	vadd.s32 s5, v0;
	v17 =	vld [tilespmem:$0x6C90];
	v16 =	vand.u32 $0x60, v16  }
0x2c5: {  	v24 =	vand.u32 $0x1F, v18;
	v16 =	vor.u32 v1, v16  }
0x2c6: {  	v18 =	vor.u32 v24, v16;
	_ =	sdelay $0x2  }
0x2c7: {  	v17 =	vshll.u32 v17, $0x5  }
0x2c8: {  	v19 =	vld [tilespmem:$0x6CA0];
	v25 =	vshll.u32 v24, $0x7;
	v17 =	vand.u32 $0x60, v17  }
0x2c9: {  	v21 =	vor.u32 v0, v25;
	v17 =	vor.u32 v2, v17;
	v18 =	vld.idx.msk [tilespmem:v18+s30+$0x0], $0xffff  }
0x2ca: {  	v20 =	vld [tilespmem:$0x6CB0];
	v23 =	vor.u32 v24, v17  }
0x2cb: {  	v22 =	vld [tilespmem:$0x6CC0]  }
0x2cc: {  	v26 =	vld [tilespmem:$0x6CD0]  }
0x2cd: {  	v27 =	vld [tilespmem:$0x6CE0];
	v19 =	vshll.u32 v19, $0x5  }
0x2ce: {  	v28 =	vld [tilespmem:$0x6CF0];
	v19 =	vand.u32 $0x60, v19;
	[tilespmem:v21+s16+$0x0] =	vst.idx.msk $0xffff, v18  }
0x2cf: {  	v18 =	vor.u32 v3, v19;
	v21 =	vor.u32 v9, v25;
	v19 =	vld.idx.msk [tilespmem:v23+s30+$0x0], $0xffff  }
0x2d0: {  	v23 =	vor.u32 v24, v18;
	_ =	sdelay $0x2  }
0x2d1: {  	v20 =	vshll.u32 v20, $0x5  }
0x2d2: {  	v20 =	vand.u32 $0x60, v20;
	[tilespmem:v21+s16+$0x0] =	vst.idx.msk $0xffff, v19  }
0x2d3: {  	v19 =	vor.u32 v4, v20;
	v21 =	vor.u32 v10, v25;
	v20 =	vld.idx.msk [tilespmem:v23+s30+$0x0], $0xffff  }
0x2d4: {  	v23 =	vor.u32 v24, v19;
	_ =	sdelay $0x2  }
0x2d5: {  	v22 =	vshll.u32 v22, $0x5  }
0x2d6: {  	v22 =	vand.u32 $0x60, v22;
	[tilespmem:v21+s16+$0x0] =	vst.idx.msk $0xffff, v20  }
0x2d7: {  	v20 =	vor.u32 v5, v22;
	v22 =	vor.u32 v11, v25;
	v21 =	vld.idx.msk [tilespmem:v23+s30+$0x0], $0xffff  }
0x2d8: {  	v23 =	vor.u32 v24, v20;
	_ =	sdelay $0x2  }
0x2d9: {  	v26 =	vshll.u32 v26, $0x5  }
0x2da: {  	v26 =	vand.u32 $0x60, v26;
	[tilespmem:v22+s16+$0x0] =	vst.idx.msk $0xffff, v21  }
0x2db: {  	v21 =	vor.u32 v6, v26;
	v22 =	vld.idx.msk [tilespmem:v23+s30+$0x0], $0xffff;
	v23 =	vor.u32 v12, v25  }
0x2dc: {  	v26 =	vor.u32 v24, v21;
	_ =	sdelay $0x2  }
0x2dd: {  	v27 =	vshll.u32 v27, $0x5  }
0x2de: {  	v27 =	vand.u32 $0x60, v27;
	[tilespmem:v23+s16+$0x0] =	vst.idx.msk $0xffff, v22  }
0x2df: {  	v22 =	vor.u32 v7, v27;
	v23 =	vld.idx.msk [tilespmem:v26+s30+$0x0], $0xffff;
	v26 =	vor.u32 v13, v25  }
0x2e0: {  	v27 =	vor.u32 v24, v22;
	_ =	sdelay $0x2  }
0x2e1: {  	v28 =	vshll.u32 v28, $0x5  }
0x2e2: {  	v28 =	vand.u32 $0x60, v28;
	[tilespmem:v26+s16+$0x0] =	vst.idx.msk $0xffff, v23  }
0x2e3: {  	v23 =	vor.u32 v8, v28;
	v26 =	vld.idx.msk [tilespmem:v27+s30+$0x0], $0xffff;
	v27 =	vor.u32 v14, v25  }
0x2e4: {  	v24 =	vor.u32 v24, v23;
	_ =	sdelay $0x2  }
0x2e5: {  	s29 =	simm.s32 $0x1  }
0x2e6: {  	[tilespmem:v27+s16+$0x0] =	vst.idx.msk $0xffff, v26;
	v26 =	vadd.s32 s29, v0  }
0x2e7: {  	v25 =	vor.u32 v15, v25;
	v24 =	vld.idx.msk [tilespmem:v24+s30+$0x0], $0xffff;
	v26 =	vand.u32 $0x1F, v26  }
0x2e8: {  	v27 =	vor.u32 v26, v16;
	_ =	sdelay $0x3  }
0x2e9: {  	[tilespmem:v25+s16+$0x0] =	vst.idx.msk $0xffff, v24;
	v24 =	vshll.u32 v26, $0x7  }
0x2ea: {  	v25 =	vld.idx.msk [tilespmem:v27+s30+$0x0], $0xffff;
	v27 =	vor.u32 v0, v24  }
0x2eb: {  	v57 =	vor.u32 v26, v17;
	_ =	sdelay $0x3  }
0x2ec: {  	[tilespmem:v27+s16+$0x0] =	vst.idx.msk $0xffff, v25  }
0x2ed: {  	v27 =	vor.u32 v9, v24;
	v25 =	vld.idx.msk [tilespmem:v57+s30+$0x0], $0xffff  }
0x2ee: {  	v58 =	vor.u32 v26, v18;
	_ =	sdelay $0x3  }
0x2ef: {  	[tilespmem:v27+s16+$0x0] =	vst.idx.msk $0xffff, v25  }
0x2f0: {  	v27 =	vor.u32 v10, v24;
	v25 =	vld.idx.msk [tilespmem:v58+s30+$0x0], $0xffff  }
0x2f1: {  	v59 =	vor.u32 v26, v19;
	_ =	sdelay $0x3  }
0x2f2: {  	[tilespmem:v27+s16+$0x0] =	vst.idx.msk $0xffff, v25  }
0x2f3: {  	v27 =	vor.u32 v11, v24;
	v25 =	vld.idx.msk [tilespmem:v59+s30+$0x0], $0xffff  }
0x2f4: {  	v60 =	vor.u32 v26, v20;
	_ =	sdelay $0x3  }
0x2f5: {  	[tilespmem:v27+s16+$0x0] =	vst.idx.msk $0xffff, v25  }
0x2f6: {  	v27 =	vor.u32 v12, v24;
	v25 =	vld.idx.msk [tilespmem:v60+s30+$0x0], $0xffff  }
0x2f7: {  	v61 =	vor.u32 v26, v21;
	_ =	sdelay $0x3  }
0x2f8: {  	[tilespmem:v27+s16+$0x0] =	vst.idx.msk $0xffff, v25  }
0x2f9: {  	v27 =	vor.u32 v13, v24;
	v25 =	vld.idx.msk [tilespmem:v61+s30+$0x0], $0xffff  }
0x2fa: {  	v62 =	vor.u32 v26, v22;
	_ =	sdelay $0x3  }
0x2fb: {  	[tilespmem:v27+s16+$0x0] =	vst.idx.msk $0xffff, v25  }
0x2fc: {  	v27 =	vor.u32 v14, v24;
	v25 =	vld.idx.msk [tilespmem:v62+s30+$0x0], $0xffff  }
0x2fd: {  	v63 =	vor.u32 v26, v23;
	_ =	sdelay $0x3  }
0x2fe: {  	s5 =	simm.s32 $0x2;
	[tilespmem:v27+s16+$0x0] =	vst.idx.msk $0xffff, v25  }
0x2ff: {  	s10 =	simm.s32 $0x4;
	v26 =	vadd.s32 s5, v0;
	v25 =	vld.idx.msk [tilespmem:v63+s30+$0x0], $0xffff  }
.LBB2_12:
0x300: {  	p0 =	slt.u32 s10, $0x1E;
	v26 =	vand.u32 $0x1F, v26;
	v24 =	vor.u32 v15, v24  }
0x301: {  	v27 =	vor.u32 v26, v16;
	_ =	sdelay $0x3  }
0x302: {  	[tilespmem:v24+s16+$0x0] =	vst.idx.msk $0xffff, v25  }
0x303: {  	v25 =	vshll.u32 v26, $0x7;
	v24 =	vld.idx.msk [tilespmem:v27+s30+$0x0], $0xffff  }
0x304: {  	v27 =	vor.u32 v0, v25  }
0x305: {  	v28 =	vor.u32 v26, v17;
	_ =	sdelay $0x3  }
0x306: {  	[tilespmem:v27+s16+$0x0] =	vst.idx.msk $0xffff, v24  }
0x307: {  	v24 =	vld.idx.msk [tilespmem:v28+s30+$0x0], $0xffff  }
0x308: {  	v27 =	vor.u32 v9, v25  }
0x309: {  	v28 =	vor.u32 v26, v18;
	_ =	sdelay $0x3  }
0x30a: {  	[tilespmem:v27+s16+$0x0] =	vst.idx.msk $0xffff, v24  }
0x30b: {  	v24 =	vld.idx.msk [tilespmem:v28+s30+$0x0], $0xffff  }
0x30c: {  	v27 =	vor.u32 v10, v25  }
0x30d: {  	v28 =	vor.u32 v26, v19;
	_ =	sdelay $0x3  }
0x30e: {  	[tilespmem:v27+s16+$0x0] =	vst.idx.msk $0xffff, v24  }
0x30f: {  	v24 =	vld.idx.msk [tilespmem:v28+s30+$0x0], $0xffff  }
0x310: {  	v27 =	vor.u32 v11, v25  }
0x311: {  	v28 =	vor.u32 v26, v20;
	_ =	sdelay $0x3  }
0x312: {  	[tilespmem:v27+s16+$0x0] =	vst.idx.msk $0xffff, v24  }
0x313: {  	v24 =	vld.idx.msk [tilespmem:v28+s30+$0x0], $0xffff  }
0x314: {  	v27 =	vor.u32 v12, v25  }
0x315: {  	v28 =	vor.u32 v26, v21;
	_ =	sdelay $0x3  }
0x316: {  	[tilespmem:v27+s16+$0x0] =	vst.idx.msk $0xffff, v24  }
0x317: {  	v24 =	vld.idx.msk [tilespmem:v28+s30+$0x0], $0xffff  }
0x318: {  	v27 =	vor.u32 v13, v25  }
0x319: {  	v28 =	vor.u32 v26, v22;
	_ =	sdelay $0x3  }
0x31a: {  	[tilespmem:v27+s16+$0x0] =	vst.idx.msk $0xffff, v24  }
0x31b: {  	v24 =	vld.idx.msk [tilespmem:v28+s30+$0x0], $0xffff  }
0x31c: {  	v27 =	vor.u32 v14, v25  }
0x31d: {  	v26 =	vor.u32 v26, v23;
	_ =	sdelay $0x3  }
0x31e: {  	s6 =	sadd.s32 $0x1, s5;
	s5 =	smov.u32 s10;
	[tilespmem:v27+s16+$0x0] =	vst.idx.msk $0xffff, v24  }
0x31f: {  	v24 =	vld.idx.msk [tilespmem:v26+s30+$0x0], $0xffff;
	v26 =	vadd.s32 s6, v0  }
0x320: {  	v25 =	vor.u32 v15, v25;
	v26 =	vand.u32 $0x1F, v26  }
0x321: {  	v27 =	vor.u32 v26, v16;
	_ =	sdelay $0x3  }
0x322: {  	[tilespmem:v25+s16+$0x0] =	vst.idx.msk $0xffff, v24  }
0x323: {  	v24 =	vshll.u32 v26, $0x7;
	v25 =	vld.idx.msk [tilespmem:v27+s30+$0x0], $0xffff  }
0x324: {  	v27 =	vor.u32 v0, v24  }
0x325: {  	v28 =	vor.u32 v26, v17;
	_ =	sdelay $0x3  }
0x326: {  	[tilespmem:v27+s16+$0x0] =	vst.idx.msk $0xffff, v25  }
0x327: {  	v25 =	vld.idx.msk [tilespmem:v28+s30+$0x0], $0xffff  }
0x328: {  	v27 =	vor.u32 v9, v24  }
0x329: {  	v28 =	vor.u32 v26, v18;
	_ =	sdelay $0x3  }
0x32a: {  	[tilespmem:v27+s16+$0x0] =	vst.idx.msk $0xffff, v25  }
0x32b: {  	v25 =	vld.idx.msk [tilespmem:v28+s30+$0x0], $0xffff  }
0x32c: {  	v27 =	vor.u32 v10, v24  }
0x32d: {  	v28 =	vor.u32 v26, v19;
	_ =	sdelay $0x3  }
0x32e: {  	[tilespmem:v27+s16+$0x0] =	vst.idx.msk $0xffff, v25  }
0x32f: {  	v25 =	vld.idx.msk [tilespmem:v28+s30+$0x0], $0xffff  }
0x330: {  	v27 =	vor.u32 v11, v24  }
0x331: {  	v28 =	vor.u32 v26, v20;
	_ =	sdelay $0x3  }
0x332: {  	[tilespmem:v27+s16+$0x0] =	vst.idx.msk $0xffff, v25  }
0x333: {  	v25 =	vld.idx.msk [tilespmem:v28+s30+$0x0], $0xffff  }
0x334: {  	v27 =	vor.u32 v12, v24  }
0x335: {  	v28 =	vor.u32 v26, v21;
	_ =	sdelay $0x3  }
0x336: {  	[tilespmem:v27+s16+$0x0] =	vst.idx.msk $0xffff, v25  }
0x337: {  	v25 =	vld.idx.msk [tilespmem:v28+s30+$0x0], $0xffff  }
0x338: {  	v27 =	vor.u32 v13, v24  }
0x339: {  	v28 =	vor.u32 v26, v22;
	_ =	sdelay $0x3  }
0x33a: {  	[tilespmem:v27+s16+$0x0] =	vst.idx.msk $0xffff, v25  }
0x33b: {  	v25 =	vld.idx.msk [tilespmem:v28+s30+$0x0], $0xffff  }
0x33c: {  	v27 =	vor.u32 v14, v24  }
0x33d: {  	v28 =	vor.u32 v26, v23  }
.Ltmp5:
0x33e: {  	(pc) =	sbr.rel @p0 .LBB2_12-.Ltmp5, $3  }
0x33f: {  	_ =	sdelay $0x1  }
0x340: {  	[tilespmem:v27+s16+$0x0] =	vst.idx.msk $0xffff, v25  }
0x341: {  	s10 =	sadd.s32 $0x2, s10;
	v26 =	vadd.s32 s5, v0;
	v25 =	vld.idx.msk [tilespmem:v28+s30+$0x0], $0xffff  }
0x342: {  	v26 =	vand.u32 $0x1F, v26;
	v24 =	vor.u32 v15, v24  }
0x343: {  	v27 =	vor.u32 v26, v16;
	_ =	sdelay $0x3  }
0x344: {  	v42 =	vshll.u32 v26, $0x7;
	[tilespmem:v24+s16+$0x0] =	vst.idx.msk $0xffff, v25  }
0x345: {  	v43 =	vor.u32 v0, v42;
	v25 =	vld.idx.msk [tilespmem:v27+s30+$0x0], $0xffff  }
0x346: {  	v28 =	vor.u32 v26, v17;
	_ =	sdelay $0x3  }
0x347: {  	[tilespmem:v43+s16+$0x0] =	vst.idx.msk $0xffff, v25  }
0x348: {  	v44 =	vor.u32 v9, v42;
	v25 =	vld.idx.msk [tilespmem:v28+s30+$0x0], $0xffff  }
0x349: {  	v45 =	vor.u32 v26, v18;
	_ =	sdelay $0x3  }
0x34a: {  	[tilespmem:v44+s16+$0x0] =	vst.idx.msk $0xffff, v25  }
0x34b: {  	v46 =	vor.u32 v10, v42;
	v25 =	vld.idx.msk [tilespmem:v45+s30+$0x0], $0xffff  }
0x34c: {  	v47 =	vor.u32 v26, v19;
	_ =	sdelay $0x3  }
0x34d: {  	[tilespmem:v46+s16+$0x0] =	vst.idx.msk $0xffff, v25  }
0x34e: {  	v48 =	vor.u32 v11, v42;
	v25 =	vld.idx.msk [tilespmem:v47+s30+$0x0], $0xffff  }
0x34f: {  	v49 =	vor.u32 v26, v20;
	_ =	sdelay $0x3  }
0x350: {  	[tilespmem:v48+s16+$0x0] =	vst.idx.msk $0xffff, v25  }
0x351: {  	v50 =	vor.u32 v12, v42;
	v25 =	vld.idx.msk [tilespmem:v49+s30+$0x0], $0xffff  }
0x352: {  	v51 =	vor.u32 v26, v21;
	_ =	sdelay $0x3  }
0x353: {  	[tilespmem:v50+s16+$0x0] =	vst.idx.msk $0xffff, v25  }
0x354: {  	v52 =	vor.u32 v13, v42;
	v25 =	vld.idx.msk [tilespmem:v51+s30+$0x0], $0xffff  }
0x355: {  	v53 =	vor.u32 v26, v22;
	_ =	sdelay $0x3  }
0x356: {  	[tilespmem:v52+s16+$0x0] =	vst.idx.msk $0xffff, v25  }
0x357: {  	v54 =	vor.u32 v14, v42;
	v25 =	vld.idx.msk [tilespmem:v53+s30+$0x0], $0xffff  }
0x358: {  	v26 =	vor.u32 v26, v23;
	_ =	sdelay $0x2  }
0x359: {  	s5 =	sadd.s32 $0x1, s5  }
0x35a: {  	v55 =	vadd.s32 s5, v0;
	[tilespmem:v54+s16+$0x0] =	vst.idx.msk $0xffff, v25  }
0x35b: {  	v24 =	vor.u32 v15, v42;
	v25 =	vand.u32 $0x1F, v55;
	v26 =	vld.idx.msk [tilespmem:v26+s30+$0x0], $0xffff  }
0x35c: {  	v16 =	vor.u32 v25, v16;
	_ =	sdelay $0x3  }
0x35d: {  	v56 =	vshll.u32 v25, $0x7;
	[tilespmem:v24+s16+$0x0] =	vst.idx.msk $0xffff, v26  }
0x35e: {  	v57 =	vor.u32 v0, v56;
	v16 =	vld.idx.msk [tilespmem:v16+s30+$0x0], $0xffff  }
0x35f: {  	v17 =	vor.u32 v25, v17;
	_ =	sdelay $0x3  }
0x360: {  	[tilespmem:v57+s16+$0x0] =	vst.idx.msk $0xffff, v16  }
0x361: {  	v16 =	vld.idx.msk [tilespmem:v17+s30+$0x0], $0xffff;
	v17 =	vor.u32 v9, v56  }
0x362: {  	v58 =	vor.u32 v25, v18;
	_ =	sdelay $0x3  }
0x363: {  	[tilespmem:v17+s16+$0x0] =	vst.idx.msk $0xffff, v16  }
0x364: {  	v17 =	vor.u32 v10, v56;
	v16 =	vld.idx.msk [tilespmem:v58+s30+$0x0], $0xffff  }
0x365: {  	v59 =	vor.u32 v25, v19;
	_ =	sdelay $0x3  }
0x366: {  	[tilespmem:v17+s16+$0x0] =	vst.idx.msk $0xffff, v16  }
0x367: {  	v17 =	vor.u32 v11, v56;
	v16 =	vld.idx.msk [tilespmem:v59+s30+$0x0], $0xffff  }
0x368: {  	v60 =	vor.u32 v25, v20;
	_ =	sdelay $0x3  }
0x369: {  	[tilespmem:v17+s16+$0x0] =	vst.idx.msk $0xffff, v16  }
0x36a: {  	v17 =	vor.u32 v12, v56;
	v16 =	vld.idx.msk [tilespmem:v60+s30+$0x0], $0xffff  }
0x36b: {  	v61 =	vor.u32 v25, v21;
	_ =	sdelay $0x3  }
0x36c: {  	[tilespmem:v17+s16+$0x0] =	vst.idx.msk $0xffff, v16  }
0x36d: {  	v17 =	vor.u32 v13, v56;
	v16 =	vld.idx.msk [tilespmem:v61+s30+$0x0], $0xffff  }
0x36e: {  	v62 =	vor.u32 v25, v22;
	_ =	sdelay $0x3  }
0x36f: {  	[tilespmem:v17+s16+$0x0] =	vst.idx.msk $0xffff, v16  }
0x370: {  	v17 =	vor.u32 v14, v56;
	v16 =	vld.idx.msk [tilespmem:v62+s30+$0x0], $0xffff  }
0x371: {  	v63 =	vor.u32 v25, v23;
	_ =	sdelay $0x3  }
0x372: {  	[tilespmem:v17+s16+$0x0] =	vst.idx.msk $0xffff, v16  }
0x373: {  	v17 =	vor.u32 v15, v56;
	v16 =	vld.idx.msk [tilespmem:v63+s30+$0x0], $0xffff;
	_ =	sdelay $0x4  }
0x374: {  	s26 =	rddreg [dreg:$0x6];
	[tilespmem:v17+s16+$0x0] =	vst.idx.msk $0xffff, v16  }
0x375: {  	[hbm4b:s26+s12] =	stream.strided.scatter [tilespmem:s16], [sflag:$0x4], $0x1000, s13, s12, $0x38;
	[tilespmem:$0x18000] =	vst v63  }
0x376: {  	_ =	swait.ge [sflag:s1], $0x1000  }
0x377: {  	[sflag:s1] =	ssyncset.done $0x0  }
0x378: {  	[sflag:s1] =	ssyncadd.s32 $0xFFFFF000  }
0x379: {  	_ =	swait.ge [sflag:s18], $0x1000  }
0x37a: {  	s19 =	sadd.s32 $0x1, s19;
	s29 =	rddreg [dreg:$0x7]  }
0x37b: {  	p0 =	sne.s32 s19, s29  }
.Ltmp6:
0x37c: {  	_ = 	snop;
	(pc) =	sbr.rel @p0 .LBB2_1-.Ltmp6, $3  }
0x37d: {  	_ =	sdelay $0x1  }
0x37e: {  	[sflag:s18] =	ssyncset.done $0x0  }
0x37f: {  	[sflag:s18] =	ssyncadd.s32 $0xFFFFF000  }
0x380: {  	_ =	sfence.sel $0x180000  }
0x381: {  	[bflag:$0x0] =	sbarrier.arrive $0xFFFF  }
0x382: {  	_ =	strace $0x9000004A  }
0x383: {  	s0 =	stileid.u32;
	[bflag:$0x2] =	sbarrier.arrive $0xFFFF  }
0x384: {  	p0 =	sne.s32 s0, $0x0;
	s0 =	rddreg [dreg:$0x3]  }
0x385: {  	s0 =	sadd.s32 @!p0 $0x100000, s0  }
0x386: {  	[sflag:s0] =	ssyncadd.tile.s32 @!p0 $0x1;
	_ =	shalt  }
.Lfunc_end2:
_tile_overlayer_lowered:
.L_overlay_start_2:
0x387: {  	(tag) =	ssettag $0x2  }
0x388: {  	s0 =	rddreg [dreg:$0x0];
	s2 =	stileid.u32  }
0x389: {  	s1 =	rddreg [dreg:$0x1];
	p0 =	sne.s32 s2, $0x0  }
0x38a: {  	s3 =	rddreg [dreg:$0x2];
	[bflag:$0x3] =	sbarrier.arrive $0xFFFF;
	s2 =	simm.s32 @!p0 $0x1C05  }
0x38b: {  	[timem:s3], [sflag:s2] =	dma.local @!p0 [hbm:s0], s1  }
0x38c: {  	s0 =	simm.s32 @!p0 $0x5  }
0x38d: {  	_ =	swait.ge @!p0 [sflag:s0], s1  }
0x38e: {  	s1 =	ssub.s32 @!p0 $0x0, s1;
	[sflag:s0] =	ssyncset.done @!p0 $0x0  }
0x38f: {  	[sflag:s0] =	ssyncadd.s32 @!p0 s1  }
0x390: {  	[bflag:$0x3] =	sbarrier.arrive $0xFFFF  }
0x391: {  	_ =	shalt  }

</sc_bundles>
